<compile_context>
chip_gen: v7x
topology: tpu7x:2x2x1
jax: 0.10.2.dev20260603
libtpu: 0.0.44.dev20260713+nightly
codegen_flags: <defaults>
</compile_context>

<pallas_src>
import functools

import jax
import jax.numpy as jnp
from jax import lax
from jax.experimental import pallas as pl
from jax.experimental.pallas import tpu as pltpu
from jax.experimental.pallas import tpu_sc as plsc

N = 10000
E = 320000
DA = 128
DP = 16
H = 50
HP = 64
HP2 = 128
DX = 128

NC = 2
NS = 16
NW = NC * NS
L = 16

EPW = E // NW
C = 80
NCH = EPW // C
NP = 10240
RPS = NP // NS

_f32 = jnp.float32


def _tc_atoms(atom, Wx, bx, Waa, baa):
    BN = 1000

    def body(a_ref, wx_ref, bx_ref, waa_ref, baa_ref, x_ref, aa_ref):
        a = a_ref[...]
        x_ref[...] = jnp.dot(a, wx_ref[...], preferred_element_type=_f32) + bx_ref[...]
        aa_ref[...] = jnp.maximum(
            jnp.dot(a, waa_ref[...], preferred_element_type=_f32) + baa_ref[...], 0.0)

    return pl.pallas_call(
        body,
        grid=(N // BN,),
        in_specs=[
            pl.BlockSpec((BN, DA), lambda i: (i, 0)),
            pl.BlockSpec((DA, DX), lambda i: (0, 0)),
            pl.BlockSpec((1, DX), lambda i: (0, 0)),
            pl.BlockSpec((DA, H), lambda i: (0, 0)),
            pl.BlockSpec((1, H), lambda i: (0, 0)),
        ],
        out_specs=[
            pl.BlockSpec((BN, DX), lambda i: (i, 0)),
            pl.BlockSpec((BN, H), lambda i: (i, 0)),
        ],
        out_shape=[
            jax.ShapeDtypeStruct((N, DX), _f32),
            jax.ShapeDtypeStruct((N, H), _f32),
        ],
    )(atom, Wx, bx, Waa, baa)


def _tc_pae(pair, Wpa_p, bpa_p):
    BE = 2000

    def body(p_ref, w_ref, b_ref, o_ref):
        o_ref[...] = jnp.maximum(
            jnp.dot(p_ref[...], w_ref[...], preferred_element_type=_f32) + b_ref[...], 0.0)

    return pl.pallas_call(
        body,
        grid=(E // BE,),
        in_specs=[
            pl.BlockSpec((BE, DP), lambda i: (i, 0)),
            pl.BlockSpec((DP, HP2), lambda i: (0, 0)),
            pl.BlockSpec((1, HP2), lambda i: (0, 0)),
        ],
        out_specs=pl.BlockSpec((BE, HP2), lambda i: (i, 0)),
        out_shape=jax.ShapeDtypeStruct((E, HP2), _f32),
    )(pair, Wpa_p, bpa_p)


def _tc_p(S, pair_t, Wp1p, Wpp, bpp, Wp2, bp):
    BE = 2560
    dn_t = (((0,), (0,)), ((), ()))

    def body(s_ref, pr_ref, w1_ref, wpp_ref, bpp_ref, w2_ref, bp_ref, o_ref):
        pp_t = jnp.maximum(
            lax.dot_general(wpp_ref[...], pr_ref[...], dn_t,
                            preferred_element_type=_f32) + bpp_ref[...], 0.0)
        acc = lax.dot_general(w1_ref[...], s_ref[...], (((0,), (1,)), ((), ())),
                              preferred_element_type=_f32)
        acc = acc + lax.dot_general(w2_ref[...], pp_t, (((0,), (0,)), ((), ())),
                                    preferred_element_type=_f32)
        o_ref[...] = jnp.maximum(acc + bp_ref[...], 0.0)

    return pl.pallas_call(
        body,
        grid=(E // BE,),
        in_specs=[
            pl.BlockSpec((BE, HP), lambda i: (i, 0)),
            pl.BlockSpec((DP, BE), lambda i: (0, i)),
            pl.BlockSpec((HP, H), lambda i: (0, 0)),
            pl.BlockSpec((DP, H), lambda i: (0, 0)),
            pl.BlockSpec((H, 1), lambda i: (0, 0)),
            pl.BlockSpec((H, H), lambda i: (0, 0)),
            pl.BlockSpec((H, 1), lambda i: (0, 0)),
        ],
        out_specs=pl.BlockSpec((H, BE), lambda i: (0, i)),
        out_shape=jax.ShapeDtypeStruct((H, E), _f32),
    )(S, pair_t, Wp1p, Wpp, bpp, Wp2, bp)


def _tc_a(AA, PAp, Wa1, Wa2p, ba):
    BN = 1000

    def body(aa_ref, pap_ref, w1_ref, w2_ref, b_ref, o_ref):
        pa = pap_ref[0] + pap_ref[1]
        acc = jnp.dot(aa_ref[...], w1_ref[...], preferred_element_type=_f32)
        acc = acc + jnp.dot(pa, w2_ref[...], preferred_element_type=_f32)
        o_ref[...] = jnp.maximum(acc + b_ref[...], 0.0)

    return pl.pallas_call(
        body,
        grid=(N // BN,),
        in_specs=[
            pl.BlockSpec((BN, H), lambda i: (i, 0)),
            pl.BlockSpec((NC, BN, HP2), lambda i: (0, i, 0)),
            pl.BlockSpec((H, H), lambda i: (0, 0)),
            pl.BlockSpec((HP2, H), lambda i: (0, 0)),
            pl.BlockSpec((1, H), lambda i: (0, 0)),
        ],
        out_specs=pl.BlockSpec((BN, H), lambda i: (i, 0)),
        out_shape=jax.ShapeDtypeStruct((N, H), _f32),
    )(AA, PAp, Wa1, Wa2p, ba)


def _sc_gather(X, idxi_r, idxj_r):
    mesh = plsc.VectorSubcoreMesh(core_axis_name="c", subcore_axis_name="s")
    TLAST = NCH - 1

    @functools.partial(
        pl.kernel,
        out_type=jax.ShapeDtypeStruct((NW, NCH, C, HP), _f32),
        mesh=mesh,
        scratch_types=[
            pltpu.VMEM((1, C), jnp.int32),
            pltpu.VMEM((1, C), jnp.int32),
            pltpu.VMEM((1, C), jnp.int32),
            pltpu.VMEM((1, C), jnp.int32),
            pltpu.VMEM((C, DX), _f32),
            pltpu.VMEM((C, DX), _f32),
            pltpu.VMEM((C, DX), _f32),
            pltpu.VMEM((C, DX), _f32),
            pltpu.VMEM((C, HP), _f32),
            pltpu.VMEM((C, HP), _f32),
            pltpu.SemaphoreType.DMA,
            pltpu.SemaphoreType.DMA,
            pltpu.SemaphoreType.DMA,
            pltpu.SemaphoreType.DMA,
            pltpu.SemaphoreType.DMA,
            pltpu.SemaphoreType.DMA,
        ],
    )
    def k(x_hbm, idxi_hbm, idxj_hbm, s_out,
          idxi_v0, idxi_v1, idxj_v0, idxj_v1, ri_v0, ri_v1, rj_v0, rj_v1,
          s_v0, s_v1,
          semg0, semg1, semi0, semi1, semo0, semo1):
        cid = lax.axis_index("c")
        sid = lax.axis_index("s")
        wid = sid * NC + cid
        idxi_v = (idxi_v0, idxi_v1)
        idxj_v = (idxj_v0, idxj_v1)
        ri_v = (ri_v0, ri_v1)
        rj_v = (rj_v0, rj_v1)
        s_v = (s_v0, s_v1)
        semg = (semg0, semg1)
        semi = (semi0, semi1)
        semo = (semo0, semo1)

        def issue_gathers(t, buf):
            pltpu.async_copy(x_hbm.at[idxi_v[buf].at[0]], ri_v[buf], semg[buf])
            pltpu.async_copy(x_hbm.at[idxj_v[buf].at[0]], rj_v[buf], semg[buf])

        def wait_gathers(buf):
            pltpu.make_async_copy(x_hbm.at[idxi_v[buf].at[0]], ri_v[buf], semg[buf]).wait()
            pltpu.make_async_copy(x_hbm.at[idxj_v[buf].at[0]], rj_v[buf], semg[buf]).wait()

        def issue_idx(t, buf):
            pltpu.async_copy(idxi_hbm.at[wid, pl.ds(t, 1)], idxi_v[buf], semi[buf])
            pltpu.async_copy(idxj_hbm.at[wid, pl.ds(t, 1)], idxj_v[buf], semi[buf])

        def wait_idx(t, buf):
            pltpu.make_async_copy(idxi_hbm.at[wid, pl.ds(t, 1)], idxi_v[buf], semi[buf]).wait()
            pltpu.make_async_copy(idxj_hbm.at[wid, pl.ds(t, 1)], idxj_v[buf], semi[buf]).wait()

        def compute(buf):
            rb, jb, sb = ri_v[buf], rj_v[buf], s_v[buf]

            def edge(e, c2):
                for k4 in range(HP // L):
                    c0 = k4 * L
                    t1 = jnp.maximum(
                        rb[e, pl.ds(c0, L)] + jb[e, pl.ds(HP + c0, L)], 0.0)
                    t2 = jnp.maximum(
                        rb[e, pl.ds(HP + c0, L)] + jb[e, pl.ds(c0, L)], 0.0)
                    sb[e, pl.ds(c0, L)] = t1 + t2
                return c2

            lax.fori_loop(0, C, edge, 0, unroll=4)

        issue_idx(0, 0)
        wait_idx(0, 0)
        issue_gathers(0, 0)
        issue_idx(1, 1)
        wait_idx(1, 1)

        def super_chunk(u, carry):
            for bb in range(2):
                t = 2 * u + bb
                nb = 1 - bb
                wait_gathers(bb)

                @pl.when(t + 1 <= TLAST)
                def _():
                    issue_gathers(t + 1, nb)

                @pl.when(t + 2 <= TLAST)
                def _():
                    issue_idx(t + 2, bb)

                @pl.when(t >= 2)
                def _():
                    pltpu.make_async_copy(
                        s_v[bb], s_out.at[wid, 0], semo[bb]).wait()

                compute(bb)
                pltpu.async_copy(s_v[bb], s_out.at[wid, t], semo[bb])

                @pl.when(t + 2 <= TLAST)
                def _():
                    wait_idx(t + 2, bb)
            return carry

        lax.fori_loop(0, NCH // 2, super_chunk, 0)

        t = TLAST
        wait_gathers(0)
        pltpu.make_async_copy(s_v[0], s_out.at[wid, 0], semo[0]).wait()
        compute(0)
        pltpu.sync_copy(s_v[0], s_out.at[wid, t])
        pltpu.make_async_copy(s_v[1], s_out.at[wid, 0], semo[1]).wait()

    return k(X, idxi_r, idxj_r)


def _sc_segsum(split_r, pae_r):
    mesh = plsc.VectorSubcoreMesh(core_axis_name="c", subcore_axis_name="s")
    TLAST = NCH - 1

    @functools.partial(
        pl.kernel,
        out_type=jax.ShapeDtypeStruct((NC, NP, HP2), _f32),
        mesh=mesh,
        scratch_types=[
            pltpu.VMEM((1, C), jnp.int32),
            pltpu.VMEM((1, C), jnp.int32),
            pltpu.VMEM((C, HP2), _f32),
            pltpu.VMEM((C, HP2), _f32),
            pltpu.VMEM((64, HP2), _f32),
            pltpu.VMEM_SHARED((NP, HP2), _f32),
            pltpu.SemaphoreType.DMA,
            pltpu.SemaphoreType.DMA,
            pltpu.SemaphoreType.DMA,
            pltpu.SemaphoreType.DMA,
        ],
    )
    def k(split_hbm, pae_hbm, pa_out, split_v0, split_v1, pae_v0, pae_v1,
          zbuf, shared, seml0, seml1, sems0, sems1):
        cid = lax.axis_index("c")
        sid = lax.axis_index("s")
        wid = sid * NC + cid
        split_v = (split_v0, split_v1)
        pae_v = (pae_v0, pae_v1)
        seml = (seml0, seml1)
        sems = (sems0, sems1)

        def zrow(r, carry):
            for k4 in range(HP2 // L):
                zbuf[r, pl.ds(k4 * L, L)] = jnp.zeros((L,), _f32)
            return carry

        lax.fori_loop(0, 64, zrow, 0)
        for u in range(RPS // 64):
            pltpu.sync_copy(zbuf, shared.at[pl.ds(sid * RPS + u * 64, 64)])
        plsc.subcore_barrier()

        def issue_loads(t, buf):
            pltpu.async_copy(split_hbm.at[wid, pl.ds(t, 1)], split_v[buf], seml[buf])
            pltpu.async_copy(pae_hbm.at[wid, t], pae_v[buf], seml[buf])

        def wait_loads(t, buf):
            pltpu.make_async_copy(split_hbm.at[wid, pl.ds(t, 1)], split_v[buf], seml[buf]).wait()
            pltpu.make_async_copy(pae_hbm.at[wid, t], pae_v[buf], seml[buf]).wait()

        def issue_scatter(buf):
            pltpu.async_copy(pae_v[buf], shared.at[split_v[buf].at[0]],
                             sems[buf], add=True)

        def drain_scatter(buf):
            pltpu.make_async_copy(pae_v[buf], shared.at[split_v[buf].at[0]],
                                  sems[buf]).wait()

        issue_loads(0, 0)
        issue_loads(1, 1)

        def super_chunk(u, carry):
            for bb in range(2):
                t = 2 * u + bb
                wait_loads(t, bb)
                issue_scatter(bb)

                @pl.when(t + 2 <= TLAST)
                def _():
                    drain_scatter(bb)
                    issue_loads(t + 2, bb)
            return carry

        lax.fori_loop(0, NCH // 2, super_chunk, 0)

        t = TLAST
        wait_loads(t, 0)
        issue_scatter(0)
        drain_scatter(1)
        drain_scatter(0)

        plsc.subcore_barrier()
        for u in range(RPS // 64):
            pltpu.sync_copy(shared.at[pl.ds(sid * RPS + u * 64, 64)], zbuf)
            pltpu.sync_copy(zbuf, pa_out.at[cid, pl.ds(sid * RPS + u * 64, 64)])

    return k(split_r, pae_r)


def kernel(atom_features, pair_features, pair_split, atom_to_pair,
           W_AA, b_AA, W_PA, b_PA, W_A, b_A,
           W_AP, b_AP, W_PP, b_PP, W_P, b_P):
    W1 = W_AP[:DA]
    W2 = W_AP[DA:]
    Wx = jnp.zeros((DA, DX), _f32).at[:, 0:H].set(W1).at[:, HP:HP + H].set(W2)
    bx = jnp.zeros((1, DX), _f32).at[0, 0:H].set(b_AP)
    Wpa_p = jnp.zeros((DP, HP2), _f32).at[:, :H].set(W_PA)
    bpa_p = jnp.zeros((1, HP2), _f32).at[0, :H].set(b_PA)
    Wp1p = jnp.zeros((HP, H), _f32).at[:H].set(W_P[:H])
    Wa2p = jnp.zeros((HP2, H), _f32).at[:H].set(W_A[H:])

    X, AA = _tc_atoms(atom_features, Wx, bx, W_AA, b_AA.reshape(1, H))
    PAe = _tc_pae(pair_features, Wpa_p, bpa_p)

    idxi_r = atom_to_pair[:, 0].reshape(NW, NCH, C)
    idxj_r = atom_to_pair[:, 1].reshape(NW, NCH, C)
    split_r = pair_split.reshape(NW, NCH, C)
    pae_r = PAe.reshape(NW, NCH, C, HP2)
    S_r = _sc_gather(X, idxi_r, idxj_r)
    split_r, pae_r, S_r = lax.optimization_barrier((split_r, pae_r, S_r))
    PAp = _sc_segsum(split_r, pae_r)
    S = S_r.reshape(E, HP)

    P_t = _tc_p(S, pair_features.T, Wp1p, W_PP, b_PP.reshape(H, 1),
                W_P[H:], b_P.reshape(H, 1))
    A = _tc_a(AA, PAp, W_A[:H], Wa2p, b_A.reshape(1, H))
    return (A, P_t.T)

# --- scband reference (transcript-rebuilt; emitter-appended) ---
"""Pipeline reference for scband-weave-layer-37280316129529 (READ-ONLY COPY).

The authoritative reference and input builder live on the scoring server;
editing this copy changes nothing except your own understanding.
"""

import jax, jax.numpy as jnp
import numpy as np

N = 10000
E = 320000
D_ATOM = 128
D_PAIR = 16
H = 50
D_A_OUT = 50
D_P_OUT = 50


def _glorot(k, shape):
    lim = np.sqrt(6.0 / (shape[0] + shape[1]))
    return jax.random.uniform(k, shape, jnp.float32, -lim, lim)


def setup_inputs(seed: int = 0) -> dict:
    key = jax.random.key(seed)
    ks = jax.random.split(key, 12)
    atom_features = jax.random.normal(ks[0], (N, D_ATOM), dtype=jnp.float32)
    pair_features = jax.random.normal(ks[1], (E, D_PAIR), dtype=jnp.float32)
    pair_split = jnp.sort(jax.random.randint(ks[2], (E,), 0, N, dtype=jnp.int32))
    atom_to_pair = jax.random.randint(ks[3], (E, 2), 0, N, dtype=jnp.int32)
    W_AA = _glorot(ks[4], (D_ATOM, H)); b_AA = jnp.zeros((H,), jnp.float32)
    W_PA = _glorot(ks[5], (D_PAIR, H)); b_PA = jnp.zeros((H,), jnp.float32)
    W_A = _glorot(ks[6], (2 * H, D_A_OUT)); b_A = jnp.zeros((D_A_OUT,), jnp.float32)
    W_AP = _glorot(ks[7], (2 * D_ATOM, H)); b_AP = jnp.zeros((H,), jnp.float32)
    W_PP = _glorot(ks[8], (D_PAIR, H)); b_PP = jnp.zeros((H,), jnp.float32)
    W_P = _glorot(ks[9], (2 * H, D_P_OUT)); b_P = jnp.zeros((D_P_OUT,), jnp.float32)
    return {
        "atom_features": atom_features,
        "pair_features": pair_features,
        "pair_split": pair_split,
        "atom_to_pair": atom_to_pair,
        "W_AA": W_AA, "b_AA": b_AA,
        "W_PA": W_PA, "b_PA": b_PA,
        "W_A": W_A, "b_A": b_A,
        "W_AP": W_AP, "b_AP": b_AP,
        "W_PP": W_PP, "b_PP": b_PP,
        "W_P": W_P, "b_P": b_P,
    }


def reference(atom_features, pair_features, pair_split, atom_to_pair,
              W_AA, b_AA, W_PA, b_PA, W_A, b_A,
              W_AP, b_AP, W_PP, b_PP, W_P, b_P):
    act = jax.nn.relu
    # atom path
    AA = act(atom_features @ W_AA + b_AA)
    PA = act(pair_features @ W_PA + b_PA)
    PA = jax.ops.segment_sum(PA, pair_split, num_segments=atom_features.shape[0])
    A = act(jnp.concatenate([AA, PA], axis=1) @ W_A + b_A)
    # pair path (update_pair=True)
    d = atom_features.shape[1]
    gath_ij = jnp.take(atom_features, atom_to_pair, axis=0).reshape(-1, 2 * d)
    AP_ij = act(gath_ij @ W_AP + b_AP)
    gath_ji = jnp.take(atom_features, atom_to_pair[:, ::-1], axis=0).reshape(-1, 2 * d)
    AP_ji = act(gath_ji @ W_AP + b_AP)
    PP = act(pair_features @ W_PP + b_PP)
    P = act(jnp.concatenate([AP_ij + AP_ji, PP], axis=1) @ W_P + b_P)
    return (A, P)

if __name__ == "__main__":
    import jax
    _d = setup_inputs()
    print(jax.jit(kernel)(*tuple(_d.values())))

</pallas_src>

<mosaic_0001>
#map = affine_map<(d0, d1) -> (0, 0)>
#map1 = affine_map<(d0, d1) -> (0, 0, 0)>
#map2 = affine_map<(d0, d1) -> (0, 0, 0, 0)>
module attributes {stable_mosaic.version = 14 : i64} {
  func.func @k(%arg0: i32, %arg1: i32, %arg2: memref<10000x128xf32, #tpu.memory_space<hbm>>, %arg3: memref<32x125x80xi32, #tpu.memory_space<hbm>>, %arg4: memref<32x125x80xi32, #tpu.memory_space<hbm>>, %arg5: memref<32x125x80x64xf32, #tpu.memory_space<hbm>>, %arg6: memref<1x80xi32, #tpu.memory_space<vmem>>, %arg7: memref<1x80xi32, #tpu.memory_space<vmem>>, %arg8: memref<1x80xi32, #tpu.memory_space<vmem>>, %arg9: memref<1x80xi32, #tpu.memory_space<vmem>>, %arg10: memref<80x128xf32, #tpu.memory_space<vmem>>, %arg11: memref<80x128xf32, #tpu.memory_space<vmem>>, %arg12: memref<80x128xf32, #tpu.memory_space<vmem>>, %arg13: memref<80x128xf32, #tpu.memory_space<vmem>>, %arg14: memref<80x64xf32, #tpu.memory_space<vmem>>, %arg15: memref<80x64xf32, #tpu.memory_space<vmem>>, %arg16: memref<!tpu.dma_semaphore, #tpu.memory_space<semaphore_mem>>, %arg17: memref<!tpu.dma_semaphore, #tpu.memory_space<semaphore_mem>>, %arg18: memref<!tpu.dma_semaphore, #tpu.memory_space<semaphore_mem>>, %arg19: memref<!tpu.dma_semaphore, #tpu.memory_space<semaphore_mem>>, %arg20: memref<!tpu.dma_semaphore, #tpu.memory_space<semaphore_mem>>, %arg21: memref<!tpu.dma_semaphore, #tpu.memory_space<semaphore_mem>>) attributes {dimension_semantics = [#tpu.dimension_semantics<core_parallel>, #tpu.dimension_semantics<subcore_parallel>], iteration_bounds = array<i64: 2, 16>, scalar_prefetch = 0 : i64, scratch_operands = 16 : i64, tpu.core_type = #tpu.core_type<sc_vector_subcore>, window_params = [{transform_indices = #map}, {transform_indices = #map1}, {transform_indices = #map1}, {transform_indices = #map2}]} {
    %mul3A = arith.constant 2 : i32
    %mul3A_0 = arith.muli %arg1, %mul3A : i32
    %add3A = arith.addi %mul3A_0, %arg0 : i32
    %dma_start3A = arith.constant 0 : i32
    %dma_start3A_1 = arith.constant 0 : i32
    %dma_start3A_2 = tpu.memref_slice %arg3[%add3A, %dma_start3A, %dma_start3A_1] : memref<32x125x80xi32, #tpu.memory_space<hbm>> -> memref<1x1x80xi32, #tpu.memory_space<hbm>>
    %dma_start3A_3 = tpu.memref_squeeze %dma_start3A_2 : memref<1x1x80xi32, #tpu.memory_space<hbm>> -> memref<1x80xi32, #tpu.memory_space<hbm>>
    %dma_start3A_4 = arith.constant 0 : i32
    %dma_start3A_5 = arith.constant 0 : i32
    %dma_start3A_6 = tpu.memref_slice %arg3[%add3A, %dma_start3A_4, %dma_start3A_5] : memref<32x125x80xi32, #tpu.memory_space<hbm>> -> memref<1x1x80xi32, #tpu.memory_space<hbm>>
    %dma_start3A_7 = tpu.memref_squeeze %dma_start3A_6 : memref<1x1x80xi32, #tpu.memory_space<hbm>> -> memref<1x80xi32, #tpu.memory_space<hbm>>
    tpu.enqueue_dma source(%dma_start3A_7 : memref<1x80xi32, #tpu.memory_space<hbm>>) target(%arg6 : memref<1x80xi32, #tpu.memory_space<vmem>>) target_semaphore(%arg18 : memref<!tpu.dma_semaphore, #tpu.memory_space<semaphore_mem>>)
    %dma_start3A_8 = arith.constant 0 : i32
    %dma_start3A_9 = arith.constant 0 : i32
    %dma_start3A_10 = tpu.memref_slice %arg4[%add3A, %dma_start3A_8, %dma_start3A_9] : memref<32x125x80xi32, #tpu.memory_space<hbm>> -> memref<1x1x80xi32, #tpu.memory_space<hbm>>
    %dma_start3A_11 = tpu.memref_squeeze %dma_start3A_10 : memref<1x1x80xi32, #tpu.memory_space<hbm>> -> memref<1x80xi32, #tpu.memory_space<hbm>>
    %dma_start3A_12 = arith.constant 0 : i32
    %dma_start3A_13 = arith.constant 0 : i32
    %dma_start3A_14 = tpu.memref_slice %arg4[%add3A, %dma_start3A_12, %dma_start3A_13] : memref<32x125x80xi32, #tpu.memory_space<hbm>> -> memref<1x1x80xi32, #tpu.memory_space<hbm>>
    %dma_start3A_15 = tpu.memref_squeeze %dma_start3A_14 : memref<1x1x80xi32, #tpu.memory_space<hbm>> -> memref<1x80xi32, #tpu.memory_space<hbm>>
    tpu.enqueue_dma source(%dma_start3A_15 : memref<1x80xi32, #tpu.memory_space<hbm>>) target(%arg8 : memref<1x80xi32, #tpu.memory_space<vmem>>) target_semaphore(%arg18 : memref<!tpu.dma_semaphore, #tpu.memory_space<semaphore_mem>>)
    %dma_wait3A = arith.constant 0 : i32
    %dma_wait3A_16 = arith.constant 0 : i32
    %dma_wait3A_17 = tpu.memref_slice %arg3[%add3A, %dma_wait3A, %dma_wait3A_16] : memref<32x125x80xi32, #tpu.memory_space<hbm>> -> memref<1x1x80xi32, #tpu.memory_space<hbm>>
    %dma_wait3A_18 = tpu.memref_squeeze %dma_wait3A_17 : memref<1x1x80xi32, #tpu.memory_space<hbm>> -> memref<1x80xi32, #tpu.memory_space<hbm>>
    %dma_wait3A_19 = arith.constant 0 : i32
    %dma_wait3A_20 = arith.constant 0 : i32
    %dma_wait3A_21 = tpu.memref_slice %arg3[%add3A, %dma_wait3A_19, %dma_wait3A_20] : memref<32x125x80xi32, #tpu.memory_space<hbm>> -> memref<1x1x80xi32, #tpu.memory_space<hbm>>
    %dma_wait3A_22 = tpu.memref_squeeze %dma_wait3A_21 : memref<1x1x80xi32, #tpu.memory_space<hbm>> -> memref<1x80xi32, #tpu.memory_space<hbm>>
    tpu.wait_dma2 semaphore(%arg18 : memref<!tpu.dma_semaphore, #tpu.memory_space<semaphore_mem>>) src(%dma_wait3A_22 : memref<1x80xi32, #tpu.memory_space<hbm>>) dst(%arg6 : memref<1x80xi32, #tpu.memory_space<vmem>>)
    %dma_wait3A_23 = arith.constant 0 : i32
    %dma_wait3A_24 = arith.constant 0 : i32
    %dma_wait3A_25 = tpu.memref_slice %arg4[%add3A, %dma_wait3A_23, %dma_wait3A_24] : memref<32x125x80xi32, #tpu.memory_space<hbm>> -> memref<1x1x80xi32, #tpu.memory_space<hbm>>
    %dma_wait3A_26 = tpu.memref_squeeze %dma_wait3A_25 : memref<1x1x80xi32, #tpu.memory_space<hbm>> -> memref<1x80xi32, #tpu.memory_space<hbm>>
    %dma_wait3A_27 = arith.constant 0 : i32
    %dma_wait3A_28 = arith.constant 0 : i32
    %dma_wait3A_29 = tpu.memref_slice %arg4[%add3A, %dma_wait3A_27, %dma_wait3A_28] : memref<32x125x80xi32, #tpu.memory_space<hbm>> -> memref<1x1x80xi32, #tpu.memory_space<hbm>>
    %dma_wait3A_30 = tpu.memref_squeeze %dma_wait3A_29 : memref<1x1x80xi32, #tpu.memory_space<hbm>> -> memref<1x80xi32, #tpu.memory_space<hbm>>
    tpu.wait_dma2 semaphore(%arg18 : memref<!tpu.dma_semaphore, #tpu.memory_space<semaphore_mem>>) src(%dma_wait3A_30 : memref<1x80xi32, #tpu.memory_space<hbm>>) dst(%arg8 : memref<1x80xi32, #tpu.memory_space<vmem>>)
    %dma_start3A_31 = arith.constant 0 : i32
    %dma_start3A_32 = arith.constant 0 : i32
    %dma_start3A_33 = tpu.memref_slice %arg6[%dma_start3A_31, %dma_start3A_32] : memref<1x80xi32, #tpu.memory_space<vmem>> -> memref<1x80xi32, #tpu.memory_space<vmem>>
    %dma_start3A_34 = tpu.memref_squeeze %dma_start3A_33 : memref<1x80xi32, #tpu.memory_space<vmem>> -> memref<80xi32, #tpu.memory_space<vmem>>
    %dma_start3A_35 = arith.constant 0 : i32
    %dma_start3A_36 = arith.constant 0 : i32
    %dma_start3A_37 = tpu.memref_slice %arg2[%dma_start3A_35, %dma_start3A_36] : memref<10000x128xf32, #tpu.memory_space<hbm>> -> memref<10000x128xf32, #tpu.memory_space<hbm>>
    tpu.enqueue_indirect_dma source(%dma_start3A_37 : memref<10000x128xf32, #tpu.memory_space<hbm>>) target(%arg10 : memref<80x128xf32, #tpu.memory_space<vmem>>) offsets(%dma_start3A_34 : memref<80xi32, #tpu.memory_space<vmem>>) semaphore(%arg16 : memref<!tpu.dma_semaphore, #tpu.memory_space<semaphore_mem>>)
    %dma_start3A_38 = arith.constant 0 : i32
    %dma_start3A_39 = arith.constant 0 : i32
    %dma_start3A_40 = tpu.memref_slice %arg8[%dma_start3A_38, %dma_start3A_39] : memref<1x80xi32, #tpu.memory_space<vmem>> -> memref<1x80xi32, #tpu.memory_space<vmem>>
    %dma_start3A_41 = tpu.memref_squeeze %dma_start3A_40 : memref<1x80xi32, #tpu.memory_space<vmem>> -> memref<80xi32, #tpu.memory_space<vmem>>
    %dma_start3A_42 = arith.constant 0 : i32
    %dma_start3A_43 = arith.constant 0 : i32
    %dma_start3A_44 = tpu.memref_slice %arg2[%dma_start3A_42, %dma_start3A_43] : memref<10000x128xf32, #tpu.memory_space<hbm>> -> memref<10000x128xf32, #tpu.memory_space<hbm>>
    tpu.enqueue_indirect_dma source(%dma_start3A_44 : memref<10000x128xf32, #tpu.memory_space<hbm>>) target(%arg12 : memref<80x128xf32, #tpu.memory_space<vmem>>) offsets(%dma_start3A_41 : memref<80xi32, #tpu.memory_space<vmem>>) semaphore(%arg16 : memref<!tpu.dma_semaphore, #tpu.memory_space<semaphore_mem>>)
    %dma_start3A_45 = arith.constant 1 : i32
    %dma_start3A_46 = arith.constant 0 : i32
    %dma_start3A_47 = tpu.memref_slice %arg3[%add3A, %dma_start3A_45, %dma_start3A_46] : memref<32x125x80xi32, #tpu.memory_space<hbm>> -> memref<1x1x80xi32, #tpu.memory_space<hbm>>
    %dma_start3A_48 = tpu.memref_squeeze %dma_start3A_47 : memref<1x1x80xi32, #tpu.memory_space<hbm>> -> memref<1x80xi32, #tpu.memory_space<hbm>>
    %dma_start3A_49 = arith.constant 1 : i32
    %dma_start3A_50 = arith.constant 0 : i32
    %dma_start3A_51 = tpu.memref_slice %arg3[%add3A, %dma_start3A_49, %dma_start3A_50] : memref<32x125x80xi32, #tpu.memory_space<hbm>> -> memref<1x1x80xi32, #tpu.memory_space<hbm>>
    %dma_start3A_52 = tpu.memref_squeeze %dma_start3A_51 : memref<1x1x80xi32, #tpu.memory_space<hbm>> -> memref<1x80xi32, #tpu.memory_space<hbm>>
    tpu.enqueue_dma source(%dma_start3A_52 : memref<1x80xi32, #tpu.memory_space<hbm>>) target(%arg7 : memref<1x80xi32, #tpu.memory_space<vmem>>) target_semaphore(%arg19 : memref<!tpu.dma_semaphore, #tpu.memory_space<semaphore_mem>>)
    %dma_start3A_53 = arith.constant 1 : i32
    %dma_start3A_54 = arith.constant 0 : i32
    %dma_start3A_55 = tpu.memref_slice %arg4[%add3A, %dma_start3A_53, %dma_start3A_54] : memref<32x125x80xi32, #tpu.memory_space<hbm>> -> memref<1x1x80xi32, #tpu.memory_space<hbm>>
    %dma_start3A_56 = tpu.memref_squeeze %dma_start3A_55 : memref<1x1x80xi32, #tpu.memory_space<hbm>> -> memref<1x80xi32, #tpu.memory_space<hbm>>
    %dma_start3A_57 = arith.constant 1 : i32
    %dma_start3A_58 = arith.constant 0 : i32
    %dma_start3A_59 = tpu.memref_slice %arg4[%add3A, %dma_start3A_57, %dma_start3A_58] : memref<32x125x80xi32, #tpu.memory_space<hbm>> -> memref<1x1x80xi32, #tpu.memory_space<hbm>>
    %dma_start3A_60 = tpu.memref_squeeze %dma_start3A_59 : memref<1x1x80xi32, #tpu.memory_space<hbm>> -> memref<1x80xi32, #tpu.memory_space<hbm>>
    tpu.enqueue_dma source(%dma_start3A_60 : memref<1x80xi32, #tpu.memory_space<hbm>>) target(%arg9 : memref<1x80xi32, #tpu.memory_space<vmem>>) target_semaphore(%arg19 : memref<!tpu.dma_semaphore, #tpu.memory_space<semaphore_mem>>)
    %dma_wait3A_61 = arith.constant 1 : i32
    %dma_wait3A_62 = arith.constant 0 : i32
    %dma_wait3A_63 = tpu.memref_slice %arg3[%add3A, %dma_wait3A_61, %dma_wait3A_62] : memref<32x125x80xi32, #tpu.memory_space<hbm>> -> memref<1x1x80xi32, #tpu.memory_space<hbm>>
    %dma_wait3A_64 = tpu.memref_squeeze %dma_wait3A_63 : memref<1x1x80xi32, #tpu.memory_space<hbm>> -> memref<1x80xi32, #tpu.memory_space<hbm>>
    %dma_wait3A_65 = arith.constant 1 : i32
    %dma_wait3A_66 = arith.constant 0 : i32
    %dma_wait3A_67 = tpu.memref_slice %arg3[%add3A, %dma_wait3A_65, %dma_wait3A_66] : memref<32x125x80xi32, #tpu.memory_space<hbm>> -> memref<1x1x80xi32, #tpu.memory_space<hbm>>
    %dma_wait3A_68 = tpu.memref_squeeze %dma_wait3A_67 : memref<1x1x80xi32, #tpu.memory_space<hbm>> -> memref<1x80xi32, #tpu.memory_space<hbm>>
    tpu.wait_dma2 semaphore(%arg19 : memref<!tpu.dma_semaphore, #tpu.memory_space<semaphore_mem>>) src(%dma_wait3A_68 : memref<1x80xi32, #tpu.memory_space<hbm>>) dst(%arg7 : memref<1x80xi32, #tpu.memory_space<vmem>>)
    %dma_wait3A_69 = arith.constant 1 : i32
    %dma_wait3A_70 = arith.constant 0 : i32
    %dma_wait3A_71 = tpu.memref_slice %arg4[%add3A, %dma_wait3A_69, %dma_wait3A_70] : memref<32x125x80xi32, #tpu.memory_space<hbm>> -> memref<1x1x80xi32, #tpu.memory_space<hbm>>
    %dma_wait3A_72 = tpu.memref_squeeze %dma_wait3A_71 : memref<1x1x80xi32, #tpu.memory_space<hbm>> -> memref<1x80xi32, #tpu.memory_space<hbm>>
    %dma_wait3A_73 = arith.constant 1 : i32
    %dma_wait3A_74 = arith.constant 0 : i32
    %dma_wait3A_75 = tpu.memref_slice %arg4[%add3A, %dma_wait3A_73, %dma_wait3A_74] : memref<32x125x80xi32, #tpu.memory_space<hbm>> -> memref<1x1x80xi32, #tpu.memory_space<hbm>>
    %dma_wait3A_76 = tpu.memref_squeeze %dma_wait3A_75 : memref<1x1x80xi32, #tpu.memory_space<hbm>> -> memref<1x80xi32, #tpu.memory_space<hbm>>
    tpu.wait_dma2 semaphore(%arg19 : memref<!tpu.dma_semaphore, #tpu.memory_space<semaphore_mem>>) src(%dma_wait3A_76 : memref<1x80xi32, #tpu.memory_space<hbm>>) dst(%arg9 : memref<1x80xi32, #tpu.memory_space<vmem>>)
    %scan3A = arith.constant 0 : i32
    %scan3A_77 = arith.constant 0 : i32
    %scan3A_78 = arith.constant 62 : i32
    %scan3A_79 = arith.addi %scan3A_77, %scan3A_78 : i32
    %scan3A_80 = arith.constant 1 : i32
    scf.for %scan3A_120 = %scan3A_77 to %scan3A_79 step %scan3A_80  : i32 {
      %mul3A_121 = arith.constant 2 : i32
      %mul3A_122 = arith.muli %mul3A_121, %scan3A_120 : i32
      %add3A_123 = arith.constant 0 : i32
      %add3A_124 = arith.addi %mul3A_122, %add3A_123 : i32
      %dma_wait3A_125 = arith.constant 0 : i32
      %dma_wait3A_126 = arith.constant 0 : i32
      %dma_wait3A_127 = tpu.memref_slice %arg6[%dma_wait3A_125, %dma_wait3A_126] : memref<1x80xi32, #tpu.memory_space<vmem>> -> memref<1x80xi32, #tpu.memory_space<vmem>>
      %dma_wait3A_128 = tpu.memref_squeeze %dma_wait3A_127 : memref<1x80xi32, #tpu.memory_space<vmem>> -> memref<80xi32, #tpu.memory_space<vmem>>
      %dma_wait3A_129 = arith.constant 0 : i32
      %dma_wait3A_130 = arith.constant 0 : i32
      %dma_wait3A_131 = tpu.memref_slice %arg2[%dma_wait3A_129, %dma_wait3A_130] : memref<10000x128xf32, #tpu.memory_space<hbm>> -> memref<10000x128xf32, #tpu.memory_space<hbm>>
      tpu.wait_indirect_dma semaphore(%arg16 : memref<!tpu.dma_semaphore, #tpu.memory_space<semaphore_mem>>) src(%dma_wait3A_131 : memref<10000x128xf32, #tpu.memory_space<hbm>>) dst(%arg10 : memref<80x128xf32, #tpu.memory_space<vmem>>)
      %dma_wait3A_132 = arith.constant 0 : i32
      %dma_wait3A_133 = arith.constant 0 : i32
      %dma_wait3A_134 = tpu.memref_slice %arg8[%dma_wait3A_132, %dma_wait3A_133] : memref<1x80xi32, #tpu.memory_space<vmem>> -> memref<1x80xi32, #tpu.memory_space<vmem>>
      %dma_wait3A_135 = tpu.memref_squeeze %dma_wait3A_134 : memref<1x80xi32, #tpu.memory_space<vmem>> -> memref<80xi32, #tpu.memory_space<vmem>>
      %dma_wait3A_136 = arith.constant 0 : i32
      %dma_wait3A_137 = arith.constant 0 : i32
      %dma_wait3A_138 = tpu.memref_slice %arg2[%dma_wait3A_136, %dma_wait3A_137] : memref<10000x128xf32, #tpu.memory_space<hbm>> -> memref<10000x128xf32, #tpu.memory_space<hbm>>
      tpu.wait_indirect_dma semaphore(%arg16 : memref<!tpu.dma_semaphore, #tpu.memory_space<semaphore_mem>>) src(%dma_wait3A_138 : memref<10000x128xf32, #tpu.memory_space<hbm>>) dst(%arg12 : memref<80x128xf32, #tpu.memory_space<vmem>>)
      %add3A_139 = arith.constant 1 : i32
      %add3A_140 = arith.addi %add3A_124, %add3A_139 : i32
      %le3A = arith.constant 124 : i32
      %le3A_141 = arith.cmpi sle, %add3A_140, %le3A : i32
      %convert_element_type3A = arith.extui %le3A_141 : i1 to i32
      %cond3A = arith.constant 0 : i32
      %cond3A_142 = arith.cmpi ne, %convert_element_type3A, %cond3A : i32
      scf.if %cond3A_142 {
        %add3A_233 = arith.constant 1 : i32
        %add3A_234 = arith.addi %add3A_124, %add3A_233 : i32
        %dma_start3A_235 = arith.constant 0 : i32
        %dma_start3A_236 = arith.constant 0 : i32
        %dma_start3A_237 = tpu.memref_slice %arg7[%dma_start3A_235, %dma_start3A_236] : memref<1x80xi32, #tpu.memory_space<vmem>> -> memref<1x80xi32, #tpu.memory_space<vmem>>
        %dma_start3A_238 = tpu.memref_squeeze %dma_start3A_237 : memref<1x80xi32, #tpu.memory_space<vmem>> -> memref<80xi32, #tpu.memory_space<vmem>>
        %dma_start3A_239 = arith.constant 0 : i32
        %dma_start3A_240 = arith.constant 0 : i32
        %dma_start3A_241 = tpu.memref_slice %arg2[%dma_start3A_239, %dma_start3A_240] : memref<10000x128xf32, #tpu.memory_space<hbm>> -> memref<10000x128xf32, #tpu.memory_space<hbm>>
        tpu.enqueue_indirect_dma source(%dma_start3A_241 : memref<10000x128xf32, #tpu.memory_space<hbm>>) target(%arg11 : memref<80x128xf32, #tpu.memory_space<vmem>>) offsets(%dma_start3A_238 : memref<80xi32, #tpu.memory_space<vmem>>) semaphore(%arg17 : memref<!tpu.dma_semaphore, #tpu.memory_space<semaphore_mem>>)
        %dma_start3A_242 = arith.constant 0 : i32
        %dma_start3A_243 = arith.constant 0 : i32
        %dma_start3A_244 = tpu.memref_slice %arg9[%dma_start3A_242, %dma_start3A_243] : memref<1x80xi32, #tpu.memory_space<vmem>> -> memref<1x80xi32, #tpu.memory_space<vmem>>
        %dma_start3A_245 = tpu.memref_squeeze %dma_start3A_244 : memref<1x80xi32, #tpu.memory_space<vmem>> -> memref<80xi32, #tpu.memory_space<vmem>>
        %dma_start3A_246 = arith.constant 0 : i32
        %dma_start3A_247 = arith.constant 0 : i32
        %dma_start3A_248 = tpu.memref_slice %arg2[%dma_start3A_246, %dma_start3A_247] : memref<10000x128xf32, #tpu.memory_space<hbm>> -> memref<10000x128xf32, #tpu.memory_space<hbm>>
        tpu.enqueue_indirect_dma source(%dma_start3A_248 : memref<10000x128xf32, #tpu.memory_space<hbm>>) target(%arg13 : memref<80x128xf32, #tpu.memory_space<vmem>>) offsets(%dma_start3A_245 : memref<80xi32, #tpu.memory_space<vmem>>) semaphore(%arg17 : memref<!tpu.dma_semaphore, #tpu.memory_space<semaphore_mem>>)
      } else {
      }
      %add3A_143 = arith.constant 2 : i32
      %add3A_144 = arith.addi %add3A_124, %add3A_143 : i32
      %le3A_145 = arith.constant 124 : i32
      %le3A_146 = arith.cmpi sle, %add3A_144, %le3A_145 : i32
      %convert_element_type3A_147 = arith.extui %le3A_146 : i1 to i32
      %cond3A_148 = arith.constant 0 : i32
      %cond3A_149 = arith.cmpi ne, %convert_element_type3A_147, %cond3A_148 : i32
      scf.if %cond3A_149 {
        %add3A_233 = arith.constant 2 : i32
        %add3A_234 = arith.addi %add3A_124, %add3A_233 : i32
        %dma_start3A_235 = arith.constant 0 : i32
        %dma_start3A_236 = tpu.memref_slice %arg3[%add3A, %add3A_234, %dma_start3A_235] : memref<32x125x80xi32, #tpu.memory_space<hbm>> -> memref<1x1x80xi32, #tpu.memory_space<hbm>>
        %dma_start3A_237 = tpu.memref_squeeze %dma_start3A_236 : memref<1x1x80xi32, #tpu.memory_space<hbm>> -> memref<1x80xi32, #tpu.memory_space<hbm>>
        %dma_start3A_238 = arith.constant 0 : i32
        %dma_start3A_239 = tpu.memref_slice %arg3[%add3A, %add3A_234, %dma_start3A_238] : memref<32x125x80xi32, #tpu.memory_space<hbm>> -> memref<1x1x80xi32, #tpu.memory_space<hbm>>
        %dma_start3A_240 = tpu.memref_squeeze %dma_start3A_239 : memref<1x1x80xi32, #tpu.memory_space<hbm>> -> memref<1x80xi32, #tpu.memory_space<hbm>>
        tpu.enqueue_dma source(%dma_start3A_240 : memref<1x80xi32, #tpu.memory_space<hbm>>) target(%arg6 : memref<1x80xi32, #tpu.memory_space<vmem>>) target_semaphore(%arg18 : memref<!tpu.dma_semaphore, #tpu.memory_space<semaphore_mem>>)
        %dma_start3A_241 = arith.constant 0 : i32
        %dma_start3A_242 = tpu.memref_slice %arg4[%add3A, %add3A_234, %dma_start3A_241] : memref<32x125x80xi32, #tpu.memory_space<hbm>> -> memref<1x1x80xi32, #tpu.memory_space<hbm>>
        %dma_start3A_243 = tpu.memref_squeeze %dma_start3A_242 : memref<1x1x80xi32, #tpu.memory_space<hbm>> -> memref<1x80xi32, #tpu.memory_space<hbm>>
        %dma_start3A_244 = arith.constant 0 : i32
        %dma_start3A_245 = tpu.memref_slice %arg4[%add3A, %add3A_234, %dma_start3A_244] : memref<32x125x80xi32, #tpu.memory_space<hbm>> -> memref<1x1x80xi32, #tpu.memory_space<hbm>>
        %dma_start3A_246 = tpu.memref_squeeze %dma_start3A_245 : memref<1x1x80xi32, #tpu.memory_space<hbm>> -> memref<1x80xi32, #tpu.memory_space<hbm>>
        tpu.enqueue_dma source(%dma_start3A_246 : memref<1x80xi32, #tpu.memory_space<hbm>>) target(%arg8 : memref<1x80xi32, #tpu.memory_space<vmem>>) target_semaphore(%arg18 : memref<!tpu.dma_semaphore, #tpu.memory_space<semaphore_mem>>)
      } else {
      }
      %ge3A = arith.constant 2 : i32
      %ge3A_150 = arith.cmpi sge, %add3A_124, %ge3A : i32
      %convert_element_type3A_151 = arith.extui %ge3A_150 : i1 to i32
      %cond3A_152 = arith.constant 0 : i32
      %cond3A_153 = arith.cmpi ne, %convert_element_type3A_151, %cond3A_152 : i32
      scf.if %cond3A_153 {
        %dma_wait3A_233 = arith.constant 0 : i32
        %dma_wait3A_234 = arith.constant 0 : i32
        %dma_wait3A_235 = arith.constant 0 : i32
        %dma_wait3A_236 = tpu.memref_slice %arg5[%add3A, %dma_wait3A_233, %dma_wait3A_234, %dma_wait3A_235] : memref<32x125x80x64xf32, #tpu.memory_space<hbm>> -> memref<1x1x80x64xf32, #tpu.memory_space<hbm>>
        %dma_wait3A_237 = tpu.memref_squeeze %dma_wait3A_236 : memref<1x1x80x64xf32, #tpu.memory_space<hbm>> -> memref<80x64xf32, #tpu.memory_space<hbm>>
        %dma_wait3A_238 = arith.constant 0 : i32
        %dma_wait3A_239 = arith.constant 0 : i32
        %dma_wait3A_240 = tpu.memref_slice %arg5[%add3A, %dma_wait3A_233, %dma_wait3A_238, %dma_wait3A_239] : memref<32x125x80x64xf32, #tpu.memory_space<hbm>> -> memref<1x1x80x64xf32, #tpu.memory_space<hbm>>
        %dma_wait3A_241 = tpu.memref_squeeze %dma_wait3A_240 : memref<1x1x80x64xf32, #tpu.memory_space<hbm>> -> memref<80x64xf32, #tpu.memory_space<hbm>>
        tpu.wait_dma2 semaphore(%arg20 : memref<!tpu.dma_semaphore, #tpu.memory_space<semaphore_mem>>) src(%arg14 : memref<80x64xf32, #tpu.memory_space<vmem>>) dst(%dma_wait3A_241 : memref<80x64xf32, #tpu.memory_space<hbm>>)
      } else {
      }
      %scan3A_154 = arith.constant 0 : i32
      %scan3A_155 = arith.constant 0 : i32
      %scan3A_156 = arith.constant 80 : i32
      %scan3A_157 = arith.addi %scan3A_155, %scan3A_156 : i32
      %scan3A_158 = arith.constant 4 : i32
      scf.for %scan3A_233 = %scan3A_155 to %scan3A_157 step %scan3A_158  : i32 {
        %get3A = arith.index_cast %scan3A_233 : i32 to index
        %get3A_234 = arith.constant 0 : index
        %get3A_235 = tpu.vector_load %arg10[%get3A, %get3A_234] {strides = array<i32>} : memref<80x128xf32, #tpu.memory_space<vmem>>, vector<1x16xf32>,
        %get3A_236 = vector.shape_cast %get3A_235 : vector<1x16xf32> to vector<16xf32>
        %get3A_237 = arith.index_cast %scan3A_233 : i32 to index
        %get3A_238 = arith.constant 64 : index
        %get3A_239 = tpu.vector_load %arg12[%get3A_237, %get3A_238] {strides = array<i32>} : memref<80x128xf32, #tpu.memory_space<vmem>>, vector<1x16xf32>,
        %get3A_240 = vector.shape_cast %get3A_239 : vector<1x16xf32> to vector<16xf32>
        %add3A_241 = arith.addf %get3A_236, %get3A_240 : vector<16xf32>
        %max3A = arith.constant 0.000000e+00 : f32
        %max3A_242 = vector.broadcast %max3A : f32 to vector<16xf32>
        %max3A_243 = arith.maximumf %add3A_241, %max3A_242 : vector<16xf32>
        %get3A_244 = arith.index_cast %scan3A_233 : i32 to index
        %get3A_245 = arith.constant 64 : index
        %get3A_246 = tpu.vector_load %arg10[%get3A_244, %get3A_245] {strides = array<i32>} : memref<80x128xf32, #tpu.memory_space<vmem>>, vector<1x16xf32>,
        %get3A_247 = vector.shape_cast %get3A_246 : vector<1x16xf32> to vector<16xf32>
        %get3A_248 = arith.index_cast %scan3A_233 : i32 to index
        %get3A_249 = arith.constant 0 : index
        %get3A_250 = tpu.vector_load %arg12[%get3A_248, %get3A_249] {strides = array<i32>} : memref<80x128xf32, #tpu.memory_space<vmem>>, vector<1x16xf32>,
        %get3A_251 = vector.shape_cast %get3A_250 : vector<1x16xf32> to vector<16xf32>
        %add3A_252 = arith.addf %get3A_247, %get3A_251 : vector<16xf32>
        %max3A_253 = arith.constant 0.000000e+00 : f32
        %max3A_254 = vector.broadcast %max3A_253 : f32 to vector<16xf32>
        %max3A_255 = arith.maximumf %add3A_252, %max3A_254 : vector<16xf32>
        %add3A_256 = arith.addf %max3A_243, %max3A_255 : vector<16xf32>
        %swap3A = arith.index_cast %scan3A_233 : i32 to index
        %swap3A_257 = arith.constant 0 : index
        %swap3A_258 = tpu.vector_load %arg14[%swap3A, %swap3A_257] {strides = array<i32>} : memref<80x64xf32, #tpu.memory_space<vmem>>, vector<1x16xf32>,
        %swap3A_259 = vector.shape_cast %swap3A_258 : vector<1x16xf32> to vector<16xf32>
        %swap3A_260 = vector.shape_cast %add3A_256 : vector<16xf32> to vector<1x16xf32>
        tpu.vector_store %arg14[%swap3A, %swap3A_257], %swap3A_260 {strides = array<i32>} : memref<80x64xf32, #tpu.memory_space<vmem>>, vector<1x16xf32>,
        %get3A_261 = arith.index_cast %scan3A_233 : i32 to index
        %get3A_262 = arith.constant 16 : index
        %get3A_263 = tpu.vector_load %arg10[%get3A_261, %get3A_262] {strides = array<i32>} : memref<80x128xf32, #tpu.memory_space<vmem>>, vector<1x16xf32>,
        %get3A_264 = vector.shape_cast %get3A_263 : vector<1x16xf32> to vector<16xf32>
        %get3A_265 = arith.index_cast %scan3A_233 : i32 to index
        %get3A_266 = arith.constant 80 : index
        %get3A_267 = tpu.vector_load %arg12[%get3A_265, %get3A_266] {strides = array<i32>} : memref<80x128xf32, #tpu.memory_space<vmem>>, vector<1x16xf32>,
        %get3A_268 = vector.shape_cast %get3A_267 : vector<1x16xf32> to vector<16xf32>
        %add3A_269 = arith.addf %get3A_264, %get3A_268 : vector<16xf32>
        %max3A_270 = arith.constant 0.000000e+00 : f32
        %max3A_271 = vector.broadcast %max3A_270 : f32 to vector<16xf32>
        %max3A_272 = arith.maximumf %add3A_269, %max3A_271 : vector<16xf32>
        %get3A_273 = arith.index_cast %scan3A_233 : i32 to index
        %get3A_274 = arith.constant 80 : index
        %get3A_275 = tpu.vector_load %arg10[%get3A_273, %get3A_274] {strides = array<i32>} : memref<80x128xf32, #tpu.memory_space<vmem>>, vector<1x16xf32>,
        %get3A_276 = vector.shape_cast %get3A_275 : vector<1x16xf32> to vector<16xf32>
        %get3A_277 = arith.index_cast %scan3A_233 : i32 to index
        %get3A_278 = arith.constant 16 : index
        %get3A_279 = tpu.vector_load %arg12[%get3A_277, %get3A_278] {strides = array<i32>} : memref<80x128xf32, #tpu.memory_space<vmem>>, vector<1x16xf32>,
        %get3A_280 = vector.shape_cast %get3A_279 : vector<1x16xf32> to vector<16xf32>
        %add3A_281 = arith.addf %get3A_276, %get3A_280 : vector<16xf32>
        %max3A_282 = arith.constant 0.000000e+00 : f32
        %max3A_283 = vector.broadcast %max3A_282 : f32 to vector<16xf32>
        %max3A_284 = arith.maximumf %add3A_281, %max3A_283 : vector<16xf32>
        %add3A_285 = arith.addf %max3A_272, %max3A_284 : vector<16xf32>
        %swap3A_286 = arith.index_cast %scan3A_233 : i32 to index
        %swap3A_287 = arith.constant 16 : index
        %swap3A_288 = tpu.vector_load %arg14[%swap3A_286, %swap3A_287] {strides = array<i32>} : memref<80x64xf32, #tpu.memory_space<vmem>>, vector<1x16xf32>,
        %swap3A_289 = vector.shape_cast %swap3A_288 : vector<1x16xf32> to vector<16xf32>
        %swap3A_290 = vector.shape_cast %add3A_285 : vector<16xf32> to vector<1x16xf32>
        tpu.vector_store %arg14[%swap3A_286, %swap3A_287], %swap3A_290 {strides = array<i32>} : memref<80x64xf32, #tpu.memory_space<vmem>>, vector<1x16xf32>,
        %get3A_291 = arith.index_cast %scan3A_233 : i32 to index
        %get3A_292 = arith.constant 32 : index
        %get3A_293 = tpu.vector_load %arg10[%get3A_291, %get3A_292] {strides = array<i32>} : memref<80x128xf32, #tpu.memory_space<vmem>>, vector<1x16xf32>,
        %get3A_294 = vector.shape_cast %get3A_293 : vector<1x16xf32> to vector<16xf32>
        %get3A_295 = arith.index_cast %scan3A_233 : i32 to index
        %get3A_296 = arith.constant 96 : index
        %get3A_297 = tpu.vector_load %arg12[%get3A_295, %get3A_296] {strides = array<i32>} : memref<80x128xf32, #tpu.memory_space<vmem>>, vector<1x16xf32>,
        %get3A_298 = vector.shape_cast %get3A_297 : vector<1x16xf32> to vector<16xf32>
        %add3A_299 = arith.addf %get3A_294, %get3A_298 : vector<16xf32>
        %max3A_300 = arith.constant 0.000000e+00 : f32
        %max3A_301 = vector.broadcast %max3A_300 : f32 to vector<16xf32>
        %max3A_302 = arith.maximumf %add3A_299, %max3A_301 : vector<16xf32>
        %get3A_303 = arith.index_cast %scan3A_233 : i32 to index
        %get3A_304 = arith.constant 96 : index
        %get3A_305 = tpu.vector_load %arg10[%get3A_303, %get3A_304] {strides = array<i32>} : memref<80x128xf32, #tpu.memory_space<vmem>>, vector<1x16xf32>,
        %get3A_306 = vector.shape_cast %get3A_305 : vector<1x16xf32> to vector<16xf32>
        %get3A_307 = arith.index_cast %scan3A_233 : i32 to index
        %get3A_308 = arith.constant 32 : index
        %get3A_309 = tpu.vector_load %arg12[%get3A_307, %get3A_308] {strides = array<i32>} : memref<80x128xf32, #tpu.memory_space<vmem>>, vector<1x16xf32>,
        %get3A_310 = vector.shape_cast %get3A_309 : vector<1x16xf32> to vector<16xf32>
        %add3A_311 = arith.addf %get3A_306, %get3A_310 : vector<16xf32>
        %max3A_312 = arith.constant 0.000000e+00 : f32
        %max3A_313 = vector.broadcast %max3A_312 : f32 to vector<16xf32>
        %max3A_314 = arith.maximumf %add3A_311, %max3A_313 : vector<16xf32>
        %add3A_315 = arith.addf %max3A_302, %max3A_314 : vector<16xf32>
        %swap3A_316 = arith.index_cast %scan3A_233 : i32 to index
        %swap3A_317 = arith.constant 32 : index
        %swap3A_318 = tpu.vector_load %arg14[%swap3A_316, %swap3A_317] {strides = array<i32>} : memref<80x64xf32, #tpu.memory_space<vmem>>, vector<1x16xf32>,
        %swap3A_319 = vector.shape_cast %swap3A_318 : vector<1x16xf32> to vector<16xf32>
        %swap3A_320 = vector.shape_cast %add3A_315 : vector<16xf32> to vector<1x16xf32>
        tpu.vector_store %arg14[%swap3A_316, %swap3A_317], %swap3A_320 {strides = array<i32>} : memref<80x64xf32, #tpu.memory_space<vmem>>, vector<1x16xf32>,
        %get3A_321 = arith.index_cast %scan3A_233 : i32 to index
        %get3A_322 = arith.constant 48 : index
        %get3A_323 = tpu.vector_load %arg10[%get3A_321, %get3A_322] {strides = array<i32>} : memref<80x128xf32, #tpu.memory_space<vmem>>, vector<1x16xf32>,
        %get3A_324 = vector.shape_cast %get3A_323 : vector<1x16xf32> to vector<16xf32>
        %get3A_325 = arith.index_cast %scan3A_233 : i32 to index
        %get3A_326 = arith.constant 112 : index
        %get3A_327 = tpu.vector_load %arg12[%get3A_325, %get3A_326] {strides = array<i32>} : memref<80x128xf32, #tpu.memory_space<vmem>>, vector<1x16xf32>,
        %get3A_328 = vector.shape_cast %get3A_327 : vector<1x16xf32> to vector<16xf32>
        %add3A_329 = arith.addf %get3A_324, %get3A_328 : vector<16xf32>
        %max3A_330 = arith.constant 0.000000e+00 : f32
        %max3A_331 = vector.broadcast %max3A_330 : f32 to vector<16xf32>
        %max3A_332 = arith.maximumf %add3A_329, %max3A_331 : vector<16xf32>
        %get3A_333 = arith.index_cast %scan3A_233 : i32 to index
        %get3A_334 = arith.constant 112 : index
        %get3A_335 = tpu.vector_load %arg10[%get3A_333, %get3A_334] {strides = array<i32>} : memref<80x128xf32, #tpu.memory_space<vmem>>, vector<1x16xf32>,
        %get3A_336 = vector.shape_cast %get3A_335 : vector<1x16xf32> to vector<16xf32>
        %get3A_337 = arith.index_cast %scan3A_233 : i32 to index
        %get3A_338 = arith.constant 48 : index
        %get3A_339 = tpu.vector_load %arg12[%get3A_337, %get3A_338] {strides = array<i32>} : memref<80x128xf32, #tpu.memory_space<vmem>>, vector<1x16xf32>,
        %get3A_340 = vector.shape_cast %get3A_339 : vector<1x16xf32> to vector<16xf32>
        %add3A_341 = arith.addf %get3A_336, %get3A_340 : vector<16xf32>
        %max3A_342 = arith.constant 0.000000e+00 : f32
        %max3A_343 = vector.broadcast %max3A_342 : f32 to vector<16xf32>
        %max3A_344 = arith.maximumf %add3A_341, %max3A_343 : vector<16xf32>
        %add3A_345 = arith.addf %max3A_332, %max3A_344 : vector<16xf32>
        %swap3A_346 = arith.index_cast %scan3A_233 : i32 to index
        %swap3A_347 = arith.constant 48 : index
        %swap3A_348 = tpu.vector_load %arg14[%swap3A_346, %swap3A_347] {strides = array<i32>} : memref<80x64xf32, #tpu.memory_space<vmem>>, vector<1x16xf32>,
        %swap3A_349 = vector.shape_cast %swap3A_348 : vector<1x16xf32> to vector<16xf32>
        %swap3A_350 = vector.shape_cast %add3A_345 : vector<16xf32> to vector<1x16xf32>
        tpu.vector_store %arg14[%swap3A_346, %swap3A_347], %swap3A_350 {strides = array<i32>} : memref<80x64xf32, #tpu.memory_space<vmem>>, vector<1x16xf32>,
        %scan3A_351 = arith.constant 1 : i32
        %scan3A_352 = arith.addi %scan3A_233, %scan3A_351 : i32
        %get3A_353 = arith.index_cast %scan3A_352 : i32 to index
        %get3A_354 = arith.constant 0 : index
        %get3A_355 = tpu.vector_load %arg10[%get3A_353, %get3A_354] {strides = array<i32>} : memref<80x128xf32, #tpu.memory_space<vmem>>, vector<1x16xf32>,
        %get3A_356 = vector.shape_cast %get3A_355 : vector<1x16xf32> to vector<16xf32>
        %get3A_357 = arith.index_cast %scan3A_352 : i32 to index
        %get3A_358 = arith.constant 64 : index
        %get3A_359 = tpu.vector_load %arg12[%get3A_357, %get3A_358] {strides = array<i32>} : memref<80x128xf32, #tpu.memory_space<vmem>>, vector<1x16xf32>,
        %get3A_360 = vector.shape_cast %get3A_359 : vector<1x16xf32> to vector<16xf32>
        %add3A_361 = arith.addf %get3A_356, %get3A_360 : vector<16xf32>
        %max3A_362 = arith.constant 0.000000e+00 : f32
        %max3A_363 = vector.broadcast %max3A_362 : f32 to vector<16xf32>
        %max3A_364 = arith.maximumf %add3A_361, %max3A_363 : vector<16xf32>
        %get3A_365 = arith.index_cast %scan3A_352 : i32 to index
        %get3A_366 = arith.constant 64 : index
        %get3A_367 = tpu.vector_load %arg10[%get3A_365, %get3A_366] {strides = array<i32>} : memref<80x128xf32, #tpu.memory_space<vmem>>, vector<1x16xf32>,
        %get3A_368 = vector.shape_cast %get3A_367 : vector<1x16xf32> to vector<16xf32>
        %get3A_369 = arith.index_cast %scan3A_352 : i32 to index
        %get3A_370 = arith.constant 0 : index
        %get3A_371 = tpu.vector_load %arg12[%get3A_369, %get3A_370] {strides = array<i32>} : memref<80x128xf32, #tpu.memory_space<vmem>>, vector<1x16xf32>,
        %get3A_372 = vector.shape_cast %get3A_371 : vector<1x16xf32> to vector<16xf32>
        %add3A_373 = arith.addf %get3A_368, %get3A_372 : vector<16xf32>
        %max3A_374 = arith.constant 0.000000e+00 : f32
        %max3A_375 = vector.broadcast %max3A_374 : f32 to vector<16xf32>
        %max3A_376 = arith.maximumf %add3A_373, %max3A_375 : vector<16xf32>
        %add3A_377 = arith.addf %max3A_364, %max3A_376 : vector<16xf32>
        %swap3A_378 = arith.index_cast %scan3A_352 : i32 to index
        %swap3A_379 = arith.constant 0 : index
        %swap3A_380 = tpu.vector_load %arg14[%swap3A_378, %swap3A_379] {strides = array<i32>} : memref<80x64xf32, #tpu.memory_space<vmem>>, vector<1x16xf32>,
        %swap3A_381 = vector.shape_cast %swap3A_380 : vector<1x16xf32> to vector<16xf32>
        %swap3A_382 = vector.shape_cast %add3A_377 : vector<16xf32> to vector<1x16xf32>
        tpu.vector_store %arg14[%swap3A_378, %swap3A_379], %swap3A_382 {strides = array<i32>} : memref<80x64xf32, #tpu.memory_space<vmem>>, vector<1x16xf32>,
        %get3A_383 = arith.index_cast %scan3A_352 : i32 to index
        %get3A_384 = arith.constant 16 : index
        %get3A_385 = tpu.vector_load %arg10[%get3A_383, %get3A_384] {strides = array<i32>} : memref<80x128xf32, #tpu.memory_space<vmem>>, vector<1x16xf32>,
        %get3A_386 = vector.shape_cast %get3A_385 : vector<1x16xf32> to vector<16xf32>
        %get3A_387 = arith.index_cast %scan3A_352 : i32 to index
        %get3A_388 = arith.constant 80 : index
        %get3A_389 = tpu.vector_load %arg12[%get3A_387, %get3A_388] {strides = array<i32>} : memref<80x128xf32, #tpu.memory_space<vmem>>, vector<1x16xf32>,
        %get3A_390 = vector.shape_cast %get3A_389 : vector<1x16xf32> to vector<16xf32>
        %add3A_391 = arith.addf %get3A_386, %get3A_390 : vector<16xf32>
        %max3A_392 = arith.constant 0.000000e+00 : f32
        %max3A_393 = vector.broadcast %max3A_392 : f32 to vector<16xf32>
        %max3A_394 = arith.maximumf %add3A_391, %max3A_393 : vector<16xf32>
        %get3A_395 = arith.index_cast %scan3A_352 : i32 to index
        %get3A_396 = arith.constant 80 : index
        %get3A_397 = tpu.vector_load %arg10[%get3A_395, %get3A_396] {strides = array<i32>} : memref<80x128xf32, #tpu.memory_space<vmem>>, vector<1x16xf32>,
        %get3A_398 = vector.shape_cast %get3A_397 : vector<1x16xf32> to vector<16xf32>
        %get3A_399 = arith.index_cast %scan3A_352 : i32 to index
        %get3A_400 = arith.constant 16 : index
        %get3A_401 = tpu.vector_load %arg12[%get3A_399, %get3A_400] {strides = array<i32>} : memref<80x128xf32, #tpu.memory_space<vmem>>, vector<1x16xf32>,
        %get3A_402 = vector.shape_cast %get3A_401 : vector<1x16xf32> to vector<16xf32>
        %add3A_403 = arith.addf %get3A_398, %get3A_402 : vector<16xf32>
        %max3A_404 = arith.constant 0.000000e+00 : f32
        %max3A_405 = vector.broadcast %max3A_404 : f32 to vector<16xf32>
        %max3A_406 = arith.maximumf %add3A_403, %max3A_405 : vector<16xf32>
        %add3A_407 = arith.addf %max3A_394, %max3A_406 : vector<16xf32>
        %swap3A_408 = arith.index_cast %scan3A_352 : i32 to index
        %swap3A_409 = arith.constant 16 : index
        %swap3A_410 = tpu.vector_load %arg14[%swap3A_408, %swap3A_409] {strides = array<i32>} : memref<80x64xf32, #tpu.memory_space<vmem>>, vector<1x16xf32>,
        %swap3A_411 = vector.shape_cast %swap3A_410 : vector<1x16xf32> to vector<16xf32>
        %swap3A_412 = vector.shape_cast %add3A_407 : vector<16xf32> to vector<1x16xf32>
        tpu.vector_store %arg14[%swap3A_408, %swap3A_409], %swap3A_412 {strides = array<i32>} : memref<80x64xf32, #tpu.memory_space<vmem>>, vector<1x16xf32>,
        %get3A_413 = arith.index_cast %scan3A_352 : i32 to index
        %get3A_414 = arith.constant 32 : index
        %get3A_415 = tpu.vector_load %arg10[%get3A_413, %get3A_414] {strides = array<i32>} : memref<80x128xf32, #tpu.memory_space<vmem>>, vector<1x16xf32>,
        %get3A_416 = vector.shape_cast %get3A_415 : vector<1x16xf32> to vector<16xf32>
        %get3A_417 = arith.index_cast %scan3A_352 : i32 to index
        %get3A_418 = arith.constant 96 : index
        %get3A_419 = tpu.vector_load %arg12[%get3A_417, %get3A_418] {strides = array<i32>} : memref<80x128xf32, #tpu.memory_space<vmem>>, vector<1x16xf32>,
        %get3A_420 = vector.shape_cast %get3A_419 : vector<1x16xf32> to vector<16xf32>
        %add3A_421 = arith.addf %get3A_416, %get3A_420 : vector<16xf32>
        %max3A_422 = arith.constant 0.000000e+00 : f32
        %max3A_423 = vector.broadcast %max3A_422 : f32 to vector<16xf32>
        %max3A_424 = arith.maximumf %add3A_421, %max3A_423 : vector<16xf32>
        %get3A_425 = arith.index_cast %scan3A_352 : i32 to index
        %get3A_426 = arith.constant 96 : index
        %get3A_427 = tpu.vector_load %arg10[%get3A_425, %get3A_426] {strides = array<i32>} : memref<80x128xf32, #tpu.memory_space<vmem>>, vector<1x16xf32>,
        %get3A_428 = vector.shape_cast %get3A_427 : vector<1x16xf32> to vector<16xf32>
        %get3A_429 = arith.index_cast %scan3A_352 : i32 to index
        %get3A_430 = arith.constant 32 : index
        %get3A_431 = tpu.vector_load %arg12[%get3A_429, %get3A_430] {strides = array<i32>} : memref<80x128xf32, #tpu.memory_space<vmem>>, vector<1x16xf32>,
        %get3A_432 = vector.shape_cast %get3A_431 : vector<1x16xf32> to vector<16xf32>
        %add3A_433 = arith.addf %get3A_428, %get3A_432 : vector<16xf32>
        %max3A_434 = arith.constant 0.000000e+00 : f32
        %max3A_435 = vector.broadcast %max3A_434 : f32 to vector<16xf32>
        %max3A_436 = arith.maximumf %add3A_433, %max3A_435 : vector<16xf32>
        %add3A_437 = arith.addf %max3A_424, %max3A_436 : vector<16xf32>
        %swap3A_438 = arith.index_cast %scan3A_352 : i32 to index
        %swap3A_439 = arith.constant 32 : index
        %swap3A_440 = tpu.vector_load %arg14[%swap3A_438, %swap3A_439] {strides = array<i32>} : memref<80x64xf32, #tpu.memory_space<vmem>>, vector<1x16xf32>,
        %swap3A_441 = vector.shape_cast %swap3A_440 : vector<1x16xf32> to vector<16xf32>
        %swap3A_442 = vector.shape_cast %add3A_437 : vector<16xf32> to vector<1x16xf32>
        tpu.vector_store %arg14[%swap3A_438, %swap3A_439], %swap3A_442 {strides = array<i32>} : memref<80x64xf32, #tpu.memory_space<vmem>>, vector<1x16xf32>,
        %get3A_443 = arith.index_cast %scan3A_352 : i32 to index
        %get3A_444 = arith.constant 48 : index
        %get3A_445 = tpu.vector_load %arg10[%get3A_443, %get3A_444] {strides = array<i32>} : memref<80x128xf32, #tpu.memory_space<vmem>>, vector<1x16xf32>,
        %get3A_446 = vector.shape_cast %get3A_445 : vector<1x16xf32> to vector<16xf32>
        %get3A_447 = arith.index_cast %scan3A_352 : i32 to index
        %get3A_448 = arith.constant 112 : index
        %get3A_449 = tpu.vector_load %arg12[%get3A_447, %get3A_448] {strides = array<i32>} : memref<80x128xf32, #tpu.memory_space<vmem>>, vector<1x16xf32>,
        %get3A_450 = vector.shape_cast %get3A_449 : vector<1x16xf32> to vector<16xf32>
        %add3A_451 = arith.addf %get3A_446, %get3A_450 : vector<16xf32>
        %max3A_452 = arith.constant 0.000000e+00 : f32
        %max3A_453 = vector.broadcast %max3A_452 : f32 to vector<16xf32>
        %max3A_454 = arith.maximumf %add3A_451, %max3A_453 : vector<16xf32>
        %get3A_455 = arith.index_cast %scan3A_352 : i32 to index
        %get3A_456 = arith.constant 112 : index
        %get3A_457 = tpu.vector_load %arg10[%get3A_455, %get3A_456] {strides = array<i32>} : memref<80x128xf32, #tpu.memory_space<vmem>>, vector<1x16xf32>,
        %get3A_458 = vector.shape_cast %get3A_457 : vector<1x16xf32> to vector<16xf32>
        %get3A_459 = arith.index_cast %scan3A_352 : i32 to index
        %get3A_460 = arith.constant 48 : index
        %get3A_461 = tpu.vector_load %arg12[%get3A_459, %get3A_460] {strides = array<i32>} : memref<80x128xf32, #tpu.memory_space<vmem>>, vector<1x16xf32>,
        %get3A_462 = vector.shape_cast %get3A_461 : vector<1x16xf32> to vector<16xf32>
        %add3A_463 = arith.addf %get3A_458, %get3A_462 : vector<16xf32>
        %max3A_464 = arith.constant 0.000000e+00 : f32
        %max3A_465 = vector.broadcast %max3A_464 : f32 to vector<16xf32>
        %max3A_466 = arith.maximumf %add3A_463, %max3A_465 : vector<16xf32>
        %add3A_467 = arith.addf %max3A_454, %max3A_466 : vector<16xf32>
        %swap3A_468 = arith.index_cast %scan3A_352 : i32 to index
        %swap3A_469 = arith.constant 48 : index
        %swap3A_470 = tpu.vector_load %arg14[%swap3A_468, %swap3A_469] {strides = array<i32>} : memref<80x64xf32, #tpu.memory_space<vmem>>, vector<1x16xf32>,
        %swap3A_471 = vector.shape_cast %swap3A_470 : vector<1x16xf32> to vector<16xf32>
        %swap3A_472 = vector.shape_cast %add3A_467 : vector<16xf32> to vector<1x16xf32>
        tpu.vector_store %arg14[%swap3A_468, %swap3A_469], %swap3A_472 {strides = array<i32>} : memref<80x64xf32, #tpu.memory_space<vmem>>, vector<1x16xf32>,
        %scan3A_473 = arith.constant 2 : i32
        %scan3A_474 = arith.addi %scan3A_233, %scan3A_473 : i32
        %get3A_475 = arith.index_cast %scan3A_474 : i32 to index
        %get3A_476 = arith.constant 0 : index
        %get3A_477 = tpu.vector_load %arg10[%get3A_475, %get3A_476] {strides = array<i32>} : memref<80x128xf32, #tpu.memory_space<vmem>>, vector<1x16xf32>,
        %get3A_478 = vector.shape_cast %get3A_477 : vector<1x16xf32> to vector<16xf32>
        %get3A_479 = arith.index_cast %scan3A_474 : i32 to index
        %get3A_480 = arith.constant 64 : index
        %get3A_481 = tpu.vector_load %arg12[%get3A_479, %get3A_480] {strides = array<i32>} : memref<80x128xf32, #tpu.memory_space<vmem>>, vector<1x16xf32>,
        %get3A_482 = vector.shape_cast %get3A_481 : vector<1x16xf32> to vector<16xf32>
        %add3A_483 = arith.addf %get3A_478, %get3A_482 : vector<16xf32>
        %max3A_484 = arith.constant 0.000000e+00 : f32
        %max3A_485 = vector.broadcast %max3A_484 : f32 to vector<16xf32>
        %max3A_486 = arith.maximumf %add3A_483, %max3A_485 : vector<16xf32>
        %get3A_487 = arith.index_cast %scan3A_474 : i32 to index
        %get3A_488 = arith.constant 64 : index
        %get3A_489 = tpu.vector_load %arg10[%get3A_487, %get3A_488] {strides = array<i32>} : memref<80x128xf32, #tpu.memory_space<vmem>>, vector<1x16xf32>,
        %get3A_490 = vector.shape_cast %get3A_489 : vector<1x16xf32> to vector<16xf32>
        %get3A_491 = arith.index_cast %scan3A_474 : i32 to index
        %get3A_492 = arith.constant 0 : index
        %get3A_493 = tpu.vector_load %arg12[%get3A_491, %get3A_492] {strides = array<i32>} : memref<80x128xf32, #tpu.memory_space<vmem>>, vector<1x16xf32>,
        %get3A_494 = vector.shape_cast %get3A_493 : vector<1x16xf32> to vector<16xf32>
        %add3A_495 = arith.addf %get3A_490, %get3A_494 : vector<16xf32>
        %max3A_496 = arith.constant 0.000000e+00 : f32
        %max3A_497 = vector.broadcast %max3A_496 : f32 to vector<16xf32>
        %max3A_498 = arith.maximumf %add3A_495, %max3A_497 : vector<16xf32>
        %add3A_499 = arith.addf %max3A_486, %max3A_498 : vector<16xf32>
        %swap3A_500 = arith.index_cast %scan3A_474 : i32 to index
        %swap3A_501 = arith.constant 0 : index
        %swap3A_502 = tpu.vector_load %arg14[%swap3A_500, %swap3A_501] {strides = array<i32>} : memref<80x64xf32, #tpu.memory_space<vmem>>, vector<1x16xf32>,
        %swap3A_503 = vector.shape_cast %swap3A_502 : vector<1x16xf32> to vector<16xf32>
        %swap3A_504 = vector.shape_cast %add3A_499 : vector<16xf32> to vector<1x16xf32>
        tpu.vector_store %arg14[%swap3A_500, %swap3A_501], %swap3A_504 {strides = array<i32>} : memref<80x64xf32, #tpu.memory_space<vmem>>, vector<1x16xf32>,
        %get3A_505 = arith.index_cast %scan3A_474 : i32 to index
        %get3A_506 = arith.constant 16 : index
        %get3A_507 = tpu.vector_load %arg10[%get3A_505, %get3A_506] {strides = array<i32>} : memref<80x128xf32, #tpu.memory_space<vmem>>, vector<1x16xf32>,
        %get3A_508 = vector.shape_cast %get3A_507 : vector<1x16xf32> to vector<16xf32>
        %get3A_509 = arith.index_cast %scan3A_474 : i32 to index
        %get3A_510 = arith.constant 80 : index
        %get3A_511 = tpu.vector_load %arg12[%get3A_509, %get3A_510] {strides = array<i32>} : memref<80x128xf32, #tpu.memory_space<vmem>>, vector<1x16xf32>,
        %get3A_512 = vector.shape_cast %get3A_511 : vector<1x16xf32> to vector<16xf32>
        %add3A_513 = arith.addf %get3A_508, %get3A_512 : vector<16xf32>
        %max3A_514 = arith.constant 0.000000e+00 : f32
        %max3A_515 = vector.broadcast %max3A_514 : f32 to vector<16xf32>
        %max3A_516 = arith.maximumf %add3A_513, %max3A_515 : vector<16xf32>
        %get3A_517 = arith.index_cast %scan3A_474 : i32 to index
        %get3A_518 = arith.constant 80 : index
        %get3A_519 = tpu.vector_load %arg10[%get3A_517, %get3A_518] {strides = array<i32>} : memref<80x128xf32, #tpu.memory_space<vmem>>, vector<1x16xf32>,
        %get3A_520 = vector.shape_cast %get3A_519 : vector<1x16xf32> to vector<16xf32>
        %get3A_521 = arith.index_cast %scan3A_474 : i32 to index
        %get3A_522 = arith.constant 16 : index
        %get3A_523 = tpu.vector_load %arg12[%get3A_521, %get3A_522] {strides = array<i32>} : memref<80x128xf32, #tpu.memory_space<vmem>>, vector<1x16xf32>,
        %get3A_524 = vector.shape_cast %get3A_523 : vector<1x16xf32> to vector<16xf32>
        %add3A_525 = arith.addf %get3A_520, %get3A_524 : vector<16xf32>
        %max3A_526 = arith.constant 0.000000e+00 : f32
        %max3A_527 = vector.broadcast %max3A_526 : f32 to vector<16xf32>
        %max3A_528 = arith.maximumf %add3A_525, %max3A_527 : vector<16xf32>
        %add3A_529 = arith.addf %max3A_516, %max3A_528 : vector<16xf32>
        %swap3A_530 = arith.index_cast %scan3A_474 : i32 to index
        %swap3A_531 = arith.constant 16 : index
        %swap3A_532 = tpu.vector_load %arg14[%swap3A_530, %swap3A_531] {strides = array<i32>} : memref<80x64xf32, #tpu.memory_space<vmem>>, vector<1x16xf32>,
        %swap3A_533 = vector.shape_cast %swap3A_532 : vector<1x16xf32> to vector<16xf32>
        %swap3A_534 = vector.shape_cast %add3A_529 : vector<16xf32> to vector<1x16xf32>
        tpu.vector_store %arg14[%swap3A_530, %swap3A_531], %swap3A_534 {strides = array<i32>} : memref<80x64xf32, #tpu.memory_space<vmem>>, vector<1x16xf32>,
        %get3A_535 = arith.index_cast %scan3A_474 : i32 to index
        %get3A_536 = arith.constant 32 : index
        %get3A_537 = tpu.vector_load %arg10[%get3A_535, %get3A_536] {strides = array<i32>} : memref<80x128xf32, #tpu.memory_space<vmem>>, vector<1x16xf32>,
        %get3A_538 = vector.shape_cast %get3A_537 : vector<1x16xf32> to vector<16xf32>
        %get3A_539 = arith.index_cast %scan3A_474 : i32 to index
        %get3A_540 = arith.constant 96 : index
        %get3A_541 = tpu.vector_load %arg12[%get3A_539, %get3A_540] {strides = array<i32>} : memref<80x128xf32, #tpu.memory_space<vmem>>, vector<1x16xf32>,
        %get3A_542 = vector.shape_cast %get3A_541 : vector<1x16xf32> to vector<16xf32>
        %add3A_543 = arith.addf %get3A_538, %get3A_542 : vector<16xf32>
        %max3A_544 = arith.constant 0.000000e+00 : f32
        %max3A_545 = vector.broadcast %max3A_544 : f32 to vector<16xf32>
        %max3A_546 = arith.maximumf %add3A_543, %max3A_545 : vector<16xf32>
        %get3A_547 = arith.index_cast %scan3A_474 : i32 to index
        %get3A_548 = arith.constant 96 : index
        %get3A_549 = tpu.vector_load %arg10[%get3A_547, %get3A_548] {strides = array<i32>} : memref<80x128xf32, #tpu.memory_space<vmem>>, vector<1x16xf32>,
        %get3A_550 = vector.shape_cast %get3A_549 : vector<1x16xf32> to vector<16xf32>
        %get3A_551 = arith.index_cast %scan3A_474 : i32 to index
        %get3A_552 = arith.constant 32 : index
        %get3A_553 = tpu.vector_load %arg12[%get3A_551, %get3A_552] {strides = array<i32>} : memref<80x128xf32, #tpu.memory_space<vmem>>, vector<1x16xf32>,
        %get3A_554 = vector.shape_cast %get3A_553 : vector<1x16xf32> to vector<16xf32>
        %add3A_555 = arith.addf %get3A_550, %get3A_554 : vector<16xf32>
        %max3A_556 = arith.constant 0.000000e+00 : f32
        %max3A_557 = vector.broadcast %max3A_556 : f32 to vector<16xf32>
        %max3A_558 = arith.maximumf %add3A_555, %max3A_557 : vector<16xf32>
        %add3A_559 = arith.addf %max3A_546, %max3A_558 : vector<16xf32>
        %swap3A_560 = arith.index_cast %scan3A_474 : i32 to index
        %swap3A_561 = arith.constant 32 : index
        %swap3A_562 = tpu.vector_load %arg14[%swap3A_560, %swap3A_561] {strides = array<i32>} : memref<80x64xf32, #tpu.memory_space<vmem>>, vector<1x16xf32>,
        %swap3A_563 = vector.shape_cast %swap3A_562 : vector<1x16xf32> to vector<16xf32>
        %swap3A_564 = vector.shape_cast %add3A_559 : vector<16xf32> to vector<1x16xf32>
        tpu.vector_store %arg14[%swap3A_560, %swap3A_561], %swap3A_564 {strides = array<i32>} : memref<80x64xf32, #tpu.memory_space<vmem>>, vector<1x16xf32>,
        %get3A_565 = arith.index_cast %scan3A_474 : i32 to index
        %get3A_566 = arith.constant 48 : index
        %get3A_567 = tpu.vector_load %arg10[%get3A_565, %get3A_566] {strides = array<i32>} : memref<80x128xf32, #tpu.memory_space<vmem>>, vector<1x16xf32>,
        %get3A_568 = vector.shape_cast %get3A_567 : vector<1x16xf32> to vector<16xf32>
        %get3A_569 = arith.index_cast %scan3A_474 : i32 to index
        %get3A_570 = arith.constant 112 : index
        %get3A_571 = tpu.vector_load %arg12[%get3A_569, %get3A_570] {strides = array<i32>} : memref<80x128xf32, #tpu.memory_space<vmem>>, vector<1x16xf32>,
        %get3A_572 = vector.shape_cast %get3A_571 : vector<1x16xf32> to vector<16xf32>
        %add3A_573 = arith.addf %get3A_568, %get3A_572 : vector<16xf32>
        %max3A_574 = arith.constant 0.000000e+00 : f32
        %max3A_575 = vector.broadcast %max3A_574 : f32 to vector<16xf32>
        %max3A_576 = arith.maximumf %add3A_573, %max3A_575 : vector<16xf32>
        %get3A_577 = arith.index_cast %scan3A_474 : i32 to index
        %get3A_578 = arith.constant 112 : index
        %get3A_579 = tpu.vector_load %arg10[%get3A_577, %get3A_578] {strides = array<i32>} : memref<80x128xf32, #tpu.memory_space<vmem>>, vector<1x16xf32>,
        %get3A_580 = vector.shape_cast %get3A_579 : vector<1x16xf32> to vector<16xf32>
        %get3A_581 = arith.index_cast %scan3A_474 : i32 to index
        %get3A_582 = arith.constant 48 : index
        %get3A_583 = tpu.vector_load %arg12[%get3A_581, %get3A_582] {strides = array<i32>} : memref<80x128xf32, #tpu.memory_space<vmem>>, vector<1x16xf32>,
        %get3A_584 = vector.shape_cast %get3A_583 : vector<1x16xf32> to vector<16xf32>
        %add3A_585 = arith.addf %get3A_580, %get3A_584 : vector<16xf32>
        %max3A_586 = arith.constant 0.000000e+00 : f32
        %max3A_587 = vector.broadcast %max3A_586 : f32 to vector<16xf32>
        %max3A_588 = arith.maximumf %add3A_585, %max3A_587 : vector<16xf32>
        %add3A_589 = arith.addf %max3A_576, %max3A_588 : vector<16xf32>
        %swap3A_590 = arith.index_cast %scan3A_474 : i32 to index
        %swap3A_591 = arith.constant 48 : index
        %swap3A_592 = tpu.vector_load %arg14[%swap3A_590, %swap3A_591] {strides = array<i32>} : memref<80x64xf32, #tpu.memory_space<vmem>>, vector<1x16xf32>,
        %swap3A_593 = vector.shape_cast %swap3A_592 : vector<1x16xf32> to vector<16xf32>
        %swap3A_594 = vector.shape_cast %add3A_589 : vector<16xf32> to vector<1x16xf32>
        tpu.vector_store %arg14[%swap3A_590, %swap3A_591], %swap3A_594 {strides = array<i32>} : memref<80x64xf32, #tpu.memory_space<vmem>>, vector<1x16xf32>,
        %scan3A_595 = arith.constant 3 : i32
        %scan3A_596 = arith.addi %scan3A_233, %scan3A_595 : i32
        %get3A_597 = arith.index_cast %scan3A_596 : i32 to index
        %get3A_598 = arith.constant 0 : index
        %get3A_599 = tpu.vector_load %arg10[%get3A_597, %get3A_598] {strides = array<i32>} : memref<80x128xf32, #tpu.memory_space<vmem>>, vector<1x16xf32>,
        %get3A_600 = vector.shape_cast %get3A_599 : vector<1x16xf32> to vector<16xf32>
        %get3A_601 = arith.index_cast %scan3A_596 : i32 to index
        %get3A_602 = arith.constant 64 : index
        %get3A_603 = tpu.vector_load %arg12[%get3A_601, %get3A_602] {strides = array<i32>} : memref<80x128xf32, #tpu.memory_space<vmem>>, vector<1x16xf32>,
        %get3A_604 = vector.shape_cast %get3A_603 : vector<1x16xf32> to vector<16xf32>
        %add3A_605 = arith.addf %get3A_600, %get3A_604 : vector<16xf32>
        %max3A_606 = arith.constant 0.000000e+00 : f32
        %max3A_607 = vector.broadcast %max3A_606 : f32 to vector<16xf32>
        %max3A_608 = arith.maximumf %add3A_605, %max3A_607 : vector<16xf32>
        %get3A_609 = arith.index_cast %scan3A_596 : i32 to index
        %get3A_610 = arith.constant 64 : index
        %get3A_611 = tpu.vector_load %arg10[%get3A_609, %get3A_610] {strides = array<i32>} : memref<80x128xf32, #tpu.memory_space<vmem>>, vector<1x16xf32>,
        %get3A_612 = vector.shape_cast %get3A_611 : vector<1x16xf32> to vector<16xf32>
        %get3A_613 = arith.index_cast %scan3A_596 : i32 to index
        %get3A_614 = arith.constant 0 : index
        %get3A_615 = tpu.vector_load %arg12[%get3A_613, %get3A_614] {strides = array<i32>} : memref<80x128xf32, #tpu.memory_space<vmem>>, vector<1x16xf32>,
        %get3A_616 = vector.shape_cast %get3A_615 : vector<1x16xf32> to vector<16xf32>
        %add3A_617 = arith.addf %get3A_612, %get3A_616 : vector<16xf32>
        %max3A_618 = arith.constant 0.000000e+00 : f32
        %max3A_619 = vector.broadcast %max3A_618 : f32 to vector<16xf32>
        %max3A_620 = arith.maximumf %add3A_617, %max3A_619 : vector<16xf32>
        %add3A_621 = arith.addf %max3A_608, %max3A_620 : vector<16xf32>
        %swap3A_622 = arith.index_cast %scan3A_596 : i32 to index
        %swap3A_623 = arith.constant 0 : index
        %swap3A_624 = tpu.vector_load %arg14[%swap3A_622, %swap3A_623] {strides = array<i32>} : memref<80x64xf32, #tpu.memory_space<vmem>>, vector<1x16xf32>,
        %swap3A_625 = vector.shape_cast %swap3A_624 : vector<1x16xf32> to vector<16xf32>
        %swap3A_626 = vector.shape_cast %add3A_621 : vector<16xf32> to vector<1x16xf32>
        tpu.vector_store %arg14[%swap3A_622, %swap3A_623], %swap3A_626 {strides = array<i32>} : memref<80x64xf32, #tpu.memory_space<vmem>>, vector<1x16xf32>,
        %get3A_627 = arith.index_cast %scan3A_596 : i32 to index
        %get3A_628 = arith.constant 16 : index
        %get3A_629 = tpu.vector_load %arg10[%get3A_627, %get3A_628] {strides = array<i32>} : memref<80x128xf32, #tpu.memory_space<vmem>>, vector<1x16xf32>,
        %get3A_630 = vector.shape_cast %get3A_629 : vector<1x16xf32> to vector<16xf32>
        %get3A_631 = arith.index_cast %scan3A_596 : i32 to index
        %get3A_632 = arith.constant 80 : index
        %get3A_633 = tpu.vector_load %arg12[%get3A_631, %get3A_632] {strides = array<i32>} : memref<80x128xf32, #tpu.memory_space<vmem>>, vector<1x16xf32>,
        %get3A_634 = vector.shape_cast %get3A_633 : vector<1x16xf32> to vector<16xf32>
        %add3A_635 = arith.addf %get3A_630, %get3A_634 : vector<16xf32>
        %max3A_636 = arith.constant 0.000000e+00 : f32
        %max3A_637 = vector.broadcast %max3A_636 : f32 to vector<16xf32>
        %max3A_638 = arith.maximumf %add3A_635, %max3A_637 : vector<16xf32>
        %get3A_639 = arith.index_cast %scan3A_596 : i32 to index
        %get3A_640 = arith.constant 80 : index
        %get3A_641 = tpu.vector_load %arg10[%get3A_639, %get3A_640] {strides = array<i32>} : memref<80x128xf32, #tpu.memory_space<vmem>>, vector<1x16xf32>,
        %get3A_642 = vector.shape_cast %get3A_641 : vector<1x16xf32> to vector<16xf32>
        %get3A_643 = arith.index_cast %scan3A_596 : i32 to index
        %get3A_644 = arith.constant 16 : index
        %get3A_645 = tpu.vector_load %arg12[%get3A_643, %get3A_644] {strides = array<i32>} : memref<80x128xf32, #tpu.memory_space<vmem>>, vector<1x16xf32>,
        %get3A_646 = vector.shape_cast %get3A_645 : vector<1x16xf32> to vector<16xf32>
        %add3A_647 = arith.addf %get3A_642, %get3A_646 : vector<16xf32>
        %max3A_648 = arith.constant 0.000000e+00 : f32
        %max3A_649 = vector.broadcast %max3A_648 : f32 to vector<16xf32>
        %max3A_650 = arith.maximumf %add3A_647, %max3A_649 : vector<16xf32>
        %add3A_651 = arith.addf %max3A_638, %max3A_650 : vector<16xf32>
        %swap3A_652 = arith.index_cast %scan3A_596 : i32 to index
        %swap3A_653 = arith.constant 16 : index
        %swap3A_654 = tpu.vector_load %arg14[%swap3A_652, %swap3A_653] {strides = array<i32>} : memref<80x64xf32, #tpu.memory_space<vmem>>, vector<1x16xf32>,
        %swap3A_655 = vector.shape_cast %swap3A_654 : vector<1x16xf32> to vector<16xf32>
        %swap3A_656 = vector.shape_cast %add3A_651 : vector<16xf32> to vector<1x16xf32>
        tpu.vector_store %arg14[%swap3A_652, %swap3A_653], %swap3A_656 {strides = array<i32>} : memref<80x64xf32, #tpu.memory_space<vmem>>, vector<1x16xf32>,
        %get3A_657 = arith.index_cast %scan3A_596 : i32 to index
        %get3A_658 = arith.constant 32 : index
        %get3A_659 = tpu.vector_load %arg10[%get3A_657, %get3A_658] {strides = array<i32>} : memref<80x128xf32, #tpu.memory_space<vmem>>, vector<1x16xf32>,
        %get3A_660 = vector.shape_cast %get3A_659 : vector<1x16xf32> to vector<16xf32>
        %get3A_661 = arith.index_cast %scan3A_596 : i32 to index
        %get3A_662 = arith.constant 96 : index
        %get3A_663 = tpu.vector_load %arg12[%get3A_661, %get3A_662] {strides = array<i32>} : memref<80x128xf32, #tpu.memory_space<vmem>>, vector<1x16xf32>,
        %get3A_664 = vector.shape_cast %get3A_663 : vector<1x16xf32> to vector<16xf32>
        %add3A_665 = arith.addf %get3A_660, %get3A_664 : vector<16xf32>
        %max3A_666 = arith.constant 0.000000e+00 : f32
        %max3A_667 = vector.broadcast %max3A_666 : f32 to vector<16xf32>
        %max3A_668 = arith.maximumf %add3A_665, %max3A_667 : vector<16xf32>
        %get3A_669 = arith.index_cast %scan3A_596 : i32 to index
        %get3A_670 = arith.constant 96 : index
        %get3A_671 = tpu.vector_load %arg10[%get3A_669, %get3A_670] {strides = array<i32>} : memref<80x128xf32, #tpu.memory_space<vmem>>, vector<1x16xf32>,
        %get3A_672 = vector.shape_cast %get3A_671 : vector<1x16xf32> to vector<16xf32>
        %get3A_673 = arith.index_cast %scan3A_596 : i32 to index
        %get3A_674 = arith.constant 32 : index
        %get3A_675 = tpu.vector_load %arg12[%get3A_673, %get3A_674] {strides = array<i32>} : memref<80x128xf32, #tpu.memory_space<vmem>>, vector<1x16xf32>,
        %get3A_676 = vector.shape_cast %get3A_675 : vector<1x16xf32> to vector<16xf32>
        %add3A_677 = arith.addf %get3A_672, %get3A_676 : vector<16xf32>
        %max3A_678 = arith.constant 0.000000e+00 : f32
        %max3A_679 = vector.broadcast %max3A_678 : f32 to vector<16xf32>
        %max3A_680 = arith.maximumf %add3A_677, %max3A_679 : vector<16xf32>
        %add3A_681 = arith.addf %max3A_668, %max3A_680 : vector<16xf32>
        %swap3A_682 = arith.index_cast %scan3A_596 : i32 to index
        %swap3A_683 = arith.constant 32 : index
        %swap3A_684 = tpu.vector_load %arg14[%swap3A_682, %swap3A_683] {strides = array<i32>} : memref<80x64xf32, #tpu.memory_space<vmem>>, vector<1x16xf32>,
        %swap3A_685 = vector.shape_cast %swap3A_684 : vector<1x16xf32> to vector<16xf32>
        %swap3A_686 = vector.shape_cast %add3A_681 : vector<16xf32> to vector<1x16xf32>
        tpu.vector_store %arg14[%swap3A_682, %swap3A_683], %swap3A_686 {strides = array<i32>} : memref<80x64xf32, #tpu.memory_space<vmem>>, vector<1x16xf32>,
        %get3A_687 = arith.index_cast %scan3A_596 : i32 to index
        %get3A_688 = arith.constant 48 : index
        %get3A_689 = tpu.vector_load %arg10[%get3A_687, %get3A_688] {strides = array<i32>} : memref<80x128xf32, #tpu.memory_space<vmem>>, vector<1x16xf32>,
        %get3A_690 = vector.shape_cast %get3A_689 : vector<1x16xf32> to vector<16xf32>
        %get3A_691 = arith.index_cast %scan3A_596 : i32 to index
        %get3A_692 = arith.constant 112 : index
        %get3A_693 = tpu.vector_load %arg12[%get3A_691, %get3A_692] {strides = array<i32>} : memref<80x128xf32, #tpu.memory_space<vmem>>, vector<1x16xf32>,
        %get3A_694 = vector.shape_cast %get3A_693 : vector<1x16xf32> to vector<16xf32>
        %add3A_695 = arith.addf %get3A_690, %get3A_694 : vector<16xf32>
        %max3A_696 = arith.constant 0.000000e+00 : f32
        %max3A_697 = vector.broadcast %max3A_696 : f32 to vector<16xf32>
        %max3A_698 = arith.maximumf %add3A_695, %max3A_697 : vector<16xf32>
        %get3A_699 = arith.index_cast %scan3A_596 : i32 to index
        %get3A_700 = arith.constant 112 : index
        %get3A_701 = tpu.vector_load %arg10[%get3A_699, %get3A_700] {strides = array<i32>} : memref<80x128xf32, #tpu.memory_space<vmem>>, vector<1x16xf32>,
        %get3A_702 = vector.shape_cast %get3A_701 : vector<1x16xf32> to vector<16xf32>
        %get3A_703 = arith.index_cast %scan3A_596 : i32 to index
        %get3A_704 = arith.constant 48 : index
        %get3A_705 = tpu.vector_load %arg12[%get3A_703, %get3A_704] {strides = array<i32>} : memref<80x128xf32, #tpu.memory_space<vmem>>, vector<1x16xf32>,
        %get3A_706 = vector.shape_cast %get3A_705 : vector<1x16xf32> to vector<16xf32>
        %add3A_707 = arith.addf %get3A_702, %get3A_706 : vector<16xf32>
        %max3A_708 = arith.constant 0.000000e+00 : f32
        %max3A_709 = vector.broadcast %max3A_708 : f32 to vector<16xf32>
        %max3A_710 = arith.maximumf %add3A_707, %max3A_709 : vector<16xf32>
        %add3A_711 = arith.addf %max3A_698, %max3A_710 : vector<16xf32>
        %swap3A_712 = arith.index_cast %scan3A_596 : i32 to index
        %swap3A_713 = arith.constant 48 : index
        %swap3A_714 = tpu.vector_load %arg14[%swap3A_712, %swap3A_713] {strides = array<i32>} : memref<80x64xf32, #tpu.memory_space<vmem>>, vector<1x16xf32>,
        %swap3A_715 = vector.shape_cast %swap3A_714 : vector<1x16xf32> to vector<16xf32>
        %swap3A_716 = vector.shape_cast %add3A_711 : vector<16xf32> to vector<1x16xf32>
        tpu.vector_store %arg14[%swap3A_712, %swap3A_713], %swap3A_716 {strides = array<i32>} : memref<80x64xf32, #tpu.memory_space<vmem>>, vector<1x16xf32>,
      }
      %scan3A_159 = arith.constant 80 : i32
      %dma_start3A_160 = arith.constant 0 : i32
      %dma_start3A_161 = arith.constant 0 : i32
      %dma_start3A_162 = tpu.memref_slice %arg5[%add3A, %add3A_124, %dma_start3A_160, %dma_start3A_161] : memref<32x125x80x64xf32, #tpu.memory_space<hbm>> -> memref<1x1x80x64xf32, #tpu.memory_space<hbm>>
      %dma_start3A_163 = tpu.memref_squeeze %dma_start3A_162 : memref<1x1x80x64xf32, #tpu.memory_space<hbm>> -> memref<80x64xf32, #tpu.memory_space<hbm>>
      %dma_start3A_164 = arith.constant 0 : i32
      %dma_start3A_165 = arith.constant 0 : i32
      %dma_start3A_166 = tpu.memref_slice %arg5[%add3A, %add3A_124, %dma_start3A_164, %dma_start3A_165] : memref<32x125x80x64xf32, #tpu.memory_space<hbm>> -> memref<1x1x80x64xf32, #tpu.memory_space<hbm>>
      %dma_start3A_167 = tpu.memref_squeeze %dma_start3A_166 : memref<1x1x80x64xf32, #tpu.memory_space<hbm>> -> memref<80x64xf32, #tpu.memory_space<hbm>>
      tpu.enqueue_dma source(%arg14 : memref<80x64xf32, #tpu.memory_space<vmem>>) target(%dma_start3A_167 : memref<80x64xf32, #tpu.memory_space<hbm>>) target_semaphore(%arg20 : memref<!tpu.dma_semaphore, #tpu.memory_space<semaphore_mem>>)
      %add3A_168 = arith.constant 2 : i32
      %add3A_169 = arith.addi %add3A_124, %add3A_168 : i32
      %le3A_170 = arith.constant 124 : i32
      %le3A_171 = arith.cmpi sle, %add3A_169, %le3A_170 : i32
      %convert_element_type3A_172 = arith.extui %le3A_171 : i1 to i32
      %cond3A_173 = arith.constant 0 : i32
      %cond3A_174 = arith.cmpi ne, %convert_element_type3A_172, %cond3A_173 : i32
      scf.if %cond3A_174 {
        %add3A_233 = arith.constant 2 : i32
        %add3A_234 = arith.addi %add3A_124, %add3A_233 : i32
        %dma_wait3A_235 = arith.constant 0 : i32
        %dma_wait3A_236 = tpu.memref_slice %arg3[%add3A, %add3A_234, %dma_wait3A_235] : memref<32x125x80xi32, #tpu.memory_space<hbm>> -> memref<1x1x80xi32, #tpu.memory_space<hbm>>
        %dma_wait3A_237 = tpu.memref_squeeze %dma_wait3A_236 : memref<1x1x80xi32, #tpu.memory_space<hbm>> -> memref<1x80xi32, #tpu.memory_space<hbm>>
        %dma_wait3A_238 = arith.constant 0 : i32
        %dma_wait3A_239 = tpu.memref_slice %arg3[%add3A, %add3A_234, %dma_wait3A_238] : memref<32x125x80xi32, #tpu.memory_space<hbm>> -> memref<1x1x80xi32, #tpu.memory_space<hbm>>
        %dma_wait3A_240 = tpu.memref_squeeze %dma_wait3A_239 : memref<1x1x80xi32, #tpu.memory_space<hbm>> -> memref<1x80xi32, #tpu.memory_space<hbm>>
        tpu.wait_dma2 semaphore(%arg18 : memref<!tpu.dma_semaphore, #tpu.memory_space<semaphore_mem>>) src(%dma_wait3A_240 : memref<1x80xi32, #tpu.memory_space<hbm>>) dst(%arg6 : memref<1x80xi32, #tpu.memory_space<vmem>>)
        %dma_wait3A_241 = arith.constant 0 : i32
        %dma_wait3A_242 = tpu.memref_slice %arg4[%add3A, %add3A_234, %dma_wait3A_241] : memref<32x125x80xi32, #tpu.memory_space<hbm>> -> memref<1x1x80xi32, #tpu.memory_space<hbm>>
        %dma_wait3A_243 = tpu.memref_squeeze %dma_wait3A_242 : memref<1x1x80xi32, #tpu.memory_space<hbm>> -> memref<1x80xi32, #tpu.memory_space<hbm>>
        %dma_wait3A_244 = arith.constant 0 : i32
        %dma_wait3A_245 = tpu.memref_slice %arg4[%add3A, %add3A_234, %dma_wait3A_244] : memref<32x125x80xi32, #tpu.memory_space<hbm>> -> memref<1x1x80xi32, #tpu.memory_space<hbm>>
        %dma_wait3A_246 = tpu.memref_squeeze %dma_wait3A_245 : memref<1x1x80xi32, #tpu.memory_space<hbm>> -> memref<1x80xi32, #tpu.memory_space<hbm>>
        tpu.wait_dma2 semaphore(%arg18 : memref<!tpu.dma_semaphore, #tpu.memory_space<semaphore_mem>>) src(%dma_wait3A_246 : memref<1x80xi32, #tpu.memory_space<hbm>>) dst(%arg8 : memref<1x80xi32, #tpu.memory_space<vmem>>)
      } else {
      }
      %mul3A_175 = arith.constant 2 : i32
      %mul3A_176 = arith.muli %mul3A_175, %scan3A_120 : i32
      %add3A_177 = arith.constant 1 : i32
      %add3A_178 = arith.addi %mul3A_176, %add3A_177 : i32
      %dma_wait3A_179 = arith.constant 0 : i32
      %dma_wait3A_180 = arith.constant 0 : i32
      %dma_wait3A_181 = tpu.memref_slice %arg7[%dma_wait3A_179, %dma_wait3A_180] : memref<1x80xi32, #tpu.memory_space<vmem>> -> memref<1x80xi32, #tpu.memory_space<vmem>>
      %dma_wait3A_182 = tpu.memref_squeeze %dma_wait3A_181 : memref<1x80xi32, #tpu.memory_space<vmem>> -> memref<80xi32, #tpu.memory_space<vmem>>
      %dma_wait3A_183 = arith.constant 0 : i32
      %dma_wait3A_184 = arith.constant 0 : i32
      %dma_wait3A_185 = tpu.memref_slice %arg2[%dma_wait3A_183, %dma_wait3A_184] : memref<10000x128xf32, #tpu.memory_space<hbm>> -> memref<10000x128xf32, #tpu.memory_space<hbm>>
      tpu.wait_indirect_dma semaphore(%arg17 : memref<!tpu.dma_semaphore, #tpu.memory_space<semaphore_mem>>) src(%dma_wait3A_185 : memref<10000x128xf32, #tpu.memory_space<hbm>>) dst(%arg11 : memref<80x128xf32, #tpu.memory_space<vmem>>)
      %dma_wait3A_186 = arith.constant 0 : i32
      %dma_wait3A_187 = arith.constant 0 : i32
      %dma_wait3A_188 = tpu.memref_slice %arg9[%dma_wait3A_186, %dma_wait3A_187] : memref<1x80xi32, #tpu.memory_space<vmem>> -> memref<1x80xi32, #tpu.memory_space<vmem>>
      %dma_wait3A_189 = tpu.memref_squeeze %dma_wait3A_188 : memref<1x80xi32, #tpu.memory_space<vmem>> -> memref<80xi32, #tpu.memory_space<vmem>>
      %dma_wait3A_190 = arith.constant 0 : i32
      %dma_wait3A_191 = arith.constant 0 : i32
      %dma_wait3A_192 = tpu.memref_slice %arg2[%dma_wait3A_190, %dma_wait3A_191] : memref<10000x128xf32, #tpu.memory_space<hbm>> -> memref<10000x128xf32, #tpu.memory_space<hbm>>
      tpu.wait_indirect_dma semaphore(%arg17 : memref<!tpu.dma_semaphore, #tpu.memory_space<semaphore_mem>>) src(%dma_wait3A_192 : memref<10000x128xf32, #tpu.memory_space<hbm>>) dst(%arg13 : memref<80x128xf32, #tpu.memory_space<vmem>>)
      %add3A_193 = arith.constant 1 : i32
      %add3A_194 = arith.addi %add3A_178, %add3A_193 : i32
      %le3A_195 = arith.constant 124 : i32
      %le3A_196 = arith.cmpi sle, %add3A_194, %le3A_195 : i32
      %convert_element_type3A_197 = arith.extui %le3A_196 : i1 to i32
      %cond3A_198 = arith.constant 0 : i32
      %cond3A_199 = arith.cmpi ne, %convert_element_type3A_197, %cond3A_198 : i32
      scf.if %cond3A_199 {
        %add3A_233 = arith.constant 1 : i32
        %add3A_234 = arith.addi %add3A_178, %add3A_233 : i32
        %dma_start3A_235 = arith.constant 0 : i32
        %dma_start3A_236 = arith.constant 0 : i32
        %dma_start3A_237 = tpu.memref_slice %arg6[%dma_start3A_235, %dma_start3A_236] : memref<1x80xi32, #tpu.memory_space<vmem>> -> memref<1x80xi32, #tpu.memory_space<vmem>>
        %dma_start3A_238 = tpu.memref_squeeze %dma_start3A_237 : memref<1x80xi32, #tpu.memory_space<vmem>> -> memref<80xi32, #tpu.memory_space<vmem>>
        %dma_start3A_239 = arith.constant 0 : i32
        %dma_start3A_240 = arith.constant 0 : i32
        %dma_start3A_241 = tpu.memref_slice %arg2[%dma_start3A_239, %dma_start3A_240] : memref<10000x128xf32, #tpu.memory_space<hbm>> -> memref<10000x128xf32, #tpu.memory_space<hbm>>
        tpu.enqueue_indirect_dma source(%dma_start3A_241 : memref<10000x128xf32, #tpu.memory_space<hbm>>) target(%arg10 : memref<80x128xf32, #tpu.memory_space<vmem>>) offsets(%dma_start3A_238 : memref<80xi32, #tpu.memory_space<vmem>>) semaphore(%arg16 : memref<!tpu.dma_semaphore, #tpu.memory_space<semaphore_mem>>)
        %dma_start3A_242 = arith.constant 0 : i32
        %dma_start3A_243 = arith.constant 0 : i32
        %dma_start3A_244 = tpu.memref_slice %arg8[%dma_start3A_242, %dma_start3A_243] : memref<1x80xi32, #tpu.memory_space<vmem>> -> memref<1x80xi32, #tpu.memory_space<vmem>>
        %dma_start3A_245 = tpu.memref_squeeze %dma_start3A_244 : memref<1x80xi32, #tpu.memory_space<vmem>> -> memref<80xi32, #tpu.memory_space<vmem>>
        %dma_start3A_246 = arith.constant 0 : i32
        %dma_start3A_247 = arith.constant 0 : i32
        %dma_start3A_248 = tpu.memref_slice %arg2[%dma_start3A_246, %dma_start3A_247] : memref<10000x128xf32, #tpu.memory_space<hbm>> -> memref<10000x128xf32, #tpu.memory_space<hbm>>
        tpu.enqueue_indirect_dma source(%dma_start3A_248 : memref<10000x128xf32, #tpu.memory_space<hbm>>) target(%arg12 : memref<80x128xf32, #tpu.memory_space<vmem>>) offsets(%dma_start3A_245 : memref<80xi32, #tpu.memory_space<vmem>>) semaphore(%arg16 : memref<!tpu.dma_semaphore, #tpu.memory_space<semaphore_mem>>)
      } else {
      }
      %add3A_200 = arith.constant 2 : i32
      %add3A_201 = arith.addi %add3A_178, %add3A_200 : i32
      %le3A_202 = arith.constant 124 : i32
      %le3A_203 = arith.cmpi sle, %add3A_201, %le3A_202 : i32
      %convert_element_type3A_204 = arith.extui %le3A_203 : i1 to i32
      %cond3A_205 = arith.constant 0 : i32
      %cond3A_206 = arith.cmpi ne, %convert_element_type3A_204, %cond3A_205 : i32
      scf.if %cond3A_206 {
        %add3A_233 = arith.constant 2 : i32
        %add3A_234 = arith.addi %add3A_178, %add3A_233 : i32
        %dma_start3A_235 = arith.constant 0 : i32
        %dma_start3A_236 = tpu.memref_slice %arg3[%add3A, %add3A_234, %dma_start3A_235] : memref<32x125x80xi32, #tpu.memory_space<hbm>> -> memref<1x1x80xi32, #tpu.memory_space<hbm>>
        %dma_start3A_237 = tpu.memref_squeeze %dma_start3A_236 : memref<1x1x80xi32, #tpu.memory_space<hbm>> -> memref<1x80xi32, #tpu.memory_space<hbm>>
        %dma_start3A_238 = arith.constant 0 : i32
        %dma_start3A_239 = tpu.memref_slice %arg3[%add3A, %add3A_234, %dma_start3A_238] : memref<32x125x80xi32, #tpu.memory_space<hbm>> -> memref<1x1x80xi32, #tpu.memory_space<hbm>>
        %dma_start3A_240 = tpu.memref_squeeze %dma_start3A_239 : memref<1x1x80xi32, #tpu.memory_space<hbm>> -> memref<1x80xi32, #tpu.memory_space<hbm>>
        tpu.enqueue_dma source(%dma_start3A_240 : memref<1x80xi32, #tpu.memory_space<hbm>>) target(%arg7 : memref<1x80xi32, #tpu.memory_space<vmem>>) target_semaphore(%arg19 : memref<!tpu.dma_semaphore, #tpu.memory_space<semaphore_mem>>)
        %dma_start3A_241 = arith.constant 0 : i32
        %dma_start3A_242 = tpu.memref_slice %arg4[%add3A, %add3A_234, %dma_start3A_241] : memref<32x125x80xi32, #tpu.memory_space<hbm>> -> memref<1x1x80xi32, #tpu.memory_space<hbm>>
        %dma_start3A_243 = tpu.memref_squeeze %dma_start3A_242 : memref<1x1x80xi32, #tpu.memory_space<hbm>> -> memref<1x80xi32, #tpu.memory_space<hbm>>
        %dma_start3A_244 = arith.constant 0 : i32
        %dma_start3A_245 = tpu.memref_slice %arg4[%add3A, %add3A_234, %dma_start3A_244] : memref<32x125x80xi32, #tpu.memory_space<hbm>> -> memref<1x1x80xi32, #tpu.memory_space<hbm>>
        %dma_start3A_246 = tpu.memref_squeeze %dma_start3A_245 : memref<1x1x80xi32, #tpu.memory_space<hbm>> -> memref<1x80xi32, #tpu.memory_space<hbm>>
        tpu.enqueue_dma source(%dma_start3A_246 : memref<1x80xi32, #tpu.memory_space<hbm>>) target(%arg9 : memref<1x80xi32, #tpu.memory_space<vmem>>) target_semaphore(%arg19 : memref<!tpu.dma_semaphore, #tpu.memory_space<semaphore_mem>>)
      } else {
      }
      %ge3A_207 = arith.constant 2 : i32
      %ge3A_208 = arith.cmpi sge, %add3A_178, %ge3A_207 : i32
      %convert_element_type3A_209 = arith.extui %ge3A_208 : i1 to i32
      %cond3A_210 = arith.constant 0 : i32
      %cond3A_211 = arith.cmpi ne, %convert_element_type3A_209, %cond3A_210 : i32
      scf.if %cond3A_211 {
        %dma_wait3A_233 = arith.constant 0 : i32
        %dma_wait3A_234 = arith.constant 0 : i32
        %dma_wait3A_235 = arith.constant 0 : i32
        %dma_wait3A_236 = tpu.memref_slice %arg5[%add3A, %dma_wait3A_233, %dma_wait3A_234, %dma_wait3A_235] : memref<32x125x80x64xf32, #tpu.memory_space<hbm>> -> memref<1x1x80x64xf32, #tpu.memory_space<hbm>>
        %dma_wait3A_237 = tpu.memref_squeeze %dma_wait3A_236 : memref<1x1x80x64xf32, #tpu.memory_space<hbm>> -> memref<80x64xf32, #tpu.memory_space<hbm>>
        %dma_wait3A_238 = arith.constant 0 : i32
        %dma_wait3A_239 = arith.constant 0 : i32
        %dma_wait3A_240 = tpu.memref_slice %arg5[%add3A, %dma_wait3A_233, %dma_wait3A_238, %dma_wait3A_239] : memref<32x125x80x64xf32, #tpu.memory_space<hbm>> -> memref<1x1x80x64xf32, #tpu.memory_space<hbm>>
        %dma_wait3A_241 = tpu.memref_squeeze %dma_wait3A_240 : memref<1x1x80x64xf32, #tpu.memory_space<hbm>> -> memref<80x64xf32, #tpu.memory_space<hbm>>
        tpu.wait_dma2 semaphore(%arg21 : memref<!tpu.dma_semaphore, #tpu.memory_space<semaphore_mem>>) src(%arg15 : memref<80x64xf32, #tpu.memory_space<vmem>>) dst(%dma_wait3A_241 : memref<80x64xf32, #tpu.memory_space<hbm>>)
      } else {
      }
      %scan3A_212 = arith.constant 0 : i32
      %scan3A_213 = arith.constant 0 : i32
      %scan3A_214 = arith.constant 80 : i32
      %scan3A_215 = arith.addi %scan3A_213, %scan3A_214 : i32
      %scan3A_216 = arith.constant 4 : i32
      scf.for %scan3A_233 = %scan3A_213 to %scan3A_215 step %scan3A_216  : i32 {
        %get3A = arith.index_cast %scan3A_233 : i32 to index
        %get3A_234 = arith.constant 0 : index
        %get3A_235 = tpu.vector_load %arg11[%get3A, %get3A_234] {strides = array<i32>} : memref<80x128xf32, #tpu.memory_space<vmem>>, vector<1x16xf32>,
        %get3A_236 = vector.shape_cast %get3A_235 : vector<1x16xf32> to vector<16xf32>
        %get3A_237 = arith.index_cast %scan3A_233 : i32 to index
        %get3A_238 = arith.constant 64 : index
        %get3A_239 = tpu.vector_load %arg13[%get3A_237, %get3A_238] {strides = array<i32>} : memref<80x128xf32, #tpu.memory_space<vmem>>, vector<1x16xf32>,
        %get3A_240 = vector.shape_cast %get3A_239 : vector<1x16xf32> to vector<16xf32>
        %add3A_241 = arith.addf %get3A_236, %get3A_240 : vector<16xf32>
        %max3A = arith.constant 0.000000e+00 : f32
        %max3A_242 = vector.broadcast %max3A : f32 to vector<16xf32>
        %max3A_243 = arith.maximumf %add3A_241, %max3A_242 : vector<16xf32>
        %get3A_244 = arith.index_cast %scan3A_233 : i32 to index
        %get3A_245 = arith.constant 64 : index
        %get3A_246 = tpu.vector_load %arg11[%get3A_244, %get3A_245] {strides = array<i32>} : memref<80x128xf32, #tpu.memory_space<vmem>>, vector<1x16xf32>,
        %get3A_247 = vector.shape_cast %get3A_246 : vector<1x16xf32> to vector<16xf32>
        %get3A_248 = arith.index_cast %scan3A_233 : i32 to index
        %get3A_249 = arith.constant 0 : index
        %get3A_250 = tpu.vector_load %arg13[%get3A_248, %get3A_249] {strides = array<i32>} : memref<80x128xf32, #tpu.memory_space<vmem>>, vector<1x16xf32>,
        %get3A_251 = vector.shape_cast %get3A_250 : vector<1x16xf32> to vector<16xf32>
        %add3A_252 = arith.addf %get3A_247, %get3A_251 : vector<16xf32>
        %max3A_253 = arith.constant 0.000000e+00 : f32
        %max3A_254 = vector.broadcast %max3A_253 : f32 to vector<16xf32>
        %max3A_255 = arith.maximumf %add3A_252, %max3A_254 : vector<16xf32>
        %add3A_256 = arith.addf %max3A_243, %max3A_255 : vector<16xf32>
        %swap3A = arith.index_cast %scan3A_233 : i32 to index
        %swap3A_257 = arith.constant 0 : index
        %swap3A_258 = tpu.vector_load %arg15[%swap3A, %swap3A_257] {strides = array<i32>} : memref<80x64xf32, #tpu.memory_space<vmem>>, vector<1x16xf32>,
        %swap3A_259 = vector.shape_cast %swap3A_258 : vector<1x16xf32> to vector<16xf32>
        %swap3A_260 = vector.shape_cast %add3A_256 : vector<16xf32> to vector<1x16xf32>
        tpu.vector_store %arg15[%swap3A, %swap3A_257], %swap3A_260 {strides = array<i32>} : memref<80x64xf32, #tpu.memory_space<vmem>>, vector<1x16xf32>,
        %get3A_261 = arith.index_cast %scan3A_233 : i32 to index
        %get3A_262 = arith.constant 16 : index
        %get3A_263 = tpu.vector_load %arg11[%get3A_261, %get3A_262] {strides = array<i32>} : memref<80x128xf32, #tpu.memory_space<vmem>>, vector<1x16xf32>,
        %get3A_264 = vector.shape_cast %get3A_263 : vector<1x16xf32> to vector<16xf32>
        %get3A_265 = arith.index_cast %scan3A_233 : i32 to index
        %get3A_266 = arith.constant 80 : index
        %get3A_267 = tpu.vector_load %arg13[%get3A_265, %get3A_266] {strides = array<i32>} : memref<80x128xf32, #tpu.memory_space<vmem>>, vector<1x16xf32>,
        %get3A_268 = vector.shape_cast %get3A_267 : vector<1x16xf32> to vector<16xf32>
        %add3A_269 = arith.addf %get3A_264, %get3A_268 : vector<16xf32>
        %max3A_270 = arith.constant 0.000000e+00 : f32
        %max3A_271 = vector.broadcast %max3A_270 : f32 to vector<16xf32>
        %max3A_272 = arith.maximumf %add3A_269, %max3A_271 : vector<16xf32>
        %get3A_273 = arith.index_cast %scan3A_233 : i32 to index
        %get3A_274 = arith.constant 80 : index
        %get3A_275 = tpu.vector_load %arg11[%get3A_273, %get3A_274] {strides = array<i32>} : memref<80x128xf32, #tpu.memory_space<vmem>>, vector<1x16xf32>,
        %get3A_276 = vector.shape_cast %get3A_275 : vector<1x16xf32> to vector<16xf32>
        %get3A_277 = arith.index_cast %scan3A_233 : i32 to index
        %get3A_278 = arith.constant 16 : index
        %get3A_279 = tpu.vector_load %arg13[%get3A_277, %get3A_278] {strides = array<i32>} : memref<80x128xf32, #tpu.memory_space<vmem>>, vector<1x16xf32>,
        %get3A_280 = vector.shape_cast %get3A_279 : vector<1x16xf32> to vector<16xf32>
        %add3A_281 = arith.addf %get3A_276, %get3A_280 : vector<16xf32>
        %max3A_282 = arith.constant 0.000000e+00 : f32
        %max3A_283 = vector.broadcast %max3A_282 : f32 to vector<16xf32>
        %max3A_284 = arith.maximumf %add3A_281, %max3A_283 : vector<16xf32>
        %add3A_285 = arith.addf %max3A_272, %max3A_284 : vector<16xf32>
        %swap3A_286 = arith.index_cast %scan3A_233 : i32 to index
        %swap3A_287 = arith.constant 16 : index
        %swap3A_288 = tpu.vector_load %arg15[%swap3A_286, %swap3A_287] {strides = array<i32>} : memref<80x64xf32, #tpu.memory_space<vmem>>, vector<1x16xf32>,
        %swap3A_289 = vector.shape_cast %swap3A_288 : vector<1x16xf32> to vector<16xf32>
        %swap3A_290 = vector.shape_cast %add3A_285 : vector<16xf32> to vector<1x16xf32>
        tpu.vector_store %arg15[%swap3A_286, %swap3A_287], %swap3A_290 {strides = array<i32>} : memref<80x64xf32, #tpu.memory_space<vmem>>, vector<1x16xf32>,
        %get3A_291 = arith.index_cast %scan3A_233 : i32 to index
        %get3A_292 = arith.constant 32 : index
        %get3A_293 = tpu.vector_load %arg11[%get3A_291, %get3A_292] {strides = array<i32>} : memref<80x128xf32, #tpu.memory_space<vmem>>, vector<1x16xf32>,
        %get3A_294 = vector.shape_cast %get3A_293 : vector<1x16xf32> to vector<16xf32>
        %get3A_295 = arith.index_cast %scan3A_233 : i32 to index
        %get3A_296 = arith.constant 96 : index
        %get3A_297 = tpu.vector_load %arg13[%get3A_295, %get3A_296] {strides = array<i32>} : memref<80x128xf32, #tpu.memory_space<vmem>>, vector<1x16xf32>,
        %get3A_298 = vector.shape_cast %get3A_297 : vector<1x16xf32> to vector<16xf32>
        %add3A_299 = arith.addf %get3A_294, %get3A_298 : vector<16xf32>
        %max3A_300 = arith.constant 0.000000e+00 : f32
        %max3A_301 = vector.broadcast %max3A_300 : f32 to vector<16xf32>
        %max3A_302 = arith.maximumf %add3A_299, %max3A_301 : vector<16xf32>
        %get3A_303 = arith.index_cast %scan3A_233 : i32 to index
        %get3A_304 = arith.constant 96 : index
        %get3A_305 = tpu.vector_load %arg11[%get3A_303, %get3A_304] {strides = array<i32>} : memref<80x128xf32, #tpu.memory_space<vmem>>, vector<1x16xf32>,
        %get3A_306 = vector.shape_cast %get3A_305 : vector<1x16xf32> to vector<16xf32>
        %get3A_307 = arith.index_cast %scan3A_233 : i32 to index
        %get3A_308 = arith.constant 32 : index
        %get3A_309 = tpu.vector_load %arg13[%get3A_307, %get3A_308] {strides = array<i32>} : memref<80x128xf32, #tpu.memory_space<vmem>>, vector<1x16xf32>,
        %get3A_310 = vector.shape_cast %get3A_309 : vector<1x16xf32> to vector<16xf32>
        %add3A_311 = arith.addf %get3A_306, %get3A_310 : vector<16xf32>
        %max3A_312 = arith.constant 0.000000e+00 : f32
        %max3A_313 = vector.broadcast %max3A_312 : f32 to vector<16xf32>
        %max3A_314 = arith.maximumf %add3A_311, %max3A_313 : vector<16xf32>
        %add3A_315 = arith.addf %max3A_302, %max3A_314 : vector<16xf32>
        %swap3A_316 = arith.index_cast %scan3A_233 : i32 to index
        %swap3A_317 = arith.constant 32 : index
        %swap3A_318 = tpu.vector_load %arg15[%swap3A_316, %swap3A_317] {strides = array<i32>} : memref<80x64xf32, #tpu.memory_space<vmem>>, vector<1x16xf32>,
        %swap3A_319 = vector.shape_cast %swap3A_318 : vector<1x16xf32> to vector<16xf32>
        %swap3A_320 = vector.shape_cast %add3A_315 : vector<16xf32> to vector<1x16xf32>
        tpu.vector_store %arg15[%swap3A_316, %swap3A_317], %swap3A_320 {strides = array<i32>} : memref<80x64xf32, #tpu.memory_space<vmem>>, vector<1x16xf32>,
        %get3A_321 = arith.index_cast %scan3A_233 : i32 to index
        %get3A_322 = arith.constant 48 : index
        %get3A_323 = tpu.vector_load %arg11[%get3A_321, %get3A_322] {strides = array<i32>} : memref<80x128xf32, #tpu.memory_space<vmem>>, vector<1x16xf32>,
        %get3A_324 = vector.shape_cast %get3A_323 : vector<1x16xf32> to vector<16xf32>
        %get3A_325 = arith.index_cast %scan3A_233 : i32 to index
        %get3A_326 = arith.constant 112 : index
        %get3A_327 = tpu.vector_load %arg13[%get3A_325, %get3A_326] {strides = array<i32>} : memref<80x128xf32, #tpu.memory_space<vmem>>, vector<1x16xf32>,
        %get3A_328 = vector.shape_cast %get3A_327 : vector<1x16xf32> to vector<16xf32>
        %add3A_329 = arith.addf %get3A_324, %get3A_328 : vector<16xf32>
        %max3A_330 = arith.constant 0.000000e+00 : f32
        %max3A_331 = vector.broadcast %max3A_330 : f32 to vector<16xf32>
        %max3A_332 = arith.maximumf %add3A_329, %max3A_331 : vector<16xf32>
        %get3A_333 = arith.index_cast %scan3A_233 : i32 to index
        %get3A_334 = arith.constant 112 : index
        %get3A_335 = tpu.vector_load %arg11[%get3A_333, %get3A_334] {strides = array<i32>} : memref<80x128xf32, #tpu.memory_space<vmem>>, vector<1x16xf32>,
        %get3A_336 = vector.shape_cast %get3A_335 : vector<1x16xf32> to vector<16xf32>
        %get3A_337 = arith.index_cast %scan3A_233 : i32 to index
        %get3A_338 = arith.constant 48 : index
        %get3A_339 = tpu.vector_load %arg13[%get3A_337, %get3A_338] {strides = array<i32>} : memref<80x128xf32, #tpu.memory_space<vmem>>, vector<1x16xf32>,
        %get3A_340 = vector.shape_cast %get3A_339 : vector<1x16xf32> to vector<16xf32>
        %add3A_341 = arith.addf %get3A_336, %get3A_340 : vector<16xf32>
        %max3A_342 = arith.constant 0.000000e+00 : f32
        %max3A_343 = vector.broadcast %max3A_342 : f32 to vector<16xf32>
        %max3A_344 = arith.maximumf %add3A_341, %max3A_343 : vector<16xf32>
        %add3A_345 = arith.addf %max3A_332, %max3A_344 : vector<16xf32>
        %swap3A_346 = arith.index_cast %scan3A_233 : i32 to index
        %swap3A_347 = arith.constant 48 : index
        %swap3A_348 = tpu.vector_load %arg15[%swap3A_346, %swap3A_347] {strides = array<i32>} : memref<80x64xf32, #tpu.memory_space<vmem>>, vector<1x16xf32>,
        %swap3A_349 = vector.shape_cast %swap3A_348 : vector<1x16xf32> to vector<16xf32>
        %swap3A_350 = vector.shape_cast %add3A_345 : vector<16xf32> to vector<1x16xf32>
        tpu.vector_store %arg15[%swap3A_346, %swap3A_347], %swap3A_350 {strides = array<i32>} : memref<80x64xf32, #tpu.memory_space<vmem>>, vector<1x16xf32>,
        %scan3A_351 = arith.constant 1 : i32
        %scan3A_352 = arith.addi %scan3A_233, %scan3A_351 : i32
        %get3A_353 = arith.index_cast %scan3A_352 : i32 to index
        %get3A_354 = arith.constant 0 : index
        %get3A_355 = tpu.vector_load %arg11[%get3A_353, %get3A_354] {strides = array<i32>} : memref<80x128xf32, #tpu.memory_space<vmem>>, vector<1x16xf32>,
        %get3A_356 = vector.shape_cast %get3A_355 : vector<1x16xf32> to vector<16xf32>
        %get3A_357 = arith.index_cast %scan3A_352 : i32 to index
        %get3A_358 = arith.constant 64 : index
        %get3A_359 = tpu.vector_load %arg13[%get3A_357, %get3A_358] {strides = array<i32>} : memref<80x128xf32, #tpu.memory_space<vmem>>, vector<1x16xf32>,
        %get3A_360 = vector.shape_cast %get3A_359 : vector<1x16xf32> to vector<16xf32>
        %add3A_361 = arith.addf %get3A_356, %get3A_360 : vector<16xf32>
        %max3A_362 = arith.constant 0.000000e+00 : f32
        %max3A_363 = vector.broadcast %max3A_362 : f32 to vector<16xf32>
        %max3A_364 = arith.maximumf %add3A_361, %max3A_363 : vector<16xf32>
        %get3A_365 = arith.index_cast %scan3A_352 : i32 to index
        %get3A_366 = arith.constant 64 : index
        %get3A_367 = tpu.vector_load %arg11[%get3A_365, %get3A_366] {strides = array<i32>} : memref<80x128xf32, #tpu.memory_space<vmem>>, vector<1x16xf32>,
        %get3A_368 = vector.shape_cast %get3A_367 : vector<1x16xf32> to vector<16xf32>
        %get3A_369 = arith.index_cast %scan3A_352 : i32 to index
        %get3A_370 = arith.constant 0 : index
        %get3A_371 = tpu.vector_load %arg13[%get3A_369, %get3A_370] {strides = array<i32>} : memref<80x128xf32, #tpu.memory_space<vmem>>, vector<1x16xf32>,
        %get3A_372 = vector.shape_cast %get3A_371 : vector<1x16xf32> to vector<16xf32>
        %add3A_373 = arith.addf %get3A_368, %get3A_372 : vector<16xf32>
        %max3A_374 = arith.constant 0.000000e+00 : f32
        %max3A_375 = vector.broadcast %max3A_374 : f32 to vector<16xf32>
        %max3A_376 = arith.maximumf %add3A_373, %max3A_375 : vector<16xf32>
        %add3A_377 = arith.addf %max3A_364, %max3A_376 : vector<16xf32>
        %swap3A_378 = arith.index_cast %scan3A_352 : i32 to index
        %swap3A_379 = arith.constant 0 : index
        %swap3A_380 = tpu.vector_load %arg15[%swap3A_378, %swap3A_379] {strides = array<i32>} : memref<80x64xf32, #tpu.memory_space<vmem>>, vector<1x16xf32>,
        %swap3A_381 = vector.shape_cast %swap3A_380 : vector<1x16xf32> to vector<16xf32>
        %swap3A_382 = vector.shape_cast %add3A_377 : vector<16xf32> to vector<1x16xf32>
        tpu.vector_store %arg15[%swap3A_378, %swap3A_379], %swap3A_382 {strides = array<i32>} : memref<80x64xf32, #tpu.memory_space<vmem>>, vector<1x16xf32>,
        %get3A_383 = arith.index_cast %scan3A_352 : i32 to index
        %get3A_384 = arith.constant 16 : index
        %get3A_385 = tpu.vector_load %arg11[%get3A_383, %get3A_384] {strides = array<i32>} : memref<80x128xf32, #tpu.memory_space<vmem>>, vector<1x16xf32>,
        %get3A_386 = vector.shape_cast %get3A_385 : vector<1x16xf32> to vector<16xf32>
        %get3A_387 = arith.index_cast %scan3A_352 : i32 to index
        %get3A_388 = arith.constant 80 : index
        %get3A_389 = tpu.vector_load %arg13[%get3A_387, %get3A_388] {strides = array<i32>} : memref<80x128xf32, #tpu.memory_space<vmem>>, vector<1x16xf32>,
        %get3A_390 = vector.shape_cast %get3A_389 : vector<1x16xf32> to vector<16xf32>
        %add3A_391 = arith.addf %get3A_386, %get3A_390 : vector<16xf32>
        %max3A_392 = arith.constant 0.000000e+00 : f32
        %max3A_393 = vector.broadcast %max3A_392 : f32 to vector<16xf32>
        %max3A_394 = arith.maximumf %add3A_391, %max3A_393 : vector<16xf32>
        %get3A_395 = arith.index_cast %scan3A_352 : i32 to index
        %get3A_396 = arith.constant 80 : index
        %get3A_397 = tpu.vector_load %arg11[%get3A_395, %get3A_396] {strides = array<i32>} : memref<80x128xf32, #tpu.memory_space<vmem>>, vector<1x16xf32>,
        %get3A_398 = vector.shape_cast %get3A_397 : vector<1x16xf32> to vector<16xf32>
        %get3A_399 = arith.index_cast %scan3A_352 : i32 to index
        %get3A_400 = arith.constant 16 : index
        %get3A_401 = tpu.vector_load %arg13[%get3A_399, %get3A_400] {strides = array<i32>} : memref<80x128xf32, #tpu.memory_space<vmem>>, vector<1x16xf32>,
        %get3A_402 = vector.shape_cast %get3A_401 : vector<1x16xf32> to vector<16xf32>
        %add3A_403 = arith.addf %get3A_398, %get3A_402 : vector<16xf32>
        %max3A_404 = arith.constant 0.000000e+00 : f32
        %max3A_405 = vector.broadcast %max3A_404 : f32 to vector<16xf32>
        %max3A_406 = arith.maximumf %add3A_403, %max3A_405 : vector<16xf32>
        %add3A_407 = arith.addf %max3A_394, %max3A_406 : vector<16xf32>
        %swap3A_408 = arith.index_cast %scan3A_352 : i32 to index
        %swap3A_409 = arith.constant 16 : index
        %swap3A_410 = tpu.vector_load %arg15[%swap3A_408, %swap3A_409] {strides = array<i32>} : memref<80x64xf32, #tpu.memory_space<vmem>>, vector<1x16xf32>,
        %swap3A_411 = vector.shape_cast %swap3A_410 : vector<1x16xf32> to vector<16xf32>
        %swap3A_412 = vector.shape_cast %add3A_407 : vector<16xf32> to vector<1x16xf32>
        tpu.vector_store %arg15[%swap3A_408, %swap3A_409], %swap3A_412 {strides = array<i32>} : memref<80x64xf32, #tpu.memory_space<vmem>>, vector<1x16xf32>,
        %get3A_413 = arith.index_cast %scan3A_352 : i32 to index
        %get3A_414 = arith.constant 32 : index
        %get3A_415 = tpu.vector_load %arg11[%get3A_413, %get3A_414] {strides = array<i32>} : memref<80x128xf32, #tpu.memory_space<vmem>>, vector<1x16xf32>,
        %get3A_416 = vector.shape_cast %get3A_415 : vector<1x16xf32> to vector<16xf32>
        %get3A_417 = arith.index_cast %scan3A_352 : i32 to index
        %get3A_418 = arith.constant 96 : index
        %get3A_419 = tpu.vector_load %arg13[%get3A_417, %get3A_418] {strides = array<i32>} : memref<80x128xf32, #tpu.memory_space<vmem>>, vector<1x16xf32>,
        %get3A_420 = vector.shape_cast %get3A_419 : vector<1x16xf32> to vector<16xf32>
        %add3A_421 = arith.addf %get3A_416, %get3A_420 : vector<16xf32>
        %max3A_422 = arith.constant 0.000000e+00 : f32
        %max3A_423 = vector.broadcast %max3A_422 : f32 to vector<16xf32>
        %max3A_424 = arith.maximumf %add3A_421, %max3A_423 : vector<16xf32>
        %get3A_425 = arith.index_cast %scan3A_352 : i32 to index
        %get3A_426 = arith.constant 96 : index
        %get3A_427 = tpu.vector_load %arg11[%get3A_425, %get3A_426] {strides = array<i32>} : memref<80x128xf32, #tpu.memory_space<vmem>>, vector<1x16xf32>,
        %get3A_428 = vector.shape_cast %get3A_427 : vector<1x16xf32> to vector<16xf32>
        %get3A_429 = arith.index_cast %scan3A_352 : i32 to index
        %get3A_430 = arith.constant 32 : index
        %get3A_431 = tpu.vector_load %arg13[%get3A_429, %get3A_430] {strides = array<i32>} : memref<80x128xf32, #tpu.memory_space<vmem>>, vector<1x16xf32>,
        %get3A_432 = vector.shape_cast %get3A_431 : vector<1x16xf32> to vector<16xf32>
        %add3A_433 = arith.addf %get3A_428, %get3A_432 : vector<16xf32>
        %max3A_434 = arith.constant 0.000000e+00 : f32
        %max3A_435 = vector.broadcast %max3A_434 : f32 to vector<16xf32>
        %max3A_436 = arith.maximumf %add3A_433, %max3A_435 : vector<16xf32>
        %add3A_437 = arith.addf %max3A_424, %max3A_436 : vector<16xf32>
        %swap3A_438 = arith.index_cast %scan3A_352 : i32 to index
        %swap3A_439 = arith.constant 32 : index
        %swap3A_440 = tpu.vector_load %arg15[%swap3A_438, %swap3A_439] {strides = array<i32>} : memref<80x64xf32, #tpu.memory_space<vmem>>, vector<1x16xf32>,
        %swap3A_441 = vector.shape_cast %swap3A_440 : vector<1x16xf32> to vector<16xf32>
        %swap3A_442 = vector.shape_cast %add3A_437 : vector<16xf32> to vector<1x16xf32>
        tpu.vector_store %arg15[%swap3A_438, %swap3A_439], %swap3A_442 {strides = array<i32>} : memref<80x64xf32, #tpu.memory_space<vmem>>, vector<1x16xf32>,
        %get3A_443 = arith.index_cast %scan3A_352 : i32 to index
        %get3A_444 = arith.constant 48 : index
        %get3A_445 = tpu.vector_load %arg11[%get3A_443, %get3A_444] {strides = array<i32>} : memref<80x128xf32, #tpu.memory_space<vmem>>, vector<1x16xf32>,
        %get3A_446 = vector.shape_cast %get3A_445 : vector<1x16xf32> to vector<16xf32>
        %get3A_447 = arith.index_cast %scan3A_352 : i32 to index
        %get3A_448 = arith.constant 112 : index
        %get3A_449 = tpu.vector_load %arg13[%get3A_447, %get3A_448] {strides = array<i32>} : memref<80x128xf32, #tpu.memory_space<vmem>>, vector<1x16xf32>,
        %get3A_450 = vector.shape_cast %get3A_449 : vector<1x16xf32> to vector<16xf32>
        %add3A_451 = arith.addf %get3A_446, %get3A_450 : vector<16xf32>
        %max3A_452 = arith.constant 0.000000e+00 : f32
        %max3A_453 = vector.broadcast %max3A_452 : f32 to vector<16xf32>
        %max3A_454 = arith.maximumf %add3A_451, %max3A_453 : vector<16xf32>
        %get3A_455 = arith.index_cast %scan3A_352 : i32 to index
        %get3A_456 = arith.constant 112 : index
        %get3A_457 = tpu.vector_load %arg11[%get3A_455, %get3A_456] {strides = array<i32>} : memref<80x128xf32, #tpu.memory_space<vmem>>, vector<1x16xf32>,
        %get3A_458 = vector.shape_cast %get3A_457 : vector<1x16xf32> to vector<16xf32>
        %get3A_459 = arith.index_cast %scan3A_352 : i32 to index
        %get3A_460 = arith.constant 48 : index
        %get3A_461 = tpu.vector_load %arg13[%get3A_459, %get3A_460] {strides = array<i32>} : memref<80x128xf32, #tpu.memory_space<vmem>>, vector<1x16xf32>,
        %get3A_462 = vector.shape_cast %get3A_461 : vector<1x16xf32> to vector<16xf32>
        %add3A_463 = arith.addf %get3A_458, %get3A_462 : vector<16xf32>
        %max3A_464 = arith.constant 0.000000e+00 : f32
        %max3A_465 = vector.broadcast %max3A_464 : f32 to vector<16xf32>
        %max3A_466 = arith.maximumf %add3A_463, %max3A_465 : vector<16xf32>
        %add3A_467 = arith.addf %max3A_454, %max3A_466 : vector<16xf32>
        %swap3A_468 = arith.index_cast %scan3A_352 : i32 to index
        %swap3A_469 = arith.constant 48 : index
        %swap3A_470 = tpu.vector_load %arg15[%swap3A_468, %swap3A_469] {strides = array<i32>} : memref<80x64xf32, #tpu.memory_space<vmem>>, vector<1x16xf32>,
        %swap3A_471 = vector.shape_cast %swap3A_470 : vector<1x16xf32> to vector<16xf32>
        %swap3A_472 = vector.shape_cast %add3A_467 : vector<16xf32> to vector<1x16xf32>
        tpu.vector_store %arg15[%swap3A_468, %swap3A_469], %swap3A_472 {strides = array<i32>} : memref<80x64xf32, #tpu.memory_space<vmem>>, vector<1x16xf32>,
        %scan3A_473 = arith.constant 2 : i32
        %scan3A_474 = arith.addi %scan3A_233, %scan3A_473 : i32
        %get3A_475 = arith.index_cast %scan3A_474 : i32 to index
        %get3A_476 = arith.constant 0 : index
        %get3A_477 = tpu.vector_load %arg11[%get3A_475, %get3A_476] {strides = array<i32>} : memref<80x128xf32, #tpu.memory_space<vmem>>, vector<1x16xf32>,
        %get3A_478 = vector.shape_cast %get3A_477 : vector<1x16xf32> to vector<16xf32>
        %get3A_479 = arith.index_cast %scan3A_474 : i32 to index
        %get3A_480 = arith.constant 64 : index
        %get3A_481 = tpu.vector_load %arg13[%get3A_479, %get3A_480] {strides = array<i32>} : memref<80x128xf32, #tpu.memory_space<vmem>>, vector<1x16xf32>,
        %get3A_482 = vector.shape_cast %get3A_481 : vector<1x16xf32> to vector<16xf32>
        %add3A_483 = arith.addf %get3A_478, %get3A_482 : vector<16xf32>
        %max3A_484 = arith.constant 0.000000e+00 : f32
        %max3A_485 = vector.broadcast %max3A_484 : f32 to vector<16xf32>
        %max3A_486 = arith.maximumf %add3A_483, %max3A_485 : vector<16xf32>
        %get3A_487 = arith.index_cast %scan3A_474 : i32 to index
        %get3A_488 = arith.constant 64 : index
        %get3A_489 = tpu.vector_load %arg11[%get3A_487, %get3A_488] {strides = array<i32>} : memref<80x128xf32, #tpu.memory_space<vmem>>, vector<1x16xf32>,
        %get3A_490 = vector.shape_cast %get3A_489 : vector<1x16xf32> to vector<16xf32>
        %get3A_491 = arith.index_cast %scan3A_474 : i32 to index
        %get3A_492 = arith.constant 0 : index
        %get3A_493 = tpu.vector_load %arg13[%get3A_491, %get3A_492] {strides = array<i32>} : memref<80x128xf32, #tpu.memory_space<vmem>>, vector<1x16xf32>,
        %get3A_494 = vector.shape_cast %get3A_493 : vector<1x16xf32> to vector<16xf32>
        %add3A_495 = arith.addf %get3A_490, %get3A_494 : vector<16xf32>
        %max3A_496 = arith.constant 0.000000e+00 : f32
        %max3A_497 = vector.broadcast %max3A_496 : f32 to vector<16xf32>
        %max3A_498 = arith.maximumf %add3A_495, %max3A_497 : vector<16xf32>
        %add3A_499 = arith.addf %max3A_486, %max3A_498 : vector<16xf32>
        %swap3A_500 = arith.index_cast %scan3A_474 : i32 to index
        %swap3A_501 = arith.constant 0 : index
        %swap3A_502 = tpu.vector_load %arg15[%swap3A_500, %swap3A_501] {strides = array<i32>} : memref<80x64xf32, #tpu.memory_space<vmem>>, vector<1x16xf32>,
        %swap3A_503 = vector.shape_cast %swap3A_502 : vector<1x16xf32> to vector<16xf32>
        %swap3A_504 = vector.shape_cast %add3A_499 : vector<16xf32> to vector<1x16xf32>
        tpu.vector_store %arg15[%swap3A_500, %swap3A_501], %swap3A_504 {strides = array<i32>} : memref<80x64xf32, #tpu.memory_space<vmem>>, vector<1x16xf32>,
        %get3A_505 = arith.index_cast %scan3A_474 : i32 to index
        %get3A_506 = arith.constant 16 : index
        %get3A_507 = tpu.vector_load %arg11[%get3A_505, %get3A_506] {strides = array<i32>} : memref<80x128xf32, #tpu.memory_space<vmem>>, vector<1x16xf32>,
        %get3A_508 = vector.shape_cast %get3A_507 : vector<1x16xf32> to vector<16xf32>
        %get3A_509 = arith.index_cast %scan3A_474 : i32 to index
        %get3A_510 = arith.constant 80 : index
        %get3A_511 = tpu.vector_load %arg13[%get3A_509, %get3A_510] {strides = array<i32>} : memref<80x128xf32, #tpu.memory_space<vmem>>, vector<1x16xf32>,
        %get3A_512 = vector.shape_cast %get3A_511 : vector<1x16xf32> to vector<16xf32>
        %add3A_513 = arith.addf %get3A_508, %get3A_512 : vector<16xf32>
        %max3A_514 = arith.constant 0.000000e+00 : f32
        %max3A_515 = vector.broadcast %max3A_514 : f32 to vector<16xf32>
        %max3A_516 = arith.maximumf %add3A_513, %max3A_515 : vector<16xf32>
        %get3A_517 = arith.index_cast %scan3A_474 : i32 to index
        %get3A_518 = arith.constant 80 : index
        %get3A_519 = tpu.vector_load %arg11[%get3A_517, %get3A_518] {strides = array<i32>} : memref<80x128xf32, #tpu.memory_space<vmem>>, vector<1x16xf32>,
        %get3A_520 = vector.shape_cast %get3A_519 : vector<1x16xf32> to vector<16xf32>
        %get3A_521 = arith.index_cast %scan3A_474 : i32 to index
        %get3A_522 = arith.constant 16 : index
        %get3A_523 = tpu.vector_load %arg13[%get3A_521, %get3A_522] {strides = array<i32>} : memref<80x128xf32, #tpu.memory_space<vmem>>, vector<1x16xf32>,
        %get3A_524 = vector.shape_cast %get3A_523 : vector<1x16xf32> to vector<16xf32>
        %add3A_525 = arith.addf %get3A_520, %get3A_524 : vector<16xf32>
        %max3A_526 = arith.constant 0.000000e+00 : f32
        %max3A_527 = vector.broadcast %max3A_526 : f32 to vector<16xf32>
        %max3A_528 = arith.maximumf %add3A_525, %max3A_527 : vector<16xf32>
        %add3A_529 = arith.addf %max3A_516, %max3A_528 : vector<16xf32>
        %swap3A_530 = arith.index_cast %scan3A_474 : i32 to index
        %swap3A_531 = arith.constant 16 : index
        %swap3A_532 = tpu.vector_load %arg15[%swap3A_530, %swap3A_531] {strides = array<i32>} : memref<80x64xf32, #tpu.memory_space<vmem>>, vector<1x16xf32>,
        %swap3A_533 = vector.shape_cast %swap3A_532 : vector<1x16xf32> to vector<16xf32>
        %swap3A_534 = vector.shape_cast %add3A_529 : vector<16xf32> to vector<1x16xf32>
        tpu.vector_store %arg15[%swap3A_530, %swap3A_531], %swap3A_534 {strides = array<i32>} : memref<80x64xf32, #tpu.memory_space<vmem>>, vector<1x16xf32>,
        %get3A_535 = arith.index_cast %scan3A_474 : i32 to index
        %get3A_536 = arith.constant 32 : index
        %get3A_537 = tpu.vector_load %arg11[%get3A_535, %get3A_536] {strides = array<i32>} : memref<80x128xf32, #tpu.memory_space<vmem>>, vector<1x16xf32>,
        %get3A_538 = vector.shape_cast %get3A_537 : vector<1x16xf32> to vector<16xf32>
        %get3A_539 = arith.index_cast %scan3A_474 : i32 to index
        %get3A_540 = arith.constant 96 : index
        %get3A_541 = tpu.vector_load %arg13[%get3A_539, %get3A_540] {strides = array<i32>} : memref<80x128xf32, #tpu.memory_space<vmem>>, vector<1x16xf32>,
        %get3A_542 = vector.shape_cast %get3A_541 : vector<1x16xf32> to vector<16xf32>
        %add3A_543 = arith.addf %get3A_538, %get3A_542 : vector<16xf32>
        %max3A_544 = arith.constant 0.000000e+00 : f32
        %max3A_545 = vector.broadcast %max3A_544 : f32 to vector<16xf32>
        %max3A_546 = arith.maximumf %add3A_543, %max3A_545 : vector<16xf32>
        %get3A_547 = arith.index_cast %scan3A_474 : i32 to index
        %get3A_548 = arith.constant 96 : index
        %get3A_549 = tpu.vector_load %arg11[%get3A_547, %get3A_548] {strides = array<i32>} : memref<80x128xf32, #tpu.memory_space<vmem>>, vector<1x16xf32>,
        %get3A_550 = vector.shape_cast %get3A_549 : vector<1x16xf32> to vector<16xf32>
        %get3A_551 = arith.index_cast %scan3A_474 : i32 to index
        %get3A_552 = arith.constant 32 : index
        %get3A_553 = tpu.vector_load %arg13[%get3A_551, %get3A_552] {strides = array<i32>} : memref<80x128xf32, #tpu.memory_space<vmem>>, vector<1x16xf32>,
        %get3A_554 = vector.shape_cast %get3A_553 : vector<1x16xf32> to vector<16xf32>
        %add3A_555 = arith.addf %get3A_550, %get3A_554 : vector<16xf32>
        %max3A_556 = arith.constant 0.000000e+00 : f32
        %max3A_557 = vector.broadcast %max3A_556 : f32 to vector<16xf32>
        %max3A_558 = arith.maximumf %add3A_555, %max3A_557 : vector<16xf32>
        %add3A_559 = arith.addf %max3A_546, %max3A_558 : vector<16xf32>
        %swap3A_560 = arith.index_cast %scan3A_474 : i32 to index
        %swap3A_561 = arith.constant 32 : index
        %swap3A_562 = tpu.vector_load %arg15[%swap3A_560, %swap3A_561] {strides = array<i32>} : memref<80x64xf32, #tpu.memory_space<vmem>>, vector<1x16xf32>,
        %swap3A_563 = vector.shape_cast %swap3A_562 : vector<1x16xf32> to vector<16xf32>
        %swap3A_564 = vector.shape_cast %add3A_559 : vector<16xf32> to vector<1x16xf32>
        tpu.vector_store %arg15[%swap3A_560, %swap3A_561], %swap3A_564 {strides = array<i32>} : memref<80x64xf32, #tpu.memory_space<vmem>>, vector<1x16xf32>,
        %get3A_565 = arith.index_cast %scan3A_474 : i32 to index
        %get3A_566 = arith.constant 48 : index
        %get3A_567 = tpu.vector_load %arg11[%get3A_565, %get3A_566] {strides = array<i32>} : memref<80x128xf32, #tpu.memory_space<vmem>>, vector<1x16xf32>,
        %get3A_568 = vector.shape_cast %get3A_567 : vector<1x16xf32> to vector<16xf32>
        %get3A_569 = arith.index_cast %scan3A_474 : i32 to index
        %get3A_570 = arith.constant 112 : index
        %get3A_571 = tpu.vector_load %arg13[%get3A_569, %get3A_570] {strides = array<i32>} : memref<80x128xf32, #tpu.memory_space<vmem>>, vector<1x16xf32>,
        %get3A_572 = vector.shape_cast %get3A_571 : vector<1x16xf32> to vector<16xf32>
        %add3A_573 = arith.addf %get3A_568, %get3A_572 : vector<16xf32>
        %max3A_574 = arith.constant 0.000000e+00 : f32
        %max3A_575 = vector.broadcast %max3A_574 : f32 to vector<16xf32>
        %max3A_576 = arith.maximumf %add3A_573, %max3A_575 : vector<16xf32>
        %get3A_577 = arith.index_cast %scan3A_474 : i32 to index
        %get3A_578 = arith.constant 112 : index
        %get3A_579 = tpu.vector_load %arg11[%get3A_577, %get3A_578] {strides = array<i32>} : memref<80x128xf32, #tpu.memory_space<vmem>>, vector<1x16xf32>,
        %get3A_580 = vector.shape_cast %get3A_579 : vector<1x16xf32> to vector<16xf32>
        %get3A_581 = arith.index_cast %scan3A_474 : i32 to index
        %get3A_582 = arith.constant 48 : index
        %get3A_583 = tpu.vector_load %arg13[%get3A_581, %get3A_582] {strides = array<i32>} : memref<80x128xf32, #tpu.memory_space<vmem>>, vector<1x16xf32>,
        %get3A_584 = vector.shape_cast %get3A_583 : vector<1x16xf32> to vector<16xf32>
        %add3A_585 = arith.addf %get3A_580, %get3A_584 : vector<16xf32>
        %max3A_586 = arith.constant 0.000000e+00 : f32
        %max3A_587 = vector.broadcast %max3A_586 : f32 to vector<16xf32>
        %max3A_588 = arith.maximumf %add3A_585, %max3A_587 : vector<16xf32>
        %add3A_589 = arith.addf %max3A_576, %max3A_588 : vector<16xf32>
        %swap3A_590 = arith.index_cast %scan3A_474 : i32 to index
        %swap3A_591 = arith.constant 48 : index
        %swap3A_592 = tpu.vector_load %arg15[%swap3A_590, %swap3A_591] {strides = array<i32>} : memref<80x64xf32, #tpu.memory_space<vmem>>, vector<1x16xf32>,
        %swap3A_593 = vector.shape_cast %swap3A_592 : vector<1x16xf32> to vector<16xf32>
        %swap3A_594 = vector.shape_cast %add3A_589 : vector<16xf32> to vector<1x16xf32>
        tpu.vector_store %arg15[%swap3A_590, %swap3A_591], %swap3A_594 {strides = array<i32>} : memref<80x64xf32, #tpu.memory_space<vmem>>, vector<1x16xf32>,
        %scan3A_595 = arith.constant 3 : i32
        %scan3A_596 = arith.addi %scan3A_233, %scan3A_595 : i32
        %get3A_597 = arith.index_cast %scan3A_596 : i32 to index
        %get3A_598 = arith.constant 0 : index
        %get3A_599 = tpu.vector_load %arg11[%get3A_597, %get3A_598] {strides = array<i32>} : memref<80x128xf32, #tpu.memory_space<vmem>>, vector<1x16xf32>,
        %get3A_600 = vector.shape_cast %get3A_599 : vector<1x16xf32> to vector<16xf32>
        %get3A_601 = arith.index_cast %scan3A_596 : i32 to index
        %get3A_602 = arith.constant 64 : index
        %get3A_603 = tpu.vector_load %arg13[%get3A_601, %get3A_602] {strides = array<i32>} : memref<80x128xf32, #tpu.memory_space<vmem>>, vector<1x16xf32>,
        %get3A_604 = vector.shape_cast %get3A_603 : vector<1x16xf32> to vector<16xf32>
        %add3A_605 = arith.addf %get3A_600, %get3A_604 : vector<16xf32>
        %max3A_606 = arith.constant 0.000000e+00 : f32
        %max3A_607 = vector.broadcast %max3A_606 : f32 to vector<16xf32>
        %max3A_608 = arith.maximumf %add3A_605, %max3A_607 : vector<16xf32>
        %get3A_609 = arith.index_cast %scan3A_596 : i32 to index
        %get3A_610 = arith.constant 64 : index
        %get3A_611 = tpu.vector_load %arg11[%get3A_609, %get3A_610] {strides = array<i32>} : memref<80x128xf32, #tpu.memory_space<vmem>>, vector<1x16xf32>,
        %get3A_612 = vector.shape_cast %get3A_611 : vector<1x16xf32> to vector<16xf32>
        %get3A_613 = arith.index_cast %scan3A_596 : i32 to index
        %get3A_614 = arith.constant 0 : index
        %get3A_615 = tpu.vector_load %arg13[%get3A_613, %get3A_614] {strides = array<i32>} : memref<80x128xf32, #tpu.memory_space<vmem>>, vector<1x16xf32>,
        %get3A_616 = vector.shape_cast %get3A_615 : vector<1x16xf32> to vector<16xf32>
        %add3A_617 = arith.addf %get3A_612, %get3A_616 : vector<16xf32>
        %max3A_618 = arith.constant 0.000000e+00 : f32
        %max3A_619 = vector.broadcast %max3A_618 : f32 to vector<16xf32>
        %max3A_620 = arith.maximumf %add3A_617, %max3A_619 : vector<16xf32>
        %add3A_621 = arith.addf %max3A_608, %max3A_620 : vector<16xf32>
        %swap3A_622 = arith.index_cast %scan3A_596 : i32 to index
        %swap3A_623 = arith.constant 0 : index
        %swap3A_624 = tpu.vector_load %arg15[%swap3A_622, %swap3A_623] {strides = array<i32>} : memref<80x64xf32, #tpu.memory_space<vmem>>, vector<1x16xf32>,
        %swap3A_625 = vector.shape_cast %swap3A_624 : vector<1x16xf32> to vector<16xf32>
        %swap3A_626 = vector.shape_cast %add3A_621 : vector<16xf32> to vector<1x16xf32>
        tpu.vector_store %arg15[%swap3A_622, %swap3A_623], %swap3A_626 {strides = array<i32>} : memref<80x64xf32, #tpu.memory_space<vmem>>, vector<1x16xf32>,
        %get3A_627 = arith.index_cast %scan3A_596 : i32 to index
        %get3A_628 = arith.constant 16 : index
        %get3A_629 = tpu.vector_load %arg11[%get3A_627, %get3A_628] {strides = array<i32>} : memref<80x128xf32, #tpu.memory_space<vmem>>, vector<1x16xf32>,
        %get3A_630 = vector.shape_cast %get3A_629 : vector<1x16xf32> to vector<16xf32>
        %get3A_631 = arith.index_cast %scan3A_596 : i32 to index
        %get3A_632 = arith.constant 80 : index
        %get3A_633 = tpu.vector_load %arg13[%get3A_631, %get3A_632] {strides = array<i32>} : memref<80x128xf32, #tpu.memory_space<vmem>>, vector<1x16xf32>,
        %get3A_634 = vector.shape_cast %get3A_633 : vector<1x16xf32> to vector<16xf32>
        %add3A_635 = arith.addf %get3A_630, %get3A_634 : vector<16xf32>
        %max3A_636 = arith.constant 0.000000e+00 : f32
        %max3A_637 = vector.broadcast %max3A_636 : f32 to vector<16xf32>
        %max3A_638 = arith.maximumf %add3A_635, %max3A_637 : vector<16xf32>
        %get3A_639 = arith.index_cast %scan3A_596 : i32 to index
        %get3A_640 = arith.constant 80 : index
        %get3A_641 = tpu.vector_load %arg11[%get3A_639, %get3A_640] {strides = array<i32>} : memref<80x128xf32, #tpu.memory_space<vmem>>, vector<1x16xf32>,
        %get3A_642 = vector.shape_cast %get3A_641 : vector<1x16xf32> to vector<16xf32>
        %get3A_643 = arith.index_cast %scan3A_596 : i32 to index
        %get3A_644 = arith.constant 16 : index
        %get3A_645 = tpu.vector_load %arg13[%get3A_643, %get3A_644] {strides = array<i32>} : memref<80x128xf32, #tpu.memory_space<vmem>>, vector<1x16xf32>,
        %get3A_646 = vector.shape_cast %get3A_645 : vector<1x16xf32> to vector<16xf32>
        %add3A_647 = arith.addf %get3A_642, %get3A_646 : vector<16xf32>
        %max3A_648 = arith.constant 0.000000e+00 : f32
        %max3A_649 = vector.broadcast %max3A_648 : f32 to vector<16xf32>
        %max3A_650 = arith.maximumf %add3A_647, %max3A_649 : vector<16xf32>
        %add3A_651 = arith.addf %max3A_638, %max3A_650 : vector<16xf32>
        %swap3A_652 = arith.index_cast %scan3A_596 : i32 to index
        %swap3A_653 = arith.constant 16 : index
        %swap3A_654 = tpu.vector_load %arg15[%swap3A_652, %swap3A_653] {strides = array<i32>} : memref<80x64xf32, #tpu.memory_space<vmem>>, vector<1x16xf32>,
        %swap3A_655 = vector.shape_cast %swap3A_654 : vector<1x16xf32> to vector<16xf32>
        %swap3A_656 = vector.shape_cast %add3A_651 : vector<16xf32> to vector<1x16xf32>
        tpu.vector_store %arg15[%swap3A_652, %swap3A_653], %swap3A_656 {strides = array<i32>} : memref<80x64xf32, #tpu.memory_space<vmem>>, vector<1x16xf32>,
        %get3A_657 = arith.index_cast %scan3A_596 : i32 to index
        %get3A_658 = arith.constant 32 : index
        %get3A_659 = tpu.vector_load %arg11[%get3A_657, %get3A_658] {strides = array<i32>} : memref<80x128xf32, #tpu.memory_space<vmem>>, vector<1x16xf32>,
        %get3A_660 = vector.shape_cast %get3A_659 : vector<1x16xf32> to vector<16xf32>
        %get3A_661 = arith.index_cast %scan3A_596 : i32 to index
        %get3A_662 = arith.constant 96 : index
        %get3A_663 = tpu.vector_load %arg13[%get3A_661, %get3A_662] {strides = array<i32>} : memref<80x128xf32, #tpu.memory_space<vmem>>, vector<1x16xf32>,
        %get3A_664 = vector.shape_cast %get3A_663 : vector<1x16xf32> to vector<16xf32>
        %add3A_665 = arith.addf %get3A_660, %get3A_664 : vector<16xf32>
        %max3A_666 = arith.constant 0.000000e+00 : f32
        %max3A_667 = vector.broadcast %max3A_666 : f32 to vector<16xf32>
        %max3A_668 = arith.maximumf %add3A_665, %max3A_667 : vector<16xf32>
        %get3A_669 = arith.index_cast %scan3A_596 : i32 to index
        %get3A_670 = arith.constant 96 : index
        %get3A_671 = tpu.vector_load %arg11[%get3A_669, %get3A_670] {strides = array<i32>} : memref<80x128xf32, #tpu.memory_space<vmem>>, vector<1x16xf32>,
        %get3A_672 = vector.shape_cast %get3A_671 : vector<1x16xf32> to vector<16xf32>
        %get3A_673 = arith.index_cast %scan3A_596 : i32 to index
        %get3A_674 = arith.constant 32 : index
        %get3A_675 = tpu.vector_load %arg13[%get3A_673, %get3A_674] {strides = array<i32>} : memref<80x128xf32, #tpu.memory_space<vmem>>, vector<1x16xf32>,
        %get3A_676 = vector.shape_cast %get3A_675 : vector<1x16xf32> to vector<16xf32>
        %add3A_677 = arith.addf %get3A_672, %get3A_676 : vector<16xf32>
        %max3A_678 = arith.constant 0.000000e+00 : f32
        %max3A_679 = vector.broadcast %max3A_678 : f32 to vector<16xf32>
        %max3A_680 = arith.maximumf %add3A_677, %max3A_679 : vector<16xf32>
        %add3A_681 = arith.addf %max3A_668, %max3A_680 : vector<16xf32>
        %swap3A_682 = arith.index_cast %scan3A_596 : i32 to index
        %swap3A_683 = arith.constant 32 : index
        %swap3A_684 = tpu.vector_load %arg15[%swap3A_682, %swap3A_683] {strides = array<i32>} : memref<80x64xf32, #tpu.memory_space<vmem>>, vector<1x16xf32>,
        %swap3A_685 = vector.shape_cast %swap3A_684 : vector<1x16xf32> to vector<16xf32>
        %swap3A_686 = vector.shape_cast %add3A_681 : vector<16xf32> to vector<1x16xf32>
        tpu.vector_store %arg15[%swap3A_682, %swap3A_683], %swap3A_686 {strides = array<i32>} : memref<80x64xf32, #tpu.memory_space<vmem>>, vector<1x16xf32>,
        %get3A_687 = arith.index_cast %scan3A_596 : i32 to index
        %get3A_688 = arith.constant 48 : index
        %get3A_689 = tpu.vector_load %arg11[%get3A_687, %get3A_688] {strides = array<i32>} : memref<80x128xf32, #tpu.memory_space<vmem>>, vector<1x16xf32>,
        %get3A_690 = vector.shape_cast %get3A_689 : vector<1x16xf32> to vector<16xf32>
        %get3A_691 = arith.index_cast %scan3A_596 : i32 to index
        %get3A_692 = arith.constant 112 : index
        %get3A_693 = tpu.vector_load %arg13[%get3A_691, %get3A_692] {strides = array<i32>} : memref<80x128xf32, #tpu.memory_space<vmem>>, vector<1x16xf32>,
        %get3A_694 = vector.shape_cast %get3A_693 : vector<1x16xf32> to vector<16xf32>
        %add3A_695 = arith.addf %get3A_690, %get3A_694 : vector<16xf32>
        %max3A_696 = arith.constant 0.000000e+00 : f32
        %max3A_697 = vector.broadcast %max3A_696 : f32 to vector<16xf32>
        %max3A_698 = arith.maximumf %add3A_695, %max3A_697 : vector<16xf32>
        %get3A_699 = arith.index_cast %scan3A_596 : i32 to index
        %get3A_700 = arith.constant 112 : index
        %get3A_701 = tpu.vector_load %arg11[%get3A_699, %get3A_700] {strides = array<i32>} : memref<80x128xf32, #tpu.memory_space<vmem>>, vector<1x16xf32>,
        %get3A_702 = vector.shape_cast %get3A_701 : vector<1x16xf32> to vector<16xf32>
        %get3A_703 = arith.index_cast %scan3A_596 : i32 to index
        %get3A_704 = arith.constant 48 : index
        %get3A_705 = tpu.vector_load %arg13[%get3A_703, %get3A_704] {strides = array<i32>} : memref<80x128xf32, #tpu.memory_space<vmem>>, vector<1x16xf32>,
        %get3A_706 = vector.shape_cast %get3A_705 : vector<1x16xf32> to vector<16xf32>
        %add3A_707 = arith.addf %get3A_702, %get3A_706 : vector<16xf32>
        %max3A_708 = arith.constant 0.000000e+00 : f32
        %max3A_709 = vector.broadcast %max3A_708 : f32 to vector<16xf32>
        %max3A_710 = arith.maximumf %add3A_707, %max3A_709 : vector<16xf32>
        %add3A_711 = arith.addf %max3A_698, %max3A_710 : vector<16xf32>
        %swap3A_712 = arith.index_cast %scan3A_596 : i32 to index
        %swap3A_713 = arith.constant 48 : index
        %swap3A_714 = tpu.vector_load %arg15[%swap3A_712, %swap3A_713] {strides = array<i32>} : memref<80x64xf32, #tpu.memory_space<vmem>>, vector<1x16xf32>,
        %swap3A_715 = vector.shape_cast %swap3A_714 : vector<1x16xf32> to vector<16xf32>
        %swap3A_716 = vector.shape_cast %add3A_711 : vector<16xf32> to vector<1x16xf32>
        tpu.vector_store %arg15[%swap3A_712, %swap3A_713], %swap3A_716 {strides = array<i32>} : memref<80x64xf32, #tpu.memory_space<vmem>>, vector<1x16xf32>,
      }
      %scan3A_217 = arith.constant 80 : i32
      %dma_start3A_218 = arith.constant 0 : i32
      %dma_start3A_219 = arith.constant 0 : i32
      %dma_start3A_220 = tpu.memref_slice %arg5[%add3A, %add3A_178, %dma_start3A_218, %dma_start3A_219] : memref<32x125x80x64xf32, #tpu.memory_space<hbm>> -> memref<1x1x80x64xf32, #tpu.memory_space<hbm>>
      %dma_start3A_221 = tpu.memref_squeeze %dma_start3A_220 : memref<1x1x80x64xf32, #tpu.memory_space<hbm>> -> memref<80x64xf32, #tpu.memory_space<hbm>>
      %dma_start3A_222 = arith.constant 0 : i32
      %dma_start3A_223 = arith.constant 0 : i32
      %dma_start3A_224 = tpu.memref_slice %arg5[%add3A, %add3A_178, %dma_start3A_222, %dma_start3A_223] : memref<32x125x80x64xf32, #tpu.memory_space<hbm>> -> memref<1x1x80x64xf32, #tpu.memory_space<hbm>>
      %dma_start3A_225 = tpu.memref_squeeze %dma_start3A_224 : memref<1x1x80x64xf32, #tpu.memory_space<hbm>> -> memref<80x64xf32, #tpu.memory_space<hbm>>
      tpu.enqueue_dma source(%arg15 : memref<80x64xf32, #tpu.memory_space<vmem>>) target(%dma_start3A_225 : memref<80x64xf32, #tpu.memory_space<hbm>>) target_semaphore(%arg21 : memref<!tpu.dma_semaphore, #tpu.memory_space<semaphore_mem>>)
      %add3A_226 = arith.constant 2 : i32
      %add3A_227 = arith.addi %add3A_178, %add3A_226 : i32
      %le3A_228 = arith.constant 124 : i32
      %le3A_229 = arith.cmpi sle, %add3A_227, %le3A_228 : i32
      %convert_element_type3A_230 = arith.extui %le3A_229 : i1 to i32
      %cond3A_231 = arith.constant 0 : i32
      %cond3A_232 = arith.cmpi ne, %convert_element_type3A_230, %cond3A_231 : i32
      scf.if %cond3A_232 {
        %add3A_233 = arith.constant 2 : i32
        %add3A_234 = arith.addi %add3A_178, %add3A_233 : i32
        %dma_wait3A_235 = arith.constant 0 : i32
        %dma_wait3A_236 = tpu.memref_slice %arg3[%add3A, %add3A_234, %dma_wait3A_235] : memref<32x125x80xi32, #tpu.memory_space<hbm>> -> memref<1x1x80xi32, #tpu.memory_space<hbm>>
        %dma_wait3A_237 = tpu.memref_squeeze %dma_wait3A_236 : memref<1x1x80xi32, #tpu.memory_space<hbm>> -> memref<1x80xi32, #tpu.memory_space<hbm>>
        %dma_wait3A_238 = arith.constant 0 : i32
        %dma_wait3A_239 = tpu.memref_slice %arg3[%add3A, %add3A_234, %dma_wait3A_238] : memref<32x125x80xi32, #tpu.memory_space<hbm>> -> memref<1x1x80xi32, #tpu.memory_space<hbm>>
        %dma_wait3A_240 = tpu.memref_squeeze %dma_wait3A_239 : memref<1x1x80xi32, #tpu.memory_space<hbm>> -> memref<1x80xi32, #tpu.memory_space<hbm>>
        tpu.wait_dma2 semaphore(%arg19 : memref<!tpu.dma_semaphore, #tpu.memory_space<semaphore_mem>>) src(%dma_wait3A_240 : memref<1x80xi32, #tpu.memory_space<hbm>>) dst(%arg7 : memref<1x80xi32, #tpu.memory_space<vmem>>)
        %dma_wait3A_241 = arith.constant 0 : i32
        %dma_wait3A_242 = tpu.memref_slice %arg4[%add3A, %add3A_234, %dma_wait3A_241] : memref<32x125x80xi32, #tpu.memory_space<hbm>> -> memref<1x1x80xi32, #tpu.memory_space<hbm>>
        %dma_wait3A_243 = tpu.memref_squeeze %dma_wait3A_242 : memref<1x1x80xi32, #tpu.memory_space<hbm>> -> memref<1x80xi32, #tpu.memory_space<hbm>>
        %dma_wait3A_244 = arith.constant 0 : i32
        %dma_wait3A_245 = tpu.memref_slice %arg4[%add3A, %add3A_234, %dma_wait3A_244] : memref<32x125x80xi32, #tpu.memory_space<hbm>> -> memref<1x1x80xi32, #tpu.memory_space<hbm>>
        %dma_wait3A_246 = tpu.memref_squeeze %dma_wait3A_245 : memref<1x1x80xi32, #tpu.memory_space<hbm>> -> memref<1x80xi32, #tpu.memory_space<hbm>>
        tpu.wait_dma2 semaphore(%arg19 : memref<!tpu.dma_semaphore, #tpu.memory_space<semaphore_mem>>) src(%dma_wait3A_246 : memref<1x80xi32, #tpu.memory_space<hbm>>) dst(%arg9 : memref<1x80xi32, #tpu.memory_space<vmem>>)
      } else {
      }
    }
    %scan3A_81 = arith.constant 62 : i32
    %dma_wait3A_82 = arith.constant 0 : i32
    %dma_wait3A_83 = arith.constant 0 : i32
    %dma_wait3A_84 = tpu.memref_slice %arg6[%dma_wait3A_82, %dma_wait3A_83] : memref<1x80xi32, #tpu.memory_space<vmem>> -> memref<1x80xi32, #tpu.memory_space<vmem>>
    %dma_wait3A_85 = tpu.memref_squeeze %dma_wait3A_84 : memref<1x80xi32, #tpu.memory_space<vmem>> -> memref<80xi32, #tpu.memory_space<vmem>>
    %dma_wait3A_86 = arith.constant 0 : i32
    %dma_wait3A_87 = arith.constant 0 : i32
    %dma_wait3A_88 = tpu.memref_slice %arg2[%dma_wait3A_86, %dma_wait3A_87] : memref<10000x128xf32, #tpu.memory_space<hbm>> -> memref<10000x128xf32, #tpu.memory_space<hbm>>
    tpu.wait_indirect_dma semaphore(%arg16 : memref<!tpu.dma_semaphore, #tpu.memory_space<semaphore_mem>>) src(%dma_wait3A_88 : memref<10000x128xf32, #tpu.memory_space<hbm>>) dst(%arg10 : memref<80x128xf32, #tpu.memory_space<vmem>>)
    %dma_wait3A_89 = arith.constant 0 : i32
    %dma_wait3A_90 = arith.constant 0 : i32
    %dma_wait3A_91 = tpu.memref_slice %arg8[%dma_wait3A_89, %dma_wait3A_90] : memref<1x80xi32, #tpu.memory_space<vmem>> -> memref<1x80xi32, #tpu.memory_space<vmem>>
    %dma_wait3A_92 = tpu.memref_squeeze %dma_wait3A_91 : memref<1x80xi32, #tpu.memory_space<vmem>> -> memref<80xi32, #tpu.memory_space<vmem>>
    %dma_wait3A_93 = arith.constant 0 : i32
    %dma_wait3A_94 = arith.constant 0 : i32
    %dma_wait3A_95 = tpu.memref_slice %arg2[%dma_wait3A_93, %dma_wait3A_94] : memref<10000x128xf32, #tpu.memory_space<hbm>> -> memref<10000x128xf32, #tpu.memory_space<hbm>>
    tpu.wait_indirect_dma semaphore(%arg16 : memref<!tpu.dma_semaphore, #tpu.memory_space<semaphore_mem>>) src(%dma_wait3A_95 : memref<10000x128xf32, #tpu.memory_space<hbm>>) dst(%arg12 : memref<80x128xf32, #tpu.memory_space<vmem>>)
    %dma_wait3A_96 = arith.constant 0 : i32
    %dma_wait3A_97 = arith.constant 0 : i32
    %dma_wait3A_98 = arith.constant 0 : i32
    %dma_wait3A_99 = tpu.memref_slice %arg5[%add3A, %dma_wait3A_96, %dma_wait3A_97, %dma_wait3A_98] : memref<32x125x80x64xf32, #tpu.memory_space<hbm>> -> memref<1x1x80x64xf32, #tpu.memory_space<hbm>>
    %dma_wait3A_100 = tpu.memref_squeeze %dma_wait3A_99 : memref<1x1x80x64xf32, #tpu.memory_space<hbm>> -> memref<80x64xf32, #tpu.memory_space<hbm>>
    %dma_wait3A_101 = arith.constant 0 : i32
    %dma_wait3A_102 = arith.constant 0 : i32
    %dma_wait3A_103 = tpu.memref_slice %arg5[%add3A, %dma_wait3A_96, %dma_wait3A_101, %dma_wait3A_102] : memref<32x125x80x64xf32, #tpu.memory_space<hbm>> -> memref<1x1x80x64xf32, #tpu.memory_space<hbm>>
    %dma_wait3A_104 = tpu.memref_squeeze %dma_wait3A_103 : memref<1x1x80x64xf32, #tpu.memory_space<hbm>> -> memref<80x64xf32, #tpu.memory_space<hbm>>
    tpu.wait_dma2 semaphore(%arg20 : memref<!tpu.dma_semaphore, #tpu.memory_space<semaphore_mem>>) src(%arg14 : memref<80x64xf32, #tpu.memory_space<vmem>>) dst(%dma_wait3A_104 : memref<80x64xf32, #tpu.memory_space<hbm>>)
    %scan3A_105 = arith.constant 0 : i32
    %scan3A_106 = arith.constant 0 : i32
    %scan3A_107 = arith.constant 80 : i32
    %scan3A_108 = arith.addi %scan3A_106, %scan3A_107 : i32
    %scan3A_109 = arith.constant 4 : i32
    scf.for %scan3A_120 = %scan3A_106 to %scan3A_108 step %scan3A_109  : i32 {
      %get3A = arith.index_cast %scan3A_120 : i32 to index
      %get3A_121 = arith.constant 0 : index
      %get3A_122 = tpu.vector_load %arg10[%get3A, %get3A_121] {strides = array<i32>} : memref<80x128xf32, #tpu.memory_space<vmem>>, vector<1x16xf32>,
      %get3A_123 = vector.shape_cast %get3A_122 : vector<1x16xf32> to vector<16xf32>
      %get3A_124 = arith.index_cast %scan3A_120 : i32 to index
      %get3A_125 = arith.constant 64 : index
      %get3A_126 = tpu.vector_load %arg12[%get3A_124, %get3A_125] {strides = array<i32>} : memref<80x128xf32, #tpu.memory_space<vmem>>, vector<1x16xf32>,
      %get3A_127 = vector.shape_cast %get3A_126 : vector<1x16xf32> to vector<16xf32>
      %add3A_128 = arith.addf %get3A_123, %get3A_127 : vector<16xf32>
      %max3A = arith.constant 0.000000e+00 : f32
      %max3A_129 = vector.broadcast %max3A : f32 to vector<16xf32>
      %max3A_130 = arith.maximumf %add3A_128, %max3A_129 : vector<16xf32>
      %get3A_131 = arith.index_cast %scan3A_120 : i32 to index
      %get3A_132 = arith.constant 64 : index
      %get3A_133 = tpu.vector_load %arg10[%get3A_131, %get3A_132] {strides = array<i32>} : memref<80x128xf32, #tpu.memory_space<vmem>>, vector<1x16xf32>,
      %get3A_134 = vector.shape_cast %get3A_133 : vector<1x16xf32> to vector<16xf32>
      %get3A_135 = arith.index_cast %scan3A_120 : i32 to index
      %get3A_136 = arith.constant 0 : index
      %get3A_137 = tpu.vector_load %arg12[%get3A_135, %get3A_136] {strides = array<i32>} : memref<80x128xf32, #tpu.memory_space<vmem>>, vector<1x16xf32>,
      %get3A_138 = vector.shape_cast %get3A_137 : vector<1x16xf32> to vector<16xf32>
      %add3A_139 = arith.addf %get3A_134, %get3A_138 : vector<16xf32>
      %max3A_140 = arith.constant 0.000000e+00 : f32
      %max3A_141 = vector.broadcast %max3A_140 : f32 to vector<16xf32>
      %max3A_142 = arith.maximumf %add3A_139, %max3A_141 : vector<16xf32>
      %add3A_143 = arith.addf %max3A_130, %max3A_142 : vector<16xf32>
      %swap3A = arith.index_cast %scan3A_120 : i32 to index
      %swap3A_144 = arith.constant 0 : index
      %swap3A_145 = tpu.vector_load %arg14[%swap3A, %swap3A_144] {strides = array<i32>} : memref<80x64xf32, #tpu.memory_space<vmem>>, vector<1x16xf32>,
      %swap3A_146 = vector.shape_cast %swap3A_145 : vector<1x16xf32> to vector<16xf32>
      %swap3A_147 = vector.shape_cast %add3A_143 : vector<16xf32> to vector<1x16xf32>
      tpu.vector_store %arg14[%swap3A, %swap3A_144], %swap3A_147 {strides = array<i32>} : memref<80x64xf32, #tpu.memory_space<vmem>>, vector<1x16xf32>,
      %get3A_148 = arith.index_cast %scan3A_120 : i32 to index
      %get3A_149 = arith.constant 16 : index
      %get3A_150 = tpu.vector_load %arg10[%get3A_148, %get3A_149] {strides = array<i32>} : memref<80x128xf32, #tpu.memory_space<vmem>>, vector<1x16xf32>,
      %get3A_151 = vector.shape_cast %get3A_150 : vector<1x16xf32> to vector<16xf32>
      %get3A_152 = arith.index_cast %scan3A_120 : i32 to index
      %get3A_153 = arith.constant 80 : index
      %get3A_154 = tpu.vector_load %arg12[%get3A_152, %get3A_153] {strides = array<i32>} : memref<80x128xf32, #tpu.memory_space<vmem>>, vector<1x16xf32>,
      %get3A_155 = vector.shape_cast %get3A_154 : vector<1x16xf32> to vector<16xf32>
      %add3A_156 = arith.addf %get3A_151, %get3A_155 : vector<16xf32>
      %max3A_157 = arith.constant 0.000000e+00 : f32
      %max3A_158 = vector.broadcast %max3A_157 : f32 to vector<16xf32>
      %max3A_159 = arith.maximumf %add3A_156, %max3A_158 : vector<16xf32>
      %get3A_160 = arith.index_cast %scan3A_120 : i32 to index
      %get3A_161 = arith.constant 80 : index
      %get3A_162 = tpu.vector_load %arg10[%get3A_160, %get3A_161] {strides = array<i32>} : memref<80x128xf32, #tpu.memory_space<vmem>>, vector<1x16xf32>,
      %get3A_163 = vector.shape_cast %get3A_162 : vector<1x16xf32> to vector<16xf32>
      %get3A_164 = arith.index_cast %scan3A_120 : i32 to index
      %get3A_165 = arith.constant 16 : index
      %get3A_166 = tpu.vector_load %arg12[%get3A_164, %get3A_165] {strides = array<i32>} : memref<80x128xf32, #tpu.memory_space<vmem>>, vector<1x16xf32>,
      %get3A_167 = vector.shape_cast %get3A_166 : vector<1x16xf32> to vector<16xf32>
      %add3A_168 = arith.addf %get3A_163, %get3A_167 : vector<16xf32>
      %max3A_169 = arith.constant 0.000000e+00 : f32
      %max3A_170 = vector.broadcast %max3A_169 : f32 to vector<16xf32>
      %max3A_171 = arith.maximumf %add3A_168, %max3A_170 : vector<16xf32>
      %add3A_172 = arith.addf %max3A_159, %max3A_171 : vector<16xf32>
      %swap3A_173 = arith.index_cast %scan3A_120 : i32 to index
      %swap3A_174 = arith.constant 16 : index
      %swap3A_175 = tpu.vector_load %arg14[%swap3A_173, %swap3A_174] {strides = array<i32>} : memref<80x64xf32, #tpu.memory_space<vmem>>, vector<1x16xf32>,
      %swap3A_176 = vector.shape_cast %swap3A_175 : vector<1x16xf32> to vector<16xf32>
      %swap3A_177 = vector.shape_cast %add3A_172 : vector<16xf32> to vector<1x16xf32>
      tpu.vector_store %arg14[%swap3A_173, %swap3A_174], %swap3A_177 {strides = array<i32>} : memref<80x64xf32, #tpu.memory_space<vmem>>, vector<1x16xf32>,
      %get3A_178 = arith.index_cast %scan3A_120 : i32 to index
      %get3A_179 = arith.constant 32 : index
      %get3A_180 = tpu.vector_load %arg10[%get3A_178, %get3A_179] {strides = array<i32>} : memref<80x128xf32, #tpu.memory_space<vmem>>, vector<1x16xf32>,
      %get3A_181 = vector.shape_cast %get3A_180 : vector<1x16xf32> to vector<16xf32>
      %get3A_182 = arith.index_cast %scan3A_120 : i32 to index
      %get3A_183 = arith.constant 96 : index
      %get3A_184 = tpu.vector_load %arg12[%get3A_182, %get3A_183] {strides = array<i32>} : memref<80x128xf32, #tpu.memory_space<vmem>>, vector<1x16xf32>,
      %get3A_185 = vector.shape_cast %get3A_184 : vector<1x16xf32> to vector<16xf32>
      %add3A_186 = arith.addf %get3A_181, %get3A_185 : vector<16xf32>
      %max3A_187 = arith.constant 0.000000e+00 : f32
      %max3A_188 = vector.broadcast %max3A_187 : f32 to vector<16xf32>
      %max3A_189 = arith.maximumf %add3A_186, %max3A_188 : vector<16xf32>
      %get3A_190 = arith.index_cast %scan3A_120 : i32 to index
      %get3A_191 = arith.constant 96 : index
      %get3A_192 = tpu.vector_load %arg10[%get3A_190, %get3A_191] {strides = array<i32>} : memref<80x128xf32, #tpu.memory_space<vmem>>, vector<1x16xf32>,
      %get3A_193 = vector.shape_cast %get3A_192 : vector<1x16xf32> to vector<16xf32>
      %get3A_194 = arith.index_cast %scan3A_120 : i32 to index
      %get3A_195 = arith.constant 32 : index
      %get3A_196 = tpu.vector_load %arg12[%get3A_194, %get3A_195] {strides = array<i32>} : memref<80x128xf32, #tpu.memory_space<vmem>>, vector<1x16xf32>,
      %get3A_197 = vector.shape_cast %get3A_196 : vector<1x16xf32> to vector<16xf32>
      %add3A_198 = arith.addf %get3A_193, %get3A_197 : vector<16xf32>
      %max3A_199 = arith.constant 0.000000e+00 : f32
      %max3A_200 = vector.broadcast %max3A_199 : f32 to vector<16xf32>
      %max3A_201 = arith.maximumf %add3A_198, %max3A_200 : vector<16xf32>
      %add3A_202 = arith.addf %max3A_189, %max3A_201 : vector<16xf32>
      %swap3A_203 = arith.index_cast %scan3A_120 : i32 to index
      %swap3A_204 = arith.constant 32 : index
      %swap3A_205 = tpu.vector_load %arg14[%swap3A_203, %swap3A_204] {strides = array<i32>} : memref<80x64xf32, #tpu.memory_space<vmem>>, vector<1x16xf32>,
      %swap3A_206 = vector.shape_cast %swap3A_205 : vector<1x16xf32> to vector<16xf32>
      %swap3A_207 = vector.shape_cast %add3A_202 : vector<16xf32> to vector<1x16xf32>
      tpu.vector_store %arg14[%swap3A_203, %swap3A_204], %swap3A_207 {strides = array<i32>} : memref<80x64xf32, #tpu.memory_space<vmem>>, vector<1x16xf32>,
      %get3A_208 = arith.index_cast %scan3A_120 : i32 to index
      %get3A_209 = arith.constant 48 : index
      %get3A_210 = tpu.vector_load %arg10[%get3A_208, %get3A_209] {strides = array<i32>} : memref<80x128xf32, #tpu.memory_space<vmem>>, vector<1x16xf32>,
      %get3A_211 = vector.shape_cast %get3A_210 : vector<1x16xf32> to vector<16xf32>
      %get3A_212 = arith.index_cast %scan3A_120 : i32 to index
      %get3A_213 = arith.constant 112 : index
      %get3A_214 = tpu.vector_load %arg12[%get3A_212, %get3A_213] {strides = array<i32>} : memref<80x128xf32, #tpu.memory_space<vmem>>, vector<1x16xf32>,
      %get3A_215 = vector.shape_cast %get3A_214 : vector<1x16xf32> to vector<16xf32>
      %add3A_216 = arith.addf %get3A_211, %get3A_215 : vector<16xf32>
      %max3A_217 = arith.constant 0.000000e+00 : f32
      %max3A_218 = vector.broadcast %max3A_217 : f32 to vector<16xf32>
      %max3A_219 = arith.maximumf %add3A_216, %max3A_218 : vector<16xf32>
      %get3A_220 = arith.index_cast %scan3A_120 : i32 to index
      %get3A_221 = arith.constant 112 : index
      %get3A_222 = tpu.vector_load %arg10[%get3A_220, %get3A_221] {strides = array<i32>} : memref<80x128xf32, #tpu.memory_space<vmem>>, vector<1x16xf32>,
      %get3A_223 = vector.shape_cast %get3A_222 : vector<1x16xf32> to vector<16xf32>
      %get3A_224 = arith.index_cast %scan3A_120 : i32 to index
      %get3A_225 = arith.constant 48 : index
      %get3A_226 = tpu.vector_load %arg12[%get3A_224, %get3A_225] {strides = array<i32>} : memref<80x128xf32, #tpu.memory_space<vmem>>, vector<1x16xf32>,
      %get3A_227 = vector.shape_cast %get3A_226 : vector<1x16xf32> to vector<16xf32>
      %add3A_228 = arith.addf %get3A_223, %get3A_227 : vector<16xf32>
      %max3A_229 = arith.constant 0.000000e+00 : f32
      %max3A_230 = vector.broadcast %max3A_229 : f32 to vector<16xf32>
      %max3A_231 = arith.maximumf %add3A_228, %max3A_230 : vector<16xf32>
      %add3A_232 = arith.addf %max3A_219, %max3A_231 : vector<16xf32>
      %swap3A_233 = arith.index_cast %scan3A_120 : i32 to index
      %swap3A_234 = arith.constant 48 : index
      %swap3A_235 = tpu.vector_load %arg14[%swap3A_233, %swap3A_234] {strides = array<i32>} : memref<80x64xf32, #tpu.memory_space<vmem>>, vector<1x16xf32>,
      %swap3A_236 = vector.shape_cast %swap3A_235 : vector<1x16xf32> to vector<16xf32>
      %swap3A_237 = vector.shape_cast %add3A_232 : vector<16xf32> to vector<1x16xf32>
      tpu.vector_store %arg14[%swap3A_233, %swap3A_234], %swap3A_237 {strides = array<i32>} : memref<80x64xf32, #tpu.memory_space<vmem>>, vector<1x16xf32>,
      %scan3A_238 = arith.constant 1 : i32
      %scan3A_239 = arith.addi %scan3A_120, %scan3A_238 : i32
      %get3A_240 = arith.index_cast %scan3A_239 : i32 to index
      %get3A_241 = arith.constant 0 : index
      %get3A_242 = tpu.vector_load %arg10[%get3A_240, %get3A_241] {strides = array<i32>} : memref<80x128xf32, #tpu.memory_space<vmem>>, vector<1x16xf32>,
      %get3A_243 = vector.shape_cast %get3A_242 : vector<1x16xf32> to vector<16xf32>
      %get3A_244 = arith.index_cast %scan3A_239 : i32 to index
      %get3A_245 = arith.constant 64 : index
      %get3A_246 = tpu.vector_load %arg12[%get3A_244, %get3A_245] {strides = array<i32>} : memref<80x128xf32, #tpu.memory_space<vmem>>, vector<1x16xf32>,
      %get3A_247 = vector.shape_cast %get3A_246 : vector<1x16xf32> to vector<16xf32>
      %add3A_248 = arith.addf %get3A_243, %get3A_247 : vector<16xf32>
      %max3A_249 = arith.constant 0.000000e+00 : f32
      %max3A_250 = vector.broadcast %max3A_249 : f32 to vector<16xf32>
      %max3A_251 = arith.maximumf %add3A_248, %max3A_250 : vector<16xf32>
      %get3A_252 = arith.index_cast %scan3A_239 : i32 to index
      %get3A_253 = arith.constant 64 : index
      %get3A_254 = tpu.vector_load %arg10[%get3A_252, %get3A_253] {strides = array<i32>} : memref<80x128xf32, #tpu.memory_space<vmem>>, vector<1x16xf32>,
      %get3A_255 = vector.shape_cast %get3A_254 : vector<1x16xf32> to vector<16xf32>
      %get3A_256 = arith.index_cast %scan3A_239 : i32 to index
      %get3A_257 = arith.constant 0 : index
      %get3A_258 = tpu.vector_load %arg12[%get3A_256, %get3A_257] {strides = array<i32>} : memref<80x128xf32, #tpu.memory_space<vmem>>, vector<1x16xf32>,
      %get3A_259 = vector.shape_cast %get3A_258 : vector<1x16xf32> to vector<16xf32>
      %add3A_260 = arith.addf %get3A_255, %get3A_259 : vector<16xf32>
      %max3A_261 = arith.constant 0.000000e+00 : f32
      %max3A_262 = vector.broadcast %max3A_261 : f32 to vector<16xf32>
      %max3A_263 = arith.maximumf %add3A_260, %max3A_262 : vector<16xf32>
      %add3A_264 = arith.addf %max3A_251, %max3A_263 : vector<16xf32>
      %swap3A_265 = arith.index_cast %scan3A_239 : i32 to index
      %swap3A_266 = arith.constant 0 : index
      %swap3A_267 = tpu.vector_load %arg14[%swap3A_265, %swap3A_266] {strides = array<i32>} : memref<80x64xf32, #tpu.memory_space<vmem>>, vector<1x16xf32>,
      %swap3A_268 = vector.shape_cast %swap3A_267 : vector<1x16xf32> to vector<16xf32>
      %swap3A_269 = vector.shape_cast %add3A_264 : vector<16xf32> to vector<1x16xf32>
      tpu.vector_store %arg14[%swap3A_265, %swap3A_266], %swap3A_269 {strides = array<i32>} : memref<80x64xf32, #tpu.memory_space<vmem>>, vector<1x16xf32>,
      %get3A_270 = arith.index_cast %scan3A_239 : i32 to index
      %get3A_271 = arith.constant 16 : index
      %get3A_272 = tpu.vector_load %arg10[%get3A_270, %get3A_271] {strides = array<i32>} : memref<80x128xf32, #tpu.memory_space<vmem>>, vector<1x16xf32>,
      %get3A_273 = vector.shape_cast %get3A_272 : vector<1x16xf32> to vector<16xf32>
      %get3A_274 = arith.index_cast %scan3A_239 : i32 to index
      %get3A_275 = arith.constant 80 : index
      %get3A_276 = tpu.vector_load %arg12[%get3A_274, %get3A_275] {strides = array<i32>} : memref<80x128xf32, #tpu.memory_space<vmem>>, vector<1x16xf32>,
      %get3A_277 = vector.shape_cast %get3A_276 : vector<1x16xf32> to vector<16xf32>
      %add3A_278 = arith.addf %get3A_273, %get3A_277 : vector<16xf32>
      %max3A_279 = arith.constant 0.000000e+00 : f32
      %max3A_280 = vector.broadcast %max3A_279 : f32 to vector<16xf32>
      %max3A_281 = arith.maximumf %add3A_278, %max3A_280 : vector<16xf32>
      %get3A_282 = arith.index_cast %scan3A_239 : i32 to index
      %get3A_283 = arith.constant 80 : index
      %get3A_284 = tpu.vector_load %arg10[%get3A_282, %get3A_283] {strides = array<i32>} : memref<80x128xf32, #tpu.memory_space<vmem>>, vector<1x16xf32>,
      %get3A_285 = vector.shape_cast %get3A_284 : vector<1x16xf32> to vector<16xf32>
      %get3A_286 = arith.index_cast %scan3A_239 : i32 to index
      %get3A_287 = arith.constant 16 : index
      %get3A_288 = tpu.vector_load %arg12[%get3A_286, %get3A_287] {strides = array<i32>} : memref<80x128xf32, #tpu.memory_space<vmem>>, vector<1x16xf32>,
      %get3A_289 = vector.shape_cast %get3A_288 : vector<1x16xf32> to vector<16xf32>
      %add3A_290 = arith.addf %get3A_285, %get3A_289 : vector<16xf32>
      %max3A_291 = arith.constant 0.000000e+00 : f32
      %max3A_292 = vector.broadcast %max3A_291 : f32 to vector<16xf32>
      %max3A_293 = arith.maximumf %add3A_290, %max3A_292 : vector<16xf32>
      %add3A_294 = arith.addf %max3A_281, %max3A_293 : vector<16xf32>
      %swap3A_295 = arith.index_cast %scan3A_239 : i32 to index
      %swap3A_296 = arith.constant 16 : index
      %swap3A_297 = tpu.vector_load %arg14[%swap3A_295, %swap3A_296] {strides = array<i32>} : memref<80x64xf32, #tpu.memory_space<vmem>>, vector<1x16xf32>,
      %swap3A_298 = vector.shape_cast %swap3A_297 : vector<1x16xf32> to vector<16xf32>
      %swap3A_299 = vector.shape_cast %add3A_294 : vector<16xf32> to vector<1x16xf32>
      tpu.vector_store %arg14[%swap3A_295, %swap3A_296], %swap3A_299 {strides = array<i32>} : memref<80x64xf32, #tpu.memory_space<vmem>>, vector<1x16xf32>,
      %get3A_300 = arith.index_cast %scan3A_239 : i32 to index
      %get3A_301 = arith.constant 32 : index
      %get3A_302 = tpu.vector_load %arg10[%get3A_300, %get3A_301] {strides = array<i32>} : memref<80x128xf32, #tpu.memory_space<vmem>>, vector<1x16xf32>,
      %get3A_303 = vector.shape_cast %get3A_302 : vector<1x16xf32> to vector<16xf32>
      %get3A_304 = arith.index_cast %scan3A_239 : i32 to index
      %get3A_305 = arith.constant 96 : index
      %get3A_306 = tpu.vector_load %arg12[%get3A_304, %get3A_305] {strides = array<i32>} : memref<80x128xf32, #tpu.memory_space<vmem>>, vector<1x16xf32>,
      %get3A_307 = vector.shape_cast %get3A_306 : vector<1x16xf32> to vector<16xf32>
      %add3A_308 = arith.addf %get3A_303, %get3A_307 : vector<16xf32>
      %max3A_309 = arith.constant 0.000000e+00 : f32
      %max3A_310 = vector.broadcast %max3A_309 : f32 to vector<16xf32>
      %max3A_311 = arith.maximumf %add3A_308, %max3A_310 : vector<16xf32>
      %get3A_312 = arith.index_cast %scan3A_239 : i32 to index
      %get3A_313 = arith.constant 96 : index
      %get3A_314 = tpu.vector_load %arg10[%get3A_312, %get3A_313] {strides = array<i32>} : memref<80x128xf32, #tpu.memory_space<vmem>>, vector<1x16xf32>,
      %get3A_315 = vector.shape_cast %get3A_314 : vector<1x16xf32> to vector<16xf32>
      %get3A_316 = arith.index_cast %scan3A_239 : i32 to index
      %get3A_317 = arith.constant 32 : index
      %get3A_318 = tpu.vector_load %arg12[%get3A_316, %get3A_317] {strides = array<i32>} : memref<80x128xf32, #tpu.memory_space<vmem>>, vector<1x16xf32>,
      %get3A_319 = vector.shape_cast %get3A_318 : vector<1x16xf32> to vector<16xf32>
      %add3A_320 = arith.addf %get3A_315, %get3A_319 : vector<16xf32>
      %max3A_321 = arith.constant 0.000000e+00 : f32
      %max3A_322 = vector.broadcast %max3A_321 : f32 to vector<16xf32>
      %max3A_323 = arith.maximumf %add3A_320, %max3A_322 : vector<16xf32>
      %add3A_324 = arith.addf %max3A_311, %max3A_323 : vector<16xf32>
      %swap3A_325 = arith.index_cast %scan3A_239 : i32 to index
      %swap3A_326 = arith.constant 32 : index
      %swap3A_327 = tpu.vector_load %arg14[%swap3A_325, %swap3A_326] {strides = array<i32>} : memref<80x64xf32, #tpu.memory_space<vmem>>, vector<1x16xf32>,
      %swap3A_328 = vector.shape_cast %swap3A_327 : vector<1x16xf32> to vector<16xf32>
      %swap3A_329 = vector.shape_cast %add3A_324 : vector<16xf32> to vector<1x16xf32>
      tpu.vector_store %arg14[%swap3A_325, %swap3A_326], %swap3A_329 {strides = array<i32>} : memref<80x64xf32, #tpu.memory_space<vmem>>, vector<1x16xf32>,
      %get3A_330 = arith.index_cast %scan3A_239 : i32 to index
      %get3A_331 = arith.constant 48 : index
      %get3A_332 = tpu.vector_load %arg10[%get3A_330, %get3A_331] {strides = array<i32>} : memref<80x128xf32, #tpu.memory_space<vmem>>, vector<1x16xf32>,
      %get3A_333 = vector.shape_cast %get3A_332 : vector<1x16xf32> to vector<16xf32>
      %get3A_334 = arith.index_cast %scan3A_239 : i32 to index
      %get3A_335 = arith.constant 112 : index
      %get3A_336 = tpu.vector_load %arg12[%get3A_334, %get3A_335] {strides = array<i32>} : memref<80x128xf32, #tpu.memory_space<vmem>>, vector<1x16xf32>,
      %get3A_337 = vector.shape_cast %get3A_336 : vector<1x16xf32> to vector<16xf32>
      %add3A_338 = arith.addf %get3A_333, %get3A_337 : vector<16xf32>
      %max3A_339 = arith.constant 0.000000e+00 : f32
      %max3A_340 = vector.broadcast %max3A_339 : f32 to vector<16xf32>
      %max3A_341 = arith.maximumf %add3A_338, %max3A_340 : vector<16xf32>
      %get3A_342 = arith.index_cast %scan3A_239 : i32 to index
      %get3A_343 = arith.constant 112 : index
      %get3A_344 = tpu.vector_load %arg10[%get3A_342, %get3A_343] {strides = array<i32>} : memref<80x128xf32, #tpu.memory_space<vmem>>, vector<1x16xf32>,
      %get3A_345 = vector.shape_cast %get3A_344 : vector<1x16xf32> to vector<16xf32>
      %get3A_346 = arith.index_cast %scan3A_239 : i32 to index
      %get3A_347 = arith.constant 48 : index
      %get3A_348 = tpu.vector_load %arg12[%get3A_346, %get3A_347] {strides = array<i32>} : memref<80x128xf32, #tpu.memory_space<vmem>>, vector<1x16xf32>,
      %get3A_349 = vector.shape_cast %get3A_348 : vector<1x16xf32> to vector<16xf32>
      %add3A_350 = arith.addf %get3A_345, %get3A_349 : vector<16xf32>
      %max3A_351 = arith.constant 0.000000e+00 : f32
      %max3A_352 = vector.broadcast %max3A_351 : f32 to vector<16xf32>
      %max3A_353 = arith.maximumf %add3A_350, %max3A_352 : vector<16xf32>
      %add3A_354 = arith.addf %max3A_341, %max3A_353 : vector<16xf32>
      %swap3A_355 = arith.index_cast %scan3A_239 : i32 to index
      %swap3A_356 = arith.constant 48 : index
      %swap3A_357 = tpu.vector_load %arg14[%swap3A_355, %swap3A_356] {strides = array<i32>} : memref<80x64xf32, #tpu.memory_space<vmem>>, vector<1x16xf32>,
      %swap3A_358 = vector.shape_cast %swap3A_357 : vector<1x16xf32> to vector<16xf32>
      %swap3A_359 = vector.shape_cast %add3A_354 : vector<16xf32> to vector<1x16xf32>
      tpu.vector_store %arg14[%swap3A_355, %swap3A_356], %swap3A_359 {strides = array<i32>} : memref<80x64xf32, #tpu.memory_space<vmem>>, vector<1x16xf32>,
      %scan3A_360 = arith.constant 2 : i32
      %scan3A_361 = arith.addi %scan3A_120, %scan3A_360 : i32
      %get3A_362 = arith.index_cast %scan3A_361 : i32 to index
      %get3A_363 = arith.constant 0 : index
      %get3A_364 = tpu.vector_load %arg10[%get3A_362, %get3A_363] {strides = array<i32>} : memref<80x128xf32, #tpu.memory_space<vmem>>, vector<1x16xf32>,
      %get3A_365 = vector.shape_cast %get3A_364 : vector<1x16xf32> to vector<16xf32>
      %get3A_366 = arith.index_cast %scan3A_361 : i32 to index
      %get3A_367 = arith.constant 64 : index
      %get3A_368 = tpu.vector_load %arg12[%get3A_366, %get3A_367] {strides = array<i32>} : memref<80x128xf32, #tpu.memory_space<vmem>>, vector<1x16xf32>,
      %get3A_369 = vector.shape_cast %get3A_368 : vector<1x16xf32> to vector<16xf32>
      %add3A_370 = arith.addf %get3A_365, %get3A_369 : vector<16xf32>
      %max3A_371 = arith.constant 0.000000e+00 : f32
      %max3A_372 = vector.broadcast %max3A_371 : f32 to vector<16xf32>
      %max3A_373 = arith.maximumf %add3A_370, %max3A_372 : vector<16xf32>
      %get3A_374 = arith.index_cast %scan3A_361 : i32 to index
      %get3A_375 = arith.constant 64 : index
      %get3A_376 = tpu.vector_load %arg10[%get3A_374, %get3A_375] {strides = array<i32>} : memref<80x128xf32, #tpu.memory_space<vmem>>, vector<1x16xf32>,
      %get3A_377 = vector.shape_cast %get3A_376 : vector<1x16xf32> to vector<16xf32>
      %get3A_378 = arith.index_cast %scan3A_361 : i32 to index
      %get3A_379 = arith.constant 0 : index
      %get3A_380 = tpu.vector_load %arg12[%get3A_378, %get3A_379] {strides = array<i32>} : memref<80x128xf32, #tpu.memory_space<vmem>>, vector<1x16xf32>,
      %get3A_381 = vector.shape_cast %get3A_380 : vector<1x16xf32> to vector<16xf32>
      %add3A_382 = arith.addf %get3A_377, %get3A_381 : vector<16xf32>
      %max3A_383 = arith.constant 0.000000e+00 : f32
      %max3A_384 = vector.broadcast %max3A_383 : f32 to vector<16xf32>
      %max3A_385 = arith.maximumf %add3A_382, %max3A_384 : vector<16xf32>
      %add3A_386 = arith.addf %max3A_373, %max3A_385 : vector<16xf32>
      %swap3A_387 = arith.index_cast %scan3A_361 : i32 to index
      %swap3A_388 = arith.constant 0 : index
      %swap3A_389 = tpu.vector_load %arg14[%swap3A_387, %swap3A_388] {strides = array<i32>} : memref<80x64xf32, #tpu.memory_space<vmem>>, vector<1x16xf32>,
      %swap3A_390 = vector.shape_cast %swap3A_389 : vector<1x16xf32> to vector<16xf32>
      %swap3A_391 = vector.shape_cast %add3A_386 : vector<16xf32> to vector<1x16xf32>
      tpu.vector_store %arg14[%swap3A_387, %swap3A_388], %swap3A_391 {strides = array<i32>} : memref<80x64xf32, #tpu.memory_space<vmem>>, vector<1x16xf32>,
      %get3A_392 = arith.index_cast %scan3A_361 : i32 to index
      %get3A_393 = arith.constant 16 : index
      %get3A_394 = tpu.vector_load %arg10[%get3A_392, %get3A_393] {strides = array<i32>} : memref<80x128xf32, #tpu.memory_space<vmem>>, vector<1x16xf32>,
      %get3A_395 = vector.shape_cast %get3A_394 : vector<1x16xf32> to vector<16xf32>
      %get3A_396 = arith.index_cast %scan3A_361 : i32 to index
      %get3A_397 = arith.constant 80 : index
      %get3A_398 = tpu.vector_load %arg12[%get3A_396, %get3A_397] {strides = array<i32>} : memref<80x128xf32, #tpu.memory_space<vmem>>, vector<1x16xf32>,
      %get3A_399 = vector.shape_cast %get3A_398 : vector<1x16xf32> to vector<16xf32>
      %add3A_400 = arith.addf %get3A_395, %get3A_399 : vector<16xf32>
      %max3A_401 = arith.constant 0.000000e+00 : f32
      %max3A_402 = vector.broadcast %max3A_401 : f32 to vector<16xf32>
      %max3A_403 = arith.maximumf %add3A_400, %max3A_402 : vector<16xf32>
      %get3A_404 = arith.index_cast %scan3A_361 : i32 to index
      %get3A_405 = arith.constant 80 : index
      %get3A_406 = tpu.vector_load %arg10[%get3A_404, %get3A_405] {strides = array<i32>} : memref<80x128xf32, #tpu.memory_space<vmem>>, vector<1x16xf32>,
      %get3A_407 = vector.shape_cast %get3A_406 : vector<1x16xf32> to vector<16xf32>
      %get3A_408 = arith.index_cast %scan3A_361 : i32 to index
      %get3A_409 = arith.constant 16 : index
      %get3A_410 = tpu.vector_load %arg12[%get3A_408, %get3A_409] {strides = array<i32>} : memref<80x128xf32, #tpu.memory_space<vmem>>, vector<1x16xf32>,
      %get3A_411 = vector.shape_cast %get3A_410 : vector<1x16xf32> to vector<16xf32>
      %add3A_412 = arith.addf %get3A_407, %get3A_411 : vector<16xf32>
      %max3A_413 = arith.constant 0.000000e+00 : f32
      %max3A_414 = vector.broadcast %max3A_413 : f32 to vector<16xf32>
      %max3A_415 = arith.maximumf %add3A_412, %max3A_414 : vector<16xf32>
      %add3A_416 = arith.addf %max3A_403, %max3A_415 : vector<16xf32>
      %swap3A_417 = arith.index_cast %scan3A_361 : i32 to index
      %swap3A_418 = arith.constant 16 : index
      %swap3A_419 = tpu.vector_load %arg14[%swap3A_417, %swap3A_418] {strides = array<i32>} : memref<80x64xf32, #tpu.memory_space<vmem>>, vector<1x16xf32>,
      %swap3A_420 = vector.shape_cast %swap3A_419 : vector<1x16xf32> to vector<16xf32>
      %swap3A_421 = vector.shape_cast %add3A_416 : vector<16xf32> to vector<1x16xf32>
      tpu.vector_store %arg14[%swap3A_417, %swap3A_418], %swap3A_421 {strides = array<i32>} : memref<80x64xf32, #tpu.memory_space<vmem>>, vector<1x16xf32>,
      %get3A_422 = arith.index_cast %scan3A_361 : i32 to index
      %get3A_423 = arith.constant 32 : index
      %get3A_424 = tpu.vector_load %arg10[%get3A_422, %get3A_423] {strides = array<i32>} : memref<80x128xf32, #tpu.memory_space<vmem>>, vector<1x16xf32>,
      %get3A_425 = vector.shape_cast %get3A_424 : vector<1x16xf32> to vector<16xf32>
      %get3A_426 = arith.index_cast %scan3A_361 : i32 to index
      %get3A_427 = arith.constant 96 : index
      %get3A_428 = tpu.vector_load %arg12[%get3A_426, %get3A_427] {strides = array<i32>} : memref<80x128xf32, #tpu.memory_space<vmem>>, vector<1x16xf32>,
      %get3A_429 = vector.shape_cast %get3A_428 : vector<1x16xf32> to vector<16xf32>
      %add3A_430 = arith.addf %get3A_425, %get3A_429 : vector<16xf32>
      %max3A_431 = arith.constant 0.000000e+00 : f32
      %max3A_432 = vector.broadcast %max3A_431 : f32 to vector<16xf32>
      %max3A_433 = arith.maximumf %add3A_430, %max3A_432 : vector<16xf32>
      %get3A_434 = arith.index_cast %scan3A_361 : i32 to index
      %get3A_435 = arith.constant 96 : index
      %get3A_436 = tpu.vector_load %arg10[%get3A_434, %get3A_435] {strides = array<i32>} : memref<80x128xf32, #tpu.memory_space<vmem>>, vector<1x16xf32>,
      %get3A_437 = vector.shape_cast %get3A_436 : vector<1x16xf32> to vector<16xf32>
      %get3A_438 = arith.index_cast %scan3A_361 : i32 to index
      %get3A_439 = arith.constant 32 : index
      %get3A_440 = tpu.vector_load %arg12[%get3A_438, %get3A_439] {strides = array<i32>} : memref<80x128xf32, #tpu.memory_space<vmem>>, vector<1x16xf32>,
      %get3A_441 = vector.shape_cast %get3A_440 : vector<1x16xf32> to vector<16xf32>
      %add3A_442 = arith.addf %get3A_437, %get3A_441 : vector<16xf32>
      %max3A_443 = arith.constant 0.000000e+00 : f32
      %max3A_444 = vector.broadcast %max3A_443 : f32 to vector<16xf32>
      %max3A_445 = arith.maximumf %add3A_442, %max3A_444 : vector<16xf32>
      %add3A_446 = arith.addf %max3A_433, %max3A_445 : vector<16xf32>
      %swap3A_447 = arith.index_cast %scan3A_361 : i32 to index
      %swap3A_448 = arith.constant 32 : index
      %swap3A_449 = tpu.vector_load %arg14[%swap3A_447, %swap3A_448] {strides = array<i32>} : memref<80x64xf32, #tpu.memory_space<vmem>>, vector<1x16xf32>,
      %swap3A_450 = vector.shape_cast %swap3A_449 : vector<1x16xf32> to vector<16xf32>
      %swap3A_451 = vector.shape_cast %add3A_446 : vector<16xf32> to vector<1x16xf32>
      tpu.vector_store %arg14[%swap3A_447, %swap3A_448], %swap3A_451 {strides = array<i32>} : memref<80x64xf32, #tpu.memory_space<vmem>>, vector<1x16xf32>,
      %get3A_452 = arith.index_cast %scan3A_361 : i32 to index
      %get3A_453 = arith.constant 48 : index
      %get3A_454 = tpu.vector_load %arg10[%get3A_452, %get3A_453] {strides = array<i32>} : memref<80x128xf32, #tpu.memory_space<vmem>>, vector<1x16xf32>,
      %get3A_455 = vector.shape_cast %get3A_454 : vector<1x16xf32> to vector<16xf32>
      %get3A_456 = arith.index_cast %scan3A_361 : i32 to index
      %get3A_457 = arith.constant 112 : index
      %get3A_458 = tpu.vector_load %arg12[%get3A_456, %get3A_457] {strides = array<i32>} : memref<80x128xf32, #tpu.memory_space<vmem>>, vector<1x16xf32>,
      %get3A_459 = vector.shape_cast %get3A_458 : vector<1x16xf32> to vector<16xf32>
      %add3A_460 = arith.addf %get3A_455, %get3A_459 : vector<16xf32>
      %max3A_461 = arith.constant 0.000000e+00 : f32
      %max3A_462 = vector.broadcast %max3A_461 : f32 to vector<16xf32>
      %max3A_463 = arith.maximumf %add3A_460, %max3A_462 : vector<16xf32>
      %get3A_464 = arith.index_cast %scan3A_361 : i32 to index
      %get3A_465 = arith.constant 112 : index
      %get3A_466 = tpu.vector_load %arg10[%get3A_464, %get3A_465] {strides = array<i32>} : memref<80x128xf32, #tpu.memory_space<vmem>>, vector<1x16xf32>,
      %get3A_467 = vector.shape_cast %get3A_466 : vector<1x16xf32> to vector<16xf32>
      %get3A_468 = arith.index_cast %scan3A_361 : i32 to index
      %get3A_469 = arith.constant 48 : index
      %get3A_470 = tpu.vector_load %arg12[%get3A_468, %get3A_469] {strides = array<i32>} : memref<80x128xf32, #tpu.memory_space<vmem>>, vector<1x16xf32>,
      %get3A_471 = vector.shape_cast %get3A_470 : vector<1x16xf32> to vector<16xf32>
      %add3A_472 = arith.addf %get3A_467, %get3A_471 : vector<16xf32>
      %max3A_473 = arith.constant 0.000000e+00 : f32
      %max3A_474 = vector.broadcast %max3A_473 : f32 to vector<16xf32>
      %max3A_475 = arith.maximumf %add3A_472, %max3A_474 : vector<16xf32>
      %add3A_476 = arith.addf %max3A_463, %max3A_475 : vector<16xf32>
      %swap3A_477 = arith.index_cast %scan3A_361 : i32 to index
      %swap3A_478 = arith.constant 48 : index
      %swap3A_479 = tpu.vector_load %arg14[%swap3A_477, %swap3A_478] {strides = array<i32>} : memref<80x64xf32, #tpu.memory_space<vmem>>, vector<1x16xf32>,
      %swap3A_480 = vector.shape_cast %swap3A_479 : vector<1x16xf32> to vector<16xf32>
      %swap3A_481 = vector.shape_cast %add3A_476 : vector<16xf32> to vector<1x16xf32>
      tpu.vector_store %arg14[%swap3A_477, %swap3A_478], %swap3A_481 {strides = array<i32>} : memref<80x64xf32, #tpu.memory_space<vmem>>, vector<1x16xf32>,
      %scan3A_482 = arith.constant 3 : i32
      %scan3A_483 = arith.addi %scan3A_120, %scan3A_482 : i32
      %get3A_484 = arith.index_cast %scan3A_483 : i32 to index
      %get3A_485 = arith.constant 0 : index
      %get3A_486 = tpu.vector_load %arg10[%get3A_484, %get3A_485] {strides = array<i32>} : memref<80x128xf32, #tpu.memory_space<vmem>>, vector<1x16xf32>,
      %get3A_487 = vector.shape_cast %get3A_486 : vector<1x16xf32> to vector<16xf32>
      %get3A_488 = arith.index_cast %scan3A_483 : i32 to index
      %get3A_489 = arith.constant 64 : index
      %get3A_490 = tpu.vector_load %arg12[%get3A_488, %get3A_489] {strides = array<i32>} : memref<80x128xf32, #tpu.memory_space<vmem>>, vector<1x16xf32>,
      %get3A_491 = vector.shape_cast %get3A_490 : vector<1x16xf32> to vector<16xf32>
      %add3A_492 = arith.addf %get3A_487, %get3A_491 : vector<16xf32>
      %max3A_493 = arith.constant 0.000000e+00 : f32
      %max3A_494 = vector.broadcast %max3A_493 : f32 to vector<16xf32>
      %max3A_495 = arith.maximumf %add3A_492, %max3A_494 : vector<16xf32>
      %get3A_496 = arith.index_cast %scan3A_483 : i32 to index
      %get3A_497 = arith.constant 64 : index
      %get3A_498 = tpu.vector_load %arg10[%get3A_496, %get3A_497] {strides = array<i32>} : memref<80x128xf32, #tpu.memory_space<vmem>>, vector<1x16xf32>,
      %get3A_499 = vector.shape_cast %get3A_498 : vector<1x16xf32> to vector<16xf32>
      %get3A_500 = arith.index_cast %scan3A_483 : i32 to index
      %get3A_501 = arith.constant 0 : index
      %get3A_502 = tpu.vector_load %arg12[%get3A_500, %get3A_501] {strides = array<i32>} : memref<80x128xf32, #tpu.memory_space<vmem>>, vector<1x16xf32>,
      %get3A_503 = vector.shape_cast %get3A_502 : vector<1x16xf32> to vector<16xf32>
      %add3A_504 = arith.addf %get3A_499, %get3A_503 : vector<16xf32>
      %max3A_505 = arith.constant 0.000000e+00 : f32
      %max3A_506 = vector.broadcast %max3A_505 : f32 to vector<16xf32>
      %max3A_507 = arith.maximumf %add3A_504, %max3A_506 : vector<16xf32>
      %add3A_508 = arith.addf %max3A_495, %max3A_507 : vector<16xf32>
      %swap3A_509 = arith.index_cast %scan3A_483 : i32 to index
      %swap3A_510 = arith.constant 0 : index
      %swap3A_511 = tpu.vector_load %arg14[%swap3A_509, %swap3A_510] {strides = array<i32>} : memref<80x64xf32, #tpu.memory_space<vmem>>, vector<1x16xf32>,
      %swap3A_512 = vector.shape_cast %swap3A_511 : vector<1x16xf32> to vector<16xf32>
      %swap3A_513 = vector.shape_cast %add3A_508 : vector<16xf32> to vector<1x16xf32>
      tpu.vector_store %arg14[%swap3A_509, %swap3A_510], %swap3A_513 {strides = array<i32>} : memref<80x64xf32, #tpu.memory_space<vmem>>, vector<1x16xf32>,
      %get3A_514 = arith.index_cast %scan3A_483 : i32 to index
      %get3A_515 = arith.constant 16 : index
      %get3A_516 = tpu.vector_load %arg10[%get3A_514, %get3A_515] {strides = array<i32>} : memref<80x128xf32, #tpu.memory_space<vmem>>, vector<1x16xf32>,
      %get3A_517 = vector.shape_cast %get3A_516 : vector<1x16xf32> to vector<16xf32>
      %get3A_518 = arith.index_cast %scan3A_483 : i32 to index
      %get3A_519 = arith.constant 80 : index
      %get3A_520 = tpu.vector_load %arg12[%get3A_518, %get3A_519] {strides = array<i32>} : memref<80x128xf32, #tpu.memory_space<vmem>>, vector<1x16xf32>,
      %get3A_521 = vector.shape_cast %get3A_520 : vector<1x16xf32> to vector<16xf32>
      %add3A_522 = arith.addf %get3A_517, %get3A_521 : vector<16xf32>
      %max3A_523 = arith.constant 0.000000e+00 : f32
      %max3A_524 = vector.broadcast %max3A_523 : f32 to vector<16xf32>
      %max3A_525 = arith.maximumf %add3A_522, %max3A_524 : vector<16xf32>
      %get3A_526 = arith.index_cast %scan3A_483 : i32 to index
      %get3A_527 = arith.constant 80 : index
      %get3A_528 = tpu.vector_load %arg10[%get3A_526, %get3A_527] {strides = array<i32>} : memref<80x128xf32, #tpu.memory_space<vmem>>, vector<1x16xf32>,
      %get3A_529 = vector.shape_cast %get3A_528 : vector<1x16xf32> to vector<16xf32>
      %get3A_530 = arith.index_cast %scan3A_483 : i32 to index
      %get3A_531 = arith.constant 16 : index
      %get3A_532 = tpu.vector_load %arg12[%get3A_530, %get3A_531] {strides = array<i32>} : memref<80x128xf32, #tpu.memory_space<vmem>>, vector<1x16xf32>,
      %get3A_533 = vector.shape_cast %get3A_532 : vector<1x16xf32> to vector<16xf32>
      %add3A_534 = arith.addf %get3A_529, %get3A_533 : vector<16xf32>
      %max3A_535 = arith.constant 0.000000e+00 : f32
      %max3A_536 = vector.broadcast %max3A_535 : f32 to vector<16xf32>
      %max3A_537 = arith.maximumf %add3A_534, %max3A_536 : vector<16xf32>
      %add3A_538 = arith.addf %max3A_525, %max3A_537 : vector<16xf32>
      %swap3A_539 = arith.index_cast %scan3A_483 : i32 to index
      %swap3A_540 = arith.constant 16 : index
      %swap3A_541 = tpu.vector_load %arg14[%swap3A_539, %swap3A_540] {strides = array<i32>} : memref<80x64xf32, #tpu.memory_space<vmem>>, vector<1x16xf32>,
      %swap3A_542 = vector.shape_cast %swap3A_541 : vector<1x16xf32> to vector<16xf32>
      %swap3A_543 = vector.shape_cast %add3A_538 : vector<16xf32> to vector<1x16xf32>
      tpu.vector_store %arg14[%swap3A_539, %swap3A_540], %swap3A_543 {strides = array<i32>} : memref<80x64xf32, #tpu.memory_space<vmem>>, vector<1x16xf32>,
      %get3A_544 = arith.index_cast %scan3A_483 : i32 to index
      %get3A_545 = arith.constant 32 : index
      %get3A_546 = tpu.vector_load %arg10[%get3A_544, %get3A_545] {strides = array<i32>} : memref<80x128xf32, #tpu.memory_space<vmem>>, vector<1x16xf32>,
      %get3A_547 = vector.shape_cast %get3A_546 : vector<1x16xf32> to vector<16xf32>
      %get3A_548 = arith.index_cast %scan3A_483 : i32 to index
      %get3A_549 = arith.constant 96 : index
      %get3A_550 = tpu.vector_load %arg12[%get3A_548, %get3A_549] {strides = array<i32>} : memref<80x128xf32, #tpu.memory_space<vmem>>, vector<1x16xf32>,
      %get3A_551 = vector.shape_cast %get3A_550 : vector<1x16xf32> to vector<16xf32>
      %add3A_552 = arith.addf %get3A_547, %get3A_551 : vector<16xf32>
      %max3A_553 = arith.constant 0.000000e+00 : f32
      %max3A_554 = vector.broadcast %max3A_553 : f32 to vector<16xf32>
      %max3A_555 = arith.maximumf %add3A_552, %max3A_554 : vector<16xf32>
      %get3A_556 = arith.index_cast %scan3A_483 : i32 to index
      %get3A_557 = arith.constant 96 : index
      %get3A_558 = tpu.vector_load %arg10[%get3A_556, %get3A_557] {strides = array<i32>} : memref<80x128xf32, #tpu.memory_space<vmem>>, vector<1x16xf32>,
      %get3A_559 = vector.shape_cast %get3A_558 : vector<1x16xf32> to vector<16xf32>
      %get3A_560 = arith.index_cast %scan3A_483 : i32 to index
      %get3A_561 = arith.constant 32 : index
      %get3A_562 = tpu.vector_load %arg12[%get3A_560, %get3A_561] {strides = array<i32>} : memref<80x128xf32, #tpu.memory_space<vmem>>, vector<1x16xf32>,
      %get3A_563 = vector.shape_cast %get3A_562 : vector<1x16xf32> to vector<16xf32>
      %add3A_564 = arith.addf %get3A_559, %get3A_563 : vector<16xf32>
      %max3A_565 = arith.constant 0.000000e+00 : f32
      %max3A_566 = vector.broadcast %max3A_565 : f32 to vector<16xf32>
      %max3A_567 = arith.maximumf %add3A_564, %max3A_566 : vector<16xf32>
      %add3A_568 = arith.addf %max3A_555, %max3A_567 : vector<16xf32>
      %swap3A_569 = arith.index_cast %scan3A_483 : i32 to index
      %swap3A_570 = arith.constant 32 : index
      %swap3A_571 = tpu.vector_load %arg14[%swap3A_569, %swap3A_570] {strides = array<i32>} : memref<80x64xf32, #tpu.memory_space<vmem>>, vector<1x16xf32>,
      %swap3A_572 = vector.shape_cast %swap3A_571 : vector<1x16xf32> to vector<16xf32>
      %swap3A_573 = vector.shape_cast %add3A_568 : vector<16xf32> to vector<1x16xf32>
      tpu.vector_store %arg14[%swap3A_569, %swap3A_570], %swap3A_573 {strides = array<i32>} : memref<80x64xf32, #tpu.memory_space<vmem>>, vector<1x16xf32>,
      %get3A_574 = arith.index_cast %scan3A_483 : i32 to index
      %get3A_575 = arith.constant 48 : index
      %get3A_576 = tpu.vector_load %arg10[%get3A_574, %get3A_575] {strides = array<i32>} : memref<80x128xf32, #tpu.memory_space<vmem>>, vector<1x16xf32>,
      %get3A_577 = vector.shape_cast %get3A_576 : vector<1x16xf32> to vector<16xf32>
      %get3A_578 = arith.index_cast %scan3A_483 : i32 to index
      %get3A_579 = arith.constant 112 : index
      %get3A_580 = tpu.vector_load %arg12[%get3A_578, %get3A_579] {strides = array<i32>} : memref<80x128xf32, #tpu.memory_space<vmem>>, vector<1x16xf32>,
      %get3A_581 = vector.shape_cast %get3A_580 : vector<1x16xf32> to vector<16xf32>
      %add3A_582 = arith.addf %get3A_577, %get3A_581 : vector<16xf32>
      %max3A_583 = arith.constant 0.000000e+00 : f32
      %max3A_584 = vector.broadcast %max3A_583 : f32 to vector<16xf32>
      %max3A_585 = arith.maximumf %add3A_582, %max3A_584 : vector<16xf32>
      %get3A_586 = arith.index_cast %scan3A_483 : i32 to index
      %get3A_587 = arith.constant 112 : index
      %get3A_588 = tpu.vector_load %arg10[%get3A_586, %get3A_587] {strides = array<i32>} : memref<80x128xf32, #tpu.memory_space<vmem>>, vector<1x16xf32>,
      %get3A_589 = vector.shape_cast %get3A_588 : vector<1x16xf32> to vector<16xf32>
      %get3A_590 = arith.index_cast %scan3A_483 : i32 to index
      %get3A_591 = arith.constant 48 : index
      %get3A_592 = tpu.vector_load %arg12[%get3A_590, %get3A_591] {strides = array<i32>} : memref<80x128xf32, #tpu.memory_space<vmem>>, vector<1x16xf32>,
      %get3A_593 = vector.shape_cast %get3A_592 : vector<1x16xf32> to vector<16xf32>
      %add3A_594 = arith.addf %get3A_589, %get3A_593 : vector<16xf32>
      %max3A_595 = arith.constant 0.000000e+00 : f32
      %max3A_596 = vector.broadcast %max3A_595 : f32 to vector<16xf32>
      %max3A_597 = arith.maximumf %add3A_594, %max3A_596 : vector<16xf32>
      %add3A_598 = arith.addf %max3A_585, %max3A_597 : vector<16xf32>
      %swap3A_599 = arith.index_cast %scan3A_483 : i32 to index
      %swap3A_600 = arith.constant 48 : index
      %swap3A_601 = tpu.vector_load %arg14[%swap3A_599, %swap3A_600] {strides = array<i32>} : memref<80x64xf32, #tpu.memory_space<vmem>>, vector<1x16xf32>,
      %swap3A_602 = vector.shape_cast %swap3A_601 : vector<1x16xf32> to vector<16xf32>
      %swap3A_603 = vector.shape_cast %add3A_598 : vector<16xf32> to vector<1x16xf32>
      tpu.vector_store %arg14[%swap3A_599, %swap3A_600], %swap3A_603 {strides = array<i32>} : memref<80x64xf32, #tpu.memory_space<vmem>>, vector<1x16xf32>,
    }
    %scan3A_110 = arith.constant 80 : i32
    %run_scoped3A = arith.constant 124 : i32
    "tpu.region"() ({
      %run_scoped3A_120 = tpu.sem_alloc : memref<!tpu.dma_semaphore, #tpu.memory_space<semaphore_mem>>
      %dma_start3A_121 = arith.constant 0 : i32
      %dma_start3A_122 = arith.constant 0 : i32
      %dma_start3A_123 = tpu.memref_slice %arg5[%add3A, %run_scoped3A, %dma_start3A_121, %dma_start3A_122] : memref<32x125x80x64xf32, #tpu.memory_space<hbm>> -> memref<1x1x80x64xf32, #tpu.memory_space<hbm>>
      %dma_start3A_124 = tpu.memref_squeeze %dma_start3A_123 : memref<1x1x80x64xf32, #tpu.memory_space<hbm>> -> memref<80x64xf32, #tpu.memory_space<hbm>>
      %dma_start3A_125 = arith.constant 0 : i32
      %dma_start3A_126 = arith.constant 0 : i32
      %dma_start3A_127 = tpu.memref_slice %arg5[%add3A, %run_scoped3A, %dma_start3A_125, %dma_start3A_126] : memref<32x125x80x64xf32, #tpu.memory_space<hbm>> -> memref<1x1x80x64xf32, #tpu.memory_space<hbm>>
      %dma_start3A_128 = tpu.memref_squeeze %dma_start3A_127 : memref<1x1x80x64xf32, #tpu.memory_space<hbm>> -> memref<80x64xf32, #tpu.memory_space<hbm>>
      tpu.enqueue_dma source(%arg14 : memref<80x64xf32, #tpu.memory_space<vmem>>) target(%dma_start3A_128 : memref<80x64xf32, #tpu.memory_space<hbm>>) target_semaphore(%run_scoped3A_120 : memref<!tpu.dma_semaphore, #tpu.memory_space<semaphore_mem>>)
      %dma_wait3A_129 = arith.constant 0 : i32
      %dma_wait3A_130 = arith.constant 0 : i32
      %dma_wait3A_131 = tpu.memref_slice %arg5[%add3A, %run_scoped3A, %dma_wait3A_129, %dma_wait3A_130] : memref<32x125x80x64xf32, #tpu.memory_space<hbm>> -> memref<1x1x80x64xf32, #tpu.memory_space<hbm>>
      %dma_wait3A_132 = tpu.memref_squeeze %dma_wait3A_131 : memref<1x1x80x64xf32, #tpu.memory_space<hbm>> -> memref<80x64xf32, #tpu.memory_space<hbm>>
      %dma_wait3A_133 = arith.constant 0 : i32
      %dma_wait3A_134 = arith.constant 0 : i32
      %dma_wait3A_135 = tpu.memref_slice %arg5[%add3A, %run_scoped3A, %dma_wait3A_133, %dma_wait3A_134] : memref<32x125x80x64xf32, #tpu.memory_space<hbm>> -> memref<1x1x80x64xf32, #tpu.memory_space<hbm>>
      %dma_wait3A_136 = tpu.memref_squeeze %dma_wait3A_135 : memref<1x1x80x64xf32, #tpu.memory_space<hbm>> -> memref<80x64xf32, #tpu.memory_space<hbm>>
      tpu.wait_dma2 semaphore(%run_scoped3A_120 : memref<!tpu.dma_semaphore, #tpu.memory_space<semaphore_mem>>) src(%arg14 : memref<80x64xf32, #tpu.memory_space<vmem>>) dst(%dma_wait3A_136 : memref<80x64xf32, #tpu.memory_space<hbm>>)
      tpu.yield
    }) : () -> ()
    %dma_wait3A_111 = arith.constant 0 : i32
    %dma_wait3A_112 = arith.constant 0 : i32
    %dma_wait3A_113 = arith.constant 0 : i32
    %dma_wait3A_114 = tpu.memref_slice %arg5[%add3A, %dma_wait3A_111, %dma_wait3A_112, %dma_wait3A_113] : memref<32x125x80x64xf32, #tpu.memory_space<hbm>> -> memref<1x1x80x64xf32, #tpu.memory_space<hbm>>
    %dma_wait3A_115 = tpu.memref_squeeze %dma_wait3A_114 : memref<1x1x80x64xf32, #tpu.memory_space<hbm>> -> memref<80x64xf32, #tpu.memory_space<hbm>>
    %dma_wait3A_116 = arith.constant 0 : i32
    %dma_wait3A_117 = arith.constant 0 : i32
    %dma_wait3A_118 = tpu.memref_slice %arg5[%add3A, %dma_wait3A_111, %dma_wait3A_116, %dma_wait3A_117] : memref<32x125x80x64xf32, #tpu.memory_space<hbm>> -> memref<1x1x80x64xf32, #tpu.memory_space<hbm>>
    %dma_wait3A_119 = tpu.memref_squeeze %dma_wait3A_118 : memref<1x1x80x64xf32, #tpu.memory_space<hbm>> -> memref<80x64xf32, #tpu.memory_space<hbm>>
    tpu.wait_dma2 semaphore(%arg21 : memref<!tpu.dma_semaphore, #tpu.memory_space<semaphore_mem>>) src(%arg15 : memref<80x64xf32, #tpu.memory_space<vmem>>) dst(%dma_wait3A_119 : memref<80x64xf32, #tpu.memory_space<hbm>>)
    return
  }
}

#map = affine_map<(d0, d1) -> (0, 0, 0)>
#map1 = affine_map<(d0, d1) -> (0, 0, 0, 0)>
module attributes {stable_mosaic.version = 14 : i64} {
  func.func @k(%arg0: i32, %arg1: i32, %arg2: memref<32x125x80xi32, #tpu.memory_space<hbm>>, %arg3: memref<32x125x80x128xf32, #tpu.memory_space<hbm>>, %arg4: memref<2x10240x128xf32, #tpu.memory_space<hbm>>, %arg5: memref<1x80xi32, #tpu.memory_space<vmem>>, %arg6: memref<1x80xi32, #tpu.memory_space<vmem>>, %arg7: memref<80x128xf32, #tpu.memory_space<vmem>>, %arg8: memref<80x128xf32, #tpu.memory_space<vmem>>, %arg9: memref<64x128xf32, #tpu.memory_space<vmem>>, %arg10: memref<10240x128xf32, #tpu.memory_space<vmem_shared>>, %arg11: memref<!tpu.dma_semaphore, #tpu.memory_space<semaphore_mem>>, %arg12: memref<!tpu.dma_semaphore, #tpu.memory_space<semaphore_mem>>, %arg13: memref<!tpu.dma_semaphore, #tpu.memory_space<semaphore_mem>>, %arg14: memref<!tpu.dma_semaphore, #tpu.memory_space<semaphore_mem>>) attributes {dimension_semantics = [#tpu.dimension_semantics<core_parallel>, #tpu.dimension_semantics<subcore_parallel>], iteration_bounds = array<i64: 2, 16>, scalar_prefetch = 0 : i64, scratch_operands = 10 : i64, tpu.core_type = #tpu.core_type<sc_vector_subcore>, window_params = [{transform_indices = #map}, {transform_indices = #map1}, {transform_indices = #map}]} {
    %mul3A = arith.constant 2 : i32
    %mul3A_0 = arith.muli %arg1, %mul3A : i32
    %add3A = arith.addi %mul3A_0, %arg0 : i32
    %scan3A = arith.constant 0 : i32
    %scan3A_1 = arith.constant 0 : i32
    %scan3A_2 = arith.constant 64 : i32
    %scan3A_3 = arith.addi %scan3A_1, %scan3A_2 : i32
    %scan3A_4 = arith.constant 1 : i32
    scf.for %scan3A_203 = %scan3A_1 to %scan3A_3 step %scan3A_4  : i32 {
      %broadcast_in_dim3A = arith.constant 0.000000e+00 : f32
      %broadcast_in_dim3A_204 = vector.broadcast %broadcast_in_dim3A : f32 to vector<16xf32>
      %swap3A = arith.index_cast %scan3A_203 : i32 to index
      %swap3A_205 = arith.constant 0 : index
      %swap3A_206 = tpu.vector_load %arg9[%swap3A, %swap3A_205] {strides = array<i32>} : memref<64x128xf32, #tpu.memory_space<vmem>>, vector<1x16xf32>,
      %swap3A_207 = vector.shape_cast %swap3A_206 : vector<1x16xf32> to vector<16xf32>
      %swap3A_208 = vector.shape_cast %broadcast_in_dim3A_204 : vector<16xf32> to vector<1x16xf32>
      tpu.vector_store %arg9[%swap3A, %swap3A_205], %swap3A_208 {strides = array<i32>} : memref<64x128xf32, #tpu.memory_space<vmem>>, vector<1x16xf32>,
      %broadcast_in_dim3A_209 = arith.constant 0.000000e+00 : f32
      %broadcast_in_dim3A_210 = vector.broadcast %broadcast_in_dim3A_209 : f32 to vector<16xf32>
      %swap3A_211 = arith.index_cast %scan3A_203 : i32 to index
      %swap3A_212 = arith.constant 16 : index
      %swap3A_213 = tpu.vector_load %arg9[%swap3A_211, %swap3A_212] {strides = array<i32>} : memref<64x128xf32, #tpu.memory_space<vmem>>, vector<1x16xf32>,
      %swap3A_214 = vector.shape_cast %swap3A_213 : vector<1x16xf32> to vector<16xf32>
      %swap3A_215 = vector.shape_cast %broadcast_in_dim3A_210 : vector<16xf32> to vector<1x16xf32>
      tpu.vector_store %arg9[%swap3A_211, %swap3A_212], %swap3A_215 {strides = array<i32>} : memref<64x128xf32, #tpu.memory_space<vmem>>, vector<1x16xf32>,
      %broadcast_in_dim3A_216 = arith.constant 0.000000e+00 : f32
      %broadcast_in_dim3A_217 = vector.broadcast %broadcast_in_dim3A_216 : f32 to vector<16xf32>
      %swap3A_218 = arith.index_cast %scan3A_203 : i32 to index
      %swap3A_219 = arith.constant 32 : index
      %swap3A_220 = tpu.vector_load %arg9[%swap3A_218, %swap3A_219] {strides = array<i32>} : memref<64x128xf32, #tpu.memory_space<vmem>>, vector<1x16xf32>,
      %swap3A_221 = vector.shape_cast %swap3A_220 : vector<1x16xf32> to vector<16xf32>
      %swap3A_222 = vector.shape_cast %broadcast_in_dim3A_217 : vector<16xf32> to vector<1x16xf32>
      tpu.vector_store %arg9[%swap3A_218, %swap3A_219], %swap3A_222 {strides = array<i32>} : memref<64x128xf32, #tpu.memory_space<vmem>>, vector<1x16xf32>,
      %broadcast_in_dim3A_223 = arith.constant 0.000000e+00 : f32
      %broadcast_in_dim3A_224 = vector.broadcast %broadcast_in_dim3A_223 : f32 to vector<16xf32>
      %swap3A_225 = arith.index_cast %scan3A_203 : i32 to index
      %swap3A_226 = arith.constant 48 : index
      %swap3A_227 = tpu.vector_load %arg9[%swap3A_225, %swap3A_226] {strides = array<i32>} : memref<64x128xf32, #tpu.memory_space<vmem>>, vector<1x16xf32>,
      %swap3A_228 = vector.shape_cast %swap3A_227 : vector<1x16xf32> to vector<16xf32>
      %swap3A_229 = vector.shape_cast %broadcast_in_dim3A_224 : vector<16xf32> to vector<1x16xf32>
      tpu.vector_store %arg9[%swap3A_225, %swap3A_226], %swap3A_229 {strides = array<i32>} : memref<64x128xf32, #tpu.memory_space<vmem>>, vector<1x16xf32>,
      %broadcast_in_dim3A_230 = arith.constant 0.000000e+00 : f32
      %broadcast_in_dim3A_231 = vector.broadcast %broadcast_in_dim3A_230 : f32 to vector<16xf32>
      %swap3A_232 = arith.index_cast %scan3A_203 : i32 to index
      %swap3A_233 = arith.constant 64 : index
      %swap3A_234 = tpu.vector_load %arg9[%swap3A_232, %swap3A_233] {strides = array<i32>} : memref<64x128xf32, #tpu.memory_space<vmem>>, vector<1x16xf32>,
      %swap3A_235 = vector.shape_cast %swap3A_234 : vector<1x16xf32> to vector<16xf32>
      %swap3A_236 = vector.shape_cast %broadcast_in_dim3A_231 : vector<16xf32> to vector<1x16xf32>
      tpu.vector_store %arg9[%swap3A_232, %swap3A_233], %swap3A_236 {strides = array<i32>} : memref<64x128xf32, #tpu.memory_space<vmem>>, vector<1x16xf32>,
      %broadcast_in_dim3A_237 = arith.constant 0.000000e+00 : f32
      %broadcast_in_dim3A_238 = vector.broadcast %broadcast_in_dim3A_237 : f32 to vector<16xf32>
      %swap3A_239 = arith.index_cast %scan3A_203 : i32 to index
      %swap3A_240 = arith.constant 80 : index
      %swap3A_241 = tpu.vector_load %arg9[%swap3A_239, %swap3A_240] {strides = array<i32>} : memref<64x128xf32, #tpu.memory_space<vmem>>, vector<1x16xf32>,
      %swap3A_242 = vector.shape_cast %swap3A_241 : vector<1x16xf32> to vector<16xf32>
      %swap3A_243 = vector.shape_cast %broadcast_in_dim3A_238 : vector<16xf32> to vector<1x16xf32>
      tpu.vector_store %arg9[%swap3A_239, %swap3A_240], %swap3A_243 {strides = array<i32>} : memref<64x128xf32, #tpu.memory_space<vmem>>, vector<1x16xf32>,
      %broadcast_in_dim3A_244 = arith.constant 0.000000e+00 : f32
      %broadcast_in_dim3A_245 = vector.broadcast %broadcast_in_dim3A_244 : f32 to vector<16xf32>
      %swap3A_246 = arith.index_cast %scan3A_203 : i32 to index
      %swap3A_247 = arith.constant 96 : index
      %swap3A_248 = tpu.vector_load %arg9[%swap3A_246, %swap3A_247] {strides = array<i32>} : memref<64x128xf32, #tpu.memory_space<vmem>>, vector<1x16xf32>,
      %swap3A_249 = vector.shape_cast %swap3A_248 : vector<1x16xf32> to vector<16xf32>
      %swap3A_250 = vector.shape_cast %broadcast_in_dim3A_245 : vector<16xf32> to vector<1x16xf32>
      tpu.vector_store %arg9[%swap3A_246, %swap3A_247], %swap3A_250 {strides = array<i32>} : memref<64x128xf32, #tpu.memory_space<vmem>>, vector<1x16xf32>,
      %broadcast_in_dim3A_251 = arith.constant 0.000000e+00 : f32
      %broadcast_in_dim3A_252 = vector.broadcast %broadcast_in_dim3A_251 : f32 to vector<16xf32>
      %swap3A_253 = arith.index_cast %scan3A_203 : i32 to index
      %swap3A_254 = arith.constant 112 : index
      %swap3A_255 = tpu.vector_load %arg9[%swap3A_253, %swap3A_254] {strides = array<i32>} : memref<64x128xf32, #tpu.memory_space<vmem>>, vector<1x16xf32>,
      %swap3A_256 = vector.shape_cast %swap3A_255 : vector<1x16xf32> to vector<16xf32>
      %swap3A_257 = vector.shape_cast %broadcast_in_dim3A_252 : vector<16xf32> to vector<1x16xf32>
      tpu.vector_store %arg9[%swap3A_253, %swap3A_254], %swap3A_257 {strides = array<i32>} : memref<64x128xf32, #tpu.memory_space<vmem>>, vector<1x16xf32>,
    }
    %scan3A_5 = arith.constant 64 : i32
    %mul3A_6 = arith.constant 640 : i32
    %mul3A_7 = arith.muli %arg1, %mul3A_6 : i32
    %add3A_8 = arith.constant 0 : i32
    %add3A_9 = arith.addi %mul3A_7, %add3A_8 : i32
    "tpu.region"() ({
      %run_scoped3A = tpu.sem_alloc : memref<!tpu.dma_semaphore, #tpu.memory_space<semaphore_mem>>
      %dma_start3A_203 = arith.constant 0 : i32
      %dma_start3A_204 = tpu.memref_slice %arg10[%add3A_9, %dma_start3A_203] : memref<10240x128xf32, #tpu.memory_space<vmem_shared>> -> memref<64x128xf32, #tpu.memory_space<vmem_shared>>
      %dma_start3A_205 = arith.constant 0 : i32
      %dma_start3A_206 = tpu.memref_slice %arg10[%add3A_9, %dma_start3A_205] : memref<10240x128xf32, #tpu.memory_space<vmem_shared>> -> memref<64x128xf32, #tpu.memory_space<vmem_shared>>
      tpu.enqueue_dma source(%arg9 : memref<64x128xf32, #tpu.memory_space<vmem>>) target(%dma_start3A_206 : memref<64x128xf32, #tpu.memory_space<vmem_shared>>) target_semaphore(%run_scoped3A : memref<!tpu.dma_semaphore, #tpu.memory_space<semaphore_mem>>)
      %dma_wait3A_207 = arith.constant 0 : i32
      %dma_wait3A_208 = tpu.memref_slice %arg10[%add3A_9, %dma_wait3A_207] : memref<10240x128xf32, #tpu.memory_space<vmem_shared>> -> memref<64x128xf32, #tpu.memory_space<vmem_shared>>
      %dma_wait3A_209 = arith.constant 0 : i32
      %dma_wait3A_210 = tpu.memref_slice %arg10[%add3A_9, %dma_wait3A_209] : memref<10240x128xf32, #tpu.memory_space<vmem_shared>> -> memref<64x128xf32, #tpu.memory_space<vmem_shared>>
      tpu.wait_dma2 semaphore(%run_scoped3A : memref<!tpu.dma_semaphore, #tpu.memory_space<semaphore_mem>>) src(%arg9 : memref<64x128xf32, #tpu.memory_space<vmem>>) dst(%dma_wait3A_210 : memref<64x128xf32, #tpu.memory_space<vmem_shared>>)
      tpu.yield
    }) : () -> ()
    %mul3A_10 = arith.constant 640 : i32
    %mul3A_11 = arith.muli %arg1, %mul3A_10 : i32
    %add3A_12 = arith.constant 64 : i32
    %add3A_13 = arith.addi %mul3A_11, %add3A_12 : i32
    "tpu.region"() ({
      %run_scoped3A = tpu.sem_alloc : memref<!tpu.dma_semaphore, #tpu.memory_space<semaphore_mem>>
      %dma_start3A_203 = arith.constant 0 : i32
      %dma_start3A_204 = tpu.memref_slice %arg10[%add3A_13, %dma_start3A_203] : memref<10240x128xf32, #tpu.memory_space<vmem_shared>> -> memref<64x128xf32, #tpu.memory_space<vmem_shared>>
      %dma_start3A_205 = arith.constant 0 : i32
      %dma_start3A_206 = tpu.memref_slice %arg10[%add3A_13, %dma_start3A_205] : memref<10240x128xf32, #tpu.memory_space<vmem_shared>> -> memref<64x128xf32, #tpu.memory_space<vmem_shared>>
      tpu.enqueue_dma source(%arg9 : memref<64x128xf32, #tpu.memory_space<vmem>>) target(%dma_start3A_206 : memref<64x128xf32, #tpu.memory_space<vmem_shared>>) target_semaphore(%run_scoped3A : memref<!tpu.dma_semaphore, #tpu.memory_space<semaphore_mem>>)
      %dma_wait3A_207 = arith.constant 0 : i32
      %dma_wait3A_208 = tpu.memref_slice %arg10[%add3A_13, %dma_wait3A_207] : memref<10240x128xf32, #tpu.memory_space<vmem_shared>> -> memref<64x128xf32, #tpu.memory_space<vmem_shared>>
      %dma_wait3A_209 = arith.constant 0 : i32
      %dma_wait3A_210 = tpu.memref_slice %arg10[%add3A_13, %dma_wait3A_209] : memref<10240x128xf32, #tpu.memory_space<vmem_shared>> -> memref<64x128xf32, #tpu.memory_space<vmem_shared>>
      tpu.wait_dma2 semaphore(%run_scoped3A : memref<!tpu.dma_semaphore, #tpu.memory_space<semaphore_mem>>) src(%arg9 : memref<64x128xf32, #tpu.memory_space<vmem>>) dst(%dma_wait3A_210 : memref<64x128xf32, #tpu.memory_space<vmem_shared>>)
      tpu.yield
    }) : () -> ()
    %mul3A_14 = arith.constant 640 : i32
    %mul3A_15 = arith.muli %arg1, %mul3A_14 : i32
    %add3A_16 = arith.constant 128 : i32
    %add3A_17 = arith.addi %mul3A_15, %add3A_16 : i32
    "tpu.region"() ({
      %run_scoped3A = tpu.sem_alloc : memref<!tpu.dma_semaphore, #tpu.memory_space<semaphore_mem>>
      %dma_start3A_203 = arith.constant 0 : i32
      %dma_start3A_204 = tpu.memref_slice %arg10[%add3A_17, %dma_start3A_203] : memref<10240x128xf32, #tpu.memory_space<vmem_shared>> -> memref<64x128xf32, #tpu.memory_space<vmem_shared>>
      %dma_start3A_205 = arith.constant 0 : i32
      %dma_start3A_206 = tpu.memref_slice %arg10[%add3A_17, %dma_start3A_205] : memref<10240x128xf32, #tpu.memory_space<vmem_shared>> -> memref<64x128xf32, #tpu.memory_space<vmem_shared>>
      tpu.enqueue_dma source(%arg9 : memref<64x128xf32, #tpu.memory_space<vmem>>) target(%dma_start3A_206 : memref<64x128xf32, #tpu.memory_space<vmem_shared>>) target_semaphore(%run_scoped3A : memref<!tpu.dma_semaphore, #tpu.memory_space<semaphore_mem>>)
      %dma_wait3A_207 = arith.constant 0 : i32
      %dma_wait3A_208 = tpu.memref_slice %arg10[%add3A_17, %dma_wait3A_207] : memref<10240x128xf32, #tpu.memory_space<vmem_shared>> -> memref<64x128xf32, #tpu.memory_space<vmem_shared>>
      %dma_wait3A_209 = arith.constant 0 : i32
      %dma_wait3A_210 = tpu.memref_slice %arg10[%add3A_17, %dma_wait3A_209] : memref<10240x128xf32, #tpu.memory_space<vmem_shared>> -> memref<64x128xf32, #tpu.memory_space<vmem_shared>>
      tpu.wait_dma2 semaphore(%run_scoped3A : memref<!tpu.dma_semaphore, #tpu.memory_space<semaphore_mem>>) src(%arg9 : memref<64x128xf32, #tpu.memory_space<vmem>>) dst(%dma_wait3A_210 : memref<64x128xf32, #tpu.memory_space<vmem_shared>>)
      tpu.yield
    }) : () -> ()
    %mul3A_18 = arith.constant 640 : i32
    %mul3A_19 = arith.muli %arg1, %mul3A_18 : i32
    %add3A_20 = arith.constant 192 : i32
    %add3A_21 = arith.addi %mul3A_19, %add3A_20 : i32
    "tpu.region"() ({
      %run_scoped3A = tpu.sem_alloc : memref<!tpu.dma_semaphore, #tpu.memory_space<semaphore_mem>>
      %dma_start3A_203 = arith.constant 0 : i32
      %dma_start3A_204 = tpu.memref_slice %arg10[%add3A_21, %dma_start3A_203] : memref<10240x128xf32, #tpu.memory_space<vmem_shared>> -> memref<64x128xf32, #tpu.memory_space<vmem_shared>>
      %dma_start3A_205 = arith.constant 0 : i32
      %dma_start3A_206 = tpu.memref_slice %arg10[%add3A_21, %dma_start3A_205] : memref<10240x128xf32, #tpu.memory_space<vmem_shared>> -> memref<64x128xf32, #tpu.memory_space<vmem_shared>>
      tpu.enqueue_dma source(%arg9 : memref<64x128xf32, #tpu.memory_space<vmem>>) target(%dma_start3A_206 : memref<64x128xf32, #tpu.memory_space<vmem_shared>>) target_semaphore(%run_scoped3A : memref<!tpu.dma_semaphore, #tpu.memory_space<semaphore_mem>>)
      %dma_wait3A_207 = arith.constant 0 : i32
      %dma_wait3A_208 = tpu.memref_slice %arg10[%add3A_21, %dma_wait3A_207] : memref<10240x128xf32, #tpu.memory_space<vmem_shared>> -> memref<64x128xf32, #tpu.memory_space<vmem_shared>>
      %dma_wait3A_209 = arith.constant 0 : i32
      %dma_wait3A_210 = tpu.memref_slice %arg10[%add3A_21, %dma_wait3A_209] : memref<10240x128xf32, #tpu.memory_space<vmem_shared>> -> memref<64x128xf32, #tpu.memory_space<vmem_shared>>
      tpu.wait_dma2 semaphore(%run_scoped3A : memref<!tpu.dma_semaphore, #tpu.memory_space<semaphore_mem>>) src(%arg9 : memref<64x128xf32, #tpu.memory_space<vmem>>) dst(%dma_wait3A_210 : memref<64x128xf32, #tpu.memory_space<vmem_shared>>)
      tpu.yield
    }) : () -> ()
    %mul3A_22 = arith.constant 640 : i32
    %mul3A_23 = arith.muli %arg1, %mul3A_22 : i32
    %add3A_24 = arith.constant 256 : i32
    %add3A_25 = arith.addi %mul3A_23, %add3A_24 : i32
    "tpu.region"() ({
      %run_scoped3A = tpu.sem_alloc : memref<!tpu.dma_semaphore, #tpu.memory_space<semaphore_mem>>
      %dma_start3A_203 = arith.constant 0 : i32
      %dma_start3A_204 = tpu.memref_slice %arg10[%add3A_25, %dma_start3A_203] : memref<10240x128xf32, #tpu.memory_space<vmem_shared>> -> memref<64x128xf32, #tpu.memory_space<vmem_shared>>
      %dma_start3A_205 = arith.constant 0 : i32
      %dma_start3A_206 = tpu.memref_slice %arg10[%add3A_25, %dma_start3A_205] : memref<10240x128xf32, #tpu.memory_space<vmem_shared>> -> memref<64x128xf32, #tpu.memory_space<vmem_shared>>
      tpu.enqueue_dma source(%arg9 : memref<64x128xf32, #tpu.memory_space<vmem>>) target(%dma_start3A_206 : memref<64x128xf32, #tpu.memory_space<vmem_shared>>) target_semaphore(%run_scoped3A : memref<!tpu.dma_semaphore, #tpu.memory_space<semaphore_mem>>)
      %dma_wait3A_207 = arith.constant 0 : i32
      %dma_wait3A_208 = tpu.memref_slice %arg10[%add3A_25, %dma_wait3A_207] : memref<10240x128xf32, #tpu.memory_space<vmem_shared>> -> memref<64x128xf32, #tpu.memory_space<vmem_shared>>
      %dma_wait3A_209 = arith.constant 0 : i32
      %dma_wait3A_210 = tpu.memref_slice %arg10[%add3A_25, %dma_wait3A_209] : memref<10240x128xf32, #tpu.memory_space<vmem_shared>> -> memref<64x128xf32, #tpu.memory_space<vmem_shared>>
      tpu.wait_dma2 semaphore(%run_scoped3A : memref<!tpu.dma_semaphore, #tpu.memory_space<semaphore_mem>>) src(%arg9 : memref<64x128xf32, #tpu.memory_space<vmem>>) dst(%dma_wait3A_210 : memref<64x128xf32, #tpu.memory_space<vmem_shared>>)
      tpu.yield
    }) : () -> ()
    %mul3A_26 = arith.constant 640 : i32
    %mul3A_27 = arith.muli %arg1, %mul3A_26 : i32
    %add3A_28 = arith.constant 320 : i32
    %add3A_29 = arith.addi %mul3A_27, %add3A_28 : i32
    "tpu.region"() ({
      %run_scoped3A = tpu.sem_alloc : memref<!tpu.dma_semaphore, #tpu.memory_space<semaphore_mem>>
      %dma_start3A_203 = arith.constant 0 : i32
      %dma_start3A_204 = tpu.memref_slice %arg10[%add3A_29, %dma_start3A_203] : memref<10240x128xf32, #tpu.memory_space<vmem_shared>> -> memref<64x128xf32, #tpu.memory_space<vmem_shared>>
      %dma_start3A_205 = arith.constant 0 : i32
      %dma_start3A_206 = tpu.memref_slice %arg10[%add3A_29, %dma_start3A_205] : memref<10240x128xf32, #tpu.memory_space<vmem_shared>> -> memref<64x128xf32, #tpu.memory_space<vmem_shared>>
      tpu.enqueue_dma source(%arg9 : memref<64x128xf32, #tpu.memory_space<vmem>>) target(%dma_start3A_206 : memref<64x128xf32, #tpu.memory_space<vmem_shared>>) target_semaphore(%run_scoped3A : memref<!tpu.dma_semaphore, #tpu.memory_space<semaphore_mem>>)
      %dma_wait3A_207 = arith.constant 0 : i32
      %dma_wait3A_208 = tpu.memref_slice %arg10[%add3A_29, %dma_wait3A_207] : memref<10240x128xf32, #tpu.memory_space<vmem_shared>> -> memref<64x128xf32, #tpu.memory_space<vmem_shared>>
      %dma_wait3A_209 = arith.constant 0 : i32
      %dma_wait3A_210 = tpu.memref_slice %arg10[%add3A_29, %dma_wait3A_209] : memref<10240x128xf32, #tpu.memory_space<vmem_shared>> -> memref<64x128xf32, #tpu.memory_space<vmem_shared>>
      tpu.wait_dma2 semaphore(%run_scoped3A : memref<!tpu.dma_semaphore, #tpu.memory_space<semaphore_mem>>) src(%arg9 : memref<64x128xf32, #tpu.memory_space<vmem>>) dst(%dma_wait3A_210 : memref<64x128xf32, #tpu.memory_space<vmem_shared>>)
      tpu.yield
    }) : () -> ()
    %mul3A_30 = arith.constant 640 : i32
    %mul3A_31 = arith.muli %arg1, %mul3A_30 : i32
    %add3A_32 = arith.constant 384 : i32
    %add3A_33 = arith.addi %mul3A_31, %add3A_32 : i32
    "tpu.region"() ({
      %run_scoped3A = tpu.sem_alloc : memref<!tpu.dma_semaphore, #tpu.memory_space<semaphore_mem>>
      %dma_start3A_203 = arith.constant 0 : i32
      %dma_start3A_204 = tpu.memref_slice %arg10[%add3A_33, %dma_start3A_203] : memref<10240x128xf32, #tpu.memory_space<vmem_shared>> -> memref<64x128xf32, #tpu.memory_space<vmem_shared>>
      %dma_start3A_205 = arith.constant 0 : i32
      %dma_start3A_206 = tpu.memref_slice %arg10[%add3A_33, %dma_start3A_205] : memref<10240x128xf32, #tpu.memory_space<vmem_shared>> -> memref<64x128xf32, #tpu.memory_space<vmem_shared>>
      tpu.enqueue_dma source(%arg9 : memref<64x128xf32, #tpu.memory_space<vmem>>) target(%dma_start3A_206 : memref<64x128xf32, #tpu.memory_space<vmem_shared>>) target_semaphore(%run_scoped3A : memref<!tpu.dma_semaphore, #tpu.memory_space<semaphore_mem>>)
      %dma_wait3A_207 = arith.constant 0 : i32
      %dma_wait3A_208 = tpu.memref_slice %arg10[%add3A_33, %dma_wait3A_207] : memref<10240x128xf32, #tpu.memory_space<vmem_shared>> -> memref<64x128xf32, #tpu.memory_space<vmem_shared>>
      %dma_wait3A_209 = arith.constant 0 : i32
      %dma_wait3A_210 = tpu.memref_slice %arg10[%add3A_33, %dma_wait3A_209] : memref<10240x128xf32, #tpu.memory_space<vmem_shared>> -> memref<64x128xf32, #tpu.memory_space<vmem_shared>>
      tpu.wait_dma2 semaphore(%run_scoped3A : memref<!tpu.dma_semaphore, #tpu.memory_space<semaphore_mem>>) src(%arg9 : memref<64x128xf32, #tpu.memory_space<vmem>>) dst(%dma_wait3A_210 : memref<64x128xf32, #tpu.memory_space<vmem_shared>>)
      tpu.yield
    }) : () -> ()
    %mul3A_34 = arith.constant 640 : i32
    %mul3A_35 = arith.muli %arg1, %mul3A_34 : i32
    %add3A_36 = arith.constant 448 : i32
    %add3A_37 = arith.addi %mul3A_35, %add3A_36 : i32
    "tpu.region"() ({
      %run_scoped3A = tpu.sem_alloc : memref<!tpu.dma_semaphore, #tpu.memory_space<semaphore_mem>>
      %dma_start3A_203 = arith.constant 0 : i32
      %dma_start3A_204 = tpu.memref_slice %arg10[%add3A_37, %dma_start3A_203] : memref<10240x128xf32, #tpu.memory_space<vmem_shared>> -> memref<64x128xf32, #tpu.memory_space<vmem_shared>>
      %dma_start3A_205 = arith.constant 0 : i32
      %dma_start3A_206 = tpu.memref_slice %arg10[%add3A_37, %dma_start3A_205] : memref<10240x128xf32, #tpu.memory_space<vmem_shared>> -> memref<64x128xf32, #tpu.memory_space<vmem_shared>>
      tpu.enqueue_dma source(%arg9 : memref<64x128xf32, #tpu.memory_space<vmem>>) target(%dma_start3A_206 : memref<64x128xf32, #tpu.memory_space<vmem_shared>>) target_semaphore(%run_scoped3A : memref<!tpu.dma_semaphore, #tpu.memory_space<semaphore_mem>>)
      %dma_wait3A_207 = arith.constant 0 : i32
      %dma_wait3A_208 = tpu.memref_slice %arg10[%add3A_37, %dma_wait3A_207] : memref<10240x128xf32, #tpu.memory_space<vmem_shared>> -> memref<64x128xf32, #tpu.memory_space<vmem_shared>>
      %dma_wait3A_209 = arith.constant 0 : i32
      %dma_wait3A_210 = tpu.memref_slice %arg10[%add3A_37, %dma_wait3A_209] : memref<10240x128xf32, #tpu.memory_space<vmem_shared>> -> memref<64x128xf32, #tpu.memory_space<vmem_shared>>
      tpu.wait_dma2 semaphore(%run_scoped3A : memref<!tpu.dma_semaphore, #tpu.memory_space<semaphore_mem>>) src(%arg9 : memref<64x128xf32, #tpu.memory_space<vmem>>) dst(%dma_wait3A_210 : memref<64x128xf32, #tpu.memory_space<vmem_shared>>)
      tpu.yield
    }) : () -> ()
    %mul3A_38 = arith.constant 640 : i32
    %mul3A_39 = arith.muli %arg1, %mul3A_38 : i32
    %add3A_40 = arith.constant 512 : i32
    %add3A_41 = arith.addi %mul3A_39, %add3A_40 : i32
    "tpu.region"() ({
      %run_scoped3A = tpu.sem_alloc : memref<!tpu.dma_semaphore, #tpu.memory_space<semaphore_mem>>
      %dma_start3A_203 = arith.constant 0 : i32
      %dma_start3A_204 = tpu.memref_slice %arg10[%add3A_41, %dma_start3A_203] : memref<10240x128xf32, #tpu.memory_space<vmem_shared>> -> memref<64x128xf32, #tpu.memory_space<vmem_shared>>
      %dma_start3A_205 = arith.constant 0 : i32
      %dma_start3A_206 = tpu.memref_slice %arg10[%add3A_41, %dma_start3A_205] : memref<10240x128xf32, #tpu.memory_space<vmem_shared>> -> memref<64x128xf32, #tpu.memory_space<vmem_shared>>
      tpu.enqueue_dma source(%arg9 : memref<64x128xf32, #tpu.memory_space<vmem>>) target(%dma_start3A_206 : memref<64x128xf32, #tpu.memory_space<vmem_shared>>) target_semaphore(%run_scoped3A : memref<!tpu.dma_semaphore, #tpu.memory_space<semaphore_mem>>)
      %dma_wait3A_207 = arith.constant 0 : i32
      %dma_wait3A_208 = tpu.memref_slice %arg10[%add3A_41, %dma_wait3A_207] : memref<10240x128xf32, #tpu.memory_space<vmem_shared>> -> memref<64x128xf32, #tpu.memory_space<vmem_shared>>
      %dma_wait3A_209 = arith.constant 0 : i32
      %dma_wait3A_210 = tpu.memref_slice %arg10[%add3A_41, %dma_wait3A_209] : memref<10240x128xf32, #tpu.memory_space<vmem_shared>> -> memref<64x128xf32, #tpu.memory_space<vmem_shared>>
      tpu.wait_dma2 semaphore(%run_scoped3A : memref<!tpu.dma_semaphore, #tpu.memory_space<semaphore_mem>>) src(%arg9 : memref<64x128xf32, #tpu.memory_space<vmem>>) dst(%dma_wait3A_210 : memref<64x128xf32, #tpu.memory_space<vmem_shared>>)
      tpu.yield
    }) : () -> ()
    %mul3A_42 = arith.constant 640 : i32
    %mul3A_43 = arith.muli %arg1, %mul3A_42 : i32
    %add3A_44 = arith.constant 576 : i32
    %add3A_45 = arith.addi %mul3A_43, %add3A_44 : i32
    "tpu.region"() ({
      %run_scoped3A = tpu.sem_alloc : memref<!tpu.dma_semaphore, #tpu.memory_space<semaphore_mem>>
      %dma_start3A_203 = arith.constant 0 : i32
      %dma_start3A_204 = tpu.memref_slice %arg10[%add3A_45, %dma_start3A_203] : memref<10240x128xf32, #tpu.memory_space<vmem_shared>> -> memref<64x128xf32, #tpu.memory_space<vmem_shared>>
      %dma_start3A_205 = arith.constant 0 : i32
      %dma_start3A_206 = tpu.memref_slice %arg10[%add3A_45, %dma_start3A_205] : memref<10240x128xf32, #tpu.memory_space<vmem_shared>> -> memref<64x128xf32, #tpu.memory_space<vmem_shared>>
      tpu.enqueue_dma source(%arg9 : memref<64x128xf32, #tpu.memory_space<vmem>>) target(%dma_start3A_206 : memref<64x128xf32, #tpu.memory_space<vmem_shared>>) target_semaphore(%run_scoped3A : memref<!tpu.dma_semaphore, #tpu.memory_space<semaphore_mem>>)
      %dma_wait3A_207 = arith.constant 0 : i32
      %dma_wait3A_208 = tpu.memref_slice %arg10[%add3A_45, %dma_wait3A_207] : memref<10240x128xf32, #tpu.memory_space<vmem_shared>> -> memref<64x128xf32, #tpu.memory_space<vmem_shared>>
      %dma_wait3A_209 = arith.constant 0 : i32
      %dma_wait3A_210 = tpu.memref_slice %arg10[%add3A_45, %dma_wait3A_209] : memref<10240x128xf32, #tpu.memory_space<vmem_shared>> -> memref<64x128xf32, #tpu.memory_space<vmem_shared>>
      tpu.wait_dma2 semaphore(%run_scoped3A : memref<!tpu.dma_semaphore, #tpu.memory_space<semaphore_mem>>) src(%arg9 : memref<64x128xf32, #tpu.memory_space<vmem>>) dst(%dma_wait3A_210 : memref<64x128xf32, #tpu.memory_space<vmem_shared>>)
      tpu.yield
    }) : () -> ()
    %barrier3A = arith.constant 0 : index
    tpu.barrier barrier_id(%barrier3A)
    %dma_start3A = arith.constant 0 : i32
    %dma_start3A_46 = arith.constant 0 : i32
    %dma_start3A_47 = tpu.memref_slice %arg2[%add3A, %dma_start3A, %dma_start3A_46] : memref<32x125x80xi32, #tpu.memory_space<hbm>> -> memref<1x1x80xi32, #tpu.memory_space<hbm>>
    %dma_start3A_48 = tpu.memref_squeeze %dma_start3A_47 : memref<1x1x80xi32, #tpu.memory_space<hbm>> -> memref<1x80xi32, #tpu.memory_space<hbm>>
    %dma_start3A_49 = arith.constant 0 : i32
    %dma_start3A_50 = arith.constant 0 : i32
    %dma_start3A_51 = tpu.memref_slice %arg2[%add3A, %dma_start3A_49, %dma_start3A_50] : memref<32x125x80xi32, #tpu.memory_space<hbm>> -> memref<1x1x80xi32, #tpu.memory_space<hbm>>
    %dma_start3A_52 = tpu.memref_squeeze %dma_start3A_51 : memref<1x1x80xi32, #tpu.memory_space<hbm>> -> memref<1x80xi32, #tpu.memory_space<hbm>>
    tpu.enqueue_dma source(%dma_start3A_52 : memref<1x80xi32, #tpu.memory_space<hbm>>) target(%arg5 : memref<1x80xi32, #tpu.memory_space<vmem>>) target_semaphore(%arg11 : memref<!tpu.dma_semaphore, #tpu.memory_space<semaphore_mem>>)
    %dma_start3A_53 = arith.constant 0 : i32
    %dma_start3A_54 = arith.constant 0 : i32
    %dma_start3A_55 = arith.constant 0 : i32
    %dma_start3A_56 = tpu.memref_slice %arg3[%add3A, %dma_start3A_53, %dma_start3A_54, %dma_start3A_55] : memref<32x125x80x128xf32, #tpu.memory_space<hbm>> -> memref<1x1x80x128xf32, #tpu.memory_space<hbm>>
    %dma_start3A_57 = tpu.memref_squeeze %dma_start3A_56 : memref<1x1x80x128xf32, #tpu.memory_space<hbm>> -> memref<80x128xf32, #tpu.memory_space<hbm>>
    %dma_start3A_58 = arith.constant 0 : i32
    %dma_start3A_59 = arith.constant 0 : i32
    %dma_start3A_60 = tpu.memref_slice %arg3[%add3A, %dma_start3A_53, %dma_start3A_58, %dma_start3A_59] : memref<32x125x80x128xf32, #tpu.memory_space<hbm>> -> memref<1x1x80x128xf32, #tpu.memory_space<hbm>>
    %dma_start3A_61 = tpu.memref_squeeze %dma_start3A_60 : memref<1x1x80x128xf32, #tpu.memory_space<hbm>> -> memref<80x128xf32, #tpu.memory_space<hbm>>
    tpu.enqueue_dma source(%dma_start3A_61 : memref<80x128xf32, #tpu.memory_space<hbm>>) target(%arg7 : memref<80x128xf32, #tpu.memory_space<vmem>>) target_semaphore(%arg11 : memref<!tpu.dma_semaphore, #tpu.memory_space<semaphore_mem>>)
    %dma_start3A_62 = arith.constant 1 : i32
    %dma_start3A_63 = arith.constant 0 : i32
    %dma_start3A_64 = tpu.memref_slice %arg2[%add3A, %dma_start3A_62, %dma_start3A_63] : memref<32x125x80xi32, #tpu.memory_space<hbm>> -> memref<1x1x80xi32, #tpu.memory_space<hbm>>
    %dma_start3A_65 = tpu.memref_squeeze %dma_start3A_64 : memref<1x1x80xi32, #tpu.memory_space<hbm>> -> memref<1x80xi32, #tpu.memory_space<hbm>>
    %dma_start3A_66 = arith.constant 1 : i32
    %dma_start3A_67 = arith.constant 0 : i32
    %dma_start3A_68 = tpu.memref_slice %arg2[%add3A, %dma_start3A_66, %dma_start3A_67] : memref<32x125x80xi32, #tpu.memory_space<hbm>> -> memref<1x1x80xi32, #tpu.memory_space<hbm>>
    %dma_start3A_69 = tpu.memref_squeeze %dma_start3A_68 : memref<1x1x80xi32, #tpu.memory_space<hbm>> -> memref<1x80xi32, #tpu.memory_space<hbm>>
    tpu.enqueue_dma source(%dma_start3A_69 : memref<1x80xi32, #tpu.memory_space<hbm>>) target(%arg6 : memref<1x80xi32, #tpu.memory_space<vmem>>) target_semaphore(%arg12 : memref<!tpu.dma_semaphore, #tpu.memory_space<semaphore_mem>>)
    %dma_start3A_70 = arith.constant 1 : i32
    %dma_start3A_71 = arith.constant 0 : i32
    %dma_start3A_72 = arith.constant 0 : i32
    %dma_start3A_73 = tpu.memref_slice %arg3[%add3A, %dma_start3A_70, %dma_start3A_71, %dma_start3A_72] : memref<32x125x80x128xf32, #tpu.memory_space<hbm>> -> memref<1x1x80x128xf32, #tpu.memory_space<hbm>>
    %dma_start3A_74 = tpu.memref_squeeze %dma_start3A_73 : memref<1x1x80x128xf32, #tpu.memory_space<hbm>> -> memref<80x128xf32, #tpu.memory_space<hbm>>
    %dma_start3A_75 = arith.constant 0 : i32
    %dma_start3A_76 = arith.constant 0 : i32
    %dma_start3A_77 = tpu.memref_slice %arg3[%add3A, %dma_start3A_70, %dma_start3A_75, %dma_start3A_76] : memref<32x125x80x128xf32, #tpu.memory_space<hbm>> -> memref<1x1x80x128xf32, #tpu.memory_space<hbm>>
    %dma_start3A_78 = tpu.memref_squeeze %dma_start3A_77 : memref<1x1x80x128xf32, #tpu.memory_space<hbm>> -> memref<80x128xf32, #tpu.memory_space<hbm>>
    tpu.enqueue_dma source(%dma_start3A_78 : memref<80x128xf32, #tpu.memory_space<hbm>>) target(%arg8 : memref<80x128xf32, #tpu.memory_space<vmem>>) target_semaphore(%arg12 : memref<!tpu.dma_semaphore, #tpu.memory_space<semaphore_mem>>)
    %scan3A_79 = arith.constant 0 : i32
    %scan3A_80 = arith.constant 0 : i32
    %scan3A_81 = arith.constant 62 : i32
    %scan3A_82 = arith.addi %scan3A_80, %scan3A_81 : i32
    %scan3A_83 = arith.constant 1 : i32
    scf.for %scan3A_203 = %scan3A_80 to %scan3A_82 step %scan3A_83  : i32 {
      %mul3A_204 = arith.constant 2 : i32
      %mul3A_205 = arith.muli %mul3A_204, %scan3A_203 : i32
      %add3A_206 = arith.constant 0 : i32
      %add3A_207 = arith.addi %mul3A_205, %add3A_206 : i32
      %dma_wait3A_208 = arith.constant 0 : i32
      %dma_wait3A_209 = tpu.memref_slice %arg2[%add3A, %add3A_207, %dma_wait3A_208] : memref<32x125x80xi32, #tpu.memory_space<hbm>> -> memref<1x1x80xi32, #tpu.memory_space<hbm>>
      %dma_wait3A_210 = tpu.memref_squeeze %dma_wait3A_209 : memref<1x1x80xi32, #tpu.memory_space<hbm>> -> memref<1x80xi32, #tpu.memory_space<hbm>>
      %dma_wait3A_211 = arith.constant 0 : i32
      %dma_wait3A_212 = tpu.memref_slice %arg2[%add3A, %add3A_207, %dma_wait3A_211] : memref<32x125x80xi32, #tpu.memory_space<hbm>> -> memref<1x1x80xi32, #tpu.memory_space<hbm>>
      %dma_wait3A_213 = tpu.memref_squeeze %dma_wait3A_212 : memref<1x1x80xi32, #tpu.memory_space<hbm>> -> memref<1x80xi32, #tpu.memory_space<hbm>>
      tpu.wait_dma2 semaphore(%arg11 : memref<!tpu.dma_semaphore, #tpu.memory_space<semaphore_mem>>) src(%dma_wait3A_213 : memref<1x80xi32, #tpu.memory_space<hbm>>) dst(%arg5 : memref<1x80xi32, #tpu.memory_space<vmem>>)
      %dma_wait3A_214 = arith.constant 0 : i32
      %dma_wait3A_215 = arith.constant 0 : i32
      %dma_wait3A_216 = tpu.memref_slice %arg3[%add3A, %add3A_207, %dma_wait3A_214, %dma_wait3A_215] : memref<32x125x80x128xf32, #tpu.memory_space<hbm>> -> memref<1x1x80x128xf32, #tpu.memory_space<hbm>>
      %dma_wait3A_217 = tpu.memref_squeeze %dma_wait3A_216 : memref<1x1x80x128xf32, #tpu.memory_space<hbm>> -> memref<80x128xf32, #tpu.memory_space<hbm>>
      %dma_wait3A_218 = arith.constant 0 : i32
      %dma_wait3A_219 = arith.constant 0 : i32
      %dma_wait3A_220 = tpu.memref_slice %arg3[%add3A, %add3A_207, %dma_wait3A_218, %dma_wait3A_219] : memref<32x125x80x128xf32, #tpu.memory_space<hbm>> -> memref<1x1x80x128xf32, #tpu.memory_space<hbm>>
      %dma_wait3A_221 = tpu.memref_squeeze %dma_wait3A_220 : memref<1x1x80x128xf32, #tpu.memory_space<hbm>> -> memref<80x128xf32, #tpu.memory_space<hbm>>
      tpu.wait_dma2 semaphore(%arg11 : memref<!tpu.dma_semaphore, #tpu.memory_space<semaphore_mem>>) src(%dma_wait3A_221 : memref<80x128xf32, #tpu.memory_space<hbm>>) dst(%arg7 : memref<80x128xf32, #tpu.memory_space<vmem>>)
      %dma_start3A_222 = arith.constant 0 : i32
      %dma_start3A_223 = arith.constant 0 : i32
      %dma_start3A_224 = tpu.memref_slice %arg5[%dma_start3A_222, %dma_start3A_223] : memref<1x80xi32, #tpu.memory_space<vmem>> -> memref<1x80xi32, #tpu.memory_space<vmem>>
      %dma_start3A_225 = tpu.memref_squeeze %dma_start3A_224 : memref<1x80xi32, #tpu.memory_space<vmem>> -> memref<80xi32, #tpu.memory_space<vmem>>
      %dma_start3A_226 = arith.constant 0 : i32
      %dma_start3A_227 = arith.constant 0 : i32
      %dma_start3A_228 = tpu.memref_slice %arg10[%dma_start3A_226, %dma_start3A_227] : memref<10240x128xf32, #tpu.memory_space<vmem_shared>> -> memref<10240x128xf32, #tpu.memory_space<vmem_shared>>
      tpu.enqueue_indirect_dma source(%arg7 : memref<80x128xf32, #tpu.memory_space<vmem>>) target(%dma_start3A_228 : memref<10240x128xf32, #tpu.memory_space<vmem_shared>>) offsets(%dma_start3A_225 : memref<80xi32, #tpu.memory_space<vmem>>) semaphore(%arg13 : memref<!tpu.dma_semaphore, #tpu.memory_space<semaphore_mem>>) {add = true}
      %add3A_229 = arith.constant 2 : i32
      %add3A_230 = arith.addi %add3A_207, %add3A_229 : i32
      %le3A = arith.constant 124 : i32
      %le3A_231 = arith.cmpi sle, %add3A_230, %le3A : i32
      %convert_element_type3A = arith.extui %le3A_231 : i1 to i32
      %cond3A = arith.constant 0 : i32
      %cond3A_232 = arith.cmpi ne, %convert_element_type3A, %cond3A : i32
      scf.if %cond3A_232 {
        %dma_wait3A_265 = arith.constant 0 : i32
        %dma_wait3A_266 = arith.constant 0 : i32
        %dma_wait3A_267 = tpu.memref_slice %arg5[%dma_wait3A_265, %dma_wait3A_266] : memref<1x80xi32, #tpu.memory_space<vmem>> -> memref<1x80xi32, #tpu.memory_space<vmem>>
        %dma_wait3A_268 = tpu.memref_squeeze %dma_wait3A_267 : memref<1x80xi32, #tpu.memory_space<vmem>> -> memref<80xi32, #tpu.memory_space<vmem>>
        %dma_wait3A_269 = arith.constant 0 : i32
        %dma_wait3A_270 = arith.constant 0 : i32
        %dma_wait3A_271 = tpu.memref_slice %arg10[%dma_wait3A_269, %dma_wait3A_270] : memref<10240x128xf32, #tpu.memory_space<vmem_shared>> -> memref<10240x128xf32, #tpu.memory_space<vmem_shared>>
        tpu.wait_indirect_dma semaphore(%arg13 : memref<!tpu.dma_semaphore, #tpu.memory_space<semaphore_mem>>) src(%arg7 : memref<80x128xf32, #tpu.memory_space<vmem>>) dst(%dma_wait3A_271 : memref<10240x128xf32, #tpu.memory_space<vmem_shared>>)
        %add3A_272 = arith.constant 2 : i32
        %add3A_273 = arith.addi %add3A_207, %add3A_272 : i32
        %dma_start3A_274 = arith.constant 0 : i32
        %dma_start3A_275 = tpu.memref_slice %arg2[%add3A, %add3A_273, %dma_start3A_274] : memref<32x125x80xi32, #tpu.memory_space<hbm>> -> memref<1x1x80xi32, #tpu.memory_space<hbm>>
        %dma_start3A_276 = tpu.memref_squeeze %dma_start3A_275 : memref<1x1x80xi32, #tpu.memory_space<hbm>> -> memref<1x80xi32, #tpu.memory_space<hbm>>
        %dma_start3A_277 = arith.constant 0 : i32
        %dma_start3A_278 = tpu.memref_slice %arg2[%add3A, %add3A_273, %dma_start3A_277] : memref<32x125x80xi32, #tpu.memory_space<hbm>> -> memref<1x1x80xi32, #tpu.memory_space<hbm>>
        %dma_start3A_279 = tpu.memref_squeeze %dma_start3A_278 : memref<1x1x80xi32, #tpu.memory_space<hbm>> -> memref<1x80xi32, #tpu.memory_space<hbm>>
        tpu.enqueue_dma source(%dma_start3A_279 : memref<1x80xi32, #tpu.memory_space<hbm>>) target(%arg5 : memref<1x80xi32, #tpu.memory_space<vmem>>) target_semaphore(%arg11 : memref<!tpu.dma_semaphore, #tpu.memory_space<semaphore_mem>>)
        %dma_start3A_280 = arith.constant 0 : i32
        %dma_start3A_281 = arith.constant 0 : i32
        %dma_start3A_282 = tpu.memref_slice %arg3[%add3A, %add3A_273, %dma_start3A_280, %dma_start3A_281] : memref<32x125x80x128xf32, #tpu.memory_space<hbm>> -> memref<1x1x80x128xf32, #tpu.memory_space<hbm>>
        %dma_start3A_283 = tpu.memref_squeeze %dma_start3A_282 : memref<1x1x80x128xf32, #tpu.memory_space<hbm>> -> memref<80x128xf32, #tpu.memory_space<hbm>>
        %dma_start3A_284 = arith.constant 0 : i32
        %dma_start3A_285 = arith.constant 0 : i32
        %dma_start3A_286 = tpu.memref_slice %arg3[%add3A, %add3A_273, %dma_start3A_284, %dma_start3A_285] : memref<32x125x80x128xf32, #tpu.memory_space<hbm>> -> memref<1x1x80x128xf32, #tpu.memory_space<hbm>>
        %dma_start3A_287 = tpu.memref_squeeze %dma_start3A_286 : memref<1x1x80x128xf32, #tpu.memory_space<hbm>> -> memref<80x128xf32, #tpu.memory_space<hbm>>
        tpu.enqueue_dma source(%dma_start3A_287 : memref<80x128xf32, #tpu.memory_space<hbm>>) target(%arg7 : memref<80x128xf32, #tpu.memory_space<vmem>>) target_semaphore(%arg11 : memref<!tpu.dma_semaphore, #tpu.memory_space<semaphore_mem>>)
      } else {
      }
      %mul3A_233 = arith.constant 2 : i32
      %mul3A_234 = arith.muli %mul3A_233, %scan3A_203 : i32
      %add3A_235 = arith.constant 1 : i32
      %add3A_236 = arith.addi %mul3A_234, %add3A_235 : i32
      %dma_wait3A_237 = arith.constant 0 : i32
      %dma_wait3A_238 = tpu.memref_slice %arg2[%add3A, %add3A_236, %dma_wait3A_237] : memref<32x125x80xi32, #tpu.memory_space<hbm>> -> memref<1x1x80xi32, #tpu.memory_space<hbm>>
      %dma_wait3A_239 = tpu.memref_squeeze %dma_wait3A_238 : memref<1x1x80xi32, #tpu.memory_space<hbm>> -> memref<1x80xi32, #tpu.memory_space<hbm>>
      %dma_wait3A_240 = arith.constant 0 : i32
      %dma_wait3A_241 = tpu.memref_slice %arg2[%add3A, %add3A_236, %dma_wait3A_240] : memref<32x125x80xi32, #tpu.memory_space<hbm>> -> memref<1x1x80xi32, #tpu.memory_space<hbm>>
      %dma_wait3A_242 = tpu.memref_squeeze %dma_wait3A_241 : memref<1x1x80xi32, #tpu.memory_space<hbm>> -> memref<1x80xi32, #tpu.memory_space<hbm>>
      tpu.wait_dma2 semaphore(%arg12 : memref<!tpu.dma_semaphore, #tpu.memory_space<semaphore_mem>>) src(%dma_wait3A_242 : memref<1x80xi32, #tpu.memory_space<hbm>>) dst(%arg6 : memref<1x80xi32, #tpu.memory_space<vmem>>)
      %dma_wait3A_243 = arith.constant 0 : i32
      %dma_wait3A_244 = arith.constant 0 : i32
      %dma_wait3A_245 = tpu.memref_slice %arg3[%add3A, %add3A_236, %dma_wait3A_243, %dma_wait3A_244] : memref<32x125x80x128xf32, #tpu.memory_space<hbm>> -> memref<1x1x80x128xf32, #tpu.memory_space<hbm>>
      %dma_wait3A_246 = tpu.memref_squeeze %dma_wait3A_245 : memref<1x1x80x128xf32, #tpu.memory_space<hbm>> -> memref<80x128xf32, #tpu.memory_space<hbm>>
      %dma_wait3A_247 = arith.constant 0 : i32
      %dma_wait3A_248 = arith.constant 0 : i32
      %dma_wait3A_249 = tpu.memref_slice %arg3[%add3A, %add3A_236, %dma_wait3A_247, %dma_wait3A_248] : memref<32x125x80x128xf32, #tpu.memory_space<hbm>> -> memref<1x1x80x128xf32, #tpu.memory_space<hbm>>
      %dma_wait3A_250 = tpu.memref_squeeze %dma_wait3A_249 : memref<1x1x80x128xf32, #tpu.memory_space<hbm>> -> memref<80x128xf32, #tpu.memory_space<hbm>>
      tpu.wait_dma2 semaphore(%arg12 : memref<!tpu.dma_semaphore, #tpu.memory_space<semaphore_mem>>) src(%dma_wait3A_250 : memref<80x128xf32, #tpu.memory_space<hbm>>) dst(%arg8 : memref<80x128xf32, #tpu.memory_space<vmem>>)
      %dma_start3A_251 = arith.constant 0 : i32
      %dma_start3A_252 = arith.constant 0 : i32
      %dma_start3A_253 = tpu.memref_slice %arg6[%dma_start3A_251, %dma_start3A_252] : memref<1x80xi32, #tpu.memory_space<vmem>> -> memref<1x80xi32, #tpu.memory_space<vmem>>
      %dma_start3A_254 = tpu.memref_squeeze %dma_start3A_253 : memref<1x80xi32, #tpu.memory_space<vmem>> -> memref<80xi32, #tpu.memory_space<vmem>>
      %dma_start3A_255 = arith.constant 0 : i32
      %dma_start3A_256 = arith.constant 0 : i32
      %dma_start3A_257 = tpu.memref_slice %arg10[%dma_start3A_255, %dma_start3A_256] : memref<10240x128xf32, #tpu.memory_space<vmem_shared>> -> memref<10240x128xf32, #tpu.memory_space<vmem_shared>>
      tpu.enqueue_indirect_dma source(%arg8 : memref<80x128xf32, #tpu.memory_space<vmem>>) target(%dma_start3A_257 : memref<10240x128xf32, #tpu.memory_space<vmem_shared>>) offsets(%dma_start3A_254 : memref<80xi32, #tpu.memory_space<vmem>>) semaphore(%arg14 : memref<!tpu.dma_semaphore, #tpu.memory_space<semaphore_mem>>) {add = true}
      %add3A_258 = arith.constant 2 : i32
      %add3A_259 = arith.addi %add3A_236, %add3A_258 : i32
      %le3A_260 = arith.constant 124 : i32
      %le3A_261 = arith.cmpi sle, %add3A_259, %le3A_260 : i32
      %convert_element_type3A_262 = arith.extui %le3A_261 : i1 to i32
      %cond3A_263 = arith.constant 0 : i32
      %cond3A_264 = arith.cmpi ne, %convert_element_type3A_262, %cond3A_263 : i32
      scf.if %cond3A_264 {
        %dma_wait3A_265 = arith.constant 0 : i32
        %dma_wait3A_266 = arith.constant 0 : i32
        %dma_wait3A_267 = tpu.memref_slice %arg6[%dma_wait3A_265, %dma_wait3A_266] : memref<1x80xi32, #tpu.memory_space<vmem>> -> memref<1x80xi32, #tpu.memory_space<vmem>>
        %dma_wait3A_268 = tpu.memref_squeeze %dma_wait3A_267 : memref<1x80xi32, #tpu.memory_space<vmem>> -> memref<80xi32, #tpu.memory_space<vmem>>
        %dma_wait3A_269 = arith.constant 0 : i32
        %dma_wait3A_270 = arith.constant 0 : i32
        %dma_wait3A_271 = tpu.memref_slice %arg10[%dma_wait3A_269, %dma_wait3A_270] : memref<10240x128xf32, #tpu.memory_space<vmem_shared>> -> memref<10240x128xf32, #tpu.memory_space<vmem_shared>>
        tpu.wait_indirect_dma semaphore(%arg14 : memref<!tpu.dma_semaphore, #tpu.memory_space<semaphore_mem>>) src(%arg8 : memref<80x128xf32, #tpu.memory_space<vmem>>) dst(%dma_wait3A_271 : memref<10240x128xf32, #tpu.memory_space<vmem_shared>>)
        %add3A_272 = arith.constant 2 : i32
        %add3A_273 = arith.addi %add3A_236, %add3A_272 : i32
        %dma_start3A_274 = arith.constant 0 : i32
        %dma_start3A_275 = tpu.memref_slice %arg2[%add3A, %add3A_273, %dma_start3A_274] : memref<32x125x80xi32, #tpu.memory_space<hbm>> -> memref<1x1x80xi32, #tpu.memory_space<hbm>>
        %dma_start3A_276 = tpu.memref_squeeze %dma_start3A_275 : memref<1x1x80xi32, #tpu.memory_space<hbm>> -> memref<1x80xi32, #tpu.memory_space<hbm>>
        %dma_start3A_277 = arith.constant 0 : i32
        %dma_start3A_278 = tpu.memref_slice %arg2[%add3A, %add3A_273, %dma_start3A_277] : memref<32x125x80xi32, #tpu.memory_space<hbm>> -> memref<1x1x80xi32, #tpu.memory_space<hbm>>
        %dma_start3A_279 = tpu.memref_squeeze %dma_start3A_278 : memref<1x1x80xi32, #tpu.memory_space<hbm>> -> memref<1x80xi32, #tpu.memory_space<hbm>>
        tpu.enqueue_dma source(%dma_start3A_279 : memref<1x80xi32, #tpu.memory_space<hbm>>) target(%arg6 : memref<1x80xi32, #tpu.memory_space<vmem>>) target_semaphore(%arg12 : memref<!tpu.dma_semaphore, #tpu.memory_space<semaphore_mem>>)
        %dma_start3A_280 = arith.constant 0 : i32
        %dma_start3A_281 = arith.constant 0 : i32
        %dma_start3A_282 = tpu.memref_slice %arg3[%add3A, %add3A_273, %dma_start3A_280, %dma_start3A_281] : memref<32x125x80x128xf32, #tpu.memory_space<hbm>> -> memref<1x1x80x128xf32, #tpu.memory_space<hbm>>
        %dma_start3A_283 = tpu.memref_squeeze %dma_start3A_282 : memref<1x1x80x128xf32, #tpu.memory_space<hbm>> -> memref<80x128xf32, #tpu.memory_space<hbm>>
        %dma_start3A_284 = arith.constant 0 : i32
        %dma_start3A_285 = arith.constant 0 : i32
        %dma_start3A_286 = tpu.memref_slice %arg3[%add3A, %add3A_273, %dma_start3A_284, %dma_start3A_285] : memref<32x125x80x128xf32, #tpu.memory_space<hbm>> -> memref<1x1x80x128xf32, #tpu.memory_space<hbm>>
        %dma_start3A_287 = tpu.memref_squeeze %dma_start3A_286 : memref<1x1x80x128xf32, #tpu.memory_space<hbm>> -> memref<80x128xf32, #tpu.memory_space<hbm>>
        tpu.enqueue_dma source(%dma_start3A_287 : memref<80x128xf32, #tpu.memory_space<hbm>>) target(%arg8 : memref<80x128xf32, #tpu.memory_space<vmem>>) target_semaphore(%arg12 : memref<!tpu.dma_semaphore, #tpu.memory_space<semaphore_mem>>)
      } else {
      }
    }
    %scan3A_84 = arith.constant 62 : i32
    %dma_wait3A = arith.constant 124 : i32
    %dma_wait3A_85 = arith.constant 0 : i32
    %dma_wait3A_86 = tpu.memref_slice %arg2[%add3A, %dma_wait3A, %dma_wait3A_85] : memref<32x125x80xi32, #tpu.memory_space<hbm>> -> memref<1x1x80xi32, #tpu.memory_space<hbm>>
    %dma_wait3A_87 = tpu.memref_squeeze %dma_wait3A_86 : memref<1x1x80xi32, #tpu.memory_space<hbm>> -> memref<1x80xi32, #tpu.memory_space<hbm>>
    %dma_wait3A_88 = arith.constant 124 : i32
    %dma_wait3A_89 = arith.constant 0 : i32
    %dma_wait3A_90 = tpu.memref_slice %arg2[%add3A, %dma_wait3A_88, %dma_wait3A_89] : memref<32x125x80xi32, #tpu.memory_space<hbm>> -> memref<1x1x80xi32, #tpu.memory_space<hbm>>
    %dma_wait3A_91 = tpu.memref_squeeze %dma_wait3A_90 : memref<1x1x80xi32, #tpu.memory_space<hbm>> -> memref<1x80xi32, #tpu.memory_space<hbm>>
    tpu.wait_dma2 semaphore(%arg11 : memref<!tpu.dma_semaphore, #tpu.memory_space<semaphore_mem>>) src(%dma_wait3A_91 : memref<1x80xi32, #tpu.memory_space<hbm>>) dst(%arg5 : memref<1x80xi32, #tpu.memory_space<vmem>>)
    %dma_wait3A_92 = arith.constant 124 : i32
    %dma_wait3A_93 = arith.constant 0 : i32
    %dma_wait3A_94 = arith.constant 0 : i32
    %dma_wait3A_95 = tpu.memref_slice %arg3[%add3A, %dma_wait3A_92, %dma_wait3A_93, %dma_wait3A_94] : memref<32x125x80x128xf32, #tpu.memory_space<hbm>> -> memref<1x1x80x128xf32, #tpu.memory_space<hbm>>
    %dma_wait3A_96 = tpu.memref_squeeze %dma_wait3A_95 : memref<1x1x80x128xf32, #tpu.memory_space<hbm>> -> memref<80x128xf32, #tpu.memory_space<hbm>>
    %dma_wait3A_97 = arith.constant 0 : i32
    %dma_wait3A_98 = arith.constant 0 : i32
    %dma_wait3A_99 = tpu.memref_slice %arg3[%add3A, %dma_wait3A_92, %dma_wait3A_97, %dma_wait3A_98] : memref<32x125x80x128xf32, #tpu.memory_space<hbm>> -> memref<1x1x80x128xf32, #tpu.memory_space<hbm>>
    %dma_wait3A_100 = tpu.memref_squeeze %dma_wait3A_99 : memref<1x1x80x128xf32, #tpu.memory_space<hbm>> -> memref<80x128xf32, #tpu.memory_space<hbm>>
    tpu.wait_dma2 semaphore(%arg11 : memref<!tpu.dma_semaphore, #tpu.memory_space<semaphore_mem>>) src(%dma_wait3A_100 : memref<80x128xf32, #tpu.memory_space<hbm>>) dst(%arg7 : memref<80x128xf32, #tpu.memory_space<vmem>>)
    %dma_start3A_101 = arith.constant 0 : i32
    %dma_start3A_102 = arith.constant 0 : i32
    %dma_start3A_103 = tpu.memref_slice %arg5[%dma_start3A_101, %dma_start3A_102] : memref<1x80xi32, #tpu.memory_space<vmem>> -> memref<1x80xi32, #tpu.memory_space<vmem>>
    %dma_start3A_104 = tpu.memref_squeeze %dma_start3A_103 : memref<1x80xi32, #tpu.memory_space<vmem>> -> memref<80xi32, #tpu.memory_space<vmem>>
    %dma_start3A_105 = arith.constant 0 : i32
    %dma_start3A_106 = arith.constant 0 : i32
    %dma_start3A_107 = tpu.memref_slice %arg10[%dma_start3A_105, %dma_start3A_106] : memref<10240x128xf32, #tpu.memory_space<vmem_shared>> -> memref<10240x128xf32, #tpu.memory_space<vmem_shared>>
    tpu.enqueue_indirect_dma source(%arg7 : memref<80x128xf32, #tpu.memory_space<vmem>>) target(%dma_start3A_107 : memref<10240x128xf32, #tpu.memory_space<vmem_shared>>) offsets(%dma_start3A_104 : memref<80xi32, #tpu.memory_space<vmem>>) semaphore(%arg13 : memref<!tpu.dma_semaphore, #tpu.memory_space<semaphore_mem>>) {add = true}
    %dma_wait3A_108 = arith.constant 0 : i32
    %dma_wait3A_109 = arith.constant 0 : i32
    %dma_wait3A_110 = tpu.memref_slice %arg6[%dma_wait3A_108, %dma_wait3A_109] : memref<1x80xi32, #tpu.memory_space<vmem>> -> memref<1x80xi32, #tpu.memory_space<vmem>>
    %dma_wait3A_111 = tpu.memref_squeeze %dma_wait3A_110 : memref<1x80xi32, #tpu.memory_space<vmem>> -> memref<80xi32, #tpu.memory_space<vmem>>
    %dma_wait3A_112 = arith.constant 0 : i32
    %dma_wait3A_113 = arith.constant 0 : i32
    %dma_wait3A_114 = tpu.memref_slice %arg10[%dma_wait3A_112, %dma_wait3A_113] : memref<10240x128xf32, #tpu.memory_space<vmem_shared>> -> memref<10240x128xf32, #tpu.memory_space<vmem_shared>>
    tpu.wait_indirect_dma semaphore(%arg14 : memref<!tpu.dma_semaphore, #tpu.memory_space<semaphore_mem>>) src(%arg8 : memref<80x128xf32, #tpu.memory_space<vmem>>) dst(%dma_wait3A_114 : memref<10240x128xf32, #tpu.memory_space<vmem_shared>>)
    %dma_wait3A_115 = arith.constant 0 : i32
    %dma_wait3A_116 = arith.constant 0 : i32
    %dma_wait3A_117 = tpu.memref_slice %arg5[%dma_wait3A_115, %dma_wait3A_116] : memref<1x80xi32, #tpu.memory_space<vmem>> -> memref<1x80xi32, #tpu.memory_space<vmem>>
    %dma_wait3A_118 = tpu.memref_squeeze %dma_wait3A_117 : memref<1x80xi32, #tpu.memory_space<vmem>> -> memref<80xi32, #tpu.memory_space<vmem>>
    %dma_wait3A_119 = arith.constant 0 : i32
    %dma_wait3A_120 = arith.constant 0 : i32
    %dma_wait3A_121 = tpu.memref_slice %arg10[%dma_wait3A_119, %dma_wait3A_120] : memref<10240x128xf32, #tpu.memory_space<vmem_shared>> -> memref<10240x128xf32, #tpu.memory_space<vmem_shared>>
    tpu.wait_indirect_dma semaphore(%arg13 : memref<!tpu.dma_semaphore, #tpu.memory_space<semaphore_mem>>) src(%arg7 : memref<80x128xf32, #tpu.memory_space<vmem>>) dst(%dma_wait3A_121 : memref<10240x128xf32, #tpu.memory_space<vmem_shared>>)
    %barrier3A_122 = arith.constant 0 : index
    tpu.barrier barrier_id(%barrier3A_122)
    %mul3A_123 = arith.constant 640 : i32
    %mul3A_124 = arith.muli %arg1, %mul3A_123 : i32
    %add3A_125 = arith.constant 0 : i32
    %add3A_126 = arith.addi %mul3A_124, %add3A_125 : i32
    "tpu.region"() ({
      %run_scoped3A = tpu.sem_alloc : memref<!tpu.dma_semaphore, #tpu.memory_space<semaphore_mem>>
      %dma_start3A_203 = arith.constant 0 : i32
      %dma_start3A_204 = tpu.memref_slice %arg10[%add3A_126, %dma_start3A_203] : memref<10240x128xf32, #tpu.memory_space<vmem_shared>> -> memref<64x128xf32, #tpu.memory_space<vmem_shared>>
      %dma_start3A_205 = arith.constant 0 : i32
      %dma_start3A_206 = tpu.memref_slice %arg10[%add3A_126, %dma_start3A_205] : memref<10240x128xf32, #tpu.memory_space<vmem_shared>> -> memref<64x128xf32, #tpu.memory_space<vmem_shared>>
      tpu.enqueue_dma source(%dma_start3A_206 : memref<64x128xf32, #tpu.memory_space<vmem_shared>>) target(%arg9 : memref<64x128xf32, #tpu.memory_space<vmem>>) target_semaphore(%run_scoped3A : memref<!tpu.dma_semaphore, #tpu.memory_space<semaphore_mem>>)
      %dma_wait3A_207 = arith.constant 0 : i32
      %dma_wait3A_208 = tpu.memref_slice %arg10[%add3A_126, %dma_wait3A_207] : memref<10240x128xf32, #tpu.memory_space<vmem_shared>> -> memref<64x128xf32, #tpu.memory_space<vmem_shared>>
      %dma_wait3A_209 = arith.constant 0 : i32
      %dma_wait3A_210 = tpu.memref_slice %arg10[%add3A_126, %dma_wait3A_209] : memref<10240x128xf32, #tpu.memory_space<vmem_shared>> -> memref<64x128xf32, #tpu.memory_space<vmem_shared>>
      tpu.wait_dma2 semaphore(%run_scoped3A : memref<!tpu.dma_semaphore, #tpu.memory_space<semaphore_mem>>) src(%dma_wait3A_210 : memref<64x128xf32, #tpu.memory_space<vmem_shared>>) dst(%arg9 : memref<64x128xf32, #tpu.memory_space<vmem>>)
      tpu.yield
    }) : () -> ()
    %mul3A_127 = arith.constant 640 : i32
    %mul3A_128 = arith.muli %arg1, %mul3A_127 : i32
    %add3A_129 = arith.constant 0 : i32
    %add3A_130 = arith.addi %mul3A_128, %add3A_129 : i32
    "tpu.region"() ({
      %run_scoped3A = tpu.sem_alloc : memref<!tpu.dma_semaphore, #tpu.memory_space<semaphore_mem>>
      %dma_start3A_203 = arith.constant 0 : i32
      %dma_start3A_204 = tpu.memref_slice %arg4[%arg0, %add3A_130, %dma_start3A_203] : memref<2x10240x128xf32, #tpu.memory_space<hbm>> -> memref<1x64x128xf32, #tpu.memory_space<hbm>>
      %dma_start3A_205 = tpu.memref_squeeze %dma_start3A_204 : memref<1x64x128xf32, #tpu.memory_space<hbm>> -> memref<64x128xf32, #tpu.memory_space<hbm>>
      %dma_start3A_206 = arith.constant 0 : i32
      %dma_start3A_207 = tpu.memref_slice %arg4[%arg0, %add3A_130, %dma_start3A_206] : memref<2x10240x128xf32, #tpu.memory_space<hbm>> -> memref<1x64x128xf32, #tpu.memory_space<hbm>>
      %dma_start3A_208 = tpu.memref_squeeze %dma_start3A_207 : memref<1x64x128xf32, #tpu.memory_space<hbm>> -> memref<64x128xf32, #tpu.memory_space<hbm>>
      tpu.enqueue_dma source(%arg9 : memref<64x128xf32, #tpu.memory_space<vmem>>) target(%dma_start3A_208 : memref<64x128xf32, #tpu.memory_space<hbm>>) target_semaphore(%run_scoped3A : memref<!tpu.dma_semaphore, #tpu.memory_space<semaphore_mem>>)
      %dma_wait3A_209 = arith.constant 0 : i32
      %dma_wait3A_210 = tpu.memref_slice %arg4[%arg0, %add3A_130, %dma_wait3A_209] : memref<2x10240x128xf32, #tpu.memory_space<hbm>> -> memref<1x64x128xf32, #tpu.memory_space<hbm>>
      %dma_wait3A_211 = tpu.memref_squeeze %dma_wait3A_210 : memref<1x64x128xf32, #tpu.memory_space<hbm>> -> memref<64x128xf32, #tpu.memory_space<hbm>>
      %dma_wait3A_212 = arith.constant 0 : i32
      %dma_wait3A_213 = tpu.memref_slice %arg4[%arg0, %add3A_130, %dma_wait3A_212] : memref<2x10240x128xf32, #tpu.memory_space<hbm>> -> memref<1x64x128xf32, #tpu.memory_space<hbm>>
      %dma_wait3A_214 = tpu.memref_squeeze %dma_wait3A_213 : memref<1x64x128xf32, #tpu.memory_space<hbm>> -> memref<64x128xf32, #tpu.memory_space<hbm>>
      tpu.wait_dma2 semaphore(%run_scoped3A : memref<!tpu.dma_semaphore, #tpu.memory_space<semaphore_mem>>) src(%arg9 : memref<64x128xf32, #tpu.memory_space<vmem>>) dst(%dma_wait3A_214 : memref<64x128xf32, #tpu.memory_space<hbm>>)
      tpu.yield
    }) : () -> ()
    %mul3A_131 = arith.constant 640 : i32
    %mul3A_132 = arith.muli %arg1, %mul3A_131 : i32
    %add3A_133 = arith.constant 64 : i32
    %add3A_134 = arith.addi %mul3A_132, %add3A_133 : i32
    "tpu.region"() ({
      %run_scoped3A = tpu.sem_alloc : memref<!tpu.dma_semaphore, #tpu.memory_space<semaphore_mem>>
      %dma_start3A_203 = arith.constant 0 : i32
      %dma_start3A_204 = tpu.memref_slice %arg10[%add3A_134, %dma_start3A_203] : memref<10240x128xf32, #tpu.memory_space<vmem_shared>> -> memref<64x128xf32, #tpu.memory_space<vmem_shared>>
      %dma_start3A_205 = arith.constant 0 : i32
      %dma_start3A_206 = tpu.memref_slice %arg10[%add3A_134, %dma_start3A_205] : memref<10240x128xf32, #tpu.memory_space<vmem_shared>> -> memref<64x128xf32, #tpu.memory_space<vmem_shared>>
      tpu.enqueue_dma source(%dma_start3A_206 : memref<64x128xf32, #tpu.memory_space<vmem_shared>>) target(%arg9 : memref<64x128xf32, #tpu.memory_space<vmem>>) target_semaphore(%run_scoped3A : memref<!tpu.dma_semaphore, #tpu.memory_space<semaphore_mem>>)
      %dma_wait3A_207 = arith.constant 0 : i32
      %dma_wait3A_208 = tpu.memref_slice %arg10[%add3A_134, %dma_wait3A_207] : memref<10240x128xf32, #tpu.memory_space<vmem_shared>> -> memref<64x128xf32, #tpu.memory_space<vmem_shared>>
      %dma_wait3A_209 = arith.constant 0 : i32
      %dma_wait3A_210 = tpu.memref_slice %arg10[%add3A_134, %dma_wait3A_209] : memref<10240x128xf32, #tpu.memory_space<vmem_shared>> -> memref<64x128xf32, #tpu.memory_space<vmem_shared>>
      tpu.wait_dma2 semaphore(%run_scoped3A : memref<!tpu.dma_semaphore, #tpu.memory_space<semaphore_mem>>) src(%dma_wait3A_210 : memref<64x128xf32, #tpu.memory_space<vmem_shared>>) dst(%arg9 : memref<64x128xf32, #tpu.memory_space<vmem>>)
      tpu.yield
    }) : () -> ()
    %mul3A_135 = arith.constant 640 : i32
    %mul3A_136 = arith.muli %arg1, %mul3A_135 : i32
    %add3A_137 = arith.constant 64 : i32
    %add3A_138 = arith.addi %mul3A_136, %add3A_137 : i32
    "tpu.region"() ({
      %run_scoped3A = tpu.sem_alloc : memref<!tpu.dma_semaphore, #tpu.memory_space<semaphore_mem>>
      %dma_start3A_203 = arith.constant 0 : i32
      %dma_start3A_204 = tpu.memref_slice %arg4[%arg0, %add3A_138, %dma_start3A_203] : memref<2x10240x128xf32, #tpu.memory_space<hbm>> -> memref<1x64x128xf32, #tpu.memory_space<hbm>>
      %dma_start3A_205 = tpu.memref_squeeze %dma_start3A_204 : memref<1x64x128xf32, #tpu.memory_space<hbm>> -> memref<64x128xf32, #tpu.memory_space<hbm>>
      %dma_start3A_206 = arith.constant 0 : i32
      %dma_start3A_207 = tpu.memref_slice %arg4[%arg0, %add3A_138, %dma_start3A_206] : memref<2x10240x128xf32, #tpu.memory_space<hbm>> -> memref<1x64x128xf32, #tpu.memory_space<hbm>>
      %dma_start3A_208 = tpu.memref_squeeze %dma_start3A_207 : memref<1x64x128xf32, #tpu.memory_space<hbm>> -> memref<64x128xf32, #tpu.memory_space<hbm>>
      tpu.enqueue_dma source(%arg9 : memref<64x128xf32, #tpu.memory_space<vmem>>) target(%dma_start3A_208 : memref<64x128xf32, #tpu.memory_space<hbm>>) target_semaphore(%run_scoped3A : memref<!tpu.dma_semaphore, #tpu.memory_space<semaphore_mem>>)
      %dma_wait3A_209 = arith.constant 0 : i32
      %dma_wait3A_210 = tpu.memref_slice %arg4[%arg0, %add3A_138, %dma_wait3A_209] : memref<2x10240x128xf32, #tpu.memory_space<hbm>> -> memref<1x64x128xf32, #tpu.memory_space<hbm>>
      %dma_wait3A_211 = tpu.memref_squeeze %dma_wait3A_210 : memref<1x64x128xf32, #tpu.memory_space<hbm>> -> memref<64x128xf32, #tpu.memory_space<hbm>>
      %dma_wait3A_212 = arith.constant 0 : i32
      %dma_wait3A_213 = tpu.memref_slice %arg4[%arg0, %add3A_138, %dma_wait3A_212] : memref<2x10240x128xf32, #tpu.memory_space<hbm>> -> memref<1x64x128xf32, #tpu.memory_space<hbm>>
      %dma_wait3A_214 = tpu.memref_squeeze %dma_wait3A_213 : memref<1x64x128xf32, #tpu.memory_space<hbm>> -> memref<64x128xf32, #tpu.memory_space<hbm>>
      tpu.wait_dma2 semaphore(%run_scoped3A : memref<!tpu.dma_semaphore, #tpu.memory_space<semaphore_mem>>) src(%arg9 : memref<64x128xf32, #tpu.memory_space<vmem>>) dst(%dma_wait3A_214 : memref<64x128xf32, #tpu.memory_space<hbm>>)
      tpu.yield
    }) : () -> ()
    %mul3A_139 = arith.constant 640 : i32
    %mul3A_140 = arith.muli %arg1, %mul3A_139 : i32
    %add3A_141 = arith.constant 128 : i32
    %add3A_142 = arith.addi %mul3A_140, %add3A_141 : i32
    "tpu.region"() ({
      %run_scoped3A = tpu.sem_alloc : memref<!tpu.dma_semaphore, #tpu.memory_space<semaphore_mem>>
      %dma_start3A_203 = arith.constant 0 : i32
      %dma_start3A_204 = tpu.memref_slice %arg10[%add3A_142, %dma_start3A_203] : memref<10240x128xf32, #tpu.memory_space<vmem_shared>> -> memref<64x128xf32, #tpu.memory_space<vmem_shared>>
      %dma_start3A_205 = arith.constant 0 : i32
      %dma_start3A_206 = tpu.memref_slice %arg10[%add3A_142, %dma_start3A_205] : memref<10240x128xf32, #tpu.memory_space<vmem_shared>> -> memref<64x128xf32, #tpu.memory_space<vmem_shared>>
      tpu.enqueue_dma source(%dma_start3A_206 : memref<64x128xf32, #tpu.memory_space<vmem_shared>>) target(%arg9 : memref<64x128xf32, #tpu.memory_space<vmem>>) target_semaphore(%run_scoped3A : memref<!tpu.dma_semaphore, #tpu.memory_space<semaphore_mem>>)
      %dma_wait3A_207 = arith.constant 0 : i32
      %dma_wait3A_208 = tpu.memref_slice %arg10[%add3A_142, %dma_wait3A_207] : memref<10240x128xf32, #tpu.memory_space<vmem_shared>> -> memref<64x128xf32, #tpu.memory_space<vmem_shared>>
      %dma_wait3A_209 = arith.constant 0 : i32
      %dma_wait3A_210 = tpu.memref_slice %arg10[%add3A_142, %dma_wait3A_209] : memref<10240x128xf32, #tpu.memory_space<vmem_shared>> -> memref<64x128xf32, #tpu.memory_space<vmem_shared>>
      tpu.wait_dma2 semaphore(%run_scoped3A : memref<!tpu.dma_semaphore, #tpu.memory_space<semaphore_mem>>) src(%dma_wait3A_210 : memref<64x128xf32, #tpu.memory_space<vmem_shared>>) dst(%arg9 : memref<64x128xf32, #tpu.memory_space<vmem>>)
      tpu.yield
    }) : () -> ()
    %mul3A_143 = arith.constant 640 : i32
    %mul3A_144 = arith.muli %arg1, %mul3A_143 : i32
    %add3A_145 = arith.constant 128 : i32
    %add3A_146 = arith.addi %mul3A_144, %add3A_145 : i32
    "tpu.region"() ({
      %run_scoped3A = tpu.sem_alloc : memref<!tpu.dma_semaphore, #tpu.memory_space<semaphore_mem>>
      %dma_start3A_203 = arith.constant 0 : i32
      %dma_start3A_204 = tpu.memref_slice %arg4[%arg0, %add3A_146, %dma_start3A_203] : memref<2x10240x128xf32, #tpu.memory_space<hbm>> -> memref<1x64x128xf32, #tpu.memory_space<hbm>>
      %dma_start3A_205 = tpu.memref_squeeze %dma_start3A_204 : memref<1x64x128xf32, #tpu.memory_space<hbm>> -> memref<64x128xf32, #tpu.memory_space<hbm>>
      %dma_start3A_206 = arith.constant 0 : i32
      %dma_start3A_207 = tpu.memref_slice %arg4[%arg0, %add3A_146, %dma_start3A_206] : memref<2x10240x128xf32, #tpu.memory_space<hbm>> -> memref<1x64x128xf32, #tpu.memory_space<hbm>>
      %dma_start3A_208 = tpu.memref_squeeze %dma_start3A_207 : memref<1x64x128xf32, #tpu.memory_space<hbm>> -> memref<64x128xf32, #tpu.memory_space<hbm>>
      tpu.enqueue_dma source(%arg9 : memref<64x128xf32, #tpu.memory_space<vmem>>) target(%dma_start3A_208 : memref<64x128xf32, #tpu.memory_space<hbm>>) target_semaphore(%run_scoped3A : memref<!tpu.dma_semaphore, #tpu.memory_space<semaphore_mem>>)
      %dma_wait3A_209 = arith.constant 0 : i32
      %dma_wait3A_210 = tpu.memref_slice %arg4[%arg0, %add3A_146, %dma_wait3A_209] : memref<2x10240x128xf32, #tpu.memory_space<hbm>> -> memref<1x64x128xf32, #tpu.memory_space<hbm>>
      %dma_wait3A_211 = tpu.memref_squeeze %dma_wait3A_210 : memref<1x64x128xf32, #tpu.memory_space<hbm>> -> memref<64x128xf32, #tpu.memory_space<hbm>>
      %dma_wait3A_212 = arith.constant 0 : i32
      %dma_wait3A_213 = tpu.memref_slice %arg4[%arg0, %add3A_146, %dma_wait3A_212] : memref<2x10240x128xf32, #tpu.memory_space<hbm>> -> memref<1x64x128xf32, #tpu.memory_space<hbm>>
      %dma_wait3A_214 = tpu.memref_squeeze %dma_wait3A_213 : memref<1x64x128xf32, #tpu.memory_space<hbm>> -> memref<64x128xf32, #tpu.memory_space<hbm>>
      tpu.wait_dma2 semaphore(%run_scoped3A : memref<!tpu.dma_semaphore, #tpu.memory_space<semaphore_mem>>) src(%arg9 : memref<64x128xf32, #tpu.memory_space<vmem>>) dst(%dma_wait3A_214 : memref<64x128xf32, #tpu.memory_space<hbm>>)
      tpu.yield
    }) : () -> ()
    %mul3A_147 = arith.constant 640 : i32
    %mul3A_148 = arith.muli %arg1, %mul3A_147 : i32
    %add3A_149 = arith.constant 192 : i32
    %add3A_150 = arith.addi %mul3A_148, %add3A_149 : i32
    "tpu.region"() ({
      %run_scoped3A = tpu.sem_alloc : memref<!tpu.dma_semaphore, #tpu.memory_space<semaphore_mem>>
      %dma_start3A_203 = arith.constant 0 : i32
      %dma_start3A_204 = tpu.memref_slice %arg10[%add3A_150, %dma_start3A_203] : memref<10240x128xf32, #tpu.memory_space<vmem_shared>> -> memref<64x128xf32, #tpu.memory_space<vmem_shared>>
      %dma_start3A_205 = arith.constant 0 : i32
      %dma_start3A_206 = tpu.memref_slice %arg10[%add3A_150, %dma_start3A_205] : memref<10240x128xf32, #tpu.memory_space<vmem_shared>> -> memref<64x128xf32, #tpu.memory_space<vmem_shared>>
      tpu.enqueue_dma source(%dma_start3A_206 : memref<64x128xf32, #tpu.memory_space<vmem_shared>>) target(%arg9 : memref<64x128xf32, #tpu.memory_space<vmem>>) target_semaphore(%run_scoped3A : memref<!tpu.dma_semaphore, #tpu.memory_space<semaphore_mem>>)
      %dma_wait3A_207 = arith.constant 0 : i32
      %dma_wait3A_208 = tpu.memref_slice %arg10[%add3A_150, %dma_wait3A_207] : memref<10240x128xf32, #tpu.memory_space<vmem_shared>> -> memref<64x128xf32, #tpu.memory_space<vmem_shared>>
      %dma_wait3A_209 = arith.constant 0 : i32
      %dma_wait3A_210 = tpu.memref_slice %arg10[%add3A_150, %dma_wait3A_209] : memref<10240x128xf32, #tpu.memory_space<vmem_shared>> -> memref<64x128xf32, #tpu.memory_space<vmem_shared>>
      tpu.wait_dma2 semaphore(%run_scoped3A : memref<!tpu.dma_semaphore, #tpu.memory_space<semaphore_mem>>) src(%dma_wait3A_210 : memref<64x128xf32, #tpu.memory_space<vmem_shared>>) dst(%arg9 : memref<64x128xf32, #tpu.memory_space<vmem>>)
      tpu.yield
    }) : () -> ()
    %mul3A_151 = arith.constant 640 : i32
    %mul3A_152 = arith.muli %arg1, %mul3A_151 : i32
    %add3A_153 = arith.constant 192 : i32
    %add3A_154 = arith.addi %mul3A_152, %add3A_153 : i32
    "tpu.region"() ({
      %run_scoped3A = tpu.sem_alloc : memref<!tpu.dma_semaphore, #tpu.memory_space<semaphore_mem>>
      %dma_start3A_203 = arith.constant 0 : i32
      %dma_start3A_204 = tpu.memref_slice %arg4[%arg0, %add3A_154, %dma_start3A_203] : memref<2x10240x128xf32, #tpu.memory_space<hbm>> -> memref<1x64x128xf32, #tpu.memory_space<hbm>>
      %dma_start3A_205 = tpu.memref_squeeze %dma_start3A_204 : memref<1x64x128xf32, #tpu.memory_space<hbm>> -> memref<64x128xf32, #tpu.memory_space<hbm>>
      %dma_start3A_206 = arith.constant 0 : i32
      %dma_start3A_207 = tpu.memref_slice %arg4[%arg0, %add3A_154, %dma_start3A_206] : memref<2x10240x128xf32, #tpu.memory_space<hbm>> -> memref<1x64x128xf32, #tpu.memory_space<hbm>>
      %dma_start3A_208 = tpu.memref_squeeze %dma_start3A_207 : memref<1x64x128xf32, #tpu.memory_space<hbm>> -> memref<64x128xf32, #tpu.memory_space<hbm>>
      tpu.enqueue_dma source(%arg9 : memref<64x128xf32, #tpu.memory_space<vmem>>) target(%dma_start3A_208 : memref<64x128xf32, #tpu.memory_space<hbm>>) target_semaphore(%run_scoped3A : memref<!tpu.dma_semaphore, #tpu.memory_space<semaphore_mem>>)
      %dma_wait3A_209 = arith.constant 0 : i32
      %dma_wait3A_210 = tpu.memref_slice %arg4[%arg0, %add3A_154, %dma_wait3A_209] : memref<2x10240x128xf32, #tpu.memory_space<hbm>> -> memref<1x64x128xf32, #tpu.memory_space<hbm>>
      %dma_wait3A_211 = tpu.memref_squeeze %dma_wait3A_210 : memref<1x64x128xf32, #tpu.memory_space<hbm>> -> memref<64x128xf32, #tpu.memory_space<hbm>>
      %dma_wait3A_212 = arith.constant 0 : i32
      %dma_wait3A_213 = tpu.memref_slice %arg4[%arg0, %add3A_154, %dma_wait3A_212] : memref<2x10240x128xf32, #tpu.memory_space<hbm>> -> memref<1x64x128xf32, #tpu.memory_space<hbm>>
      %dma_wait3A_214 = tpu.memref_squeeze %dma_wait3A_213 : memref<1x64x128xf32, #tpu.memory_space<hbm>> -> memref<64x128xf32, #tpu.memory_space<hbm>>
      tpu.wait_dma2 semaphore(%run_scoped3A : memref<!tpu.dma_semaphore, #tpu.memory_space<semaphore_mem>>) src(%arg9 : memref<64x128xf32, #tpu.memory_space<vmem>>) dst(%dma_wait3A_214 : memref<64x128xf32, #tpu.memory_space<hbm>>)
      tpu.yield
    }) : () -> ()
    %mul3A_155 = arith.constant 640 : i32
    %mul3A_156 = arith.muli %arg1, %mul3A_155 : i32
    %add3A_157 = arith.constant 256 : i32
    %add3A_158 = arith.addi %mul3A_156, %add3A_157 : i32
    "tpu.region"() ({
      %run_scoped3A = tpu.sem_alloc : memref<!tpu.dma_semaphore, #tpu.memory_space<semaphore_mem>>
      %dma_start3A_203 = arith.constant 0 : i32
      %dma_start3A_204 = tpu.memref_slice %arg10[%add3A_158, %dma_start3A_203] : memref<10240x128xf32, #tpu.memory_space<vmem_shared>> -> memref<64x128xf32, #tpu.memory_space<vmem_shared>>
      %dma_start3A_205 = arith.constant 0 : i32
      %dma_start3A_206 = tpu.memref_slice %arg10[%add3A_158, %dma_start3A_205] : memref<10240x128xf32, #tpu.memory_space<vmem_shared>> -> memref<64x128xf32, #tpu.memory_space<vmem_shared>>
      tpu.enqueue_dma source(%dma_start3A_206 : memref<64x128xf32, #tpu.memory_space<vmem_shared>>) target(%arg9 : memref<64x128xf32, #tpu.memory_space<vmem>>) target_semaphore(%run_scoped3A : memref<!tpu.dma_semaphore, #tpu.memory_space<semaphore_mem>>)
      %dma_wait3A_207 = arith.constant 0 : i32
      %dma_wait3A_208 = tpu.memref_slice %arg10[%add3A_158, %dma_wait3A_207] : memref<10240x128xf32, #tpu.memory_space<vmem_shared>> -> memref<64x128xf32, #tpu.memory_space<vmem_shared>>
      %dma_wait3A_209 = arith.constant 0 : i32
      %dma_wait3A_210 = tpu.memref_slice %arg10[%add3A_158, %dma_wait3A_209] : memref<10240x128xf32, #tpu.memory_space<vmem_shared>> -> memref<64x128xf32, #tpu.memory_space<vmem_shared>>
      tpu.wait_dma2 semaphore(%run_scoped3A : memref<!tpu.dma_semaphore, #tpu.memory_space<semaphore_mem>>) src(%dma_wait3A_210 : memref<64x128xf32, #tpu.memory_space<vmem_shared>>) dst(%arg9 : memref<64x128xf32, #tpu.memory_space<vmem>>)
      tpu.yield
    }) : () -> ()
    %mul3A_159 = arith.constant 640 : i32
    %mul3A_160 = arith.muli %arg1, %mul3A_159 : i32
    %add3A_161 = arith.constant 256 : i32
    %add3A_162 = arith.addi %mul3A_160, %add3A_161 : i32
    "tpu.region"() ({
      %run_scoped3A = tpu.sem_alloc : memref<!tpu.dma_semaphore, #tpu.memory_space<semaphore_mem>>
      %dma_start3A_203 = arith.constant 0 : i32
      %dma_start3A_204 = tpu.memref_slice %arg4[%arg0, %add3A_162, %dma_start3A_203] : memref<2x10240x128xf32, #tpu.memory_space<hbm>> -> memref<1x64x128xf32, #tpu.memory_space<hbm>>
      %dma_start3A_205 = tpu.memref_squeeze %dma_start3A_204 : memref<1x64x128xf32, #tpu.memory_space<hbm>> -> memref<64x128xf32, #tpu.memory_space<hbm>>
      %dma_start3A_206 = arith.constant 0 : i32
      %dma_start3A_207 = tpu.memref_slice %arg4[%arg0, %add3A_162, %dma_start3A_206] : memref<2x10240x128xf32, #tpu.memory_space<hbm>> -> memref<1x64x128xf32, #tpu.memory_space<hbm>>
      %dma_start3A_208 = tpu.memref_squeeze %dma_start3A_207 : memref<1x64x128xf32, #tpu.memory_space<hbm>> -> memref<64x128xf32, #tpu.memory_space<hbm>>
      tpu.enqueue_dma source(%arg9 : memref<64x128xf32, #tpu.memory_space<vmem>>) target(%dma_start3A_208 : memref<64x128xf32, #tpu.memory_space<hbm>>) target_semaphore(%run_scoped3A : memref<!tpu.dma_semaphore, #tpu.memory_space<semaphore_mem>>)
      %dma_wait3A_209 = arith.constant 0 : i32
      %dma_wait3A_210 = tpu.memref_slice %arg4[%arg0, %add3A_162, %dma_wait3A_209] : memref<2x10240x128xf32, #tpu.memory_space<hbm>> -> memref<1x64x128xf32, #tpu.memory_space<hbm>>
      %dma_wait3A_211 = tpu.memref_squeeze %dma_wait3A_210 : memref<1x64x128xf32, #tpu.memory_space<hbm>> -> memref<64x128xf32, #tpu.memory_space<hbm>>
      %dma_wait3A_212 = arith.constant 0 : i32
      %dma_wait3A_213 = tpu.memref_slice %arg4[%arg0, %add3A_162, %dma_wait3A_212] : memref<2x10240x128xf32, #tpu.memory_space<hbm>> -> memref<1x64x128xf32, #tpu.memory_space<hbm>>
      %dma_wait3A_214 = tpu.memref_squeeze %dma_wait3A_213 : memref<1x64x128xf32, #tpu.memory_space<hbm>> -> memref<64x128xf32, #tpu.memory_space<hbm>>
      tpu.wait_dma2 semaphore(%run_scoped3A : memref<!tpu.dma_semaphore, #tpu.memory_space<semaphore_mem>>) src(%arg9 : memref<64x128xf32, #tpu.memory_space<vmem>>) dst(%dma_wait3A_214 : memref<64x128xf32, #tpu.memory_space<hbm>>)
      tpu.yield
    }) : () -> ()
    %mul3A_163 = arith.constant 640 : i32
    %mul3A_164 = arith.muli %arg1, %mul3A_163 : i32
    %add3A_165 = arith.constant 320 : i32
    %add3A_166 = arith.addi %mul3A_164, %add3A_165 : i32
    "tpu.region"() ({
      %run_scoped3A = tpu.sem_alloc : memref<!tpu.dma_semaphore, #tpu.memory_space<semaphore_mem>>
      %dma_start3A_203 = arith.constant 0 : i32
      %dma_start3A_204 = tpu.memref_slice %arg10[%add3A_166, %dma_start3A_203] : memref<10240x128xf32, #tpu.memory_space<vmem_shared>> -> memref<64x128xf32, #tpu.memory_space<vmem_shared>>
      %dma_start3A_205 = arith.constant 0 : i32
      %dma_start3A_206 = tpu.memref_slice %arg10[%add3A_166, %dma_start3A_205] : memref<10240x128xf32, #tpu.memory_space<vmem_shared>> -> memref<64x128xf32, #tpu.memory_space<vmem_shared>>
      tpu.enqueue_dma source(%dma_start3A_206 : memref<64x128xf32, #tpu.memory_space<vmem_shared>>) target(%arg9 : memref<64x128xf32, #tpu.memory_space<vmem>>) target_semaphore(%run_scoped3A : memref<!tpu.dma_semaphore, #tpu.memory_space<semaphore_mem>>)
      %dma_wait3A_207 = arith.constant 0 : i32
      %dma_wait3A_208 = tpu.memref_slice %arg10[%add3A_166, %dma_wait3A_207] : memref<10240x128xf32, #tpu.memory_space<vmem_shared>> -> memref<64x128xf32, #tpu.memory_space<vmem_shared>>
      %dma_wait3A_209 = arith.constant 0 : i32
      %dma_wait3A_210 = tpu.memref_slice %arg10[%add3A_166, %dma_wait3A_209] : memref<10240x128xf32, #tpu.memory_space<vmem_shared>> -> memref<64x128xf32, #tpu.memory_space<vmem_shared>>
      tpu.wait_dma2 semaphore(%run_scoped3A : memref<!tpu.dma_semaphore, #tpu.memory_space<semaphore_mem>>) src(%dma_wait3A_210 : memref<64x128xf32, #tpu.memory_space<vmem_shared>>) dst(%arg9 : memref<64x128xf32, #tpu.memory_space<vmem>>)
      tpu.yield
    }) : () -> ()
    %mul3A_167 = arith.constant 640 : i32
    %mul3A_168 = arith.muli %arg1, %mul3A_167 : i32
    %add3A_169 = arith.constant 320 : i32
    %add3A_170 = arith.addi %mul3A_168, %add3A_169 : i32
    "tpu.region"() ({
      %run_scoped3A = tpu.sem_alloc : memref<!tpu.dma_semaphore, #tpu.memory_space<semaphore_mem>>
      %dma_start3A_203 = arith.constant 0 : i32
      %dma_start3A_204 = tpu.memref_slice %arg4[%arg0, %add3A_170, %dma_start3A_203] : memref<2x10240x128xf32, #tpu.memory_space<hbm>> -> memref<1x64x128xf32, #tpu.memory_space<hbm>>
      %dma_start3A_205 = tpu.memref_squeeze %dma_start3A_204 : memref<1x64x128xf32, #tpu.memory_space<hbm>> -> memref<64x128xf32, #tpu.memory_space<hbm>>
      %dma_start3A_206 = arith.constant 0 : i32
      %dma_start3A_207 = tpu.memref_slice %arg4[%arg0, %add3A_170, %dma_start3A_206] : memref<2x10240x128xf32, #tpu.memory_space<hbm>> -> memref<1x64x128xf32, #tpu.memory_space<hbm>>
      %dma_start3A_208 = tpu.memref_squeeze %dma_start3A_207 : memref<1x64x128xf32, #tpu.memory_space<hbm>> -> memref<64x128xf32, #tpu.memory_space<hbm>>
      tpu.enqueue_dma source(%arg9 : memref<64x128xf32, #tpu.memory_space<vmem>>) target(%dma_start3A_208 : memref<64x128xf32, #tpu.memory_space<hbm>>) target_semaphore(%run_scoped3A : memref<!tpu.dma_semaphore, #tpu.memory_space<semaphore_mem>>)
      %dma_wait3A_209 = arith.constant 0 : i32
      %dma_wait3A_210 = tpu.memref_slice %arg4[%arg0, %add3A_170, %dma_wait3A_209] : memref<2x10240x128xf32, #tpu.memory_space<hbm>> -> memref<1x64x128xf32, #tpu.memory_space<hbm>>
      %dma_wait3A_211 = tpu.memref_squeeze %dma_wait3A_210 : memref<1x64x128xf32, #tpu.memory_space<hbm>> -> memref<64x128xf32, #tpu.memory_space<hbm>>
      %dma_wait3A_212 = arith.constant 0 : i32
      %dma_wait3A_213 = tpu.memref_slice %arg4[%arg0, %add3A_170, %dma_wait3A_212] : memref<2x10240x128xf32, #tpu.memory_space<hbm>> -> memref<1x64x128xf32, #tpu.memory_space<hbm>>
      %dma_wait3A_214 = tpu.memref_squeeze %dma_wait3A_213 : memref<1x64x128xf32, #tpu.memory_space<hbm>> -> memref<64x128xf32, #tpu.memory_space<hbm>>
      tpu.wait_dma2 semaphore(%run_scoped3A : memref<!tpu.dma_semaphore, #tpu.memory_space<semaphore_mem>>) src(%arg9 : memref<64x128xf32, #tpu.memory_space<vmem>>) dst(%dma_wait3A_214 : memref<64x128xf32, #tpu.memory_space<hbm>>)
      tpu.yield
    }) : () -> ()
    %mul3A_171 = arith.constant 640 : i32
    %mul3A_172 = arith.muli %arg1, %mul3A_171 : i32
    %add3A_173 = arith.constant 384 : i32
    %add3A_174 = arith.addi %mul3A_172, %add3A_173 : i32
    "tpu.region"() ({
      %run_scoped3A = tpu.sem_alloc : memref<!tpu.dma_semaphore, #tpu.memory_space<semaphore_mem>>
      %dma_start3A_203 = arith.constant 0 : i32
      %dma_start3A_204 = tpu.memref_slice %arg10[%add3A_174, %dma_start3A_203] : memref<10240x128xf32, #tpu.memory_space<vmem_shared>> -> memref<64x128xf32, #tpu.memory_space<vmem_shared>>
      %dma_start3A_205 = arith.constant 0 : i32
      %dma_start3A_206 = tpu.memref_slice %arg10[%add3A_174, %dma_start3A_205] : memref<10240x128xf32, #tpu.memory_space<vmem_shared>> -> memref<64x128xf32, #tpu.memory_space<vmem_shared>>
      tpu.enqueue_dma source(%dma_start3A_206 : memref<64x128xf32, #tpu.memory_space<vmem_shared>>) target(%arg9 : memref<64x128xf32, #tpu.memory_space<vmem>>) target_semaphore(%run_scoped3A : memref<!tpu.dma_semaphore, #tpu.memory_space<semaphore_mem>>)
      %dma_wait3A_207 = arith.constant 0 : i32
      %dma_wait3A_208 = tpu.memref_slice %arg10[%add3A_174, %dma_wait3A_207] : memref<10240x128xf32, #tpu.memory_space<vmem_shared>> -> memref<64x128xf32, #tpu.memory_space<vmem_shared>>
      %dma_wait3A_209 = arith.constant 0 : i32
      %dma_wait3A_210 = tpu.memref_slice %arg10[%add3A_174, %dma_wait3A_209] : memref<10240x128xf32, #tpu.memory_space<vmem_shared>> -> memref<64x128xf32, #tpu.memory_space<vmem_shared>>
      tpu.wait_dma2 semaphore(%run_scoped3A : memref<!tpu.dma_semaphore, #tpu.memory_space<semaphore_mem>>) src(%dma_wait3A_210 : memref<64x128xf32, #tpu.memory_space<vmem_shared>>) dst(%arg9 : memref<64x128xf32, #tpu.memory_space<vmem>>)
      tpu.yield
    }) : () -> ()
    %mul3A_175 = arith.constant 640 : i32
    %mul3A_176 = arith.muli %arg1, %mul3A_175 : i32
    %add3A_177 = arith.constant 384 : i32
    %add3A_178 = arith.addi %mul3A_176, %add3A_177 : i32
    "tpu.region"() ({
      %run_scoped3A = tpu.sem_alloc : memref<!tpu.dma_semaphore, #tpu.memory_space<semaphore_mem>>
      %dma_start3A_203 = arith.constant 0 : i32
      %dma_start3A_204 = tpu.memref_slice %arg4[%arg0, %add3A_178, %dma_start3A_203] : memref<2x10240x128xf32, #tpu.memory_space<hbm>> -> memref<1x64x128xf32, #tpu.memory_space<hbm>>
      %dma_start3A_205 = tpu.memref_squeeze %dma_start3A_204 : memref<1x64x128xf32, #tpu.memory_space<hbm>> -> memref<64x128xf32, #tpu.memory_space<hbm>>
      %dma_start3A_206 = arith.constant 0 : i32
      %dma_start3A_207 = tpu.memref_slice %arg4[%arg0, %add3A_178, %dma_start3A_206] : memref<2x10240x128xf32, #tpu.memory_space<hbm>> -> memref<1x64x128xf32, #tpu.memory_space<hbm>>
      %dma_start3A_208 = tpu.memref_squeeze %dma_start3A_207 : memref<1x64x128xf32, #tpu.memory_space<hbm>> -> memref<64x128xf32, #tpu.memory_space<hbm>>
      tpu.enqueue_dma source(%arg9 : memref<64x128xf32, #tpu.memory_space<vmem>>) target(%dma_start3A_208 : memref<64x128xf32, #tpu.memory_space<hbm>>) target_semaphore(%run_scoped3A : memref<!tpu.dma_semaphore, #tpu.memory_space<semaphore_mem>>)
      %dma_wait3A_209 = arith.constant 0 : i32
      %dma_wait3A_210 = tpu.memref_slice %arg4[%arg0, %add3A_178, %dma_wait3A_209] : memref<2x10240x128xf32, #tpu.memory_space<hbm>> -> memref<1x64x128xf32, #tpu.memory_space<hbm>>
      %dma_wait3A_211 = tpu.memref_squeeze %dma_wait3A_210 : memref<1x64x128xf32, #tpu.memory_space<hbm>> -> memref<64x128xf32, #tpu.memory_space<hbm>>
      %dma_wait3A_212 = arith.constant 0 : i32
      %dma_wait3A_213 = tpu.memref_slice %arg4[%arg0, %add3A_178, %dma_wait3A_212] : memref<2x10240x128xf32, #tpu.memory_space<hbm>> -> memref<1x64x128xf32, #tpu.memory_space<hbm>>
      %dma_wait3A_214 = tpu.memref_squeeze %dma_wait3A_213 : memref<1x64x128xf32, #tpu.memory_space<hbm>> -> memref<64x128xf32, #tpu.memory_space<hbm>>
      tpu.wait_dma2 semaphore(%run_scoped3A : memref<!tpu.dma_semaphore, #tpu.memory_space<semaphore_mem>>) src(%arg9 : memref<64x128xf32, #tpu.memory_space<vmem>>) dst(%dma_wait3A_214 : memref<64x128xf32, #tpu.memory_space<hbm>>)
      tpu.yield
    }) : () -> ()
    %mul3A_179 = arith.constant 640 : i32
    %mul3A_180 = arith.muli %arg1, %mul3A_179 : i32
    %add3A_181 = arith.constant 448 : i32
    %add3A_182 = arith.addi %mul3A_180, %add3A_181 : i32
    "tpu.region"() ({
      %run_scoped3A = tpu.sem_alloc : memref<!tpu.dma_semaphore, #tpu.memory_space<semaphore_mem>>
      %dma_start3A_203 = arith.constant 0 : i32
      %dma_start3A_204 = tpu.memref_slice %arg10[%add3A_182, %dma_start3A_203] : memref<10240x128xf32, #tpu.memory_space<vmem_shared>> -> memref<64x128xf32, #tpu.memory_space<vmem_shared>>
      %dma_start3A_205 = arith.constant 0 : i32
      %dma_start3A_206 = tpu.memref_slice %arg10[%add3A_182, %dma_start3A_205] : memref<10240x128xf32, #tpu.memory_space<vmem_shared>> -> memref<64x128xf32, #tpu.memory_space<vmem_shared>>
      tpu.enqueue_dma source(%dma_start3A_206 : memref<64x128xf32, #tpu.memory_space<vmem_shared>>) target(%arg9 : memref<64x128xf32, #tpu.memory_space<vmem>>) target_semaphore(%run_scoped3A : memref<!tpu.dma_semaphore, #tpu.memory_space<semaphore_mem>>)
      %dma_wait3A_207 = arith.constant 0 : i32
      %dma_wait3A_208 = tpu.memref_slice %arg10[%add3A_182, %dma_wait3A_207] : memref<10240x128xf32, #tpu.memory_space<vmem_shared>> -> memref<64x128xf32, #tpu.memory_space<vmem_shared>>
      %dma_wait3A_209 = arith.constant 0 : i32
      %dma_wait3A_210 = tpu.memref_slice %arg10[%add3A_182, %dma_wait3A_209] : memref<10240x128xf32, #tpu.memory_space<vmem_shared>> -> memref<64x128xf32, #tpu.memory_space<vmem_shared>>
      tpu.wait_dma2 semaphore(%run_scoped3A : memref<!tpu.dma_semaphore, #tpu.memory_space<semaphore_mem>>) src(%dma_wait3A_210 : memref<64x128xf32, #tpu.memory_space<vmem_shared>>) dst(%arg9 : memref<64x128xf32, #tpu.memory_space<vmem>>)
      tpu.yield
    }) : () -> ()
    %mul3A_183 = arith.constant 640 : i32
    %mul3A_184 = arith.muli %arg1, %mul3A_183 : i32
    %add3A_185 = arith.constant 448 : i32
    %add3A_186 = arith.addi %mul3A_184, %add3A_185 : i32
    "tpu.region"() ({
      %run_scoped3A = tpu.sem_alloc : memref<!tpu.dma_semaphore, #tpu.memory_space<semaphore_mem>>
      %dma_start3A_203 = arith.constant 0 : i32
      %dma_start3A_204 = tpu.memref_slice %arg4[%arg0, %add3A_186, %dma_start3A_203] : memref<2x10240x128xf32, #tpu.memory_space<hbm>> -> memref<1x64x128xf32, #tpu.memory_space<hbm>>
      %dma_start3A_205 = tpu.memref_squeeze %dma_start3A_204 : memref<1x64x128xf32, #tpu.memory_space<hbm>> -> memref<64x128xf32, #tpu.memory_space<hbm>>
      %dma_start3A_206 = arith.constant 0 : i32
      %dma_start3A_207 = tpu.memref_slice %arg4[%arg0, %add3A_186, %dma_start3A_206] : memref<2x10240x128xf32, #tpu.memory_space<hbm>> -> memref<1x64x128xf32, #tpu.memory_space<hbm>>
      %dma_start3A_208 = tpu.memref_squeeze %dma_start3A_207 : memref<1x64x128xf32, #tpu.memory_space<hbm>> -> memref<64x128xf32, #tpu.memory_space<hbm>>
      tpu.enqueue_dma source(%arg9 : memref<64x128xf32, #tpu.memory_space<vmem>>) target(%dma_start3A_208 : memref<64x128xf32, #tpu.memory_space<hbm>>) target_semaphore(%run_scoped3A : memref<!tpu.dma_semaphore, #tpu.memory_space<semaphore_mem>>)
      %dma_wait3A_209 = arith.constant 0 : i32
      %dma_wait3A_210 = tpu.memref_slice %arg4[%arg0, %add3A_186, %dma_wait3A_209] : memref<2x10240x128xf32, #tpu.memory_space<hbm>> -> memref<1x64x128xf32, #tpu.memory_space<hbm>>
      %dma_wait3A_211 = tpu.memref_squeeze %dma_wait3A_210 : memref<1x64x128xf32, #tpu.memory_space<hbm>> -> memref<64x128xf32, #tpu.memory_space<hbm>>
      %dma_wait3A_212 = arith.constant 0 : i32
      %dma_wait3A_213 = tpu.memref_slice %arg4[%arg0, %add3A_186, %dma_wait3A_212] : memref<2x10240x128xf32, #tpu.memory_space<hbm>> -> memref<1x64x128xf32, #tpu.memory_space<hbm>>
      %dma_wait3A_214 = tpu.memref_squeeze %dma_wait3A_213 : memref<1x64x128xf32, #tpu.memory_space<hbm>> -> memref<64x128xf32, #tpu.memory_space<hbm>>
      tpu.wait_dma2 semaphore(%run_scoped3A : memref<!tpu.dma_semaphore, #tpu.memory_space<semaphore_mem>>) src(%arg9 : memref<64x128xf32, #tpu.memory_space<vmem>>) dst(%dma_wait3A_214 : memref<64x128xf32, #tpu.memory_space<hbm>>)
      tpu.yield
    }) : () -> ()
    %mul3A_187 = arith.constant 640 : i32
    %mul3A_188 = arith.muli %arg1, %mul3A_187 : i32
    %add3A_189 = arith.constant 512 : i32
    %add3A_190 = arith.addi %mul3A_188, %add3A_189 : i32
    "tpu.region"() ({
      %run_scoped3A = tpu.sem_alloc : memref<!tpu.dma_semaphore, #tpu.memory_space<semaphore_mem>>
      %dma_start3A_203 = arith.constant 0 : i32
      %dma_start3A_204 = tpu.memref_slice %arg10[%add3A_190, %dma_start3A_203] : memref<10240x128xf32, #tpu.memory_space<vmem_shared>> -> memref<64x128xf32, #tpu.memory_space<vmem_shared>>
      %dma_start3A_205 = arith.constant 0 : i32
      %dma_start3A_206 = tpu.memref_slice %arg10[%add3A_190, %dma_start3A_205] : memref<10240x128xf32, #tpu.memory_space<vmem_shared>> -> memref<64x128xf32, #tpu.memory_space<vmem_shared>>
      tpu.enqueue_dma source(%dma_start3A_206 : memref<64x128xf32, #tpu.memory_space<vmem_shared>>) target(%arg9 : memref<64x128xf32, #tpu.memory_space<vmem>>) target_semaphore(%run_scoped3A : memref<!tpu.dma_semaphore, #tpu.memory_space<semaphore_mem>>)
      %dma_wait3A_207 = arith.constant 0 : i32
      %dma_wait3A_208 = tpu.memref_slice %arg10[%add3A_190, %dma_wait3A_207] : memref<10240x128xf32, #tpu.memory_space<vmem_shared>> -> memref<64x128xf32, #tpu.memory_space<vmem_shared>>
      %dma_wait3A_209 = arith.constant 0 : i32
      %dma_wait3A_210 = tpu.memref_slice %arg10[%add3A_190, %dma_wait3A_209] : memref<10240x128xf32, #tpu.memory_space<vmem_shared>> -> memref<64x128xf32, #tpu.memory_space<vmem_shared>>
      tpu.wait_dma2 semaphore(%run_scoped3A : memref<!tpu.dma_semaphore, #tpu.memory_space<semaphore_mem>>) src(%dma_wait3A_210 : memref<64x128xf32, #tpu.memory_space<vmem_shared>>) dst(%arg9 : memref<64x128xf32, #tpu.memory_space<vmem>>)
      tpu.yield
    }) : () -> ()
    %mul3A_191 = arith.constant 640 : i32
    %mul3A_192 = arith.muli %arg1, %mul3A_191 : i32
    %add3A_193 = arith.constant 512 : i32
    %add3A_194 = arith.addi %mul3A_192, %add3A_193 : i32
    "tpu.region"() ({
      %run_scoped3A = tpu.sem_alloc : memref<!tpu.dma_semaphore, #tpu.memory_space<semaphore_mem>>
      %dma_start3A_203 = arith.constant 0 : i32
      %dma_start3A_204 = tpu.memref_slice %arg4[%arg0, %add3A_194, %dma_start3A_203] : memref<2x10240x128xf32, #tpu.memory_space<hbm>> -> memref<1x64x128xf32, #tpu.memory_space<hbm>>
      %dma_start3A_205 = tpu.memref_squeeze %dma_start3A_204 : memref<1x64x128xf32, #tpu.memory_space<hbm>> -> memref<64x128xf32, #tpu.memory_space<hbm>>
      %dma_start3A_206 = arith.constant 0 : i32
      %dma_start3A_207 = tpu.memref_slice %arg4[%arg0, %add3A_194, %dma_start3A_206] : memref<2x10240x128xf32, #tpu.memory_space<hbm>> -> memref<1x64x128xf32, #tpu.memory_space<hbm>>
      %dma_start3A_208 = tpu.memref_squeeze %dma_start3A_207 : memref<1x64x128xf32, #tpu.memory_space<hbm>> -> memref<64x128xf32, #tpu.memory_space<hbm>>
      tpu.enqueue_dma source(%arg9 : memref<64x128xf32, #tpu.memory_space<vmem>>) target(%dma_start3A_208 : memref<64x128xf32, #tpu.memory_space<hbm>>) target_semaphore(%run_scoped3A : memref<!tpu.dma_semaphore, #tpu.memory_space<semaphore_mem>>)
      %dma_wait3A_209 = arith.constant 0 : i32
      %dma_wait3A_210 = tpu.memref_slice %arg4[%arg0, %add3A_194, %dma_wait3A_209] : memref<2x10240x128xf32, #tpu.memory_space<hbm>> -> memref<1x64x128xf32, #tpu.memory_space<hbm>>
      %dma_wait3A_211 = tpu.memref_squeeze %dma_wait3A_210 : memref<1x64x128xf32, #tpu.memory_space<hbm>> -> memref<64x128xf32, #tpu.memory_space<hbm>>
      %dma_wait3A_212 = arith.constant 0 : i32
      %dma_wait3A_213 = tpu.memref_slice %arg4[%arg0, %add3A_194, %dma_wait3A_212] : memref<2x10240x128xf32, #tpu.memory_space<hbm>> -> memref<1x64x128xf32, #tpu.memory_space<hbm>>
      %dma_wait3A_214 = tpu.memref_squeeze %dma_wait3A_213 : memref<1x64x128xf32, #tpu.memory_space<hbm>> -> memref<64x128xf32, #tpu.memory_space<hbm>>
      tpu.wait_dma2 semaphore(%run_scoped3A : memref<!tpu.dma_semaphore, #tpu.memory_space<semaphore_mem>>) src(%arg9 : memref<64x128xf32, #tpu.memory_space<vmem>>) dst(%dma_wait3A_214 : memref<64x128xf32, #tpu.memory_space<hbm>>)
      tpu.yield
    }) : () -> ()
    %mul3A_195 = arith.constant 640 : i32
    %mul3A_196 = arith.muli %arg1, %mul3A_195 : i32
    %add3A_197 = arith.constant 576 : i32
    %add3A_198 = arith.addi %mul3A_196, %add3A_197 : i32
    "tpu.region"() ({
      %run_scoped3A = tpu.sem_alloc : memref<!tpu.dma_semaphore, #tpu.memory_space<semaphore_mem>>
      %dma_start3A_203 = arith.constant 0 : i32
      %dma_start3A_204 = tpu.memref_slice %arg10[%add3A_198, %dma_start3A_203] : memref<10240x128xf32, #tpu.memory_space<vmem_shared>> -> memref<64x128xf32, #tpu.memory_space<vmem_shared>>
      %dma_start3A_205 = arith.constant 0 : i32
      %dma_start3A_206 = tpu.memref_slice %arg10[%add3A_198, %dma_start3A_205] : memref<10240x128xf32, #tpu.memory_space<vmem_shared>> -> memref<64x128xf32, #tpu.memory_space<vmem_shared>>
      tpu.enqueue_dma source(%dma_start3A_206 : memref<64x128xf32, #tpu.memory_space<vmem_shared>>) target(%arg9 : memref<64x128xf32, #tpu.memory_space<vmem>>) target_semaphore(%run_scoped3A : memref<!tpu.dma_semaphore, #tpu.memory_space<semaphore_mem>>)
      %dma_wait3A_207 = arith.constant 0 : i32
      %dma_wait3A_208 = tpu.memref_slice %arg10[%add3A_198, %dma_wait3A_207] : memref<10240x128xf32, #tpu.memory_space<vmem_shared>> -> memref<64x128xf32, #tpu.memory_space<vmem_shared>>
      %dma_wait3A_209 = arith.constant 0 : i32
      %dma_wait3A_210 = tpu.memref_slice %arg10[%add3A_198, %dma_wait3A_209] : memref<10240x128xf32, #tpu.memory_space<vmem_shared>> -> memref<64x128xf32, #tpu.memory_space<vmem_shared>>
      tpu.wait_dma2 semaphore(%run_scoped3A : memref<!tpu.dma_semaphore, #tpu.memory_space<semaphore_mem>>) src(%dma_wait3A_210 : memref<64x128xf32, #tpu.memory_space<vmem_shared>>) dst(%arg9 : memref<64x128xf32, #tpu.memory_space<vmem>>)
      tpu.yield
    }) : () -> ()
    %mul3A_199 = arith.constant 640 : i32
    %mul3A_200 = arith.muli %arg1, %mul3A_199 : i32
    %add3A_201 = arith.constant 576 : i32
    %add3A_202 = arith.addi %mul3A_200, %add3A_201 : i32
    "tpu.region"() ({
      %run_scoped3A = tpu.sem_alloc : memref<!tpu.dma_semaphore, #tpu.memory_space<semaphore_mem>>
      %dma_start3A_203 = arith.constant 0 : i32
      %dma_start3A_204 = tpu.memref_slice %arg4[%arg0, %add3A_202, %dma_start3A_203] : memref<2x10240x128xf32, #tpu.memory_space<hbm>> -> memref<1x64x128xf32, #tpu.memory_space<hbm>>
      %dma_start3A_205 = tpu.memref_squeeze %dma_start3A_204 : memref<1x64x128xf32, #tpu.memory_space<hbm>> -> memref<64x128xf32, #tpu.memory_space<hbm>>
      %dma_start3A_206 = arith.constant 0 : i32
      %dma_start3A_207 = tpu.memref_slice %arg4[%arg0, %add3A_202, %dma_start3A_206] : memref<2x10240x128xf32, #tpu.memory_space<hbm>> -> memref<1x64x128xf32, #tpu.memory_space<hbm>>
      %dma_start3A_208 = tpu.memref_squeeze %dma_start3A_207 : memref<1x64x128xf32, #tpu.memory_space<hbm>> -> memref<64x128xf32, #tpu.memory_space<hbm>>
      tpu.enqueue_dma source(%arg9 : memref<64x128xf32, #tpu.memory_space<vmem>>) target(%dma_start3A_208 : memref<64x128xf32, #tpu.memory_space<hbm>>) target_semaphore(%run_scoped3A : memref<!tpu.dma_semaphore, #tpu.memory_space<semaphore_mem>>)
      %dma_wait3A_209 = arith.constant 0 : i32
      %dma_wait3A_210 = tpu.memref_slice %arg4[%arg0, %add3A_202, %dma_wait3A_209] : memref<2x10240x128xf32, #tpu.memory_space<hbm>> -> memref<1x64x128xf32, #tpu.memory_space<hbm>>
      %dma_wait3A_211 = tpu.memref_squeeze %dma_wait3A_210 : memref<1x64x128xf32, #tpu.memory_space<hbm>> -> memref<64x128xf32, #tpu.memory_space<hbm>>
      %dma_wait3A_212 = arith.constant 0 : i32
      %dma_wait3A_213 = tpu.memref_slice %arg4[%arg0, %add3A_202, %dma_wait3A_212] : memref<2x10240x128xf32, #tpu.memory_space<hbm>> -> memref<1x64x128xf32, #tpu.memory_space<hbm>>
      %dma_wait3A_214 = tpu.memref_squeeze %dma_wait3A_213 : memref<1x64x128xf32, #tpu.memory_space<hbm>> -> memref<64x128xf32, #tpu.memory_space<hbm>>
      tpu.wait_dma2 semaphore(%run_scoped3A : memref<!tpu.dma_semaphore, #tpu.memory_space<semaphore_mem>>) src(%arg9 : memref<64x128xf32, #tpu.memory_space<vmem>>) dst(%dma_wait3A_214 : memref<64x128xf32, #tpu.memory_space<hbm>>)
      tpu.yield
    }) : () -> ()
    return
  }
}

module attributes {stable_mosaic.version = 14 : i64} {
  func.func @body(%arg0: i32, %arg1: memref<1000x128xf32, #tpu.memory_space<vmem>>, %arg2: memref<128x128xf32, #tpu.memory_space<vmem>>, %arg3: memref<1x128xf32, #tpu.memory_space<vmem>>, %arg4: memref<128x50xf32, #tpu.memory_space<vmem>>, %arg5: memref<1x50xf32, #tpu.memory_space<vmem>>, %arg6: memref<1000x128xf32, #tpu.memory_space<vmem>>, %arg7: memref<1000x50xf32, #tpu.memory_space<vmem>>) attributes {dimension_semantics = [#tpu.dimension_semantics<arbitrary>], iteration_bounds = array<i64: 10>, scalar_prefetch = 0 : i64, scratch_operands = 0 : i64, tpu.core_type = #tpu.core_type<tc>, window_params = [{transform_indices = @transform_0, window_bounds = array<i64: 1000, 128>}, {pipeline_mode = #tpu.pipeline_mode<synchronous>, transform_indices = @transform_1, window_bounds = array<i64: 128, 128>}, {pipeline_mode = #tpu.pipeline_mode<synchronous>, transform_indices = @transform_2, window_bounds = array<i64: 1, 128>}, {pipeline_mode = #tpu.pipeline_mode<synchronous>, transform_indices = @transform_3, window_bounds = array<i64: 128, 50>}, {pipeline_mode = #tpu.pipeline_mode<synchronous>, transform_indices = @transform_4, window_bounds = array<i64: 1, 50>}, {transform_indices = @transform_5, window_bounds = array<i64: 1000, 128>}, {transform_indices = @transform_6, window_bounds = array<i64: 1000, 50>}]} {
    %get3A = arith.constant 0 : index
    %get3A_0 = arith.constant 0 : index
    %get3A_1 = vector.load %arg1[%get3A, %get3A_0] : memref<1000x128xf32, #tpu.memory_space<vmem>>, vector<1000x128xf32>
    %get3A_2 = arith.constant 0 : index
    %get3A_3 = arith.constant 0 : index
    %get3A_4 = vector.load %arg2[%get3A_2, %get3A_3] : memref<128x128xf32, #tpu.memory_space<vmem>>, vector<128x128xf32>
    %dot_general3A = arith.constant dense<0.000000e+00> : vector<1000x128xf32>
    %dot_general3A_5 = tpu.matmul %get3A_1, %get3A_4, %dot_general3A {dimension_numbers = #tpu.dot_dimension_numbers<[1], [0], [0], [1], [0, 0, 1, 1], [], []>, transpose_lhs_hint = false} : vector<1000x128xf32>, vector<128x128xf32>, vector<1000x128xf32> -> vector<1000x128xf32>
    %get3A_6 = arith.constant 0 : index
    %get3A_7 = arith.constant 0 : index
    %get3A_8 = vector.load %arg3[%get3A_6, %get3A_7] : memref<1x128xf32, #tpu.memory_space<vmem>>, vector<1x128xf32>
    %add3A = vector.broadcast %get3A_8 : vector<1x128xf32> to vector<1000x128xf32>
    %add3A_9 = arith.addf %dot_general3A_5, %add3A : vector<1000x128xf32>
    %swap3A = arith.constant 0 : index
    %swap3A_10 = arith.constant 0 : index
    %swap3A_11 = vector.load %arg6[%swap3A, %swap3A_10] : memref<1000x128xf32, #tpu.memory_space<vmem>>, vector<1000x128xf32>
    tpu.vector_store %arg6[%swap3A, %swap3A_10], %add3A_9 {strides = array<i32>} : memref<1000x128xf32, #tpu.memory_space<vmem>>, vector<1000x128xf32>,
    %get3A_12 = arith.constant 0 : index
    %get3A_13 = arith.constant 0 : index
    %get3A_14 = vector.load %arg4[%get3A_12, %get3A_13] : memref<128x50xf32, #tpu.memory_space<vmem>>, vector<128x50xf32>
    %dot_general3A_15 = arith.constant dense<0.000000e+00> : vector<1000x50xf32>
    %dot_general3A_16 = tpu.matmul %get3A_1, %get3A_14, %dot_general3A_15 {dimension_numbers = #tpu.dot_dimension_numbers<[1], [0], [0], [1], [0, 0, 1, 1], [], []>, transpose_lhs_hint = false} : vector<1000x128xf32>, vector<128x50xf32>, vector<1000x50xf32> -> vector<1000x50xf32>
    %get3A_17 = arith.constant 0 : index
    %get3A_18 = arith.constant 0 : index
    %get3A_19 = vector.load %arg5[%get3A_17, %get3A_18] : memref<1x50xf32, #tpu.memory_space<vmem>>, vector<1x50xf32>
    %add3A_20 = vector.broadcast %get3A_19 : vector<1x50xf32> to vector<1000x50xf32>
    %add3A_21 = arith.addf %dot_general3A_16, %add3A_20 : vector<1000x50xf32>
    %max3A = arith.constant 0.000000e+00 : f32
    %max3A_22 = vector.broadcast %max3A : f32 to vector<1000x50xf32>
    %max3A_23 = arith.maximumf %add3A_21, %max3A_22 : vector<1000x50xf32>
    %swap3A_24 = arith.constant 0 : index
    %swap3A_25 = arith.constant 0 : index
    %swap3A_26 = vector.load %arg7[%swap3A_24, %swap3A_25] : memref<1000x50xf32, #tpu.memory_space<vmem>>, vector<1000x50xf32>
    tpu.vector_store %arg7[%swap3A_24, %swap3A_25], %max3A_23 {strides = array<i32>} : memref<1000x50xf32, #tpu.memory_space<vmem>>, vector<1000x50xf32>,
    return
  }
  func.func @transform_0(%arg0: i32) -> (i32, i32) {
    %c0_i32 = arith.constant 0 : i32
    %c0_i32_0 = arith.constant 0 : i32
    return %arg0, %c0_i32 : i32, i32
  }
  func.func @transform_1(%arg0: i32) -> (i32, i32) {
    %c0_i32 = arith.constant 0 : i32
    %c0_i32_0 = arith.constant 0 : i32
    %c0_i32_1 = arith.constant 0 : i32
    return %c0_i32, %c0_i32_0 : i32, i32
  }
  func.func @transform_2(%arg0: i32) -> (i32, i32) {
    %c0_i32 = arith.constant 0 : i32
    %c0_i32_0 = arith.constant 0 : i32
    %c0_i32_1 = arith.constant 0 : i32
    return %c0_i32, %c0_i32_0 : i32, i32
  }
  func.func @transform_3(%arg0: i32) -> (i32, i32) {
    %c0_i32 = arith.constant 0 : i32
    %c0_i32_0 = arith.constant 0 : i32
    %c0_i32_1 = arith.constant 0 : i32
    return %c0_i32, %c0_i32_0 : i32, i32
  }
  func.func @transform_4(%arg0: i32) -> (i32, i32) {
    %c0_i32 = arith.constant 0 : i32
    %c0_i32_0 = arith.constant 0 : i32
    %c0_i32_1 = arith.constant 0 : i32
    return %c0_i32, %c0_i32_0 : i32, i32
  }
  func.func @transform_5(%arg0: i32) -> (i32, i32) {
    %c0_i32 = arith.constant 0 : i32
    %c0_i32_0 = arith.constant 0 : i32
    return %arg0, %c0_i32 : i32, i32
  }
  func.func @transform_6(%arg0: i32) -> (i32, i32) {
    %c0_i32 = arith.constant 0 : i32
    %c0_i32_0 = arith.constant 0 : i32
    return %arg0, %c0_i32 : i32, i32
  }
}

module attributes {stable_mosaic.version = 14 : i64} {
  func.func @body(%arg0: i32, %arg1: memref<2000x16xf32, #tpu.memory_space<vmem>>, %arg2: memref<16x128xf32, #tpu.memory_space<vmem>>, %arg3: memref<1x128xf32, #tpu.memory_space<vmem>>, %arg4: memref<2000x128xf32, #tpu.memory_space<vmem>>) attributes {dimension_semantics = [#tpu.dimension_semantics<arbitrary>], iteration_bounds = array<i64: 160>, scalar_prefetch = 0 : i64, scratch_operands = 0 : i64, tpu.core_type = #tpu.core_type<tc>, window_params = [{transform_indices = @transform_0, window_bounds = array<i64: 2000, 16>}, {pipeline_mode = #tpu.pipeline_mode<synchronous>, transform_indices = @transform_1, window_bounds = array<i64: 16, 128>}, {pipeline_mode = #tpu.pipeline_mode<synchronous>, transform_indices = @transform_2, window_bounds = array<i64: 1, 128>}, {transform_indices = @transform_3, window_bounds = array<i64: 2000, 128>}]} {
    %get3A = arith.constant 0 : index
    %get3A_0 = arith.constant 0 : index
    %get3A_1 = vector.load %arg1[%get3A, %get3A_0] : memref<2000x16xf32, #tpu.memory_space<vmem>>, vector<2000x16xf32>
    %get3A_2 = arith.constant 0 : index
    %get3A_3 = arith.constant 0 : index
    %get3A_4 = vector.load %arg2[%get3A_2, %get3A_3] : memref<16x128xf32, #tpu.memory_space<vmem>>, vector<16x128xf32>
    %dot_general3A = arith.constant dense<0.000000e+00> : vector<2000x128xf32>
    %dot_general3A_5 = tpu.matmul %get3A_1, %get3A_4, %dot_general3A {dimension_numbers = #tpu.dot_dimension_numbers<[1], [0], [0], [1], [0, 0, 1, 1], [], []>, transpose_lhs_hint = false} : vector<2000x16xf32>, vector<16x128xf32>, vector<2000x128xf32> -> vector<2000x128xf32>
    %get3A_6 = arith.constant 0 : index
    %get3A_7 = arith.constant 0 : index
    %get3A_8 = vector.load %arg3[%get3A_6, %get3A_7] : memref<1x128xf32, #tpu.memory_space<vmem>>, vector<1x128xf32>
    %add3A = vector.broadcast %get3A_8 : vector<1x128xf32> to vector<2000x128xf32>
    %add3A_9 = arith.addf %dot_general3A_5, %add3A : vector<2000x128xf32>
    %max3A = arith.constant 0.000000e+00 : f32
    %max3A_10 = vector.broadcast %max3A : f32 to vector<2000x128xf32>
    %max3A_11 = arith.maximumf %add3A_9, %max3A_10 : vector<2000x128xf32>
    %swap3A = arith.constant 0 : index
    %swap3A_12 = arith.constant 0 : index
    %swap3A_13 = vector.load %arg4[%swap3A, %swap3A_12] : memref<2000x128xf32, #tpu.memory_space<vmem>>, vector<2000x128xf32>
    tpu.vector_store %arg4[%swap3A, %swap3A_12], %max3A_11 {strides = array<i32>} : memref<2000x128xf32, #tpu.memory_space<vmem>>, vector<2000x128xf32>,
    return
  }
  func.func @transform_0(%arg0: i32) -> (i32, i32) {
    %c0_i32 = arith.constant 0 : i32
    %c0_i32_0 = arith.constant 0 : i32
    return %arg0, %c0_i32 : i32, i32
  }
  func.func @transform_1(%arg0: i32) -> (i32, i32) {
    %c0_i32 = arith.constant 0 : i32
    %c0_i32_0 = arith.constant 0 : i32
    %c0_i32_1 = arith.constant 0 : i32
    return %c0_i32, %c0_i32_0 : i32, i32
  }
  func.func @transform_2(%arg0: i32) -> (i32, i32) {
    %c0_i32 = arith.constant 0 : i32
    %c0_i32_0 = arith.constant 0 : i32
    %c0_i32_1 = arith.constant 0 : i32
    return %c0_i32, %c0_i32_0 : i32, i32
  }
  func.func @transform_3(%arg0: i32) -> (i32, i32) {
    %c0_i32 = arith.constant 0 : i32
    %c0_i32_0 = arith.constant 0 : i32
    return %arg0, %c0_i32 : i32, i32
  }
}

module attributes {stable_mosaic.version = 14 : i64} {
  func.func @body(%arg0: i32, %arg1: memref<2560x64xf32, #tpu.memory_space<vmem>>, %arg2: memref<16x2560xf32, #tpu.memory_space<vmem>>, %arg3: memref<64x50xf32, #tpu.memory_space<vmem>>, %arg4: memref<16x50xf32, #tpu.memory_space<vmem>>, %arg5: memref<50x1xf32, #tpu.memory_space<vmem>>, %arg6: memref<50x50xf32, #tpu.memory_space<vmem>>, %arg7: memref<50x1xf32, #tpu.memory_space<vmem>>, %arg8: memref<50x2560xf32, #tpu.memory_space<vmem>>) attributes {dimension_semantics = [#tpu.dimension_semantics<arbitrary>], iteration_bounds = array<i64: 125>, scalar_prefetch = 0 : i64, scratch_operands = 0 : i64, tpu.core_type = #tpu.core_type<tc>, window_params = [{transform_indices = @transform_0, window_bounds = array<i64: 2560, 64>}, {transform_indices = @transform_1, window_bounds = array<i64: 16, 2560>}, {pipeline_mode = #tpu.pipeline_mode<synchronous>, transform_indices = @transform_2, window_bounds = array<i64: 64, 50>}, {pipeline_mode = #tpu.pipeline_mode<synchronous>, transform_indices = @transform_3, window_bounds = array<i64: 16, 50>}, {pipeline_mode = #tpu.pipeline_mode<synchronous>, transform_indices = @transform_4, window_bounds = array<i64: 50, 1>}, {pipeline_mode = #tpu.pipeline_mode<synchronous>, transform_indices = @transform_5, window_bounds = array<i64: 50, 50>}, {pipeline_mode = #tpu.pipeline_mode<synchronous>, transform_indices = @transform_6, window_bounds = array<i64: 50, 1>}, {transform_indices = @transform_7, window_bounds = array<i64: 50, 2560>}]} {
    %get3A = arith.constant 0 : index
    %get3A_0 = arith.constant 0 : index
    %get3A_1 = vector.load %arg4[%get3A, %get3A_0] : memref<16x50xf32, #tpu.memory_space<vmem>>, vector<16x50xf32>
    %get3A_2 = arith.constant 0 : index
    %get3A_3 = arith.constant 0 : index
    %get3A_4 = vector.load %arg2[%get3A_2, %get3A_3] : memref<16x2560xf32, #tpu.memory_space<vmem>>, vector<16x2560xf32>
    %dot_general3A = arith.constant dense<0.000000e+00> : vector<50x2560xf32>
    %dot_general3A_5 = tpu.matmul %get3A_1, %get3A_4, %dot_general3A {dimension_numbers = #tpu.dot_dimension_numbers<[0], [0], [1], [1], [0, 1, 1, 1], [], []>, transpose_lhs_hint = false} : vector<16x50xf32>, vector<16x2560xf32>, vector<50x2560xf32> -> vector<50x2560xf32>
    %get3A_6 = arith.constant 0 : index
    %get3A_7 = arith.constant 0 : index
    %get3A_8 = vector.load %arg5[%get3A_6, %get3A_7] : memref<50x1xf32, #tpu.memory_space<vmem>>, vector<50x1xf32>
    %add3A = vector.broadcast %get3A_8 : vector<50x1xf32> to vector<50x2560xf32>
    %add3A_9 = arith.addf %dot_general3A_5, %add3A : vector<50x2560xf32>
    %max3A = arith.constant 0.000000e+00 : f32
    %max3A_10 = vector.broadcast %max3A : f32 to vector<50x2560xf32>
    %max3A_11 = arith.maximumf %add3A_9, %max3A_10 : vector<50x2560xf32>
    %get3A_12 = arith.constant 0 : index
    %get3A_13 = arith.constant 0 : index
    %get3A_14 = vector.load %arg3[%get3A_12, %get3A_13] : memref<64x50xf32, #tpu.memory_space<vmem>>, vector<64x50xf32>
    %get3A_15 = arith.constant 0 : index
    %get3A_16 = arith.constant 0 : index
    %get3A_17 = vector.load %arg1[%get3A_15, %get3A_16] : memref<2560x64xf32, #tpu.memory_space<vmem>>, vector<2560x64xf32>
    %dot_general3A_18 = arith.constant dense<0.000000e+00> : vector<50x2560xf32>
    %dot_general3A_19 = tpu.matmul %get3A_14, %get3A_17, %dot_general3A_18 {dimension_numbers = #tpu.dot_dimension_numbers<[0], [1], [1], [0], [0, 1, 1, 0], [], []>, transpose_lhs_hint = false} : vector<64x50xf32>, vector<2560x64xf32>, vector<50x2560xf32> -> vector<50x2560xf32>
    %get3A_20 = arith.constant 0 : index
    %get3A_21 = arith.constant 0 : index
    %get3A_22 = vector.load %arg6[%get3A_20, %get3A_21] : memref<50x50xf32, #tpu.memory_space<vmem>>, vector<50x50xf32>
    %dot_general3A_23 = arith.constant dense<0.000000e+00> : vector<50x2560xf32>
    %dot_general3A_24 = tpu.matmul %get3A_22, %max3A_11, %dot_general3A_23 {dimension_numbers = #tpu.dot_dimension_numbers<[0], [0], [1], [1], [0, 1, 1, 1], [], []>, transpose_lhs_hint = false} : vector<50x50xf32>, vector<50x2560xf32>, vector<50x2560xf32> -> vector<50x2560xf32>
    %add3A_25 = arith.addf %dot_general3A_19, %dot_general3A_24 : vector<50x2560xf32>
    %get3A_26 = arith.constant 0 : index
    %get3A_27 = arith.constant 0 : index
    %get3A_28 = vector.load %arg7[%get3A_26, %get3A_27] : memref<50x1xf32, #tpu.memory_space<vmem>>, vector<50x1xf32>
    %add3A_29 = vector.broadcast %get3A_28 : vector<50x1xf32> to vector<50x2560xf32>
    %add3A_30 = arith.addf %add3A_25, %add3A_29 : vector<50x2560xf32>
    %max3A_31 = arith.constant 0.000000e+00 : f32
    %max3A_32 = vector.broadcast %max3A_31 : f32 to vector<50x2560xf32>
    %max3A_33 = arith.maximumf %add3A_30, %max3A_32 : vector<50x2560xf32>
    %swap3A = arith.constant 0 : index
    %swap3A_34 = arith.constant 0 : index
    %swap3A_35 = vector.load %arg8[%swap3A, %swap3A_34] : memref<50x2560xf32, #tpu.memory_space<vmem>>, vector<50x2560xf32>
    tpu.vector_store %arg8[%swap3A, %swap3A_34], %max3A_33 {strides = array<i32>} : memref<50x2560xf32, #tpu.memory_space<vmem>>, vector<50x2560xf32>,
    return
  }
  func.func @transform_0(%arg0: i32) -> (i32, i32) {
    %c0_i32 = arith.constant 0 : i32
    %c0_i32_0 = arith.constant 0 : i32
    return %arg0, %c0_i32 : i32, i32
  }
  func.func @transform_1(%arg0: i32) -> (i32, i32) {
    %c0_i32 = arith.constant 0 : i32
    %c0_i32_0 = arith.constant 0 : i32
    return %c0_i32, %arg0 : i32, i32
  }
  func.func @transform_2(%arg0: i32) -> (i32, i32) {
    %c0_i32 = arith.constant 0 : i32
    %c0_i32_0 = arith.constant 0 : i32
    %c0_i32_1 = arith.constant 0 : i32
    return %c0_i32, %c0_i32_0 : i32, i32
  }
  func.func @transform_3(%arg0: i32) -> (i32, i32) {
    %c0_i32 = arith.constant 0 : i32
    %c0_i32_0 = arith.constant 0 : i32
    %c0_i32_1 = arith.constant 0 : i32
    return %c0_i32, %c0_i32_0 : i32, i32
  }
  func.func @transform_4(%arg0: i32) -> (i32, i32) {
    %c0_i32 = arith.constant 0 : i32
    %c0_i32_0 = arith.constant 0 : i32
    %c0_i32_1 = arith.constant 0 : i32
    return %c0_i32, %c0_i32_0 : i32, i32
  }
  func.func @transform_5(%arg0: i32) -> (i32, i32) {
    %c0_i32 = arith.constant 0 : i32
    %c0_i32_0 = arith.constant 0 : i32
    %c0_i32_1 = arith.constant 0 : i32
    return %c0_i32, %c0_i32_0 : i32, i32
  }
  func.func @transform_6(%arg0: i32) -> (i32, i32) {
    %c0_i32 = arith.constant 0 : i32
    %c0_i32_0 = arith.constant 0 : i32
    %c0_i32_1 = arith.constant 0 : i32
    return %c0_i32, %c0_i32_0 : i32, i32
  }
  func.func @transform_7(%arg0: i32) -> (i32, i32) {
    %c0_i32 = arith.constant 0 : i32
    %c0_i32_0 = arith.constant 0 : i32
    return %c0_i32, %arg0 : i32, i32
  }
}

module attributes {stable_mosaic.version = 14 : i64} {
  func.func @body(%arg0: i32, %arg1: memref<1000x50xf32, #tpu.memory_space<vmem>>, %arg2: memref<2x1000x128xf32, #tpu.memory_space<vmem>>, %arg3: memref<50x50xf32, #tpu.memory_space<vmem>>, %arg4: memref<128x50xf32, #tpu.memory_space<vmem>>, %arg5: memref<1x50xf32, #tpu.memory_space<vmem>>, %arg6: memref<1000x50xf32, #tpu.memory_space<vmem>>) attributes {dimension_semantics = [#tpu.dimension_semantics<arbitrary>], iteration_bounds = array<i64: 10>, scalar_prefetch = 0 : i64, scratch_operands = 0 : i64, tpu.core_type = #tpu.core_type<tc>, window_params = [{transform_indices = @transform_0, window_bounds = array<i64: 1000, 50>}, {transform_indices = @transform_1, window_bounds = array<i64: 2, 1000, 128>}, {pipeline_mode = #tpu.pipeline_mode<synchronous>, transform_indices = @transform_2, window_bounds = array<i64: 50, 50>}, {pipeline_mode = #tpu.pipeline_mode<synchronous>, transform_indices = @transform_3, window_bounds = array<i64: 128, 50>}, {pipeline_mode = #tpu.pipeline_mode<synchronous>, transform_indices = @transform_4, window_bounds = array<i64: 1, 50>}, {transform_indices = @transform_5, window_bounds = array<i64: 1000, 50>}]} {
    %get3A = arith.constant 0 : index
    %get3A_0 = arith.constant 0 : index
    %get3A_1 = arith.constant 0 : index
    %get3A_2 = vector.load %arg2[%get3A, %get3A_0, %get3A_1] : memref<2x1000x128xf32, #tpu.memory_space<vmem>>, vector<1x1000x128xf32>
    %get3A_3 = vector.shape_cast %get3A_2 : vector<1x1000x128xf32> to vector<1000x128xf32>
    %get3A_4 = arith.constant 1 : index
    %get3A_5 = arith.constant 0 : index
    %get3A_6 = arith.constant 0 : index
    %get3A_7 = vector.load %arg2[%get3A_4, %get3A_5, %get3A_6] : memref<2x1000x128xf32, #tpu.memory_space<vmem>>, vector<1x1000x128xf32>
    %get3A_8 = vector.shape_cast %get3A_7 : vector<1x1000x128xf32> to vector<1000x128xf32>
    %add3A = arith.addf %get3A_3, %get3A_8 : vector<1000x128xf32>
    %get3A_9 = arith.constant 0 : index
    %get3A_10 = arith.constant 0 : index
    %get3A_11 = vector.load %arg1[%get3A_9, %get3A_10] : memref<1000x50xf32, #tpu.memory_space<vmem>>, vector<1000x50xf32>
    %get3A_12 = arith.constant 0 : index
    %get3A_13 = arith.constant 0 : index
    %get3A_14 = vector.load %arg3[%get3A_12, %get3A_13] : memref<50x50xf32, #tpu.memory_space<vmem>>, vector<50x50xf32>
    %dot_general3A = arith.constant dense<0.000000e+00> : vector<1000x50xf32>
    %dot_general3A_15 = tpu.matmul %get3A_11, %get3A_14, %dot_general3A {dimension_numbers = #tpu.dot_dimension_numbers<[1], [0], [0], [1], [0, 0, 1, 1], [], []>, transpose_lhs_hint = false} : vector<1000x50xf32>, vector<50x50xf32>, vector<1000x50xf32> -> vector<1000x50xf32>
    %get3A_16 = arith.constant 0 : index
    %get3A_17 = arith.constant 0 : index
    %get3A_18 = vector.load %arg4[%get3A_16, %get3A_17] : memref<128x50xf32, #tpu.memory_space<vmem>>, vector<128x50xf32>
    %dot_general3A_19 = arith.constant dense<0.000000e+00> : vector<1000x50xf32>
    %dot_general3A_20 = tpu.matmul %add3A, %get3A_18, %dot_general3A_19 {dimension_numbers = #tpu.dot_dimension_numbers<[1], [0], [0], [1], [0, 0, 1, 1], [], []>, transpose_lhs_hint = false} : vector<1000x128xf32>, vector<128x50xf32>, vector<1000x50xf32> -> vector<1000x50xf32>
    %add3A_21 = arith.addf %dot_general3A_15, %dot_general3A_20 : vector<1000x50xf32>
    %get3A_22 = arith.constant 0 : index
    %get3A_23 = arith.constant 0 : index
    %get3A_24 = vector.load %arg5[%get3A_22, %get3A_23] : memref<1x50xf32, #tpu.memory_space<vmem>>, vector<1x50xf32>
    %add3A_25 = vector.broadcast %get3A_24 : vector<1x50xf32> to vector<1000x50xf32>
    %add3A_26 = arith.addf %add3A_21, %add3A_25 : vector<1000x50xf32>
    %max3A = arith.constant 0.000000e+00 : f32
    %max3A_27 = vector.broadcast %max3A : f32 to vector<1000x50xf32>
    %max3A_28 = arith.maximumf %add3A_26, %max3A_27 : vector<1000x50xf32>
    %swap3A = arith.constant 0 : index
    %swap3A_29 = arith.constant 0 : index
    %swap3A_30 = vector.load %arg6[%swap3A, %swap3A_29] : memref<1000x50xf32, #tpu.memory_space<vmem>>, vector<1000x50xf32>
    tpu.vector_store %arg6[%swap3A, %swap3A_29], %max3A_28 {strides = array<i32>} : memref<1000x50xf32, #tpu.memory_space<vmem>>, vector<1000x50xf32>,
    return
  }
  func.func @transform_0(%arg0: i32) -> (i32, i32) {
    %c0_i32 = arith.constant 0 : i32
    %c0_i32_0 = arith.constant 0 : i32
    return %arg0, %c0_i32 : i32, i32
  }
  func.func @transform_1(%arg0: i32) -> (i32, i32, i32) {
    %c0_i32 = arith.constant 0 : i32
    %c0_i32_0 = arith.constant 0 : i32
    %c0_i32_1 = arith.constant 0 : i32
    return %c0_i32, %arg0, %c0_i32_0 : i32, i32, i32
  }
  func.func @transform_2(%arg0: i32) -> (i32, i32) {
    %c0_i32 = arith.constant 0 : i32
    %c0_i32_0 = arith.constant 0 : i32
    %c0_i32_1 = arith.constant 0 : i32
    return %c0_i32, %c0_i32_0 : i32, i32
  }
  func.func @transform_3(%arg0: i32) -> (i32, i32) {
    %c0_i32 = arith.constant 0 : i32
    %c0_i32_0 = arith.constant 0 : i32
    %c0_i32_1 = arith.constant 0 : i32
    return %c0_i32, %c0_i32_0 : i32, i32
  }
  func.func @transform_4(%arg0: i32) -> (i32, i32) {
    %c0_i32 = arith.constant 0 : i32
    %c0_i32_0 = arith.constant 0 : i32
    %c0_i32_1 = arith.constant 0 : i32
    return %c0_i32, %c0_i32_0 : i32, i32
  }
  func.func @transform_5(%arg0: i32) -> (i32, i32) {
    %c0_i32 = arith.constant 0 : i32
    %c0_i32_0 = arith.constant 0 : i32
    return %arg0, %c0_i32 : i32, i32
  }
}

</mosaic_0001>

<sc_bundles>
// kernel: kernel.11.cloned.1.call-start
scs
__scs_entry_jumppad:
0x0: {  	(pc) =	sbr.rel $0x88, $3  }
0x1: {  	(tag) =	ssettag $0x0;
	lr =	simm.s32 $0x1  }
0x2: {  	[smem:$0x3F91] =	sst lr;
	_ =	strace $0xD0000000  }
0x3: {  	_ = 	snop  }
0x4: {  	_ = 	snop  }
0x5: {  	_ = 	snop  }
0x6: {  	_ = 	snop  }
0x7: {  	_ = 	snop  }
__scs_overlays_trampoline_lowered:
0x8: {  	[smem:$0x3FA0] =	sst s0  }
0x9: {  	[smem:$0x3FA1] =	sst s1  }
0xa: {  	[smem:$0x3FA2] =	sst s2  }
0xb: {  	[smem:$0x3FA3] =	sst s3  }
0xc: {  	[smem:$0x3FA4] =	sst s4  }
0xd: {  	[smem:$0x3FA5] =	sst s5  }
0xe: {  	[smem:$0x3FA6] =	sst s6  }
0xf: {  	[smem:$0x3FA7] =	sst s7  }
0x10: {  	[smem:$0x3FA8] =	sst s8  }
0x11: {  	[smem:$0x3FA9] =	sst s9;
	s0 =	simm.s32 @!p0 $0x0  }
0x12: {  	s1 =	sld [smem:$0x3F8F];
	s0 =	simm.s32 @p0 $0x1  }
0x13: {  	[smem:$0x3FAA] =	sst s0;
	s0 =	simm.s32 @!p1 $0x0  }
0x14: {  	s2 =	sld [smem:$0x3F8E];
	s0 =	simm.s32 @p1 $0x1  }
0x15: {  	[smem:$0x3FAB] =	sst s0;
	s0 =	simm.s32 @!p2 $0x0  }
0x16: {  	s3 =	sld [smem:$0x3FDB];
	s0 =	simm.s32 @p2 $0x1  }
0x17: {  	s4 =	simm.s32 $0x1BF5;
	[smem:$0x3FAD] =	sst s0  }
0x18: {  	s0 =	sld [smem:$0x3F90];
	_ =	swait.ge [sflag:s4], $0x0  }
0x19: {  	s7 =	sld [smem:$0x3F91]  }
0x1a: {  	s8 =	sadd.s32 $0xFFFFE003, lr  }
0x1b: {  	s9 =	sadd.s32 $0xFFFFFEF7, lr;
	s5 =	simm.s32 $0xFFFFFFFF;
	p2 =	slt.u32 s8, $0xFFFFF086  }
0x1c: {  	p1 =	slt.u32 s9, $0xF7A;
	s5 =	simm.s32 @!p2 $0x0  }
0x1d: {  	s5 =	simm.s32 @p1 $0x1;
	p0 =	seq.s32 s7, s2  }
0x1e: {  	s7 =	smul.u32 @!p0 $0xF7A, s2;
	p2 =	seq.s32 @!p0 s5, $0x0  }
0x1f: {  	s9 =	smul.u32 $0xF7A, s1;
	s8 =	simm.s32 @!p0 $0x1BF5;
	p2 =	por !p2, p0  }
0x20: {  	[sflag:s8] =	ssyncset.s32 @!p0 $0xFFFFF086;
	s6 =	sadd.s32 @!p0 s3, s7;
	s7 =	simm.s32 @!p0 $0x108  }
0x21: {  	s3 =	sadd.s32 s3, s9;
	s6 =	sadd.s32 @!p0 $0x88, s6;
	s7 =	simm.s32 @p2 $0x1082  }
0x22: {  	[simem:s7], [sflag:s8] =	dma.local @!p0 [hbm:s6], $0xF7A  }
0x23: {  	s9 =	sor.u32 $0xD0000000, s2;
	s6 =	simm.s32 $0x108;
	_ =	swait.ge @!p0 [sflag:s8], $0x0  }
0x24: {  	s3 =	sadd.s32 $0x88, s3;
	s6 =	simm.s32 @!p1 $0x1082;
	[sflag:s4] =	ssyncset.s32 $0xFFFFF086  }
0x25: {  	[simem:s6], [sflag:s4] =	dma.local [hbm:s3], $0xF7A  }
0x26: {  	[smem:$0x3F91] =	sst s1;
	(tag) =	ssettag s2;
	_ =	strace s9  }
0x27: {  	s1 =	sld [smem:$0x3FA1]  }
0x28: {  	s2 =	sld [smem:$0x3FA2]  }
0x29: {  	s4 =	sld [smem:$0x3FA4]  }
0x2a: {  	p0 =	seq.s32 s5, $0x0;
	s5 =	sld [smem:$0x3FA5]  }
0x2b: {  	s6 =	sld [smem:$0x3FA6]  }
0x2c: {  	s7 =	sld [smem:$0x3FA7]  }
0x2d: {  	s3 =	simm.s32 $0x108;
	s8 =	sld [smem:$0x3FA8]  }
0x2e: {  	s3 =	simm.s32 @!p0 $0x1082;
	s9 =	sld [smem:$0x3FA9]  }
0x2f: {  	lr =	sadd.s32 s0, s3;
	s0 =	sld [smem:$0x3FA0]  }
0x30: {  	s3 =	sld [smem:$0x3FA3]  }
0x31: {  	[smem:$0x3FAC] =	sst s10  }
0x32: {  	s10 =	sld [smem:$0x3FAA];
	_ =	sdelay $0x3  }
0x33: {  	p0 =	seq.s32 s10, $0x1;
	s10 =	sld [smem:$0x3FAC];
	_ =	sdelay $0x3  }
0x34: {  	[smem:$0x3FAC] =	sst s10  }
0x35: {  	s10 =	sld [smem:$0x3FAB];
	_ =	sdelay $0x3  }
0x36: {  	p1 =	seq.s32 s10, $0x1;
	s10 =	sld [smem:$0x3FAC];
	_ =	sdelay $0x3  }
0x37: {  	[smem:$0x3FAC] =	sst s10  }
0x38: {  	s10 =	sld [smem:$0x3FAD]  }
0x39: {  	_ = 	snop;
	(pc) =	sbr.ind lr, $3  }
0x3a: {  	_ = 	snop  }
0x3b: {  	_ = 	snop  }
0x3c: {  	p2 =	seq.s32 s10, $0x1;
	s10 =	sld [smem:$0x3FAC]  }
0x3d: {  	_ =	shalt  }
0x3e: {  	_ =	shalt  }
0x3f: {  	_ =	shalt  }
0x40: {  	_ =	shalt  }
0x41: {  	_ =	shalt  }
0x42: {  	_ =	shalt  }
0x43: {  	_ =	shalt  }
0x44: {  	_ =	shalt  }
0x45: {  	_ =	shalt  }
0x46: {  	_ =	shalt  }
0x47: {  	_ =	shalt  }
0x48: {  	_ =	shalt  }
0x49: {  	_ =	shalt  }
0x4a: {  	_ =	shalt  }
0x4b: {  	_ =	shalt  }
0x4c: {  	_ =	shalt  }
0x4d: {  	_ =	shalt  }
0x4e: {  	_ =	shalt  }
0x4f: {  	_ =	shalt  }
0x50: {  	_ =	shalt  }
0x51: {  	_ =	shalt  }
0x52: {  	_ =	shalt  }
0x53: {  	_ =	shalt  }
0x54: {  	_ =	shalt  }
0x55: {  	_ =	shalt  }
0x56: {  	_ =	shalt  }
0x57: {  	_ =	shalt  }
0x58: {  	_ =	shalt  }
0x59: {  	_ =	shalt  }
0x5a: {  	_ =	shalt  }
0x5b: {  	_ =	shalt  }
0x5c: {  	_ =	shalt  }
0x5d: {  	_ =	shalt  }
0x5e: {  	_ =	shalt  }
0x5f: {  	_ =	shalt  }
0x60: {  	_ =	shalt  }
0x61: {  	_ =	shalt  }
0x62: {  	_ =	shalt  }
0x63: {  	_ =	shalt  }
0x64: {  	_ =	shalt  }
0x65: {  	_ =	shalt  }
0x66: {  	_ =	shalt  }
0x67: {  	_ =	shalt  }
0x68: {  	_ =	shalt  }
0x69: {  	_ =	shalt  }
0x6a: {  	_ =	shalt  }
0x6b: {  	_ =	shalt  }
0x6c: {  	_ =	shalt  }
0x6d: {  	_ =	shalt  }
0x6e: {  	_ =	shalt  }
0x6f: {  	_ =	shalt  }
0x70: {  	_ =	shalt  }
0x71: {  	_ =	shalt  }
0x72: {  	_ =	shalt  }
0x73: {  	_ =	shalt  }
0x74: {  	_ =	shalt  }
0x75: {  	_ =	shalt  }
0x76: {  	_ =	shalt  }
0x77: {  	_ =	shalt  }
0x78: {  	_ =	shalt  }
0x79: {  	_ =	shalt  }
0x7a: {  	_ =	shalt  }
0x7b: {  	_ =	shalt  }
0x7c: {  	_ =	shalt  }
0x7d: {  	_ =	shalt  }
0x7e: {  	_ =	shalt  }
0x7f: {  	_ =	shalt  }
0x80: {  	_ =	shalt  }
0x81: {  	_ =	shalt  }
0x82: {  	_ =	shalt  }
0x83: {  	_ =	shalt  }
0x84: {  	_ =	shalt  }
0x85: {  	_ =	shalt  }
0x86: {  	_ =	shalt  }
0x87: {  	_ =	shalt  }
.Lfunc_end0:
.L_simem_size_0:
called_computation.1_lowered:
.L_overlay_start_0:
0x88: {  	s2 =	sld [smem:$0x3FD9]  }
0x89: {  	s3 =	sld [smem:$0x3FFE];
	_ =	sdelay $0x1  }
0x8a: {  	s1 =	srdreg.scid  }
0x8b: {  	s0 =	sand.u32 $0x1, s1  }
0x8c: {  	s14 =	sshll.u32 s0, $0xA;
	s2 =	sadd.s32 s3, s2  }
0x8d: {  	s2 =	sadd.s32 s2, s14  }
0x8e: {  	[smem:$0x3FB8] =	sst s2  }
0x8f: {  	_ = 	snop  }
0x90: {  	s2 =	sld [smem:$0x3FD0];
	_ =	sdelay $0x2  }
0x91: {  	s15 =	simm.s32 $0xA;
	s4 =	simm.s32 $0x10  }
0x92: {  	[smem:s4], [sflag:s15] =	dma.local [hbm:s2], $0x1  }
0x93: {  	_ =	swait.eq [sflag:s15], $0x1  }
0x94: {  	[sflag:s15] =	ssyncset.done $0x0  }
0x95: {  	[sflag:s15] =	ssyncadd.s32 $0xFFFFFFFF  }
0x96: {  	s16 =	sld [smem:$0x10];
	(tm) =	ssettm $0x1  }
0x97: {  	s17 =	sld [smem:$0x3FFB];
	_ =	sdelay $0x3  }
0x98: {  	_ =	strace s17  }
0x99: {  	s3 =	sld [smem:$0x3FFC];
	_ =	sdelay $0x3  }
0x9a: {  	_ =	strace s3  }
0x9b: {  	s3 =	sld [smem:$0x3FFD];
	_ =	sdelay $0x3  }
0x9c: {  	_ =	strace s3  }
0x9d: {  	_ =	strace $0x8FFFFFFF  }
0x9e: {  	s18 =	sld [smem:$0x3FDB];
	_ =	sdelay $0x1  }
0x9f: {  	s19 =	simm.s32 $_scs_section_size  }
0xa0: {  	s5 =	simm.s32 $_size__tile_overlayer_lowered;
	s6 =	simm.s32 $_tile_overlayer_lowered  }
0xa1: {  	s22 =	simm.s32 $0x1BFF;
	s21 =	sshll.u32 s6, $0x1;
	s3 =	sadd.s32 s19, s18  }
0xa2: {  	s7 =	simm.s32 $0x0;
	s20 =	sshll.u32 s5, $0x1;
	s5 =	sadd.s32 s21, s3  }
0xa3: {  	[timem:s7], [sflag:s22] =	dma.local [hbm:s5], s20  }
0xa4: {  	_ =	swait.ge [sflag:s22], s20  }
0xa5: {  	s4 =	ssub.s32 $0x0, s20;
	[sflag:s22] =	ssyncset.done $0x0  }
0xa6: {  	[sflag:s22] =	ssyncadd.s32 s4;
	_ =	sdelay $0x1  }
0xa7: {  	s23 =	simm.s32 $0x1B8B  }
0xa8: {  	_ =	swait.ge [sflag:s23], $0x1  }
0xa9: {  	[sflag:s23] =	ssyncset.done $0x0  }
0xaa: {  	s25 =	simm.s32 $0x1B8E;
	s24 =	sld [smem:$0x3FFE];
	[sflag:s23] =	ssyncadd.s32 $0xFFFFFFFF  }
0xab: {  	s26 =	simm.s32 $execute0_lowered;
	[smem:$0x3FD2] =	sst s25  }
0xac: {  	s5 =	sshll.u32 s26, $0x1;
	_ =	strace $0x80000049;
	[dreg:$0x1] =	wrdreg $0xFFFFFFFF  }
0xad: {  	s28 =	simm.s32 $_size_execute0_lowered;
	s3 =	sadd.s32 s3, s5;
	[dreg:$0x0] =	wrdreg $0x0  }
0xae: {  	s5 =	sshll.u32 s28, $0x1;
	[dreg:$0x2] =	wrdreg s3  }
0xaf: {  	[dreg:$0x3] =	wrdreg s5  }
0xb0: {  	[dreg:$0x4] =	wrdreg $0xC0  }
0xb1: {  	_ =	task [dreg:s7], $0x5FFFF  }
0xb2: {  	[dreg:$0x1] =	wrdreg $0xFFFFFFFF  }
0xb3: {  	[dreg:$0x0] =	wrdreg $0x60  }
0xb4: {  	[dreg:$0x2] =	wrdreg s16  }
0xb5: {  	[dreg:$0x3] =	wrdreg s24  }
0xb6: {  	[dreg:$0x4] =	wrdreg $0x71000  }
0xb7: {  	[dreg:$0x5] =	wrdreg $0x9  }
0xb8: {  	_ =	task.clear_ibuf [dreg:s7], $0x6FFFF;
	_ =	strace $0x90000049  }
0xb9: {  	s29 =	simm.s32 $0x9;
	_ =	strace $0x8000004B  }
0xba: {  	_ =	swait.ge [sflag:s29], $0x1  }
0xbb: {  	[sflag:s29] =	ssyncadd.s32 $0xFFFFFFFF  }
0xbc: {  	_ =	strace $0x9000004B  }
0xbd: {  	_ =	sfence  }
0xbe: {  	s30 =	sld [smem:$0x0];
	_ =	sdelay $0x2  }
0xbf: {  	s31 =	sshll.u32 s1, $0xD;
	s1 =	sshrl.u32 s1, $0x2  }
0xc0: {  	s3 =	sand.u32 $0x4000, s31;
	s1 =	sadd.s32 s1, s30  }
0xc1: {  	s0 =	sor.u32 s3, s0;
	s1 =	sshll.u32 s1, $0x11  }
0xc2: {  	s0 =	sor.u32 s1, s0  }
0xc3: {  	s0 =	sadd.s32 $0x8F2B, s0  }
0xc4: {  	[sflag:s0] =	ssyncadd.remote.s32 $0x1  }
0xc5: {  	_ =	sfence.sel $0xFFFF  }
0xc6: {  	[dreg:$0x0] =	wrdreg $0xFFFFFFFF;
	(pc) =	sbr.abs _section_cstart, $3  }
0xc7: {  	[dreg:$0x1] =	wrdreg $0xFFFFFFFF  }
0xc8: {  	_ =	task.clear_ibuf [dreg:s7], $0x2FFFF;
	_ =	strace $0x9FFFFFFF  }
0xc9: {  	(tm) =	ssettm $0x7FFFFFFF  }
tec
execute0_lowered:
.L_overlay_start_1:
0x0: {  	(tag) =	ssettag $0x1  }
0x1: {  	s0 =	srdreg.scid;
	s3 =	rddreg [dreg:$0x1]  }
0x2: {  	s1 =	simm.s32 $0x0;
	s17 =	stileid.u32;
	s30 =	simm.s32 $0x3  }
0x3: {  	s4 =	sand.u32 $0x1, s0;
	[smem:$0x7FF] =	sst s1;
	s5 =	smul.u32 $0x14000, s17  }
0x4: {  	s6 =	sadd.s32 $0x52B400, s3;
	s12 =	sshll.u32 s17, $0x1;
	s0 =	ssub.s32 $0x2, s4  }
0x5: {  	s11 =	smul.u32 $0x140000, s4;
	s2 =	sshrl.u32 s0, $0x1;
	s7 =	sor.u32 $0x2000, s5  }
0x6: {  	s8 =	sadd.s32 $0x4000, s5;
	s9 =	sadd.s32 $0x6000, s5;
	s10 =	sadd.s32 $0x8000, s5  }
0x7: {  	s14 =	sadd.s32 $0xC000, s5;
	s16 =	sadd.s32 $0xE000, s5;
	s24 =	sadd.s32 $0x10000, s5  }
0x8: {  	s25 =	sadd.s32 $0x12000, s5;
	s0 =	ssub.s32 s0, s2;
	s2 =	sor.u32 s4, s12  }
0x9: {  	s12 =	sadd.s32 $0xA000, s5;
	s5 =	sadd.s32 s5, s11;
	s13 =	sadd.s32 s11, s7  }
0xa: {  	s15 =	sadd.s32 s11, s8;
	s20 =	sadd.s32 s11, s9;
	s21 =	sadd.s32 s11, s10  }
0xb: {  	s4 =	smul.u32 $0x138800, s4;
	s5 =	sshrl.u32 s5, $0x3;
	s13 =	sshrl.u32 s13, $0x3  }
0xc: {  	s18 =	sshrl.u32 s15, $0x3;
	s22 =	sadd.s32 s11, s12;
	s23 =	sshrl.u32 s21, $0x3  }
0xd: {  	s15 =	sadd.s32 s11, s14;
	s0 =	smax.u32 s0, $0x1;
	s5 =	sadd.s32 s6, s5  }
0xe: {  	s19 =	sadd.s32 s6, s18;
	s26 =	sshrl.u32 s22, $0x3;
	[dreg:$0x4] =	wrdreg s5  }
0xf: {  	s18 =	sadd.s32 s11, s16;
	s5 =	sadd.s32 s6, s13;
	[dreg:$0x6] =	wrdreg s19  }
0x10: {  	s13 =	sadd.s32 s6, s26;
	s19 =	sadd.s32 s11, s24;
	s26 =	smul.u32 $0x271000, s17  }
0x11: {  	s17 =	smul.u32 $0x50000, s17;
	[dreg:$0x5] =	wrdreg s5;
	s5 =	sshrl.u32 s20, $0x3  }
0x12: {  	[dreg:$0x9] =	wrdreg s13;
	s20 =	sshrl.u32 s18, $0x3;
	s21 =	sshrl.u32 s19, $0x3  }
0x13: {  	s13 =	rddreg [dreg:$0x2];
	s5 =	sadd.s32 s6, s5;
	s22 =	sadd.s32 s6, s21  }
0x14: {  	s4 =	sadd.s32 s4, s26;
	s18 =	sadd.s32 s7, s13;
	s19 =	sadd.s32 s8, s13  }
0x15: {  	s29 =	sadd.s32 s9, s13;
	[dreg:$0x7] =	wrdreg s5;
	s5 =	sadd.s32 s6, s23  }
0x16: {  	s31 =	sadd.s32 s10, s13;
	[dreg:$0x8] =	wrdreg s5;
	s5 =	sshrl.u32 s15, $0x3  }
0x17: {  	s7 =	sadd.s32 s14, s13;
	[dreg:$0xc] =	wrdreg s22;
	s5 =	sadd.s32 s6, s5  }
0x18: {  	s23 =	sadd.s32 s11, s25;
	[dreg:$0xa] =	wrdreg s5;
	s5 =	sadd.s32 s6, s20  }
0x19: {  	s8 =	sadd.s32 s16, s13;
	[dreg:$0xb] =	wrdreg s5;
	s5 =	sshrl.u32 s23, $0x3  }
0x1a: {  	s9 =	smul.u32 $0x138800, s2;
	s11 =	rddreg [dreg:$0x0];
	s5 =	sadd.s32 s6, s5  }
0x1b: {  	s10 =	sadd.s32 s24, s13;
	s6 =	sadd.s32 s12, s13;
	[dreg:$0xd] =	wrdreg s5  }
0x1c: {  	s26 =	sshll.u32 s2, $0xE;
	_ =	strace $0x8000004A;
	[dreg:$0xe] =	wrdreg s6  }
0x1d: {  	s2 =	sshll.u32 s2, $0xB;
	s25 =	sadd.s32 s25, s13;
	[dreg:$0xf] =	wrdreg s7  }
0x1e: {  	s28 =	sadd.s32 $0x5000, s4;
	s15 =	sadd.s32 $0xA0D400, s3;
	[dreg:$0x10] =	wrdreg s8  }
0x1f: {  	s3 =	sshrl.u32 s9, $0x3;
	s14 =	sadd.s32 s11, s2;
	[dreg:$0x11] =	wrdreg s10  }
0x20: {  	s3 =	sadd.s32 s15, s3;
	s21 =	sadd.s32 $0x10, s14;
	[dreg:$0x14] =	wrdreg s0  }
0x21: {  	s9 =	simm.s32 $0x2900;
	s22 =	sadd.s32 $0x500, s3;
	[dreg:$0x15] =	wrdreg s21  }
0x22: {  	s2 =	simm.s32 $0x4;
	s24 =	sadd.s32 $0x26C00, s3;
	[dreg:$0x16] =	wrdreg s22  }
0x23: {  	s23 =	sadd.s32 $0x7C0, s14;
	s12 =	sadd.s32 $0x7800, s4;
	[dreg:$0x12] =	wrdreg s14  }
0x24: {  	s5 =	sshrl.u32 s17, $0x2;
	s20 =	sshrl.u32 s12, $0x3;
	[dreg:$0x17] =	wrdreg s23  }
0x25: {  	s17 =	sadd.s32 s5, s13;
	s16 =	sadd.s32 s20, s15;
	[dreg:$0x13] =	wrdreg s3  }
0x26: {  	[dreg:$0x18] =	wrdreg s24;
	s5 =	simm.s32 $0x5100;
	s6 =	simm.s32 $0x5  }
0x27: {  	s7 =	simm.s32 $0x100;
	s8 =	simm.s32 $0x80;
	s10 =	simm.s32 $0x1  }
0x28: {  	v0 =	vimm.f32 $0.0e+00;
	s14 =	simm.s32 $0x50;
	s0 =	simm.s32 $0x2;
	s3 =	simm.s32 $0x0  }
.LBB2_1:
0x29: {  	s4 =	simm.s32 $0x0;
	s12 =	simm.s32 $0x200  }
.LBB2_2:
0x2a: {  	p0 =	sne.s32 s12, $0x7E00;
	[tilespmem:s4+$0x5170] =	vst v0  }
0x2b: {  	[tilespmem:s4+$0x5100] =	vst v0  }
0x2c: {  	[tilespmem:s4+$0x5110] =	vst v0  }
.Ltmp0:
0x2d: {  	[tilespmem:s4+$0x5120] =	vst v0;
	(pc) =	sbr.rel @p0 .LBB2_2-.Ltmp0, $4  }
0x2e: {  	[tilespmem:s4+$0x5130] =	vst v0  }
0x2f: {  	[tilespmem:s4+$0x5140] =	vst v0  }
0x30: {  	[tilespmem:s4+$0x5150] =	vst v0  }
0x31: {  	[tilespmem:s4+$0x5160] =	vst v0;
	s4 =	sshra.s32 s12, $0x2;
	s12 =	sadd.s32 $0x200, s12  }
0x32: {  	[tilespmem:s4+$0x5170] =	vst v0  }
0x33: {  	[tilespmem:s4+$0x5100] =	vst v0  }
0x34: {  	[tilespmem:s4+$0x5110] =	vst v0  }
0x35: {  	[tilespmem:s4+$0x5120] =	vst v0  }
0x36: {  	[tilespmem:s4+$0x5130] =	vst v0  }
0x37: {  	[tilespmem:s4+$0x5140] =	vst v0  }
0x38: {  	[tilespmem:s4+$0x5150] =	vst v0  }
0x39: {  	[tilespmem:s4+$0x5160] =	vst v0  }
0x3a: {  	[spmem:s17] =	stream.linear.scatter [tilespmem:s5], [sflag:$0x5], $0x2000, $0x38;
	[tilespmem:$0x1B100] =	vst v63  }
0x3b: {  	_ =	swait.ge [sflag:s6], $0x2000  }
0x3c: {  	[sflag:s6] =	ssyncset.done $0x0  }
0x3d: {  	[sflag:s6] =	ssyncadd.s32 $0xFFFFE000  }
0x3e: {  	[spmem:s18] =	stream.linear.scatter [tilespmem:s5], [sflag:$0x5], $0x2000, $0x38;
	[tilespmem:$0x1B100] =	vst v63  }
0x3f: {  	_ =	swait.ge [sflag:s6], $0x2000  }
0x40: {  	[sflag:s6] =	ssyncset.done $0x0  }
0x41: {  	[sflag:s6] =	ssyncadd.s32 $0xFFFFE000  }
0x42: {  	[spmem:s19] =	stream.linear.scatter [tilespmem:s5], [sflag:$0x5], $0x2000, $0x38;
	[tilespmem:$0x1B100] =	vst v63  }
0x43: {  	_ =	swait.ge [sflag:s6], $0x2000  }
0x44: {  	[sflag:s6] =	ssyncset.done $0x0  }
0x45: {  	[sflag:s6] =	ssyncadd.s32 $0xFFFFE000  }
0x46: {  	[spmem:s29] =	stream.linear.scatter [tilespmem:s5], [sflag:$0x5], $0x2000, $0x38;
	[tilespmem:$0x1B100] =	vst v63  }
0x47: {  	_ =	swait.ge [sflag:s6], $0x2000  }
0x48: {  	[sflag:s6] =	ssyncset.done $0x0  }
0x49: {  	[sflag:s6] =	ssyncadd.s32 $0xFFFFE000  }
0x4a: {  	[spmem:s31] =	stream.linear.scatter [tilespmem:s5], [sflag:$0x5], $0x2000, $0x38;
	[tilespmem:$0x1B100] =	vst v63  }
0x4b: {  	_ =	swait.ge [sflag:s6], $0x2000  }
0x4c: {  	[sflag:s6] =	ssyncset.done $0x0  }
0x4d: {  	s21 =	smov.u32 s18;
	s18 =	rddreg [dreg:$0xe];
	[sflag:s6] =	ssyncadd.s32 $0xFFFFE000  }
0x4e: {  	[spmem:s18] =	stream.linear.scatter [tilespmem:s5], [sflag:$0x5], $0x2000, $0x38;
	[tilespmem:$0x1B100] =	vst v63  }
0x4f: {  	_ =	swait.ge [sflag:s6], $0x2000  }
0x50: {  	[sflag:s6] =	ssyncset.done $0x0  }
0x51: {  	s22 =	smov.u32 s19;
	s19 =	rddreg [dreg:$0xf];
	[sflag:s6] =	ssyncadd.s32 $0xFFFFE000  }
0x52: {  	[spmem:s19] =	stream.linear.scatter [tilespmem:s5], [sflag:$0x5], $0x2000, $0x38;
	[tilespmem:$0x1B100] =	vst v63  }
0x53: {  	_ =	swait.ge [sflag:s6], $0x2000  }
0x54: {  	[sflag:s6] =	ssyncset.done $0x0  }
0x55: {  	s12 =	rddreg [dreg:$0x10];
	[sflag:s6] =	ssyncadd.s32 $0xFFFFE000  }
0x56: {  	[spmem:s12] =	stream.linear.scatter [tilespmem:s5], [sflag:$0x5], $0x2000, $0x38;
	[tilespmem:$0x1B100] =	vst v63  }
0x57: {  	_ =	swait.ge [sflag:s6], $0x2000  }
0x58: {  	[sflag:s6] =	ssyncset.done $0x0  }
0x59: {  	s20 =	smov.u32 s17;
	s17 =	rddreg [dreg:$0x11];
	[sflag:s6] =	ssyncadd.s32 $0xFFFFE000  }
0x5a: {  	[spmem:s17] =	stream.linear.scatter [tilespmem:s5], [sflag:$0x5], $0x2000, $0x38;
	[tilespmem:$0x1B100] =	vst v63  }
0x5b: {  	_ =	swait.ge [sflag:s6], $0x2000  }
0x5c: {  	[sflag:s6] =	ssyncset.done $0x0  }
0x5d: {  	[sflag:s6] =	ssyncadd.s32 $0xFFFFE000  }
0x5e: {  	[spmem:s25] =	stream.linear.scatter [tilespmem:s5], [sflag:$0x5], $0x2000, $0x38;
	[tilespmem:$0x1B100] =	vst v63  }
0x5f: {  	_ =	swait.ge [sflag:s6], $0x2000  }
0x60: {  	[sflag:s6] =	ssyncset.done $0x0  }
0x61: {  	[sflag:s6] =	ssyncadd.s32 $0xFFFFE000  }
0x62: {  	[bflag:$0x0] =	sbarrier.arrive $0xFFFF  }
0x63: {  	s18 =	rddreg [dreg:$0x12]  }
0x64: {  	[tilespmem:s1], [sflag:$0x1] =	stream.linear.gather [hbm4b:s18+s1], $0x80, $0x38;
	[tilespmem:$0x1B100] =	vst v63  }
0x65: {  	s19 =	rddreg [dreg:$0x13]  }
0x66: {  	[tilespmem:s7], [sflag:$0x1] =	stream.linear.gather [hbm4b:s19+s1], $0x2800, $0x38;
	[tilespmem:$0x1B100] =	vst v63  }
0x67: {  	s12 =	rddreg [dreg:$0x15]  }
0x68: {  	[tilespmem:s8], [sflag:$0x2] =	stream.linear.gather [hbm4b:s12+s1], $0x80, $0x38;
	[tilespmem:$0x1B100] =	vst v63  }
0x69: {  	s17 =	rddreg [dreg:$0x16]  }
0x6a: {  	[tilespmem:s9], [sflag:$0x2] =	stream.linear.gather [hbm4b:s17+s1], $0x2800, $0x38;
	[tilespmem:$0x1B100] =	vst v63  }
0x6b: {  	_ =	swait.ge [sflag:s10], $0x80  }
0x6c: {  	[sflag:s10] =	ssyncset.done $0x0  }
0x6d: {  	[sflag:s10] =	ssyncadd.s32 $0xFFFFFF80  }
0x6e: {  	s18 =	simm.s32 $0x100;
	_ =	swait.ge [sflag:s10], $0x2800  }
0x6f: {  	s12 =	sand.u32 $0x7C00, s18;
	[sflag:s10] =	ssyncset.done $0x0  }
0x70: {  	s4 =	sand.u32 $0x300, s18;
	s12 =	sadd.s32 s26, s12;
	[sflag:s10] =	ssyncadd.s32 $0xFFFFD800  }
0x71: {  	[spmem:s13] =	stream.indirect.scatter.add.f32 [tilespmem:s7], [sflag:$0x3], $0x80, s1, s14, $0xb8;
	[tilespmem:$0x1B100] =	vst v63  }
0x72: {  	s4 =	sor.u32 s4, s12;
	_ =	swait.ge [sflag:s30], $0x2800  }
0x73: {  	s4 =	sshrl.u32 s4, $0x3;
	[sflag:s30] =	ssyncset.done $0x0  }
0x74: {  	s19 =	sshrl.u32 s28, $0x3;
	s4 =	sadd.s32 s11, s4;
	[sflag:s30] =	ssyncadd.s32 $0xFFFFD800  }
0x75: {  	[tilespmem:s1], [sflag:$0x1] =	stream.linear.gather [hbm4b:s4+s1], $0x80, $0x38;
	[tilespmem:$0x1B100] =	vst v63  }
0x76: {  	s17 =	sadd.s32 s15, s19  }
0x77: {  	[tilespmem:s7], [sflag:$0x1] =	stream.linear.gather [hbm4b:s17+s1], $0x2800, $0x38;
	[tilespmem:$0x1B100] =	vst v63  }
0x78: {  	_ =	swait.ge [sflag:s0], $0x80  }
0x79: {  	[sflag:s0] =	ssyncset.done $0x0  }
0x7a: {  	[sflag:s0] =	ssyncadd.s32 $0xFFFFFF80  }
0x7b: {  	s18 =	simm.s32 $0x180;
	_ =	swait.ge [sflag:s0], $0x2800  }
0x7c: {  	s19 =	sand.u32 $0x7C00, s18;
	[sflag:s0] =	ssyncset.done $0x0  }
0x7d: {  	s12 =	sadd.s32 s26, s19;
	s4 =	sand.u32 $0x380, s18;
	[sflag:s0] =	ssyncadd.s32 $0xFFFFD800  }
0x7e: {  	[spmem:s13] =	stream.indirect.scatter.add.f32 [tilespmem:s9], [sflag:$0x4], $0x80, s8, s14, $0xb8;
	[tilespmem:$0x1B100] =	vst v63  }
0x7f: {  	s23 =	smov.u32 s29;
	s4 =	sor.u32 s4, s12;
	_ =	swait.ge [sflag:s2], $0x2800  }
0x80: {  	s24 =	smov.u32 s31;
	s4 =	sshrl.u32 s4, $0x3;
	[sflag:s2] =	ssyncset.done $0x0  }
0x81: {  	s29 =	smov.u32 s16;
	s4 =	sadd.s32 s11, s4;
	[sflag:s2] =	ssyncadd.s32 $0xFFFFD800  }
0x82: {  	[tilespmem:s8], [sflag:$0x2] =	stream.linear.gather [hbm4b:s4+s1], $0x80, $0x38;
	[tilespmem:$0x1B100] =	vst v63  }
0x83: {  	s31 =	smov.u32 s28;
	s12 =	smov.u32 s16;
	s4 =	simm.s32 $0x280  }
.LBB2_4:
0x84: {  	p0 =	sne.s32 s4, $0x3D80  }
0x85: {  	s31 =	sadd.s32 $0x5000, s31;
	s12 =	sadd.s32 $0xA00, s12;
	s17 =	smov.u32 s4  }
0x86: {  	[tilespmem:s9], [sflag:$0x2] =	stream.linear.gather [hbm4b:s29+s1], $0x2800, $0x38;
	[tilespmem:$0x1B100] =	vst v63  }
0x87: {  	s4 =	sadd.s32 $0x100, s4;
	s29 =	smov.u32 s12;
	_ =	swait.ge [sflag:s10], $0x80  }
0x88: {  	[sflag:s10] =	ssyncset.done $0x0  }
0x89: {  	[sflag:s10] =	ssyncadd.s32 $0xFFFFFF80  }
0x8a: {  	_ =	swait.ge [sflag:s10], $0x2800  }
0x8b: {  	s18 =	sadd.s32 $0xFFFFFF80, s17;
	[sflag:s10] =	ssyncset.done $0x0  }
0x8c: {  	s19 =	sand.u32 $0x7C00, s18;
	s18 =	sand.u32 $0x300, s18;
	[sflag:s10] =	ssyncadd.s32 $0xFFFFD800  }
0x8d: {  	[spmem:s13] =	stream.indirect.scatter.add.f32 [tilespmem:s7], [sflag:$0x3], $0x80, s1, s14, $0xb8;
	[tilespmem:$0x1B100] =	vst v63  }
0x8e: {  	s19 =	sadd.s32 s26, s19;
	_ =	swait.ge [sflag:s30], $0x2800  }
0x8f: {  	s18 =	sor.u32 s18, s19;
	[sflag:s30] =	ssyncset.done $0x0  }
0x90: {  	s18 =	sshrl.u32 s18, $0x3;
	[sflag:s30] =	ssyncadd.s32 $0xFFFFD800  }
0x91: {  	s19 =	sshrl.u32 s31, $0x3;
	s18 =	sadd.s32 s11, s18  }
0x92: {  	[tilespmem:s1], [sflag:$0x1] =	stream.linear.gather [hbm4b:s18+s1], $0x80, $0x38;
	[tilespmem:$0x1B100] =	vst v63  }
0x93: {  	s18 =	sadd.s32 s15, s19  }
0x94: {  	[tilespmem:s7], [sflag:$0x1] =	stream.linear.gather [hbm4b:s18+s1], $0x2800, $0x38;
	[tilespmem:$0x1B100] =	vst v63  }
0x95: {  	_ =	swait.ge [sflag:s0], $0x80  }
0x96: {  	[sflag:s0] =	ssyncset.done $0x0  }
0x97: {  	[sflag:s0] =	ssyncadd.s32 $0xFFFFFF80  }
0x98: {  	_ =	swait.ge [sflag:s0], $0x2800  }
0x99: {  	s18 =	sand.u32 $0x7C00, s17;
	[sflag:s0] =	ssyncset.done $0x0  }
0x9a: {  	s17 =	sand.u32 $0x380, s17;
	s18 =	sadd.s32 s26, s18;
	[sflag:s0] =	ssyncadd.s32 $0xFFFFD800  }
0x9b: {  	[spmem:s13] =	stream.indirect.scatter.add.f32 [tilespmem:s9], [sflag:$0x4], $0x80, s8, s14, $0xb8;
	[tilespmem:$0x1B100] =	vst v63  }
.Ltmp1:
0x9c: {  	_ = 	snop;
	(pc) =	sbr.rel @p0 .LBB2_4-.Ltmp1, $4  }
0x9d: {  	s17 =	sor.u32 s17, s18;
	_ =	swait.ge [sflag:s2], $0x2800  }
0x9e: {  	s17 =	sshrl.u32 s17, $0x3;
	[sflag:s2] =	ssyncset.done $0x0  }
0x9f: {  	s17 =	sadd.s32 s11, s17;
	[sflag:s2] =	ssyncadd.s32 $0xFFFFD800  }
0xa0: {  	[tilespmem:s8], [sflag:$0x2] =	stream.linear.gather [hbm4b:s17+s1], $0x80, $0x38;
	[tilespmem:$0x1B100] =	vst v63  }
0xa1: {  	[tilespmem:s9], [sflag:$0x2] =	stream.linear.gather [hbm4b:s29+s1], $0x2800, $0x38;
	[tilespmem:$0x1B100] =	vst v63  }
0xa2: {  	_ =	swait.ge [sflag:s10], $0x80  }
0xa3: {  	[sflag:s10] =	ssyncset.done $0x0  }
0xa4: {  	[sflag:s10] =	ssyncadd.s32 $0xFFFFFF80  }
0xa5: {  	_ =	swait.ge [sflag:s10], $0x2800  }
0xa6: {  	[sflag:s10] =	ssyncset.done $0x0  }
0xa7: {  	[sflag:s10] =	ssyncadd.s32 $0xFFFFD800  }
0xa8: {  	[spmem:s13] =	stream.indirect.scatter.add.f32 [tilespmem:s7], [sflag:$0x3], $0x80, s1, s14, $0xb8;
	[tilespmem:$0x1B100] =	vst v63  }
0xa9: {  	_ =	swait.ge [sflag:s30], $0x2800  }
0xaa: {  	[sflag:s30] =	ssyncset.done $0x0  }
0xab: {  	s4 =	rddreg [dreg:$0x17];
	[sflag:s30] =	ssyncadd.s32 $0xFFFFD800  }
0xac: {  	[tilespmem:s1], [sflag:$0x1] =	stream.linear.gather [hbm4b:s4+s1], $0x80, $0x38;
	[tilespmem:$0x1B100] =	vst v63  }
0xad: {  	s19 =	rddreg [dreg:$0x18]  }
0xae: {  	[tilespmem:s7], [sflag:$0x1] =	stream.linear.gather [hbm4b:s19+s1], $0x2800, $0x38;
	[tilespmem:$0x1B100] =	vst v63  }
0xaf: {  	_ =	swait.ge [sflag:s0], $0x80  }
0xb0: {  	[sflag:s0] =	ssyncset.done $0x0  }
0xb1: {  	[sflag:s0] =	ssyncadd.s32 $0xFFFFFF80  }
0xb2: {  	_ =	swait.ge [sflag:s0], $0x2800  }
0xb3: {  	[sflag:s0] =	ssyncset.done $0x0  }
0xb4: {  	[sflag:s0] =	ssyncadd.s32 $0xFFFFD800  }
0xb5: {  	[spmem:s13] =	stream.indirect.scatter.add.f32 [tilespmem:s9], [sflag:$0x4], $0x80, s8, s14, $0xb8;
	[tilespmem:$0x1B100] =	vst v63  }
0xb6: {  	_ =	swait.ge [sflag:s10], $0x80  }
0xb7: {  	[sflag:s10] =	ssyncset.done $0x0  }
0xb8: {  	[sflag:s10] =	ssyncadd.s32 $0xFFFFFF80  }
0xb9: {  	_ =	swait.ge [sflag:s10], $0x2800  }
0xba: {  	[sflag:s10] =	ssyncset.done $0x0  }
0xbb: {  	[sflag:s10] =	ssyncadd.s32 $0xFFFFD800  }
0xbc: {  	[spmem:s13] =	stream.indirect.scatter.add.f32 [tilespmem:s7], [sflag:$0x3], $0x80, s1, s14, $0xb8;
	[tilespmem:$0x1B100] =	vst v63  }
0xbd: {  	_ =	swait.ge [sflag:s2], $0x2800  }
0xbe: {  	[sflag:s2] =	ssyncset.done $0x0  }
0xbf: {  	[sflag:s2] =	ssyncadd.s32 $0xFFFFD800  }
0xc0: {  	_ =	swait.ge [sflag:s30], $0x2800  }
0xc1: {  	[sflag:s30] =	ssyncset.done $0x0  }
0xc2: {  	[sflag:s30] =	ssyncadd.s32 $0xFFFFD800  }
0xc3: {  	[bflag:$0x0] =	sbarrier.arrive $0xFFFF  }
0xc4: {  	[tilespmem:s5], [sflag:$0x5] =	stream.linear.gather [spmem:s20], $0x2000, $0x38;
	[tilespmem:$0x1B100] =	vst v63  }
0xc5: {  	_ =	swait.ge [sflag:s6], $0x2000  }
0xc6: {  	[sflag:s6] =	ssyncset.done $0x0  }
0xc7: {  	s17 =	smov.u32 s20;
	s20 =	rddreg [dreg:$0x4];
	[sflag:s6] =	ssyncadd.s32 $0xFFFFE000  }
0xc8: {  	[hbm4b:s20+s1] =	stream.linear.scatter [tilespmem:s5], [sflag:$0x5], $0x2000, $0x38;
	[tilespmem:$0x1B100] =	vst v63  }
0xc9: {  	_ =	swait.ge [sflag:s6], $0x2000  }
0xca: {  	[sflag:s6] =	ssyncset.done $0x0  }
0xcb: {  	[sflag:s6] =	ssyncadd.s32 $0xFFFFE000  }
0xcc: {  	[tilespmem:s5], [sflag:$0x5] =	stream.linear.gather [spmem:s21], $0x2000, $0x38;
	[tilespmem:$0x1B100] =	vst v63  }
0xcd: {  	_ =	swait.ge [sflag:s6], $0x2000  }
0xce: {  	[sflag:s6] =	ssyncset.done $0x0  }
0xcf: {  	s18 =	smov.u32 s21;
	s21 =	rddreg [dreg:$0x5];
	[sflag:s6] =	ssyncadd.s32 $0xFFFFE000  }
0xd0: {  	[hbm4b:s21+s1] =	stream.linear.scatter [tilespmem:s5], [sflag:$0x5], $0x2000, $0x38;
	[tilespmem:$0x1B100] =	vst v63  }
0xd1: {  	_ =	swait.ge [sflag:s6], $0x2000  }
0xd2: {  	[sflag:s6] =	ssyncset.done $0x0  }
0xd3: {  	[sflag:s6] =	ssyncadd.s32 $0xFFFFE000  }
0xd4: {  	[tilespmem:s5], [sflag:$0x5] =	stream.linear.gather [spmem:s22], $0x2000, $0x38;
	[tilespmem:$0x1B100] =	vst v63  }
0xd5: {  	_ =	swait.ge [sflag:s6], $0x2000  }
0xd6: {  	[sflag:s6] =	ssyncset.done $0x0  }
0xd7: {  	s19 =	smov.u32 s22;
	s22 =	rddreg [dreg:$0x6];
	[sflag:s6] =	ssyncadd.s32 $0xFFFFE000  }
0xd8: {  	[hbm4b:s22+s1] =	stream.linear.scatter [tilespmem:s5], [sflag:$0x5], $0x2000, $0x38;
	[tilespmem:$0x1B100] =	vst v63  }
0xd9: {  	_ =	swait.ge [sflag:s6], $0x2000  }
0xda: {  	[sflag:s6] =	ssyncset.done $0x0  }
0xdb: {  	[sflag:s6] =	ssyncadd.s32 $0xFFFFE000  }
0xdc: {  	[tilespmem:s5], [sflag:$0x5] =	stream.linear.gather [spmem:s23], $0x2000, $0x38;
	[tilespmem:$0x1B100] =	vst v63  }
0xdd: {  	_ =	swait.ge [sflag:s6], $0x2000  }
0xde: {  	[sflag:s6] =	ssyncset.done $0x0  }
0xdf: {  	s12 =	rddreg [dreg:$0x7];
	[sflag:s6] =	ssyncadd.s32 $0xFFFFE000  }
0xe0: {  	[hbm4b:s12+s1] =	stream.linear.scatter [tilespmem:s5], [sflag:$0x5], $0x2000, $0x38;
	[tilespmem:$0x1B100] =	vst v63  }
0xe1: {  	_ =	swait.ge [sflag:s6], $0x2000  }
0xe2: {  	[sflag:s6] =	ssyncset.done $0x0  }
0xe3: {  	[sflag:s6] =	ssyncadd.s32 $0xFFFFE000  }
0xe4: {  	[tilespmem:s5], [sflag:$0x5] =	stream.linear.gather [spmem:s24], $0x2000, $0x38;
	[tilespmem:$0x1B100] =	vst v63  }
0xe5: {  	_ =	swait.ge [sflag:s6], $0x2000  }
0xe6: {  	[sflag:s6] =	ssyncset.done $0x0  }
0xe7: {  	s20 =	rddreg [dreg:$0x8];
	[sflag:s6] =	ssyncadd.s32 $0xFFFFE000  }
0xe8: {  	[hbm4b:s20+s1] =	stream.linear.scatter [tilespmem:s5], [sflag:$0x5], $0x2000, $0x38;
	[tilespmem:$0x1B100] =	vst v63  }
0xe9: {  	_ =	swait.ge [sflag:s6], $0x2000  }
0xea: {  	[sflag:s6] =	ssyncset.done $0x0  }
0xeb: {  	s21 =	rddreg [dreg:$0xe];
	[sflag:s6] =	ssyncadd.s32 $0xFFFFE000  }
0xec: {  	[tilespmem:s5], [sflag:$0x5] =	stream.linear.gather [spmem:s21], $0x2000, $0x38;
	[tilespmem:$0x1B100] =	vst v63  }
0xed: {  	_ =	swait.ge [sflag:s6], $0x2000  }
0xee: {  	[sflag:s6] =	ssyncset.done $0x0  }
0xef: {  	s22 =	rddreg [dreg:$0x9];
	[sflag:s6] =	ssyncadd.s32 $0xFFFFE000  }
0xf0: {  	[hbm4b:s22+s1] =	stream.linear.scatter [tilespmem:s5], [sflag:$0x5], $0x2000, $0x38;
	[tilespmem:$0x1B100] =	vst v63  }
0xf1: {  	_ =	swait.ge [sflag:s6], $0x2000  }
0xf2: {  	[sflag:s6] =	ssyncset.done $0x0  }
0xf3: {  	s29 =	smov.u32 s23;
	s23 =	rddreg [dreg:$0xf];
	[sflag:s6] =	ssyncadd.s32 $0xFFFFE000  }
0xf4: {  	[tilespmem:s5], [sflag:$0x5] =	stream.linear.gather [spmem:s23], $0x2000, $0x38;
	[tilespmem:$0x1B100] =	vst v63  }
0xf5: {  	_ =	swait.ge [sflag:s6], $0x2000  }
0xf6: {  	[sflag:s6] =	ssyncset.done $0x0  }
0xf7: {  	s31 =	smov.u32 s24;
	s24 =	rddreg [dreg:$0xa];
	[sflag:s6] =	ssyncadd.s32 $0xFFFFE000  }
0xf8: {  	[hbm4b:s24+s1] =	stream.linear.scatter [tilespmem:s5], [sflag:$0x5], $0x2000, $0x38;
	[tilespmem:$0x1B100] =	vst v63  }
0xf9: {  	_ =	swait.ge [sflag:s6], $0x2000  }
0xfa: {  	[sflag:s6] =	ssyncset.done $0x0  }
0xfb: {  	s12 =	rddreg [dreg:$0x10];
	[sflag:s6] =	ssyncadd.s32 $0xFFFFE000  }
0xfc: {  	[tilespmem:s5], [sflag:$0x5] =	stream.linear.gather [spmem:s12], $0x2000, $0x38;
	[tilespmem:$0x1B100] =	vst v63  }
0xfd: {  	_ =	swait.ge [sflag:s6], $0x2000  }
0xfe: {  	[sflag:s6] =	ssyncset.done $0x0  }
0xff: {  	s20 =	rddreg [dreg:$0xb];
	[sflag:s6] =	ssyncadd.s32 $0xFFFFE000  }
0x100: {  	[hbm4b:s20+s1] =	stream.linear.scatter [tilespmem:s5], [sflag:$0x5], $0x2000, $0x38;
	[tilespmem:$0x1B100] =	vst v63  }
0x101: {  	_ =	swait.ge [sflag:s6], $0x2000  }
0x102: {  	[sflag:s6] =	ssyncset.done $0x0  }
0x103: {  	s21 =	rddreg [dreg:$0x11];
	[sflag:s6] =	ssyncadd.s32 $0xFFFFE000  }
0x104: {  	[tilespmem:s5], [sflag:$0x5] =	stream.linear.gather [spmem:s21], $0x2000, $0x38;
	[tilespmem:$0x1B100] =	vst v63  }
0x105: {  	_ =	swait.ge [sflag:s6], $0x2000  }
0x106: {  	[sflag:s6] =	ssyncset.done $0x0  }
0x107: {  	s22 =	rddreg [dreg:$0xc];
	[sflag:s6] =	ssyncadd.s32 $0xFFFFE000  }
0x108: {  	[hbm4b:s22+s1] =	stream.linear.scatter [tilespmem:s5], [sflag:$0x5], $0x2000, $0x38;
	[tilespmem:$0x1B100] =	vst v63  }
0x109: {  	_ =	swait.ge [sflag:s6], $0x2000  }
0x10a: {  	[sflag:s6] =	ssyncset.done $0x0  }
0x10b: {  	[sflag:s6] =	ssyncadd.s32 $0xFFFFE000  }
0x10c: {  	[tilespmem:s5], [sflag:$0x5] =	stream.linear.gather [spmem:s25], $0x2000, $0x38;
	[tilespmem:$0x1B100] =	vst v63  }
0x10d: {  	_ =	swait.ge [sflag:s6], $0x2000  }
0x10e: {  	[sflag:s6] =	ssyncset.done $0x0  }
0x10f: {  	s23 =	rddreg [dreg:$0xd];
	[sflag:s6] =	ssyncadd.s32 $0xFFFFE000  }
0x110: {  	[hbm4b:s23+s1] =	stream.linear.scatter [tilespmem:s5], [sflag:$0x5], $0x2000, $0x38;
	[tilespmem:$0x1B100] =	vst v63  }
0x111: {  	_ =	swait.ge [sflag:s6], $0x2000  }
0x112: {  	s3 =	sadd.s32 $0x1, s3;
	s24 =	rddreg [dreg:$0x14]  }
0x113: {  	p0 =	sne.s32 s3, s24  }
.Ltmp2:
0x114: {  	_ = 	snop;
	(pc) =	sbr.rel @p0 .LBB2_1-.Ltmp2, $3  }
0x115: {  	_ =	sdelay $0x1  }
0x116: {  	[sflag:s6] =	ssyncset.done $0x0  }
0x117: {  	[sflag:s6] =	ssyncadd.s32 $0xFFFFE000  }
0x118: {  	_ =	sfence.sel $0x180000  }
0x119: {  	[bflag:$0x0] =	sbarrier.arrive $0xFFFF  }
0x11a: {  	_ =	strace $0x9000004A  }
0x11b: {  	s0 =	stileid.u32;
	[bflag:$0x2] =	sbarrier.arrive $0xFFFF  }
0x11c: {  	p0 =	sne.s32 s0, $0x0;
	s0 =	rddreg [dreg:$0x3]  }
0x11d: {  	s0 =	sadd.s32 @!p0 $0x100000, s0  }
0x11e: {  	[sflag:s0] =	ssyncadd.tile.s32 @!p0 $0x1;
	_ =	shalt  }
.Lfunc_end2:
_tile_overlayer_lowered:
.L_overlay_start_2:
0x11f: {  	(tag) =	ssettag $0x2  }
0x120: {  	s0 =	rddreg [dreg:$0x0];
	s2 =	stileid.u32  }
0x121: {  	s1 =	rddreg [dreg:$0x1];
	p0 =	sne.s32 s2, $0x0  }
0x122: {  	s3 =	rddreg [dreg:$0x2];
	[bflag:$0x3] =	sbarrier.arrive $0xFFFF;
	s2 =	simm.s32 @!p0 $0x1C05  }
0x123: {  	[timem:s3], [sflag:s2] =	dma.local @!p0 [hbm:s0], s1  }
0x124: {  	s0 =	simm.s32 @!p0 $0x5  }
0x125: {  	_ =	swait.ge @!p0 [sflag:s0], s1  }
0x126: {  	s1 =	ssub.s32 @!p0 $0x0, s1;
	[sflag:s0] =	ssyncset.done @!p0 $0x0  }
0x127: {  	[sflag:s0] =	ssyncadd.s32 @!p0 s1  }
0x128: {  	[bflag:$0x3] =	sbarrier.arrive $0xFFFF  }
0x129: {  	_ =	shalt  }

// kernel: kernel.8.cloned.1.call-start
scs
__scs_entry_jumppad:
0x0: {  	(pc) =	sbr.rel $0x88, $3  }
0x1: {  	(tag) =	ssettag $0x0;
	lr =	simm.s32 $0x1  }
0x2: {  	[smem:$0x3F91] =	sst lr;
	_ =	strace $0xD0000000  }
0x3: {  	_ = 	snop  }
0x4: {  	_ = 	snop  }
0x5: {  	_ = 	snop  }
0x6: {  	_ = 	snop  }
0x7: {  	_ = 	snop  }
__scs_overlays_trampoline_lowered:
0x8: {  	[smem:$0x3FA0] =	sst s0  }
0x9: {  	[smem:$0x3FA1] =	sst s1  }
0xa: {  	[smem:$0x3FA2] =	sst s2  }
0xb: {  	[smem:$0x3FA3] =	sst s3  }
0xc: {  	[smem:$0x3FA4] =	sst s4  }
0xd: {  	[smem:$0x3FA5] =	sst s5  }
0xe: {  	[smem:$0x3FA6] =	sst s6  }
0xf: {  	[smem:$0x3FA7] =	sst s7  }
0x10: {  	[smem:$0x3FA8] =	sst s8  }
0x11: {  	[smem:$0x3FA9] =	sst s9;
	s0 =	simm.s32 @!p0 $0x0  }
0x12: {  	s1 =	sld [smem:$0x3F8F];
	s0 =	simm.s32 @p0 $0x1  }
0x13: {  	[smem:$0x3FAA] =	sst s0;
	s0 =	simm.s32 @!p1 $0x0  }
0x14: {  	s2 =	sld [smem:$0x3F8E];
	s0 =	simm.s32 @p1 $0x1  }
0x15: {  	[smem:$0x3FAB] =	sst s0;
	s0 =	simm.s32 @!p2 $0x0  }
0x16: {  	s3 =	sld [smem:$0x3FDB];
	s0 =	simm.s32 @p2 $0x1  }
0x17: {  	s4 =	simm.s32 $0x1BF5;
	[smem:$0x3FAD] =	sst s0  }
0x18: {  	s0 =	sld [smem:$0x3F90];
	_ =	swait.ge [sflag:s4], $0x0  }
0x19: {  	s7 =	sld [smem:$0x3F91]  }
0x1a: {  	s8 =	sadd.s32 $0xFFFFE003, lr  }
0x1b: {  	s9 =	sadd.s32 $0xFFFFFEF7, lr;
	s5 =	simm.s32 $0xFFFFFFFF;
	p2 =	slt.u32 s8, $0xFFFFF086  }
0x1c: {  	p1 =	slt.u32 s9, $0xF7A;
	s5 =	simm.s32 @!p2 $0x0  }
0x1d: {  	s5 =	simm.s32 @p1 $0x1;
	p0 =	seq.s32 s7, s2  }
0x1e: {  	s7 =	smul.u32 @!p0 $0xF7A, s2;
	p2 =	seq.s32 @!p0 s5, $0x0  }
0x1f: {  	s9 =	smul.u32 $0xF7A, s1;
	s8 =	simm.s32 @!p0 $0x1BF5;
	p2 =	por !p2, p0  }
0x20: {  	[sflag:s8] =	ssyncset.s32 @!p0 $0xFFFFF086;
	s6 =	sadd.s32 @!p0 s3, s7;
	s7 =	simm.s32 @!p0 $0x108  }
0x21: {  	s3 =	sadd.s32 s3, s9;
	s6 =	sadd.s32 @!p0 $0x88, s6;
	s7 =	simm.s32 @p2 $0x1082  }
0x22: {  	[simem:s7], [sflag:s8] =	dma.local @!p0 [hbm:s6], $0xF7A  }
0x23: {  	s9 =	sor.u32 $0xD0000000, s2;
	s6 =	simm.s32 $0x108;
	_ =	swait.ge @!p0 [sflag:s8], $0x0  }
0x24: {  	s3 =	sadd.s32 $0x88, s3;
	s6 =	simm.s32 @!p1 $0x1082;
	[sflag:s4] =	ssyncset.s32 $0xFFFFF086  }
0x25: {  	[simem:s6], [sflag:s4] =	dma.local [hbm:s3], $0xF7A  }
0x26: {  	[smem:$0x3F91] =	sst s1;
	(tag) =	ssettag s2;
	_ =	strace s9  }
0x27: {  	s1 =	sld [smem:$0x3FA1]  }
0x28: {  	s2 =	sld [smem:$0x3FA2]  }
0x29: {  	s4 =	sld [smem:$0x3FA4]  }
0x2a: {  	p0 =	seq.s32 s5, $0x0;
	s5 =	sld [smem:$0x3FA5]  }
0x2b: {  	s6 =	sld [smem:$0x3FA6]  }
0x2c: {  	s7 =	sld [smem:$0x3FA7]  }
0x2d: {  	s3 =	simm.s32 $0x108;
	s8 =	sld [smem:$0x3FA8]  }
0x2e: {  	s3 =	simm.s32 @!p0 $0x1082;
	s9 =	sld [smem:$0x3FA9]  }
0x2f: {  	lr =	sadd.s32 s0, s3;
	s0 =	sld [smem:$0x3FA0]  }
0x30: {  	s3 =	sld [smem:$0x3FA3]  }
0x31: {  	[smem:$0x3FAC] =	sst s10  }
0x32: {  	s10 =	sld [smem:$0x3FAA];
	_ =	sdelay $0x3  }
0x33: {  	p0 =	seq.s32 s10, $0x1;
	s10 =	sld [smem:$0x3FAC];
	_ =	sdelay $0x3  }
0x34: {  	[smem:$0x3FAC] =	sst s10  }
0x35: {  	s10 =	sld [smem:$0x3FAB];
	_ =	sdelay $0x3  }
0x36: {  	p1 =	seq.s32 s10, $0x1;
	s10 =	sld [smem:$0x3FAC];
	_ =	sdelay $0x3  }
0x37: {  	[smem:$0x3FAC] =	sst s10  }
0x38: {  	s10 =	sld [smem:$0x3FAD]  }
0x39: {  	_ = 	snop;
	(pc) =	sbr.ind lr, $3  }
0x3a: {  	_ = 	snop  }
0x3b: {  	_ = 	snop  }
0x3c: {  	p2 =	seq.s32 s10, $0x1;
	s10 =	sld [smem:$0x3FAC]  }
0x3d: {  	_ =	shalt  }
0x3e: {  	_ =	shalt  }
0x3f: {  	_ =	shalt  }
0x40: {  	_ =	shalt  }
0x41: {  	_ =	shalt  }
0x42: {  	_ =	shalt  }
0x43: {  	_ =	shalt  }
0x44: {  	_ =	shalt  }
0x45: {  	_ =	shalt  }
0x46: {  	_ =	shalt  }
0x47: {  	_ =	shalt  }
0x48: {  	_ =	shalt  }
0x49: {  	_ =	shalt  }
0x4a: {  	_ =	shalt  }
0x4b: {  	_ =	shalt  }
0x4c: {  	_ =	shalt  }
0x4d: {  	_ =	shalt  }
0x4e: {  	_ =	shalt  }
0x4f: {  	_ =	shalt  }
0x50: {  	_ =	shalt  }
0x51: {  	_ =	shalt  }
0x52: {  	_ =	shalt  }
0x53: {  	_ =	shalt  }
0x54: {  	_ =	shalt  }
0x55: {  	_ =	shalt  }
0x56: {  	_ =	shalt  }
0x57: {  	_ =	shalt  }
0x58: {  	_ =	shalt  }
0x59: {  	_ =	shalt  }
0x5a: {  	_ =	shalt  }
0x5b: {  	_ =	shalt  }
0x5c: {  	_ =	shalt  }
0x5d: {  	_ =	shalt  }
0x5e: {  	_ =	shalt  }
0x5f: {  	_ =	shalt  }
0x60: {  	_ =	shalt  }
0x61: {  	_ =	shalt  }
0x62: {  	_ =	shalt  }
0x63: {  	_ =	shalt  }
0x64: {  	_ =	shalt  }
0x65: {  	_ =	shalt  }
0x66: {  	_ =	shalt  }
0x67: {  	_ =	shalt  }
0x68: {  	_ =	shalt  }
0x69: {  	_ =	shalt  }
0x6a: {  	_ =	shalt  }
0x6b: {  	_ =	shalt  }
0x6c: {  	_ =	shalt  }
0x6d: {  	_ =	shalt  }
0x6e: {  	_ =	shalt  }
0x6f: {  	_ =	shalt  }
0x70: {  	_ =	shalt  }
0x71: {  	_ =	shalt  }
0x72: {  	_ =	shalt  }
0x73: {  	_ =	shalt  }
0x74: {  	_ =	shalt  }
0x75: {  	_ =	shalt  }
0x76: {  	_ =	shalt  }
0x77: {  	_ =	shalt  }
0x78: {  	_ =	shalt  }
0x79: {  	_ =	shalt  }
0x7a: {  	_ =	shalt  }
0x7b: {  	_ =	shalt  }
0x7c: {  	_ =	shalt  }
0x7d: {  	_ =	shalt  }
0x7e: {  	_ =	shalt  }
0x7f: {  	_ =	shalt  }
0x80: {  	_ =	shalt  }
0x81: {  	_ =	shalt  }
0x82: {  	_ =	shalt  }
0x83: {  	_ =	shalt  }
0x84: {  	_ =	shalt  }
0x85: {  	_ =	shalt  }
0x86: {  	_ =	shalt  }
0x87: {  	_ =	shalt  }
.Lfunc_end0:
.L_simem_size_0:
called_computation_lowered:
.L_overlay_start_0:
0x88: {  	s2 =	sld [smem:$0x3FD9]  }
0x89: {  	s3 =	sld [smem:$0x3FFE];
	_ =	sdelay $0x1  }
0x8a: {  	s1 =	srdreg.scid  }
0x8b: {  	s0 =	sand.u32 $0x1, s1  }
0x8c: {  	s14 =	sshll.u32 s0, $0xA;
	s2 =	sadd.s32 s3, s2  }
0x8d: {  	s2 =	sadd.s32 s2, s14  }
0x8e: {  	[smem:$0x3FB8] =	sst s2  }
0x8f: {  	_ = 	snop  }
0x90: {  	s2 =	sld [smem:$0x3FD0];
	_ =	sdelay $0x2  }
0x91: {  	s15 =	simm.s32 $0xA;
	s4 =	simm.s32 $0x10  }
0x92: {  	[smem:s4], [sflag:s15] =	dma.local [hbm:s2], $0x1  }
0x93: {  	_ =	swait.eq [sflag:s15], $0x1  }
0x94: {  	[sflag:s15] =	ssyncset.done $0x0  }
0x95: {  	[sflag:s15] =	ssyncadd.s32 $0xFFFFFFFF  }
0x96: {  	s16 =	sld [smem:$0x11];
	(tm) =	ssettm $0x1  }
0x97: {  	s17 =	sld [smem:$0x3FFB];
	_ =	sdelay $0x3  }
0x98: {  	_ =	strace s17  }
0x99: {  	s3 =	sld [smem:$0x3FFC];
	_ =	sdelay $0x3  }
0x9a: {  	_ =	strace s3  }
0x9b: {  	s3 =	sld [smem:$0x3FFD];
	_ =	sdelay $0x3  }
0x9c: {  	_ =	strace s3  }
0x9d: {  	_ =	strace $0x8FFFFFFF  }
0x9e: {  	s18 =	sld [smem:$0x3FDB];
	_ =	sdelay $0x1  }
0x9f: {  	s19 =	simm.s32 $_scs_section_size  }
0xa0: {  	s5 =	simm.s32 $_size__tile_overlayer_lowered;
	s6 =	simm.s32 $_tile_overlayer_lowered  }
0xa1: {  	s22 =	simm.s32 $0x1BFF;
	s21 =	sshll.u32 s6, $0x1;
	s3 =	sadd.s32 s19, s18  }
0xa2: {  	s7 =	simm.s32 $0x0;
	s20 =	sshll.u32 s5, $0x1;
	s5 =	sadd.s32 s21, s3  }
0xa3: {  	[timem:s7], [sflag:s22] =	dma.local [hbm:s5], s20  }
0xa4: {  	_ =	swait.ge [sflag:s22], s20  }
0xa5: {  	s4 =	ssub.s32 $0x0, s20;
	[sflag:s22] =	ssyncset.done $0x0  }
0xa6: {  	[sflag:s22] =	ssyncadd.s32 s4;
	_ =	sdelay $0x1  }
0xa7: {  	s23 =	simm.s32 $0x1B8B  }
0xa8: {  	_ =	swait.ge [sflag:s23], $0x1  }
0xa9: {  	[sflag:s23] =	ssyncset.done $0x0  }
0xaa: {  	s25 =	simm.s32 $0x1B8E;
	s24 =	sld [smem:$0x3FFE];
	[sflag:s23] =	ssyncadd.s32 $0xFFFFFFFF  }
0xab: {  	s26 =	simm.s32 $execute0_lowered;
	[smem:$0x3FD2] =	sst s25  }
0xac: {  	s5 =	sshll.u32 s26, $0x1;
	_ =	strace $0x80000046;
	[dreg:$0x1] =	wrdreg $0xFFFFFFFF  }
0xad: {  	s28 =	simm.s32 $_size_execute0_lowered;
	s3 =	sadd.s32 s3, s5;
	[dreg:$0x0] =	wrdreg $0x0  }
0xae: {  	s5 =	sshll.u32 s28, $0x1;
	[dreg:$0x2] =	wrdreg s3  }
0xaf: {  	[dreg:$0x3] =	wrdreg s5  }
0xb0: {  	[dreg:$0x4] =	wrdreg $0xC0  }
0xb1: {  	_ =	task [dreg:s7], $0x5FFFF  }
0xb2: {  	[dreg:$0x1] =	wrdreg $0xFFFFFFFF  }
0xb3: {  	[dreg:$0x0] =	wrdreg $0x60  }
0xb4: {  	[dreg:$0x2] =	wrdreg s16  }
0xb5: {  	[dreg:$0x3] =	wrdreg s24  }
0xb6: {  	[dreg:$0x4] =	wrdreg $0x9  }
0xb7: {  	_ =	task.clear_ibuf [dreg:s7], $0x5FFFF;
	_ =	strace $0x90000046  }
0xb8: {  	s29 =	simm.s32 $0x9;
	_ =	strace $0x80000048  }
0xb9: {  	_ =	swait.ge [sflag:s29], $0x1  }
0xba: {  	[sflag:s29] =	ssyncadd.s32 $0xFFFFFFFF  }
0xbb: {  	_ =	strace $0x90000048  }
0xbc: {  	_ =	sfence  }
0xbd: {  	s30 =	sld [smem:$0x0];
	_ =	sdelay $0x2  }
0xbe: {  	s31 =	sshll.u32 s1, $0xD;
	s1 =	sshrl.u32 s1, $0x2  }
0xbf: {  	s3 =	sand.u32 $0x4000, s31;
	s1 =	sadd.s32 s1, s30  }
0xc0: {  	s0 =	sor.u32 s3, s0;
	s1 =	sshll.u32 s1, $0x11  }
0xc1: {  	s0 =	sor.u32 s1, s0  }
0xc2: {  	s0 =	sadd.s32 $0x8F2B, s0  }
0xc3: {  	[sflag:s0] =	ssyncadd.remote.s32 $0x1  }
0xc4: {  	_ =	sfence.sel $0xFFFF  }
0xc5: {  	[dreg:$0x0] =	wrdreg $0xFFFFFFFF;
	(pc) =	sbr.abs _section_cstart, $3  }
0xc6: {  	[dreg:$0x1] =	wrdreg $0xFFFFFFFF  }
0xc7: {  	_ =	task.clear_ibuf [dreg:s7], $0x2FFFF;
	_ =	strace $0x9FFFFFFF  }
0xc8: {  	(tm) =	ssettm $0x7FFFFFFF  }
0xc9: {  	_ =	shalt  }
tec
execute0_lowered:
.L_overlay_start_1:
0x0: {  	(tag) =	ssettag $0x1  }
0x1: {  	s1 =	rddreg [dreg:$0x0]  }
0x2: {  	s0 =	rddreg [dreg:$0x1];
	s2 =	simm.s32 $0x0;
	s3 =	srdreg.scid  }
0x3: {  	s6 =	stileid.u32;
	s16 =	simm.s32 $0x100;
	s17 =	simm.s32 $0x3  }
0x4: {  	s18 =	simm.s32 $0x50;
	s19 =	simm.s32 $0x200;
	s20 =	simm.s32 $0x5200  }
0x5: {  	s21 =	simm.s32 $0x80;
	s28 =	simm.s32 $0xA200;
	s29 =	simm.s32 $0x2  }
0x6: {  	s30 =	simm.s32 $0xCA00;
	[smem:$0x7FF] =	sst s2;
	s4 =	sadd.s32 $0x2200, s0  }
0x7: {  	s5 =	sadd.s32 $0x12200, s0;
	s3 =	sand.u32 $0x1, s3;
	s7 =	sshll.u32 s6, $0x1  }
0x8: {  	s6 =	sadd.s32 $0x49400, s0;
	s22 =	ssub.s32 $0x2, s3;
	s3 =	sor.u32 s3, s7  }
0x9: {  	_ =	strace $0x80000047;
	s8 =	sshrl.u32 s22, $0x1;
	s9 =	sshll.u32 s3, $0xB  }
0xa: {  	s7 =	smul.u32 $0x138800, s3;
	s0 =	ssub.s32 s22, s8;
	s8 =	sshll.u32 s3, $0xE  }
0xb: {  	s23 =	sadd.s32 s4, s9;
	s24 =	sadd.s32 s5, s9;
	s25 =	sor.u32 $0x10, s9  }
0xc: {  	s22 =	simm.s32 $0x180;
	s9 =	simm.s32 $0x0;
	[dreg:$0x3] =	wrdreg s23  }
0xd: {  	[dreg:$0x4] =	wrdreg s24;
	s26 =	sshrl.u32 s7, $0x3;
	s10 =	sadd.s32 s4, s25  }
0xe: {  	s3 =	sadd.s32 s5, s25;
	s13 =	sadd.s32 $0x2800, s7;
	s0 =	smax.u32 s0, $0x1  }
0xf: {  	s23 =	simm.s32 $0x4;
	s24 =	simm.s32 $0x1;
	[dreg:$0x5] =	wrdreg s10  }
0x10: {  	s25 =	simm.s32 $0x2A00;
	[dreg:$0x6] =	wrdreg s3;
	s31 =	sadd.s32 s6, s26  }
0x11: {  	[dreg:$0x8] =	wrdreg s0;
	s26 =	simm.s32 $0x7A00;
	s3 =	sadd.s32 $0x26C00, s31  }
0x12: {  	s0 =	simm.s32 $0x7;
	[dreg:$0x7] =	wrdreg s3;
	s3 =	simm.s32 $0x6  }
.LBB2_1:
0x13: {  	s10 =	rddreg [dreg:$0x3]  }
0x14: {  	[tilespmem:s2], [sflag:$0x3] =	stream.linear.gather [hbm4b:s10+s2], $0x80, $0x38;
	[tilespmem:$0xF200] =	vst v63  }
0x15: {  	s14 =	rddreg [dreg:$0x4]  }
0x16: {  	[tilespmem:s16], [sflag:$0x3] =	stream.linear.gather [hbm4b:s14+s2], $0x80, $0x38;
	[tilespmem:$0xF200] =	vst v63  }
0x17: {  	_ =	swait.ge [sflag:s17], $0x80  }
0x18: {  	[sflag:s17] =	ssyncset.done $0x0  }
0x19: {  	[sflag:s17] =	ssyncadd.s32 $0xFFFFFF80  }
0x1a: {  	_ =	swait.ge [sflag:s17], $0x80  }
0x1b: {  	[sflag:s17] =	ssyncset.done $0x0  }
0x1c: {  	[sflag:s17] =	ssyncadd.s32 $0xFFFFFF80  }
0x1d: {  	[tilespmem:s19], [sflag:$0x1] =	stream.indirect.gather [hbm4b:s1+s18], $0x80, s2, s18, $0xb8;
	[tilespmem:$0xF200] =	vst v63  }
0x1e: {  	_ = 	snop  }
0x1f: {  	[tilespmem:s20], [sflag:$0x1] =	stream.indirect.gather [hbm4b:s1+s18], $0x80, s16, s18, $0xb8;
	[tilespmem:$0xF200] =	vst v63  }
0x20: {  	s15 =	rddreg [dreg:$0x5]  }
0x21: {  	[tilespmem:s21], [sflag:$0x4] =	stream.linear.gather [hbm4b:s15+s2], $0x80, $0x38;
	[tilespmem:$0xF200] =	vst v63  }
0x22: {  	s31 =	rddreg [dreg:$0x6]  }
0x23: {  	[tilespmem:s22], [sflag:$0x4] =	stream.linear.gather [hbm4b:s31+s2], $0x80, $0x38;
	[tilespmem:$0xF200] =	vst v63  }
0x24: {  	_ =	swait.ge [sflag:s23], $0x80  }
0x25: {  	[sflag:s23] =	ssyncset.done $0x0  }
0x26: {  	[sflag:s23] =	ssyncadd.s32 $0xFFFFFF80  }
0x27: {  	_ =	swait.ge [sflag:s23], $0x80  }
0x28: {  	[sflag:s23] =	ssyncset.done $0x0  }
0x29: {  	s10 =	simm.s32 $0x0;
	[sflag:s23] =	ssyncadd.s32 $0xFFFFFF80  }
.LBB2_2:
0x2a: {  	_ =	swait.ge [sflag:s24], $0x2800  }
0x2b: {  	s12 =	sshll.u32 s10, $0x8;
	[sflag:s24] =	ssyncset.done $0x0  }
0x2c: {  	s11 =	sadd.s32 $0x100, s12;
	[sflag:s24] =	ssyncadd.s32 $0xFFFFD800  }
0x2d: {  	s14 =	sand.u32 $0x7C00, s11;
	_ =	swait.ge [sflag:s24], $0x2800  }
0x2e: {  	s11 =	sand.u32 $0x300, s11;
	s14 =	sadd.s32 s8, s14;
	[sflag:s24] =	ssyncset.done $0x0  }
0x2f: {  	s11 =	sor.u32 s11, s14;
	[sflag:s24] =	ssyncadd.s32 $0xFFFFD800  }
0x30: {  	[tilespmem:s25], [sflag:$0x2] =	stream.indirect.gather [hbm4b:s1+s18], $0x80, s21, s18, $0xb8;
	[tilespmem:$0xF200] =	vst v63  }
0x31: {  	s11 =	sshrl.u32 s11, $0x3  }
0x32: {  	[tilespmem:s26], [sflag:$0x2] =	stream.indirect.gather [hbm4b:s1+s18], $0x80, s22, s18, $0xb8;
	[tilespmem:$0xF200] =	vst v63  }
0x33: {  	s15 =	sadd.s32 s4, s11  }
0x34: {  	[tilespmem:s2], [sflag:$0x3] =	stream.linear.gather [hbm4b:s15+s2], $0x80, $0x38;
	[tilespmem:$0xF200] =	vst v63  }
0x35: {  	p0 =	seq.s32 s10, $0x0;
	s11 =	sadd.s32 s5, s11  }
0x36: {  	[tilespmem:s16], [sflag:$0x3] =	stream.linear.gather [hbm4b:s11+s2], $0x80, $0x38;
	[tilespmem:$0xF200] =	vst v63  }
0x37: {  	s11 =	simm.s32 @!p0 $0x5  }
0x38: {  	_ =	swait.ge @!p0 [sflag:s11], $0x2800  }
0x39: {  	s31 =	simm.s32 $0xA300;
	s14 =	simm.s32 $0x5300;
	[sflag:s11] =	ssyncset.done @!p0 $0x0  }
0x3a: {  	s15 =	simm.s32 $0x300;
	[sflag:s11] =	ssyncadd.s32 @!p0 $0xFFFFD800;
	s11 =	simm.s32 $0xFFFFFFFC  }
.LBB2_3:
0x3b: {  	v0 =	vld [tilespmem:s15+$0xFFFFFF00]  }
0x3c: {  	v1 =	vld [tilespmem:s14+$0xFFFFFF40]  }
0x3d: {  	v2 =	vld [tilespmem:s15+$0xFFFFFF40]  }
0x3e: {  	v3 =	vld [tilespmem:s14+$0xFFFFFF00];
	_ =	sdelay $0x4  }
0x3f: {  	v0 =	vadd.f32 v1, v0;
	v61 =	vadd.f32 v3, v2;
	_ =	sdelay $0x1  }
0x40: {  	v0 =	vmax.f32 v0, $0.0e+00;
	v1 =	vmax.f32 v61, $0.0e+00  }
0x41: {  	v0 =	vadd.f32 v1, v0;
	_ =	sdelay $0x1  }
0x42: {  	[tilespmem:s31+$0xFFFFFF00] =	vst v0  }
0x43: {  	v0 =	vld [tilespmem:s15+$0xFFFFFF10]  }
0x44: {  	v62 =	vld [tilespmem:s14+$0xFFFFFF50]  }
0x45: {  	v63 =	vld [tilespmem:s15+$0xFFFFFF50]  }
0x46: {  	v6 =	vld [tilespmem:s14+$0xFFFFFF10];
	_ =	sdelay $0x4  }
0x47: {  	v0 =	vadd.f32 v62, v0;
	v7 =	vadd.f32 v6, v63;
	_ =	sdelay $0x1  }
0x48: {  	v0 =	vmax.f32 v0, $0.0e+00;
	v1 =	vmax.f32 v7, $0.0e+00  }
0x49: {  	v0 =	vadd.f32 v1, v0;
	_ =	sdelay $0x1  }
0x4a: {  	[tilespmem:s31+$0xFFFFFF10] =	vst v0  }
0x4b: {  	v0 =	vld [tilespmem:s15+$0xFFFFFF20]  }
0x4c: {  	v8 =	vld [tilespmem:s14+$0xFFFFFF60]  }
0x4d: {  	v9 =	vld [tilespmem:s15+$0xFFFFFF60]  }
0x4e: {  	v10 =	vld [tilespmem:s14+$0xFFFFFF20];
	_ =	sdelay $0x4  }
0x4f: {  	v0 =	vadd.f32 v8, v0;
	v11 =	vadd.f32 v10, v9;
	_ =	sdelay $0x1  }
0x50: {  	v0 =	vmax.f32 v0, $0.0e+00;
	v1 =	vmax.f32 v11, $0.0e+00  }
0x51: {  	v0 =	vadd.f32 v1, v0;
	_ =	sdelay $0x1  }
0x52: {  	[tilespmem:s31+$0xFFFFFF20] =	vst v0  }
0x53: {  	v0 =	vld [tilespmem:s15+$0xFFFFFF30]  }
0x54: {  	v12 =	vld [tilespmem:s14+$0xFFFFFF70]  }
0x55: {  	v13 =	vld [tilespmem:s15+$0xFFFFFF70]  }
0x56: {  	v14 =	vld [tilespmem:s14+$0xFFFFFF30];
	_ =	sdelay $0x4  }
0x57: {  	v0 =	vadd.f32 v12, v0;
	v15 =	vadd.f32 v14, v13;
	_ =	sdelay $0x1  }
0x58: {  	v0 =	vmax.f32 v0, $0.0e+00;
	v1 =	vmax.f32 v15, $0.0e+00  }
0x59: {  	v0 =	vadd.f32 v1, v0;
	_ =	sdelay $0x1  }
0x5a: {  	[tilespmem:s31+$0xFFFFFF30] =	vst v0  }
0x5b: {  	v0 =	vld [tilespmem:s15+$0xFFFFFF80]  }
0x5c: {  	v16 =	vld [tilespmem:s14+$0xFFFFFFC0]  }
0x5d: {  	v17 =	vld [tilespmem:s15+$0xFFFFFFC0]  }
0x5e: {  	v18 =	vld [tilespmem:s14+$0xFFFFFF80];
	_ =	sdelay $0x4  }
0x5f: {  	v0 =	vadd.f32 v16, v0;
	v19 =	vadd.f32 v18, v17;
	_ =	sdelay $0x1  }
0x60: {  	v0 =	vmax.f32 v0, $0.0e+00;
	v1 =	vmax.f32 v19, $0.0e+00  }
0x61: {  	v0 =	vadd.f32 v1, v0;
	_ =	sdelay $0x1  }
0x62: {  	[tilespmem:s31+$0xFFFFFF80] =	vst v0  }
0x63: {  	v0 =	vld [tilespmem:s15+$0xFFFFFF90]  }
0x64: {  	v20 =	vld [tilespmem:s14+$0xFFFFFFD0]  }
0x65: {  	v21 =	vld [tilespmem:s15+$0xFFFFFFD0]  }
0x66: {  	v22 =	vld [tilespmem:s14+$0xFFFFFF90];
	_ =	sdelay $0x4  }
0x67: {  	v0 =	vadd.f32 v20, v0;
	v23 =	vadd.f32 v22, v21;
	_ =	sdelay $0x1  }
0x68: {  	v0 =	vmax.f32 v0, $0.0e+00;
	v1 =	vmax.f32 v23, $0.0e+00  }
0x69: {  	v0 =	vadd.f32 v1, v0;
	_ =	sdelay $0x1  }
0x6a: {  	[tilespmem:s31+$0xFFFFFF90] =	vst v0  }
0x6b: {  	v0 =	vld [tilespmem:s15+$0xFFFFFFA0]  }
0x6c: {  	v24 =	vld [tilespmem:s14+$0xFFFFFFE0]  }
0x6d: {  	v25 =	vld [tilespmem:s15+$0xFFFFFFE0]  }
0x6e: {  	v26 =	vld [tilespmem:s14+$0xFFFFFFA0];
	_ =	sdelay $0x4  }
0x6f: {  	v0 =	vadd.f32 v24, v0;
	v27 =	vadd.f32 v26, v25;
	_ =	sdelay $0x1  }
0x70: {  	v0 =	vmax.f32 v0, $0.0e+00;
	v1 =	vmax.f32 v27, $0.0e+00  }
0x71: {  	v0 =	vadd.f32 v1, v0;
	_ =	sdelay $0x1  }
0x72: {  	[tilespmem:s31+$0xFFFFFFA0] =	vst v0  }
0x73: {  	v0 =	vld [tilespmem:s15+$0xFFFFFFB0]  }
0x74: {  	v28 =	vld [tilespmem:s14+$0xFFFFFFF0]  }
0x75: {  	v29 =	vld [tilespmem:s15+$0xFFFFFFF0]  }
0x76: {  	v30 =	vld [tilespmem:s14+$0xFFFFFFB0];
	_ =	sdelay $0x4  }
0x77: {  	v0 =	vadd.f32 v28, v0;
	v31 =	vadd.f32 v30, v29;
	_ =	sdelay $0x1  }
0x78: {  	v0 =	vmax.f32 v0, $0.0e+00;
	v1 =	vmax.f32 v31, $0.0e+00  }
0x79: {  	v0 =	vadd.f32 v1, v0;
	_ =	sdelay $0x1  }
0x7a: {  	[tilespmem:s31+$0xFFFFFFB0] =	vst v0  }
0x7b: {  	v0 =	vld [tilespmem:s15+$0x0]  }
0x7c: {  	v32 =	vld [tilespmem:s14+$0x40]  }
0x7d: {  	v33 =	vld [tilespmem:s15+$0x40]  }
0x7e: {  	v34 =	vld [tilespmem:s14+$0x0];
	_ =	sdelay $0x4  }
0x7f: {  	v0 =	vadd.f32 v32, v0;
	v35 =	vadd.f32 v34, v33;
	_ =	sdelay $0x1  }
0x80: {  	v0 =	vmax.f32 v0, $0.0e+00;
	v1 =	vmax.f32 v35, $0.0e+00  }
0x81: {  	v0 =	vadd.f32 v1, v0;
	_ =	sdelay $0x1  }
0x82: {  	[tilespmem:s31+$0x0] =	vst v0  }
0x83: {  	v0 =	vld [tilespmem:s15+$0x10]  }
0x84: {  	v36 =	vld [tilespmem:s14+$0x50]  }
0x85: {  	v37 =	vld [tilespmem:s15+$0x50]  }
0x86: {  	v38 =	vld [tilespmem:s14+$0x10];
	_ =	sdelay $0x4  }
0x87: {  	v0 =	vadd.f32 v36, v0;
	v39 =	vadd.f32 v38, v37;
	_ =	sdelay $0x1  }
0x88: {  	v0 =	vmax.f32 v0, $0.0e+00;
	v1 =	vmax.f32 v39, $0.0e+00  }
0x89: {  	v0 =	vadd.f32 v1, v0;
	_ =	sdelay $0x1  }
0x8a: {  	[tilespmem:s31+$0x10] =	vst v0  }
0x8b: {  	v0 =	vld [tilespmem:s15+$0x20]  }
0x8c: {  	v40 =	vld [tilespmem:s14+$0x60]  }
0x8d: {  	v41 =	vld [tilespmem:s15+$0x60]  }
0x8e: {  	v42 =	vld [tilespmem:s14+$0x20];
	_ =	sdelay $0x4  }
0x8f: {  	v0 =	vadd.f32 v40, v0;
	v43 =	vadd.f32 v42, v41;
	_ =	sdelay $0x1  }
0x90: {  	v0 =	vmax.f32 v0, $0.0e+00;
	v1 =	vmax.f32 v43, $0.0e+00  }
0x91: {  	v0 =	vadd.f32 v1, v0;
	_ =	sdelay $0x1  }
0x92: {  	[tilespmem:s31+$0x20] =	vst v0  }
0x93: {  	v0 =	vld [tilespmem:s15+$0x30]  }
0x94: {  	v44 =	vld [tilespmem:s14+$0x70]  }
0x95: {  	v45 =	vld [tilespmem:s15+$0x70]  }
0x96: {  	v46 =	vld [tilespmem:s14+$0x30];
	_ =	sdelay $0x4  }
0x97: {  	v0 =	vadd.f32 v44, v0;
	v47 =	vadd.f32 v46, v45;
	_ =	sdelay $0x1  }
0x98: {  	v0 =	vmax.f32 v0, $0.0e+00;
	v1 =	vmax.f32 v47, $0.0e+00  }
0x99: {  	v0 =	vadd.f32 v1, v0;
	_ =	sdelay $0x1  }
0x9a: {  	[tilespmem:s31+$0x30] =	vst v0  }
0x9b: {  	v0 =	vld [tilespmem:s15+$0x80]  }
0x9c: {  	v48 =	vld [tilespmem:s14+$0xC0]  }
0x9d: {  	v49 =	vld [tilespmem:s15+$0xC0]  }
0x9e: {  	v50 =	vld [tilespmem:s14+$0x80];
	_ =	sdelay $0x4  }
0x9f: {  	v0 =	vadd.f32 v48, v0;
	v51 =	vadd.f32 v50, v49;
	_ =	sdelay $0x1  }
0xa0: {  	v0 =	vmax.f32 v0, $0.0e+00;
	v1 =	vmax.f32 v51, $0.0e+00  }
0xa1: {  	v0 =	vadd.f32 v1, v0;
	_ =	sdelay $0x1  }
0xa2: {  	[tilespmem:s31+$0x80] =	vst v0  }
0xa3: {  	v0 =	vld [tilespmem:s15+$0x90]  }
0xa4: {  	v52 =	vld [tilespmem:s14+$0xD0]  }
0xa5: {  	v53 =	vld [tilespmem:s15+$0xD0]  }
0xa6: {  	v54 =	vld [tilespmem:s14+$0x90];
	_ =	sdelay $0x4  }
0xa7: {  	v0 =	vadd.f32 v52, v0;
	v55 =	vadd.f32 v54, v53;
	_ =	sdelay $0x1  }
0xa8: {  	v0 =	vmax.f32 v0, $0.0e+00;
	v1 =	vmax.f32 v55, $0.0e+00  }
0xa9: {  	v0 =	vadd.f32 v1, v0;
	_ =	sdelay $0x1  }
0xaa: {  	[tilespmem:s31+$0x90] =	vst v0  }
0xab: {  	v0 =	vld [tilespmem:s15+$0xA0]  }
0xac: {  	v56 =	vld [tilespmem:s14+$0xE0]  }
0xad: {  	v57 =	vld [tilespmem:s15+$0xE0]  }
0xae: {  	v58 =	vld [tilespmem:s14+$0xA0];
	_ =	sdelay $0x4  }
0xaf: {  	v0 =	vadd.f32 v56, v0;
	v59 =	vadd.f32 v58, v57;
	_ =	sdelay $0x1  }
0xb0: {  	v0 =	vmax.f32 v0, $0.0e+00;
	v1 =	vmax.f32 v59, $0.0e+00  }
0xb1: {  	v0 =	vadd.f32 v1, v0;
	_ =	sdelay $0x1  }
0xb2: {  	[tilespmem:s31+$0xA0] =	vst v0  }
0xb3: {  	v0 =	vld [tilespmem:s15+$0xB0]  }
0xb4: {  	v60 =	vld [tilespmem:s14+$0xF0]  }
0xb5: {  	v61 =	vld [tilespmem:s15+$0xF0]  }
0xb6: {  	v62 =	vld [tilespmem:s14+$0xB0];
	_ =	sdelay $0x3  }
0xb7: {  	s11 =	sadd.s32 $0x4, s11  }
0xb8: {  	p0 =	slt.u32 s11, $0x4C;
	v0 =	vadd.f32 v60, v0;
	v63 =	vadd.f32 v62, v61  }
.Ltmp0:
0xb9: {  	_ = 	snop;
	(pc) =	sbr.rel @p0 .LBB2_3-.Ltmp0, $3  }
0xba: {  	v0 =	vmax.f32 v0, $0.0e+00;
	v1 =	vmax.f32 v63, $0.0e+00  }
0xbb: {  	v0 =	vadd.f32 v1, v0;
	_ =	sdelay $0x1  }
0xbc: {  	s14 =	sadd.s32 $0x200, s14;
	s15 =	sadd.s32 $0x200, s15;
	[tilespmem:s31+$0xB0] =	vst v0;
	s31 =	sadd.s32 $0x200, s31  }
0xbd: {  	s11 =	smul.u32 $0x5000, s10;
	_ =	sdelay $0x1  }
0xbe: {  	s14 =	sadd.s32 s7, s11  }
0xbf: {  	s14 =	sshrl.u32 s14, $0x3  }
0xc0: {  	s14 =	sadd.s32 s6, s14  }
0xc1: {  	[hbm4b:s14+s2] =	stream.linear.scatter [tilespmem:s28], [sflag:$0x5], $0x2800, $0x38;
	[tilespmem:$0xF200] =	vst v63  }
0xc2: {  	_ =	swait.ge [sflag:s17], $0x80  }
0xc3: {  	[sflag:s17] =	ssyncset.done $0x0  }
0xc4: {  	[sflag:s17] =	ssyncadd.s32 $0xFFFFFF80  }
0xc5: {  	_ =	swait.ge [sflag:s17], $0x80  }
0xc6: {  	[sflag:s17] =	ssyncset.done $0x0  }
0xc7: {  	[sflag:s17] =	ssyncadd.s32 $0xFFFFFF80  }
0xc8: {  	_ =	swait.ge [sflag:s29], $0x2800  }
0xc9: {  	p0 =	seq.s32 s10, $0x3D;
	[sflag:s29] =	ssyncset.done $0x0  }
0xca: {  	s12 =	sadd.s32 @!p0 $0x180, s12;
	[sflag:s29] =	ssyncadd.s32 $0xFFFFD800  }
0xcb: {  	s14 =	sand.u32 @!p0 $0x7C00, s12;
	_ =	swait.ge [sflag:s29], $0x2800  }
0xcc: {  	s12 =	sand.u32 @!p0 $0x380, s12;
	s14 =	sadd.s32 @!p0 s8, s14;
	[sflag:s29] =	ssyncset.done $0x0  }
0xcd: {  	s12 =	sor.u32 @!p0 s12, s14;
	[sflag:s29] =	ssyncadd.s32 $0xFFFFD800  }
0xce: {  	[tilespmem:s19], [sflag:$0x1] =	stream.indirect.gather [hbm4b:s1+s18], $0x80, s2, s18, $0xb8;
	[tilespmem:$0xF200] =	vst v63  }
0xcf: {  	s15 =	simm.s32 @!p0 $0x0;
	s12 =	sshrl.u32 @!p0 s12, $0x3  }
0xd0: {  	[tilespmem:s20], [sflag:$0x1] =	stream.indirect.gather [hbm4b:s1+s18], $0x80, s16, s18, $0xb8;
	[tilespmem:$0xF200] =	vst v63  }
0xd1: {  	s31 =	simm.s32 @!p0 $0x80;
	p1 =	seq.s32 @!p0 s10, $0x0;
	s14 =	sadd.s32 @!p0 s4, s12  }
0xd2: {  	[tilespmem:s31], [sflag:$0x4] =	stream.linear.gather @!p0 [hbm4b:s14+s15], $0x80, $0x38;
	[tilespmem:$0xF200] =	vst v63  }
0xd3: {  	p1 =	por p0, !p1;
	s12 =	sadd.s32 @!p0 s5, s12;
	s14 =	simm.s32 @!p0 $0x180  }
0xd4: {  	[tilespmem:s14], [sflag:$0x4] =	stream.linear.gather @!p0 [hbm4b:s12+s15], $0x80, $0x38;
	[tilespmem:$0xF200] =	vst v63  }
0xd5: {  	_ =	swait.ge @p1 [sflag:s3], $0x2800  }
0xd6: {  	s31 =	simm.s32 $0xCB00;
	s12 =	simm.s32 $0xFFFFFFFC;
	[sflag:s3] =	ssyncset.done @p1 $0x0  }
0xd7: {  	s14 =	simm.s32 $0x7B00;
	s15 =	simm.s32 $0x2B00;
	[sflag:s3] =	ssyncadd.s32 @p1 $0xFFFFD800  }
.LBB2_5:
0xd8: {  	v0 =	vld [tilespmem:s15+$0xFFFFFF00]  }
0xd9: {  	v1 =	vld [tilespmem:s14+$0xFFFFFF40]  }
0xda: {  	v2 =	vld [tilespmem:s15+$0xFFFFFF40]  }
0xdb: {  	v3 =	vld [tilespmem:s14+$0xFFFFFF00];
	_ =	sdelay $0x4  }
0xdc: {  	v0 =	vadd.f32 v1, v0;
	v61 =	vadd.f32 v3, v2;
	_ =	sdelay $0x1  }
0xdd: {  	v0 =	vmax.f32 v0, $0.0e+00;
	v1 =	vmax.f32 v61, $0.0e+00  }
0xde: {  	v0 =	vadd.f32 v1, v0;
	_ =	sdelay $0x1  }
0xdf: {  	[tilespmem:s31+$0xFFFFFF00] =	vst v0  }
0xe0: {  	v0 =	vld [tilespmem:s15+$0xFFFFFF10]  }
0xe1: {  	v62 =	vld [tilespmem:s14+$0xFFFFFF50]  }
0xe2: {  	v63 =	vld [tilespmem:s15+$0xFFFFFF50]  }
0xe3: {  	v6 =	vld [tilespmem:s14+$0xFFFFFF10];
	_ =	sdelay $0x4  }
0xe4: {  	v0 =	vadd.f32 v62, v0;
	v7 =	vadd.f32 v6, v63;
	_ =	sdelay $0x1  }
0xe5: {  	v0 =	vmax.f32 v0, $0.0e+00;
	v1 =	vmax.f32 v7, $0.0e+00  }
0xe6: {  	v0 =	vadd.f32 v1, v0;
	_ =	sdelay $0x1  }
0xe7: {  	[tilespmem:s31+$0xFFFFFF10] =	vst v0  }
0xe8: {  	v0 =	vld [tilespmem:s15+$0xFFFFFF20]  }
0xe9: {  	v8 =	vld [tilespmem:s14+$0xFFFFFF60]  }
0xea: {  	v9 =	vld [tilespmem:s15+$0xFFFFFF60]  }
0xeb: {  	v10 =	vld [tilespmem:s14+$0xFFFFFF20];
	_ =	sdelay $0x4  }
0xec: {  	v0 =	vadd.f32 v8, v0;
	v11 =	vadd.f32 v10, v9;
	_ =	sdelay $0x1  }
0xed: {  	v0 =	vmax.f32 v0, $0.0e+00;
	v1 =	vmax.f32 v11, $0.0e+00  }
0xee: {  	v0 =	vadd.f32 v1, v0;
	_ =	sdelay $0x1  }
0xef: {  	[tilespmem:s31+$0xFFFFFF20] =	vst v0  }
0xf0: {  	v0 =	vld [tilespmem:s15+$0xFFFFFF30]  }
0xf1: {  	v12 =	vld [tilespmem:s14+$0xFFFFFF70]  }
0xf2: {  	v13 =	vld [tilespmem:s15+$0xFFFFFF70]  }
0xf3: {  	v14 =	vld [tilespmem:s14+$0xFFFFFF30];
	_ =	sdelay $0x4  }
0xf4: {  	v0 =	vadd.f32 v12, v0;
	v15 =	vadd.f32 v14, v13;
	_ =	sdelay $0x1  }
0xf5: {  	v0 =	vmax.f32 v0, $0.0e+00;
	v1 =	vmax.f32 v15, $0.0e+00  }
0xf6: {  	v0 =	vadd.f32 v1, v0;
	_ =	sdelay $0x1  }
0xf7: {  	[tilespmem:s31+$0xFFFFFF30] =	vst v0  }
0xf8: {  	v0 =	vld [tilespmem:s15+$0xFFFFFF80]  }
0xf9: {  	v16 =	vld [tilespmem:s14+$0xFFFFFFC0]  }
0xfa: {  	v17 =	vld [tilespmem:s15+$0xFFFFFFC0]  }
0xfb: {  	v18 =	vld [tilespmem:s14+$0xFFFFFF80];
	_ =	sdelay $0x4  }
0xfc: {  	v0 =	vadd.f32 v16, v0;
	v19 =	vadd.f32 v18, v17;
	_ =	sdelay $0x1  }
0xfd: {  	v0 =	vmax.f32 v0, $0.0e+00;
	v1 =	vmax.f32 v19, $0.0e+00  }
0xfe: {  	v0 =	vadd.f32 v1, v0;
	_ =	sdelay $0x1  }
0xff: {  	[tilespmem:s31+$0xFFFFFF80] =	vst v0  }
0x100: {  	v0 =	vld [tilespmem:s15+$0xFFFFFF90]  }
0x101: {  	v20 =	vld [tilespmem:s14+$0xFFFFFFD0]  }
0x102: {  	v21 =	vld [tilespmem:s15+$0xFFFFFFD0]  }
0x103: {  	v22 =	vld [tilespmem:s14+$0xFFFFFF90];
	_ =	sdelay $0x4  }
0x104: {  	v0 =	vadd.f32 v20, v0;
	v23 =	vadd.f32 v22, v21;
	_ =	sdelay $0x1  }
0x105: {  	v0 =	vmax.f32 v0, $0.0e+00;
	v1 =	vmax.f32 v23, $0.0e+00  }
0x106: {  	v0 =	vadd.f32 v1, v0;
	_ =	sdelay $0x1  }
0x107: {  	[tilespmem:s31+$0xFFFFFF90] =	vst v0  }
0x108: {  	v0 =	vld [tilespmem:s15+$0xFFFFFFA0]  }
0x109: {  	v24 =	vld [tilespmem:s14+$0xFFFFFFE0]  }
0x10a: {  	v25 =	vld [tilespmem:s15+$0xFFFFFFE0]  }
0x10b: {  	v26 =	vld [tilespmem:s14+$0xFFFFFFA0];
	_ =	sdelay $0x4  }
0x10c: {  	v0 =	vadd.f32 v24, v0;
	v27 =	vadd.f32 v26, v25;
	_ =	sdelay $0x1  }
0x10d: {  	v0 =	vmax.f32 v0, $0.0e+00;
	v1 =	vmax.f32 v27, $0.0e+00  }
0x10e: {  	v0 =	vadd.f32 v1, v0;
	_ =	sdelay $0x1  }
0x10f: {  	[tilespmem:s31+$0xFFFFFFA0] =	vst v0  }
0x110: {  	v0 =	vld [tilespmem:s15+$0xFFFFFFB0]  }
0x111: {  	v28 =	vld [tilespmem:s14+$0xFFFFFFF0]  }
0x112: {  	v29 =	vld [tilespmem:s15+$0xFFFFFFF0]  }
0x113: {  	v30 =	vld [tilespmem:s14+$0xFFFFFFB0];
	_ =	sdelay $0x4  }
0x114: {  	v0 =	vadd.f32 v28, v0;
	v31 =	vadd.f32 v30, v29;
	_ =	sdelay $0x1  }
0x115: {  	v0 =	vmax.f32 v0, $0.0e+00;
	v1 =	vmax.f32 v31, $0.0e+00  }
0x116: {  	v0 =	vadd.f32 v1, v0;
	_ =	sdelay $0x1  }
0x117: {  	[tilespmem:s31+$0xFFFFFFB0] =	vst v0  }
0x118: {  	v0 =	vld [tilespmem:s15+$0x0]  }
0x119: {  	v32 =	vld [tilespmem:s14+$0x40]  }
0x11a: {  	v33 =	vld [tilespmem:s15+$0x40]  }
0x11b: {  	v34 =	vld [tilespmem:s14+$0x0];
	_ =	sdelay $0x4  }
0x11c: {  	v0 =	vadd.f32 v32, v0;
	v35 =	vadd.f32 v34, v33;
	_ =	sdelay $0x1  }
0x11d: {  	v0 =	vmax.f32 v0, $0.0e+00;
	v1 =	vmax.f32 v35, $0.0e+00  }
0x11e: {  	v0 =	vadd.f32 v1, v0;
	_ =	sdelay $0x1  }
0x11f: {  	[tilespmem:s31+$0x0] =	vst v0  }
0x120: {  	v0 =	vld [tilespmem:s15+$0x10]  }
0x121: {  	v36 =	vld [tilespmem:s14+$0x50]  }
0x122: {  	v37 =	vld [tilespmem:s15+$0x50]  }
0x123: {  	v38 =	vld [tilespmem:s14+$0x10];
	_ =	sdelay $0x4  }
0x124: {  	v0 =	vadd.f32 v36, v0;
	v39 =	vadd.f32 v38, v37;
	_ =	sdelay $0x1  }
0x125: {  	v0 =	vmax.f32 v0, $0.0e+00;
	v1 =	vmax.f32 v39, $0.0e+00  }
0x126: {  	v0 =	vadd.f32 v1, v0;
	_ =	sdelay $0x1  }
0x127: {  	[tilespmem:s31+$0x10] =	vst v0  }
0x128: {  	v0 =	vld [tilespmem:s15+$0x20]  }
0x129: {  	v40 =	vld [tilespmem:s14+$0x60]  }
0x12a: {  	v41 =	vld [tilespmem:s15+$0x60]  }
0x12b: {  	v42 =	vld [tilespmem:s14+$0x20];
	_ =	sdelay $0x4  }
0x12c: {  	v0 =	vadd.f32 v40, v0;
	v43 =	vadd.f32 v42, v41;
	_ =	sdelay $0x1  }
0x12d: {  	v0 =	vmax.f32 v0, $0.0e+00;
	v1 =	vmax.f32 v43, $0.0e+00  }
0x12e: {  	v0 =	vadd.f32 v1, v0;
	_ =	sdelay $0x1  }
0x12f: {  	[tilespmem:s31+$0x20] =	vst v0  }
0x130: {  	v0 =	vld [tilespmem:s15+$0x30]  }
0x131: {  	v44 =	vld [tilespmem:s14+$0x70]  }
0x132: {  	v45 =	vld [tilespmem:s15+$0x70]  }
0x133: {  	v46 =	vld [tilespmem:s14+$0x30];
	_ =	sdelay $0x4  }
0x134: {  	v0 =	vadd.f32 v44, v0;
	v47 =	vadd.f32 v46, v45;
	_ =	sdelay $0x1  }
0x135: {  	v0 =	vmax.f32 v0, $0.0e+00;
	v1 =	vmax.f32 v47, $0.0e+00  }
0x136: {  	v0 =	vadd.f32 v1, v0;
	_ =	sdelay $0x1  }
0x137: {  	[tilespmem:s31+$0x30] =	vst v0  }
0x138: {  	v0 =	vld [tilespmem:s15+$0x80]  }
0x139: {  	v48 =	vld [tilespmem:s14+$0xC0]  }
0x13a: {  	v49 =	vld [tilespmem:s15+$0xC0]  }
0x13b: {  	v50 =	vld [tilespmem:s14+$0x80];
	_ =	sdelay $0x4  }
0x13c: {  	v0 =	vadd.f32 v48, v0;
	v51 =	vadd.f32 v50, v49;
	_ =	sdelay $0x1  }
0x13d: {  	v0 =	vmax.f32 v0, $0.0e+00;
	v1 =	vmax.f32 v51, $0.0e+00  }
0x13e: {  	v0 =	vadd.f32 v1, v0;
	_ =	sdelay $0x1  }
0x13f: {  	[tilespmem:s31+$0x80] =	vst v0  }
0x140: {  	v0 =	vld [tilespmem:s15+$0x90]  }
0x141: {  	v52 =	vld [tilespmem:s14+$0xD0]  }
0x142: {  	v53 =	vld [tilespmem:s15+$0xD0]  }
0x143: {  	v54 =	vld [tilespmem:s14+$0x90];
	_ =	sdelay $0x4  }
0x144: {  	v0 =	vadd.f32 v52, v0;
	v55 =	vadd.f32 v54, v53;
	_ =	sdelay $0x1  }
0x145: {  	v0 =	vmax.f32 v0, $0.0e+00;
	v1 =	vmax.f32 v55, $0.0e+00  }
0x146: {  	v0 =	vadd.f32 v1, v0;
	_ =	sdelay $0x1  }
0x147: {  	[tilespmem:s31+$0x90] =	vst v0  }
0x148: {  	v0 =	vld [tilespmem:s15+$0xA0]  }
0x149: {  	v56 =	vld [tilespmem:s14+$0xE0]  }
0x14a: {  	v57 =	vld [tilespmem:s15+$0xE0]  }
0x14b: {  	v58 =	vld [tilespmem:s14+$0xA0];
	_ =	sdelay $0x4  }
0x14c: {  	v0 =	vadd.f32 v56, v0;
	v59 =	vadd.f32 v58, v57;
	_ =	sdelay $0x1  }
0x14d: {  	v0 =	vmax.f32 v0, $0.0e+00;
	v1 =	vmax.f32 v59, $0.0e+00  }
0x14e: {  	v0 =	vadd.f32 v1, v0;
	_ =	sdelay $0x1  }
0x14f: {  	[tilespmem:s31+$0xA0] =	vst v0  }
0x150: {  	v0 =	vld [tilespmem:s15+$0xB0]  }
0x151: {  	v60 =	vld [tilespmem:s14+$0xF0]  }
0x152: {  	v61 =	vld [tilespmem:s15+$0xF0]  }
0x153: {  	v62 =	vld [tilespmem:s14+$0xB0];
	_ =	sdelay $0x3  }
0x154: {  	s12 =	sadd.s32 $0x4, s12  }
0x155: {  	p1 =	slt.u32 s12, $0x4C;
	v0 =	vadd.f32 v60, v0;
	v63 =	vadd.f32 v62, v61  }
.Ltmp1:
0x156: {  	_ = 	snop;
	(pc) =	sbr.rel @p1 .LBB2_5-.Ltmp1, $3  }
0x157: {  	v0 =	vmax.f32 v0, $0.0e+00;
	v1 =	vmax.f32 v63, $0.0e+00  }
0x158: {  	v0 =	vadd.f32 v1, v0;
	_ =	sdelay $0x1  }
0x159: {  	s14 =	sadd.s32 $0x200, s14;
	s15 =	sadd.s32 $0x200, s15;
	[tilespmem:s31+$0xB0] =	vst v0;
	s31 =	sadd.s32 $0x200, s31  }
.Ltmp2:
0x15a: {  	(pc) =	sbr.rel @p0 .LBB2_8-.Ltmp2, $4  }
0x15b: {  	s11 =	sadd.s32 s11, s13  }
0x15c: {  	s11 =	sshrl.u32 s11, $0x3  }
0x15d: {  	s11 =	sadd.s32 s6, s11  }
0x15e: {  	[hbm4b:s11+s2] =	stream.linear.scatter [tilespmem:s30], [sflag:$0x6], $0x2800, $0x38;
	[tilespmem:$0xF200] =	vst v63  }
0x15f: {  	_ =	swait.ge [sflag:s23], $0x80  }
.Ltmp3:
0x160: {  	[sflag:s23] =	ssyncset.done $0x0;
	(pc) =	sbr.rel .LBB2_2-.Ltmp3, $4  }
0x161: {  	[sflag:s23] =	ssyncadd.s32 $0xFFFFFF80  }
0x162: {  	_ =	swait.ge [sflag:s23], $0x80  }
0x163: {  	[sflag:s23] =	ssyncset.done $0x0  }
0x164: {  	s10 =	sadd.s32 $0x1, s10;
	[sflag:s23] =	ssyncadd.s32 $0xFFFFFF80  }
.LBB2_8:
0x165: {  	_ =	swait.ge [sflag:s24], $0x2800  }
0x166: {  	[sflag:s24] =	ssyncset.done $0x0  }
0x167: {  	[sflag:s24] =	ssyncadd.s32 $0xFFFFD800  }
0x168: {  	_ =	swait.ge [sflag:s24], $0x2800  }
0x169: {  	[sflag:s24] =	ssyncset.done $0x0  }
0x16a: {  	s10 =	simm.s32 $0x5;
	[sflag:s24] =	ssyncadd.s32 $0xFFFFD800  }
0x16b: {  	_ =	swait.ge [sflag:s10], $0x2800  }
0x16c: {  	s11 =	simm.s32 $0x5300;
	s12 =	simm.s32 $0x300;
	[sflag:s10] =	ssyncset.done $0x0  }
0x16d: {  	s14 =	simm.s32 $0xA300;
	[sflag:s10] =	ssyncadd.s32 $0xFFFFD800;
	s10 =	simm.s32 $0xFFFFFFFC  }
.LBB2_9:
0x16e: {  	v0 =	vld [tilespmem:s12+$0xFFFFFF00]  }
0x16f: {  	v1 =	vld [tilespmem:s11+$0xFFFFFF40]  }
0x170: {  	v2 =	vld [tilespmem:s12+$0xFFFFFF40]  }
0x171: {  	v3 =	vld [tilespmem:s11+$0xFFFFFF00];
	_ =	sdelay $0x4  }
0x172: {  	v0 =	vadd.f32 v1, v0;
	v61 =	vadd.f32 v3, v2;
	_ =	sdelay $0x1  }
0x173: {  	v0 =	vmax.f32 v0, $0.0e+00;
	v1 =	vmax.f32 v61, $0.0e+00  }
0x174: {  	v0 =	vadd.f32 v1, v0;
	_ =	sdelay $0x1  }
0x175: {  	[tilespmem:s14+$0xFFFFFF00] =	vst v0  }
0x176: {  	v0 =	vld [tilespmem:s12+$0xFFFFFF10]  }
0x177: {  	v62 =	vld [tilespmem:s11+$0xFFFFFF50]  }
0x178: {  	v63 =	vld [tilespmem:s12+$0xFFFFFF50]  }
0x179: {  	v6 =	vld [tilespmem:s11+$0xFFFFFF10];
	_ =	sdelay $0x4  }
0x17a: {  	v0 =	vadd.f32 v62, v0;
	v7 =	vadd.f32 v6, v63;
	_ =	sdelay $0x1  }
0x17b: {  	v0 =	vmax.f32 v0, $0.0e+00;
	v1 =	vmax.f32 v7, $0.0e+00  }
0x17c: {  	v0 =	vadd.f32 v1, v0;
	_ =	sdelay $0x1  }
0x17d: {  	[tilespmem:s14+$0xFFFFFF10] =	vst v0  }
0x17e: {  	v0 =	vld [tilespmem:s12+$0xFFFFFF20]  }
0x17f: {  	v8 =	vld [tilespmem:s11+$0xFFFFFF60]  }
0x180: {  	v9 =	vld [tilespmem:s12+$0xFFFFFF60]  }
0x181: {  	v10 =	vld [tilespmem:s11+$0xFFFFFF20];
	_ =	sdelay $0x4  }
0x182: {  	v0 =	vadd.f32 v8, v0;
	v11 =	vadd.f32 v10, v9;
	_ =	sdelay $0x1  }
0x183: {  	v0 =	vmax.f32 v0, $0.0e+00;
	v1 =	vmax.f32 v11, $0.0e+00  }
0x184: {  	v0 =	vadd.f32 v1, v0;
	_ =	sdelay $0x1  }
0x185: {  	[tilespmem:s14+$0xFFFFFF20] =	vst v0  }
0x186: {  	v0 =	vld [tilespmem:s12+$0xFFFFFF30]  }
0x187: {  	v12 =	vld [tilespmem:s11+$0xFFFFFF70]  }
0x188: {  	v13 =	vld [tilespmem:s12+$0xFFFFFF70]  }
0x189: {  	v14 =	vld [tilespmem:s11+$0xFFFFFF30];
	_ =	sdelay $0x4  }
0x18a: {  	v0 =	vadd.f32 v12, v0;
	v15 =	vadd.f32 v14, v13;
	_ =	sdelay $0x1  }
0x18b: {  	v0 =	vmax.f32 v0, $0.0e+00;
	v1 =	vmax.f32 v15, $0.0e+00  }
0x18c: {  	v0 =	vadd.f32 v1, v0;
	_ =	sdelay $0x1  }
0x18d: {  	[tilespmem:s14+$0xFFFFFF30] =	vst v0  }
0x18e: {  	v0 =	vld [tilespmem:s12+$0xFFFFFF80]  }
0x18f: {  	v16 =	vld [tilespmem:s11+$0xFFFFFFC0]  }
0x190: {  	v17 =	vld [tilespmem:s12+$0xFFFFFFC0]  }
0x191: {  	v18 =	vld [tilespmem:s11+$0xFFFFFF80];
	_ =	sdelay $0x4  }
0x192: {  	v0 =	vadd.f32 v16, v0;
	v19 =	vadd.f32 v18, v17;
	_ =	sdelay $0x1  }
0x193: {  	v0 =	vmax.f32 v0, $0.0e+00;
	v1 =	vmax.f32 v19, $0.0e+00  }
0x194: {  	v0 =	vadd.f32 v1, v0;
	_ =	sdelay $0x1  }
0x195: {  	[tilespmem:s14+$0xFFFFFF80] =	vst v0  }
0x196: {  	v0 =	vld [tilespmem:s12+$0xFFFFFF90]  }
0x197: {  	v20 =	vld [tilespmem:s11+$0xFFFFFFD0]  }
0x198: {  	v21 =	vld [tilespmem:s12+$0xFFFFFFD0]  }
0x199: {  	v22 =	vld [tilespmem:s11+$0xFFFFFF90];
	_ =	sdelay $0x4  }
0x19a: {  	v0 =	vadd.f32 v20, v0;
	v23 =	vadd.f32 v22, v21;
	_ =	sdelay $0x1  }
0x19b: {  	v0 =	vmax.f32 v0, $0.0e+00;
	v1 =	vmax.f32 v23, $0.0e+00  }
0x19c: {  	v0 =	vadd.f32 v1, v0;
	_ =	sdelay $0x1  }
0x19d: {  	[tilespmem:s14+$0xFFFFFF90] =	vst v0  }
0x19e: {  	v0 =	vld [tilespmem:s12+$0xFFFFFFA0]  }
0x19f: {  	v24 =	vld [tilespmem:s11+$0xFFFFFFE0]  }
0x1a0: {  	v25 =	vld [tilespmem:s12+$0xFFFFFFE0]  }
0x1a1: {  	v26 =	vld [tilespmem:s11+$0xFFFFFFA0];
	_ =	sdelay $0x4  }
0x1a2: {  	v0 =	vadd.f32 v24, v0;
	v27 =	vadd.f32 v26, v25;
	_ =	sdelay $0x1  }
0x1a3: {  	v0 =	vmax.f32 v0, $0.0e+00;
	v1 =	vmax.f32 v27, $0.0e+00  }
0x1a4: {  	v0 =	vadd.f32 v1, v0;
	_ =	sdelay $0x1  }
0x1a5: {  	[tilespmem:s14+$0xFFFFFFA0] =	vst v0  }
0x1a6: {  	v0 =	vld [tilespmem:s12+$0xFFFFFFB0]  }
0x1a7: {  	v28 =	vld [tilespmem:s11+$0xFFFFFFF0]  }
0x1a8: {  	v29 =	vld [tilespmem:s12+$0xFFFFFFF0]  }
0x1a9: {  	v30 =	vld [tilespmem:s11+$0xFFFFFFB0];
	_ =	sdelay $0x4  }
0x1aa: {  	v0 =	vadd.f32 v28, v0;
	v31 =	vadd.f32 v30, v29;
	_ =	sdelay $0x1  }
0x1ab: {  	v0 =	vmax.f32 v0, $0.0e+00;
	v1 =	vmax.f32 v31, $0.0e+00  }
0x1ac: {  	v0 =	vadd.f32 v1, v0;
	_ =	sdelay $0x1  }
0x1ad: {  	[tilespmem:s14+$0xFFFFFFB0] =	vst v0  }
0x1ae: {  	v0 =	vld [tilespmem:s12+$0x0]  }
0x1af: {  	v32 =	vld [tilespmem:s11+$0x40]  }
0x1b0: {  	v33 =	vld [tilespmem:s12+$0x40]  }
0x1b1: {  	v34 =	vld [tilespmem:s11+$0x0];
	_ =	sdelay $0x4  }
0x1b2: {  	v0 =	vadd.f32 v32, v0;
	v35 =	vadd.f32 v34, v33;
	_ =	sdelay $0x1  }
0x1b3: {  	v0 =	vmax.f32 v0, $0.0e+00;
	v1 =	vmax.f32 v35, $0.0e+00  }
0x1b4: {  	v0 =	vadd.f32 v1, v0;
	_ =	sdelay $0x1  }
0x1b5: {  	[tilespmem:s14+$0x0] =	vst v0  }
0x1b6: {  	v0 =	vld [tilespmem:s12+$0x10]  }
0x1b7: {  	v36 =	vld [tilespmem:s11+$0x50]  }
0x1b8: {  	v37 =	vld [tilespmem:s12+$0x50]  }
0x1b9: {  	v38 =	vld [tilespmem:s11+$0x10];
	_ =	sdelay $0x4  }
0x1ba: {  	v0 =	vadd.f32 v36, v0;
	v39 =	vadd.f32 v38, v37;
	_ =	sdelay $0x1  }
0x1bb: {  	v0 =	vmax.f32 v0, $0.0e+00;
	v1 =	vmax.f32 v39, $0.0e+00  }
0x1bc: {  	v0 =	vadd.f32 v1, v0;
	_ =	sdelay $0x1  }
0x1bd: {  	[tilespmem:s14+$0x10] =	vst v0  }
0x1be: {  	v0 =	vld [tilespmem:s12+$0x20]  }
0x1bf: {  	v40 =	vld [tilespmem:s11+$0x60]  }
0x1c0: {  	v41 =	vld [tilespmem:s12+$0x60]  }
0x1c1: {  	v42 =	vld [tilespmem:s11+$0x20];
	_ =	sdelay $0x4  }
0x1c2: {  	v0 =	vadd.f32 v40, v0;
	v43 =	vadd.f32 v42, v41;
	_ =	sdelay $0x1  }
0x1c3: {  	v0 =	vmax.f32 v0, $0.0e+00;
	v1 =	vmax.f32 v43, $0.0e+00  }
0x1c4: {  	v0 =	vadd.f32 v1, v0;
	_ =	sdelay $0x1  }
0x1c5: {  	[tilespmem:s14+$0x20] =	vst v0  }
0x1c6: {  	v0 =	vld [tilespmem:s12+$0x30]  }
0x1c7: {  	v44 =	vld [tilespmem:s11+$0x70]  }
0x1c8: {  	v45 =	vld [tilespmem:s12+$0x70]  }
0x1c9: {  	v46 =	vld [tilespmem:s11+$0x30];
	_ =	sdelay $0x4  }
0x1ca: {  	v0 =	vadd.f32 v44, v0;
	v47 =	vadd.f32 v46, v45;
	_ =	sdelay $0x1  }
0x1cb: {  	v0 =	vmax.f32 v0, $0.0e+00;
	v1 =	vmax.f32 v47, $0.0e+00  }
0x1cc: {  	v0 =	vadd.f32 v1, v0;
	_ =	sdelay $0x1  }
0x1cd: {  	[tilespmem:s14+$0x30] =	vst v0  }
0x1ce: {  	v0 =	vld [tilespmem:s12+$0x80]  }
0x1cf: {  	v48 =	vld [tilespmem:s11+$0xC0]  }
0x1d0: {  	v49 =	vld [tilespmem:s12+$0xC0]  }
0x1d1: {  	v50 =	vld [tilespmem:s11+$0x80];
	_ =	sdelay $0x4  }
0x1d2: {  	v0 =	vadd.f32 v48, v0;
	v51 =	vadd.f32 v50, v49;
	_ =	sdelay $0x1  }
0x1d3: {  	v0 =	vmax.f32 v0, $0.0e+00;
	v1 =	vmax.f32 v51, $0.0e+00  }
0x1d4: {  	v0 =	vadd.f32 v1, v0;
	_ =	sdelay $0x1  }
0x1d5: {  	[tilespmem:s14+$0x80] =	vst v0  }
0x1d6: {  	v0 =	vld [tilespmem:s12+$0x90]  }
0x1d7: {  	v52 =	vld [tilespmem:s11+$0xD0]  }
0x1d8: {  	v53 =	vld [tilespmem:s12+$0xD0]  }
0x1d9: {  	v54 =	vld [tilespmem:s11+$0x90];
	_ =	sdelay $0x4  }
0x1da: {  	v0 =	vadd.f32 v52, v0;
	v55 =	vadd.f32 v54, v53;
	_ =	sdelay $0x1  }
0x1db: {  	v0 =	vmax.f32 v0, $0.0e+00;
	v1 =	vmax.f32 v55, $0.0e+00  }
0x1dc: {  	v0 =	vadd.f32 v1, v0;
	_ =	sdelay $0x1  }
0x1dd: {  	[tilespmem:s14+$0x90] =	vst v0  }
0x1de: {  	v0 =	vld [tilespmem:s12+$0xA0]  }
0x1df: {  	v56 =	vld [tilespmem:s11+$0xE0]  }
0x1e0: {  	v57 =	vld [tilespmem:s12+$0xE0]  }
0x1e1: {  	v58 =	vld [tilespmem:s11+$0xA0];
	_ =	sdelay $0x4  }
0x1e2: {  	v0 =	vadd.f32 v56, v0;
	v59 =	vadd.f32 v58, v57;
	_ =	sdelay $0x1  }
0x1e3: {  	v0 =	vmax.f32 v0, $0.0e+00;
	v1 =	vmax.f32 v59, $0.0e+00  }
0x1e4: {  	v0 =	vadd.f32 v1, v0;
	_ =	sdelay $0x1  }
0x1e5: {  	[tilespmem:s14+$0xA0] =	vst v0  }
0x1e6: {  	v0 =	vld [tilespmem:s12+$0xB0]  }
0x1e7: {  	v60 =	vld [tilespmem:s11+$0xF0]  }
0x1e8: {  	v61 =	vld [tilespmem:s12+$0xF0]  }
0x1e9: {  	v62 =	vld [tilespmem:s11+$0xB0];
	_ =	sdelay $0x3  }
0x1ea: {  	s10 =	sadd.s32 $0x4, s10  }
0x1eb: {  	p0 =	slt.u32 s10, $0x4C;
	v0 =	vadd.f32 v60, v0;
	v63 =	vadd.f32 v62, v61  }
.Ltmp4:
0x1ec: {  	_ = 	snop;
	(pc) =	sbr.rel @p0 .LBB2_9-.Ltmp4, $3  }
0x1ed: {  	v0 =	vmax.f32 v0, $0.0e+00;
	v1 =	vmax.f32 v63, $0.0e+00  }
0x1ee: {  	v0 =	vadd.f32 v1, v0;
	_ =	sdelay $0x1  }
0x1ef: {  	s11 =	sadd.s32 $0x200, s11;
	s12 =	sadd.s32 $0x200, s12;
	[tilespmem:s14+$0xB0] =	vst v0;
	s14 =	sadd.s32 $0x200, s14  }
0x1f0: {  	s10 =	rddreg [dreg:$0x7]  }
0x1f1: {  	[hbm4b:s10+s2] =	stream.linear.scatter [tilespmem:s28], [sflag:$0x7], $0x2800, $0x38;
	[tilespmem:$0xF200] =	vst v63  }
0x1f2: {  	_ =	swait.ge [sflag:s0], $0x2800  }
0x1f3: {  	[sflag:s0] =	ssyncset.done $0x0  }
0x1f4: {  	[sflag:s0] =	ssyncadd.s32 $0xFFFFD800  }
0x1f5: {  	_ =	swait.ge [sflag:s3], $0x2800  }
0x1f6: {  	s9 =	sadd.s32 $0x1, s9;
	s31 =	rddreg [dreg:$0x8]  }
0x1f7: {  	p0 =	sne.s32 s9, s31  }
.Ltmp5:
0x1f8: {  	_ = 	snop;
	(pc) =	sbr.rel @p0 .LBB2_1-.Ltmp5, $3  }
0x1f9: {  	_ =	sdelay $0x1  }
0x1fa: {  	[sflag:s3] =	ssyncset.done $0x0  }
0x1fb: {  	[sflag:s3] =	ssyncadd.s32 $0xFFFFD800  }
0x1fc: {  	_ =	sfence.sel $0x180000  }
0x1fd: {  	[bflag:$0x0] =	sbarrier.arrive $0xFFFF  }
0x1fe: {  	_ =	strace $0x90000047  }
0x1ff: {  	s0 =	stileid.u32;
	[bflag:$0x2] =	sbarrier.arrive $0xFFFF  }
0x200: {  	p0 =	sne.s32 s0, $0x0;
	s0 =	rddreg [dreg:$0x2]  }
0x201: {  	s0 =	sadd.s32 @!p0 $0x100000, s0  }
0x202: {  	[sflag:s0] =	ssyncadd.tile.s32 @!p0 $0x1;
	_ =	shalt  }
.Lfunc_end2:
_tile_overlayer_lowered:
.L_overlay_start_2:
0x203: {  	(tag) =	ssettag $0x2  }
0x204: {  	s0 =	rddreg [dreg:$0x0];
	s2 =	stileid.u32  }
0x205: {  	s1 =	rddreg [dreg:$0x1];
	p0 =	sne.s32 s2, $0x0  }
0x206: {  	s3 =	rddreg [dreg:$0x2];
	[bflag:$0x3] =	sbarrier.arrive $0xFFFF;
	s2 =	simm.s32 @!p0 $0x1C07  }
0x207: {  	[timem:s3], [sflag:s2] =	dma.local @!p0 [hbm:s0], s1  }
0x208: {  	s0 =	simm.s32 @!p0 $0x7  }
0x209: {  	_ =	swait.ge @!p0 [sflag:s0], s1  }
0x20a: {  	s1 =	ssub.s32 @!p0 $0x0, s1;
	[sflag:s0] =	ssyncset.done @!p0 $0x0  }
0x20b: {  	[sflag:s0] =	ssyncadd.s32 @!p0 s1  }
0x20c: {  	[bflag:$0x3] =	sbarrier.arrive $0xFFFF  }
0x20d: {  	_ =	shalt  }

</sc_bundles>
